<compile_context>
chip_gen: v7x
topology: tpu7x:2x2x1
jax: 0.10.2.dev20260603
libtpu: 0.0.44.dev20260713+nightly
codegen_flags: <defaults>
</compile_context>

<pallas_src>
import functools

import jax
import jax.numpy as jnp
from jax import lax
from jax.experimental import pallas as pl
from jax.experimental.pallas import tpu as pltpu
from jax.experimental.pallas import tpu_sc as plsc

VOCAB = 8192
NTOK = 8192

_R = 4
_NBUF = 3
_NC = 2
_NS = 16
_NW = _NC * _NS
_PER_W = NTOK // _NW
_NCHUNKS = _PER_W // _R
_TROWS = _PER_W // 16

_SC_PARAMS = pltpu.CompilerParams(needs_layout_passes=False)
_MESH = dict(core_axis_name="c", subcore_axis_name="s")




@functools.cache
def _make_sc_gather():
    per_w = _PER_W
    nchunks = _NCHUNKS

    @functools.partial(
        pl.kernel,
        out_type=(
            jax.ShapeDtypeStruct((16, 512, VOCAB), jnp.float32),
            jax.ShapeDtypeStruct((_NW, 16), jnp.float32),
        ),
        mesh=plsc.VectorSubcoreMesh(**_MESH),
        compiler_params=_SC_PARAMS,
        scratch_types=[
            pltpu.VMEM((nchunks, _R), jnp.int32),
            pltpu.VMEM((_NBUF, _R, VOCAB), jnp.float32),
            pltpu.VMEM((per_w,), jnp.int32),
            pltpu.VMEM((16,), jnp.float32),
            pltpu.SemaphoreType.DMA((_NBUF,)),
            pltpu.SemaphoreType.DMA((_NBUF,)),
        ],
    )
    def sc_gather(x_hbm, t_hbm, table_hbm, out_hbm, tgt_hbm,
                  idx_v, rows_v, t_v, tacc_v, in_sems, out_sems):
        wid = lax.axis_index("s") * _NC + lax.axis_index("c")
        pltpu.sync_copy(x_hbm.at[wid], idx_v)
        pltpu.sync_copy(t_hbm.at[wid // 2, pl.ds((wid % 2) * per_w, per_w)], t_v)
        tacc_v[...] = jnp.zeros((16,), jnp.float32)
        lanes = jnp.arange(16, dtype=jnp.int32)

        def in_copy(g, b):
            return pltpu.make_async_copy(
                table_hbm.at[idx_v.at[g]], rows_v.at[b], in_sems.at[b]
            )

        def out_copy(g, b):
            return pltpu.make_async_copy(
                rows_v.at[b],
                out_hbm.at[wid // 2, pl.ds((wid % 2) * per_w + g * _R, _R)],
                out_sems.at[b],
            )

        def grab_targets(g, b):
            sub = lanes % _R
            tv = plsc.load_gather(t_v, [g * _R + sub])
            lg = plsc.load_gather(rows_v.at[b], [sub, tv])
            tacc_v[...] = tacc_v[...] + jnp.where(lanes < _R, lg, 0.0)

        in_copy(0, 0).start()
        in_copy(1, 1).start()

        def outer(i, carry):
            g0 = i * _NBUF
            for db in range(_NBUF):
                g = g0 + db
                bn = (db + 2) % _NBUF

                @pl.when(g < nchunks)
                def _(g=g, b=db, bn=bn):
                    in_copy(g, b).wait()
                    out_copy(g, b).start()
                    grab_targets(g, b)

                    @pl.when(g >= 1)
                    def _():
                        out_copy(g - 1, bn).wait()

                    @pl.when(g + 2 < nchunks)
                    def _():
                        in_copy(g + 2, bn).start()

            return carry

        lax.fori_loop(0, (nchunks + _NBUF - 1) // _NBUF, outer, 0)
        out_copy(nchunks - 1, (nchunks - 1) % _NBUF).wait()
        pltpu.sync_copy(tacc_v, tgt_hbm.at[wid])

    return sc_gather



_K = 128
_NSPLIT = 8


def _tc_lse_rows(table):
    csz = VOCAB // _NSPLIT

    def mk_spec(p):
        return pl.BlockSpec((_K, csz), lambda i, p=p: (i, p))

    def body(*refs):
        out_ref = refs[_NSPLIT]
        S = jnp.zeros((_K, 1), jnp.float32)
        for p in range(_NSPLIT):
            S = S + jnp.sum(jnp.exp(refs[p][...]), axis=1, keepdims=True)
        out_ref[...] = jnp.broadcast_to(jnp.log(S), (_K, 128))

    return pl.pallas_call(
        body,
        grid=(VOCAB // _K,),
        in_specs=[mk_spec(p) for p in range(_NSPLIT)],
        out_specs=pl.BlockSpec((_K, 128), lambda i: (i, 0)),
        out_shape=jax.ShapeDtypeStruct((VOCAB, 128), jnp.float32),
    )(*([table] * _NSPLIT))




@functools.cache
def _make_sc_lse_sum():
    @functools.partial(
        pl.kernel,
        out_type=jax.ShapeDtypeStruct((_NW, 16), jnp.float32),
        mesh=plsc.VectorSubcoreMesh(**_MESH),
        compiler_params=_SC_PARAMS,
        scratch_types=[
            pltpu.VMEM((_PER_W,), jnp.int32),
            pltpu.VMEM((_TROWS, 16, 128), jnp.float32),
            pltpu.VMEM((16,), jnp.float32),
            pltpu.SemaphoreType.DMA,
        ],
    )
    def sc_lse_sum(x_hbm, lse_hbm, tgt_hbm, out_hbm, idx_v, val_v, acc_v, sem):
        wid = lax.axis_index("s") * _NC + lax.axis_index("c")
        pltpu.sync_copy(x_hbm.at[wid // 2, pl.ds((wid % 2) * _PER_W, _PER_W)], idx_v)
        for k in range(_TROWS):
            pltpu.make_async_copy(
                lse_hbm.at[idx_v.at[pl.ds(k * 16, 16)]], val_v.at[k], sem
            ).start()
        for k in range(_TROWS):
            pltpu.make_async_copy(
                lse_hbm.at[idx_v.at[pl.ds(k * 16, 16)]], val_v.at[k], sem
            ).wait()
        acc = jnp.zeros((16,), jnp.float32)
        for k in range(_TROWS):
            for j in range(16):
                acc = acc + val_v[k, j, pl.ds(0, 16)]
        pltpu.sync_copy(tgt_hbm.at[wid], acc_v)
        acc_v[...] = acc - 16.0 * acc_v[...]
        pltpu.sync_copy(acc_v, out_hbm.at[wid])

    return sc_lse_sum


def kernel(x, targets, table):
    x_flat = x.reshape(-1)
    logits, tgt_part = _make_sc_gather()(
        x_flat.reshape(_NW, _NCHUNKS, _R),
        targets,
        table,
    )
    lse_rep = _tc_lse_rows(table)
    part = _make_sc_lse_sum()(x, lse_rep, tgt_part)
    loss = jnp.sum(part) / (16.0 * NTOK)
    return logits, loss

# --- scband reference (transcript-rebuilt; emitter-appended) ---
"""Pipeline reference for scband-bigram-lm-26568667693443 (READ-ONLY COPY).

The authoritative reference and input builder live on the scoring server;
editing this copy changes nothing except your own understanding.
"""

import jax, jax.numpy as jnp
import numpy as np

VOCAB = 8192
B = 16
T = 512


def setup_inputs(seed: int = 0) -> dict:
    key = jax.random.key(seed)
    k1, k2, k3 = jax.random.split(key, 3)
    x = jax.random.randint(k1, (B, T), 0, VOCAB, dtype=jnp.int32)
    targets = jax.random.randint(k2, (B, T), 0, VOCAB, dtype=jnp.int32)
    # nn.Embedding weight, N(0,1) init like torch default
    table = jax.random.normal(k3, (VOCAB, VOCAB), dtype=jnp.float32)
    return {"x": x, "targets": targets, "table": table}


def reference(x, targets, table):
    # logits = self.lookup(x)  -> embedding gather
    logits = jnp.take(table, x, axis=0)  # [B, T, VOCAB]
    Bn, Tn, C = logits.shape
    logits_flat = logits.reshape(Bn * Tn, C)
    targets_flat = targets.reshape(Bn * Tn)
    # F.cross_entropy: mean over tokens of (logsumexp - logit_at_target)
    lse = jax.nn.logsumexp(logits_flat, axis=-1)
    tgt_logit = jnp.take_along_axis(logits_flat, targets_flat[:, None], axis=1)[:, 0]
    loss = jnp.mean(lse - tgt_logit)
    return (logits, loss)

if __name__ == "__main__":
    import jax
    _d = setup_inputs()
    print(jax.jit(kernel)(*tuple(_d.values())))

</pallas_src>

<mosaic_0001>
#map = affine_map<(d0, d1) -> (0, 0, 0)>
#map1 = affine_map<(d0, d1) -> (0, 0)>
module attributes {stable_mosaic.version = 14 : i64} {
  func.func @sc_gather(%arg0: i32, %arg1: i32, %arg2: memref<32x64x4xi32, #tpu.memory_space<hbm>>, %arg3: memref<16x512xi32, #tpu.memory_space<hbm>>, %arg4: memref<8192x8192xf32, #tpu.memory_space<hbm>>, %arg5: memref<16x512x8192xf32, #tpu.memory_space<hbm>>, %arg6: memref<32x16xf32, #tpu.memory_space<hbm>>, %arg7: memref<64x4xi32, #tpu.memory_space<vmem>>, %arg8: memref<3x4x8192xf32, #tpu.memory_space<vmem>>, %arg9: memref<256xi32, #tpu.memory_space<vmem>>, %arg10: memref<16xf32, #tpu.memory_space<vmem>>, %arg11: memref<3x!tpu.dma_semaphore, #tpu.memory_space<semaphore_mem>>, %arg12: memref<3x!tpu.dma_semaphore, #tpu.memory_space<semaphore_mem>>) attributes {dimension_semantics = [#tpu.dimension_semantics<core_parallel>, #tpu.dimension_semantics<subcore_parallel>], iteration_bounds = array<i64: 2, 16>, scalar_prefetch = 0 : i64, scratch_operands = 6 : i64, tpu.core_type = #tpu.core_type<sc_vector_subcore>, window_params = [{transform_indices = #map}, {transform_indices = #map1}, {transform_indices = #map1}, {transform_indices = #map}, {transform_indices = #map1}]} {
    %mul3A = arith.constant 2 : i32
    %mul3A_0 = arith.muli %arg1, %mul3A : i32
    %add3A = arith.addi %mul3A_0, %arg0 : i32
    "tpu.region"() ({
      %run_scoped3A = tpu.sem_alloc : memref<!tpu.dma_semaphore, #tpu.memory_space<semaphore_mem>>
      %dma_start3A_130 = arith.constant 0 : i32
      %dma_start3A_131 = arith.constant 0 : i32
      %dma_start3A_132 = tpu.memref_slice %arg2[%add3A, %dma_start3A_130, %dma_start3A_131] : memref<32x64x4xi32, #tpu.memory_space<hbm>> -> memref<1x64x4xi32, #tpu.memory_space<hbm>>
      %dma_start3A_133 = tpu.memref_squeeze %dma_start3A_132 : memref<1x64x4xi32, #tpu.memory_space<hbm>> -> memref<64x4xi32, #tpu.memory_space<hbm>>
      %dma_start3A_134 = arith.constant 0 : i32
      %dma_start3A_135 = arith.constant 0 : i32
      %dma_start3A_136 = tpu.memref_slice %arg2[%add3A, %dma_start3A_134, %dma_start3A_135] : memref<32x64x4xi32, #tpu.memory_space<hbm>> -> memref<1x64x4xi32, #tpu.memory_space<hbm>>
      %dma_start3A_137 = tpu.memref_squeeze %dma_start3A_136 : memref<1x64x4xi32, #tpu.memory_space<hbm>> -> memref<64x4xi32, #tpu.memory_space<hbm>>
      tpu.enqueue_dma source(%dma_start3A_137 : memref<64x4xi32, #tpu.memory_space<hbm>>) target(%arg7 : memref<64x4xi32, #tpu.memory_space<vmem>>) target_semaphore(%run_scoped3A : memref<!tpu.dma_semaphore, #tpu.memory_space<semaphore_mem>>)
      %dma_wait3A_138 = arith.constant 0 : i32
      %dma_wait3A_139 = arith.constant 0 : i32
      %dma_wait3A_140 = tpu.memref_slice %arg2[%add3A, %dma_wait3A_138, %dma_wait3A_139] : memref<32x64x4xi32, #tpu.memory_space<hbm>> -> memref<1x64x4xi32, #tpu.memory_space<hbm>>
      %dma_wait3A_141 = tpu.memref_squeeze %dma_wait3A_140 : memref<1x64x4xi32, #tpu.memory_space<hbm>> -> memref<64x4xi32, #tpu.memory_space<hbm>>
      %dma_wait3A_142 = arith.constant 0 : i32
      %dma_wait3A_143 = arith.constant 0 : i32
      %dma_wait3A_144 = tpu.memref_slice %arg2[%add3A, %dma_wait3A_142, %dma_wait3A_143] : memref<32x64x4xi32, #tpu.memory_space<hbm>> -> memref<1x64x4xi32, #tpu.memory_space<hbm>>
      %dma_wait3A_145 = tpu.memref_squeeze %dma_wait3A_144 : memref<1x64x4xi32, #tpu.memory_space<hbm>> -> memref<64x4xi32, #tpu.memory_space<hbm>>
      tpu.wait_dma2 semaphore(%run_scoped3A : memref<!tpu.dma_semaphore, #tpu.memory_space<semaphore_mem>>) src(%dma_wait3A_145 : memref<64x4xi32, #tpu.memory_space<hbm>>) dst(%arg7 : memref<64x4xi32, #tpu.memory_space<vmem>>)
      tpu.yield
    }) : () -> ()
    %jit3A = arith.constant 2 : i32
    %div3A = arith.divsi %add3A, %jit3A : i32
    %sign3A = arith.constant 0 : i32
    %sign3A_1 = arith.cmpi sgt, %add3A, %sign3A : i32
    %sign3A_2 = arith.extui %sign3A_1 : i1 to i32
    %sign3A_3 = arith.constant 0 : i32
    %sign3A_4 = arith.cmpi slt, %add3A, %sign3A_3 : i32
    %sign3A_5 = arith.extui %sign3A_4 : i1 to i32
    %sign3A_6 = arith.subi %sign3A_2, %sign3A_5 : i32
    %sign3A_7 = arith.constant 0 : i32
    %sign3A_8 = arith.cmpi sgt, %jit3A, %sign3A_7 : i32
    %sign3A_9 = arith.extui %sign3A_8 : i1 to i32
    %sign3A_10 = arith.constant 0 : i32
    %sign3A_11 = arith.cmpi slt, %jit3A, %sign3A_10 : i32
    %sign3A_12 = arith.extui %sign3A_11 : i1 to i32
    %sign3A_13 = arith.subi %sign3A_9, %sign3A_12 : i32
    %ne3A = arith.cmpi ne, %sign3A_6, %sign3A_13 : i32
    %rem3A = arith.remsi %add3A, %jit3A : i32
    %ne3A_14 = arith.constant 0 : i32
    %ne3A_15 = arith.cmpi ne, %rem3A, %ne3A_14 : i32
    %and3A = arith.andi %ne3A, %ne3A_15 : i1
    %sub3A = arith.constant 1 : i32
    %sub3A_16 = arith.subi %div3A, %sub3A : i32
    %select_n3A = arith.select %and3A, %sub3A_16, %div3A : i32
    %jit3A_17 = arith.constant 2 : i32
    %eq3A = arith.constant 0 : i32
    %eq3A_18 = arith.cmpi eq, %jit3A_17, %eq3A : i32
    %jit3A_19 = arith.constant 1 : i32
    %select_n3A_20 = arith.select %eq3A_18, %jit3A_19, %jit3A_17 : i32
    %rem3A_21 = arith.remsi %add3A, %select_n3A_20 : i32
    %ne3A_22 = arith.constant 0 : i32
    %ne3A_23 = arith.cmpi ne, %rem3A_21, %ne3A_22 : i32
    %lt3A = arith.constant 0 : i32
    %lt3A_24 = arith.cmpi slt, %rem3A_21, %lt3A : i32
    %lt3A_25 = arith.constant 0 : i32
    %lt3A_26 = arith.cmpi slt, %select_n3A_20, %lt3A_25 : i32
    %ne3A_27 = arith.xori %lt3A_24, %lt3A_26 : i1
    %and3A_28 = arith.andi %ne3A_27, %ne3A_23 : i1
    %add3A_29 = arith.addi %rem3A_21, %select_n3A_20 : i32
    %select_n3A_30 = arith.select %and3A_28, %add3A_29, %rem3A_21 : i32
    %mul3A_31 = arith.constant 256 : i32
    %mul3A_32 = arith.muli %select_n3A_30, %mul3A_31 : i32
    "tpu.region"() ({
      %run_scoped3A = tpu.sem_alloc : memref<!tpu.dma_semaphore, #tpu.memory_space<semaphore_mem>>
      %dma_start3A_130 = tpu.memref_slice %arg3[%select_n3A, %mul3A_32] : memref<16x512xi32, #tpu.memory_space<hbm>> -> memref<1x256xi32, #tpu.memory_space<hbm>>
      %dma_start3A_131 = tpu.memref_squeeze %dma_start3A_130 : memref<1x256xi32, #tpu.memory_space<hbm>> -> memref<256xi32, #tpu.memory_space<hbm>>
      %dma_start3A_132 = tpu.memref_slice %arg3[%select_n3A, %mul3A_32] : memref<16x512xi32, #tpu.memory_space<hbm>> -> memref<1x256xi32, #tpu.memory_space<hbm>>
      %dma_start3A_133 = tpu.memref_squeeze %dma_start3A_132 : memref<1x256xi32, #tpu.memory_space<hbm>> -> memref<256xi32, #tpu.memory_space<hbm>>
      tpu.enqueue_dma source(%dma_start3A_133 : memref<256xi32, #tpu.memory_space<hbm>>) target(%arg9 : memref<256xi32, #tpu.memory_space<vmem>>) target_semaphore(%run_scoped3A : memref<!tpu.dma_semaphore, #tpu.memory_space<semaphore_mem>>)
      %dma_wait3A_134 = tpu.memref_slice %arg3[%select_n3A, %mul3A_32] : memref<16x512xi32, #tpu.memory_space<hbm>> -> memref<1x256xi32, #tpu.memory_space<hbm>>
      %dma_wait3A_135 = tpu.memref_squeeze %dma_wait3A_134 : memref<1x256xi32, #tpu.memory_space<hbm>> -> memref<256xi32, #tpu.memory_space<hbm>>
      %dma_wait3A_136 = tpu.memref_slice %arg3[%select_n3A, %mul3A_32] : memref<16x512xi32, #tpu.memory_space<hbm>> -> memref<1x256xi32, #tpu.memory_space<hbm>>
      %dma_wait3A_137 = tpu.memref_squeeze %dma_wait3A_136 : memref<1x256xi32, #tpu.memory_space<hbm>> -> memref<256xi32, #tpu.memory_space<hbm>>
      tpu.wait_dma2 semaphore(%run_scoped3A : memref<!tpu.dma_semaphore, #tpu.memory_space<semaphore_mem>>) src(%dma_wait3A_137 : memref<256xi32, #tpu.memory_space<hbm>>) dst(%arg9 : memref<256xi32, #tpu.memory_space<vmem>>)
      tpu.yield
    }) : () -> ()
    %broadcast_in_dim3A = arith.constant 0.000000e+00 : f32
    %broadcast_in_dim3A_33 = vector.broadcast %broadcast_in_dim3A : f32 to vector<16xf32>
    %swap3A = arith.constant 0 : index
    %swap3A_34 = tpu.vector_load %arg10[%swap3A] {strides = array<i32>} : memref<16xf32, #tpu.memory_space<vmem>>, vector<16xf32>,
    tpu.vector_store %arg10[%swap3A], %broadcast_in_dim3A_33 {strides = array<i32>} : memref<16xf32, #tpu.memory_space<vmem>>, vector<16xf32>,
    %iota3A = tpu.iota {dimensions = array<i32: 0>} : vector<16xi32>
    %dma_start3A = arith.constant 0 : i32
    %dma_start3A_35 = arith.constant 0 : i32
    %dma_start3A_36 = arith.constant 0 : i32
    %dma_start3A_37 = arith.constant 0 : i32
    %dma_start3A_38 = arith.constant 0 : i32
    %dma_start3A_39 = tpu.memref_slice %arg8[%dma_start3A_35, %dma_start3A_37, %dma_start3A_38] : memref<3x4x8192xf32, #tpu.memory_space<vmem>> -> memref<1x4x8192xf32, #tpu.memory_space<vmem>>
    %dma_start3A_40 = tpu.memref_squeeze %dma_start3A_39 : memref<1x4x8192xf32, #tpu.memory_space<vmem>> -> memref<4x8192xf32, #tpu.memory_space<vmem>>
    %dma_start3A_41 = arith.constant 0 : i32
    %dma_start3A_42 = tpu.memref_slice %arg7[%dma_start3A, %dma_start3A_41] : memref<64x4xi32, #tpu.memory_space<vmem>> -> memref<1x4xi32, #tpu.memory_space<vmem>>
    %dma_start3A_43 = tpu.memref_squeeze %dma_start3A_42 : memref<1x4xi32, #tpu.memory_space<vmem>> -> memref<4xi32, #tpu.memory_space<vmem>>
    %dma_start3A_44 = arith.constant 0 : i32
    %dma_start3A_45 = arith.constant 0 : i32
    %dma_start3A_46 = tpu.memref_slice %arg4[%dma_start3A_44, %dma_start3A_45] : memref<8192x8192xf32, #tpu.memory_space<hbm>> -> memref<8192x8192xf32, #tpu.memory_space<hbm>>
    %dma_start3A_47 = tpu.memref_slice %arg11[%dma_start3A_36] : memref<3x!tpu.dma_semaphore, #tpu.memory_space<semaphore_mem>> -> memref<1x!tpu.dma_semaphore, #tpu.memory_space<semaphore_mem>>
    %dma_start3A_48 = tpu.memref_squeeze %dma_start3A_47 : memref<1x!tpu.dma_semaphore, #tpu.memory_space<semaphore_mem>> -> memref<!tpu.dma_semaphore, #tpu.memory_space<semaphore_mem>>
    tpu.enqueue_indirect_dma source(%dma_start3A_46 : memref<8192x8192xf32, #tpu.memory_space<hbm>>) target(%dma_start3A_40 : memref<4x8192xf32, #tpu.memory_space<vmem>>) offsets(%dma_start3A_43 : memref<4xi32, #tpu.memory_space<vmem>>) semaphore(%dma_start3A_48 : memref<!tpu.dma_semaphore, #tpu.memory_space<semaphore_mem>>)
    %dma_start3A_49 = arith.constant 1 : i32
    %dma_start3A_50 = arith.constant 1 : i32
    %dma_start3A_51 = arith.constant 1 : i32
    %dma_start3A_52 = arith.constant 0 : i32
    %dma_start3A_53 = arith.constant 0 : i32
    %dma_start3A_54 = tpu.memref_slice %arg8[%dma_start3A_50, %dma_start3A_52, %dma_start3A_53] : memref<3x4x8192xf32, #tpu.memory_space<vmem>> -> memref<1x4x8192xf32, #tpu.memory_space<vmem>>
    %dma_start3A_55 = tpu.memref_squeeze %dma_start3A_54 : memref<1x4x8192xf32, #tpu.memory_space<vmem>> -> memref<4x8192xf32, #tpu.memory_space<vmem>>
    %dma_start3A_56 = arith.constant 0 : i32
    %dma_start3A_57 = tpu.memref_slice %arg7[%dma_start3A_49, %dma_start3A_56] : memref<64x4xi32, #tpu.memory_space<vmem>> -> memref<1x4xi32, #tpu.memory_space<vmem>>
    %dma_start3A_58 = tpu.memref_squeeze %dma_start3A_57 : memref<1x4xi32, #tpu.memory_space<vmem>> -> memref<4xi32, #tpu.memory_space<vmem>>
    %dma_start3A_59 = arith.constant 0 : i32
    %dma_start3A_60 = arith.constant 0 : i32
    %dma_start3A_61 = tpu.memref_slice %arg4[%dma_start3A_59, %dma_start3A_60] : memref<8192x8192xf32, #tpu.memory_space<hbm>> -> memref<8192x8192xf32, #tpu.memory_space<hbm>>
    %dma_start3A_62 = tpu.memref_slice %arg11[%dma_start3A_51] : memref<3x!tpu.dma_semaphore, #tpu.memory_space<semaphore_mem>> -> memref<1x!tpu.dma_semaphore, #tpu.memory_space<semaphore_mem>>
    %dma_start3A_63 = tpu.memref_squeeze %dma_start3A_62 : memref<1x!tpu.dma_semaphore, #tpu.memory_space<semaphore_mem>> -> memref<!tpu.dma_semaphore, #tpu.memory_space<semaphore_mem>>
    tpu.enqueue_indirect_dma source(%dma_start3A_61 : memref<8192x8192xf32, #tpu.memory_space<hbm>>) target(%dma_start3A_55 : memref<4x8192xf32, #tpu.memory_space<vmem>>) offsets(%dma_start3A_58 : memref<4xi32, #tpu.memory_space<vmem>>) semaphore(%dma_start3A_63 : memref<!tpu.dma_semaphore, #tpu.memory_space<semaphore_mem>>)
    %scan3A = arith.constant 0 : i32
    %scan3A_64 = arith.constant 0 : i32
    %scan3A_65 = arith.constant 22 : i32
    %scan3A_66 = arith.addi %scan3A_64, %scan3A_65 : i32
    %scan3A_67 = arith.constant 1 : i32
    scf.for %scan3A_130 = %scan3A_64 to %scan3A_66 step %scan3A_67  : i32 {
      %mul3A_131 = arith.constant 3 : i32
      %mul3A_132 = arith.muli %scan3A_130, %mul3A_131 : i32
      %add3A_133 = arith.constant 0 : i32
      %add3A_134 = arith.addi %mul3A_132, %add3A_133 : i32
      %lt3A_135 = arith.constant 64 : i32
      %lt3A_136 = arith.cmpi slt, %add3A_134, %lt3A_135 : i32
      %convert_element_type3A = arith.extui %lt3A_136 : i1 to i32
      %cond3A = arith.constant 0 : i32
      %cond3A_137 = arith.cmpi ne, %convert_element_type3A, %cond3A : i32
      scf.if %cond3A_137 {
        %dma_wait3A_152 = arith.constant 0 : i32
        %dma_wait3A_153 = arith.constant 0 : i32
        %dma_wait3A_154 = arith.constant 0 : i32
        %dma_wait3A_155 = arith.constant 0 : i32
        %dma_wait3A_156 = tpu.memref_slice %arg8[%dma_wait3A_152, %dma_wait3A_154, %dma_wait3A_155] : memref<3x4x8192xf32, #tpu.memory_space<vmem>> -> memref<1x4x8192xf32, #tpu.memory_space<vmem>>
        %dma_wait3A_157 = tpu.memref_squeeze %dma_wait3A_156 : memref<1x4x8192xf32, #tpu.memory_space<vmem>> -> memref<4x8192xf32, #tpu.memory_space<vmem>>
        %dma_wait3A_158 = arith.constant 0 : i32
        %dma_wait3A_159 = tpu.memref_slice %arg7[%add3A_134, %dma_wait3A_158] : memref<64x4xi32, #tpu.memory_space<vmem>> -> memref<1x4xi32, #tpu.memory_space<vmem>>
        %dma_wait3A_160 = tpu.memref_squeeze %dma_wait3A_159 : memref<1x4xi32, #tpu.memory_space<vmem>> -> memref<4xi32, #tpu.memory_space<vmem>>
        %dma_wait3A_161 = arith.constant 0 : i32
        %dma_wait3A_162 = arith.constant 0 : i32
        %dma_wait3A_163 = tpu.memref_slice %arg4[%dma_wait3A_161, %dma_wait3A_162] : memref<8192x8192xf32, #tpu.memory_space<hbm>> -> memref<8192x8192xf32, #tpu.memory_space<hbm>>
        %dma_wait3A_164 = tpu.memref_slice %arg11[%dma_wait3A_153] : memref<3x!tpu.dma_semaphore, #tpu.memory_space<semaphore_mem>> -> memref<1x!tpu.dma_semaphore, #tpu.memory_space<semaphore_mem>>
        %dma_wait3A_165 = tpu.memref_squeeze %dma_wait3A_164 : memref<1x!tpu.dma_semaphore, #tpu.memory_space<semaphore_mem>> -> memref<!tpu.dma_semaphore, #tpu.memory_space<semaphore_mem>>
        tpu.wait_indirect_dma semaphore(%dma_wait3A_165 : memref<!tpu.dma_semaphore, #tpu.memory_space<semaphore_mem>>) src(%dma_wait3A_163 : memref<8192x8192xf32, #tpu.memory_space<hbm>>) dst(%dma_wait3A_157 : memref<4x8192xf32, #tpu.memory_space<vmem>>)
        %jit3A_166 = arith.constant 2 : i32
        %div3A_167 = arith.divsi %add3A, %jit3A_166 : i32
        %sign3A_168 = arith.constant 0 : i32
        %sign3A_169 = arith.cmpi sgt, %add3A, %sign3A_168 : i32
        %sign3A_170 = arith.extui %sign3A_169 : i1 to i32
        %sign3A_171 = arith.constant 0 : i32
        %sign3A_172 = arith.cmpi slt, %add3A, %sign3A_171 : i32
        %sign3A_173 = arith.extui %sign3A_172 : i1 to i32
        %sign3A_174 = arith.subi %sign3A_170, %sign3A_173 : i32
        %sign3A_175 = arith.constant 0 : i32
        %sign3A_176 = arith.cmpi sgt, %jit3A_166, %sign3A_175 : i32
        %sign3A_177 = arith.extui %sign3A_176 : i1 to i32
        %sign3A_178 = arith.constant 0 : i32
        %sign3A_179 = arith.cmpi slt, %jit3A_166, %sign3A_178 : i32
        %sign3A_180 = arith.extui %sign3A_179 : i1 to i32
        %sign3A_181 = arith.subi %sign3A_177, %sign3A_180 : i32
        %ne3A_182 = arith.cmpi ne, %sign3A_174, %sign3A_181 : i32
        %rem3A_183 = arith.remsi %add3A, %jit3A_166 : i32
        %ne3A_184 = arith.constant 0 : i32
        %ne3A_185 = arith.cmpi ne, %rem3A_183, %ne3A_184 : i32
        %and3A_186 = arith.andi %ne3A_182, %ne3A_185 : i1
        %sub3A_187 = arith.constant 1 : i32
        %sub3A_188 = arith.subi %div3A_167, %sub3A_187 : i32
        %select_n3A_189 = arith.select %and3A_186, %sub3A_188, %div3A_167 : i32
        %jit3A_190 = arith.constant 2 : i32
        %eq3A_191 = arith.constant 0 : i32
        %eq3A_192 = arith.cmpi eq, %jit3A_190, %eq3A_191 : i32
        %jit3A_193 = arith.constant 1 : i32
        %select_n3A_194 = arith.select %eq3A_192, %jit3A_193, %jit3A_190 : i32
        %rem3A_195 = arith.remsi %add3A, %select_n3A_194 : i32
        %ne3A_196 = arith.constant 0 : i32
        %ne3A_197 = arith.cmpi ne, %rem3A_195, %ne3A_196 : i32
        %lt3A_198 = arith.constant 0 : i32
        %lt3A_199 = arith.cmpi slt, %rem3A_195, %lt3A_198 : i32
        %lt3A_200 = arith.constant 0 : i32
        %lt3A_201 = arith.cmpi slt, %select_n3A_194, %lt3A_200 : i32
        %ne3A_202 = arith.xori %lt3A_199, %lt3A_201 : i1
        %and3A_203 = arith.andi %ne3A_202, %ne3A_197 : i1
        %add3A_204 = arith.addi %rem3A_195, %select_n3A_194 : i32
        %select_n3A_205 = arith.select %and3A_203, %add3A_204, %rem3A_195 : i32
        %mul3A_206 = arith.constant 256 : i32
        %mul3A_207 = arith.muli %select_n3A_205, %mul3A_206 : i32
        %mul3A_208 = arith.constant 4 : i32
        %mul3A_209 = arith.muli %add3A_134, %mul3A_208 : i32
        %add3A_210 = arith.addi %mul3A_207, %mul3A_209 : i32
        %dma_start3A_211 = arith.constant 0 : i32
        %dma_start3A_212 = arith.constant 0 : i32
        %dma_start3A_213 = arith.constant 0 : i32
        %dma_start3A_214 = arith.constant 0 : i32
        %dma_start3A_215 = tpu.memref_slice %arg8[%dma_start3A_211, %dma_start3A_213, %dma_start3A_214] : memref<3x4x8192xf32, #tpu.memory_space<vmem>> -> memref<1x4x8192xf32, #tpu.memory_space<vmem>>
        %dma_start3A_216 = tpu.memref_squeeze %dma_start3A_215 : memref<1x4x8192xf32, #tpu.memory_space<vmem>> -> memref<4x8192xf32, #tpu.memory_space<vmem>>
        %dma_start3A_217 = arith.constant 0 : i32
        %dma_start3A_218 = tpu.memref_slice %arg5[%select_n3A_189, %add3A_210, %dma_start3A_217] : memref<16x512x8192xf32, #tpu.memory_space<hbm>> -> memref<1x4x8192xf32, #tpu.memory_space<hbm>>
        %dma_start3A_219 = tpu.memref_squeeze %dma_start3A_218 : memref<1x4x8192xf32, #tpu.memory_space<hbm>> -> memref<4x8192xf32, #tpu.memory_space<hbm>>
        %dma_start3A_220 = tpu.memref_slice %arg12[%dma_start3A_212] : memref<3x!tpu.dma_semaphore, #tpu.memory_space<semaphore_mem>> -> memref<1x!tpu.dma_semaphore, #tpu.memory_space<semaphore_mem>>
        %dma_start3A_221 = tpu.memref_squeeze %dma_start3A_220 : memref<1x!tpu.dma_semaphore, #tpu.memory_space<semaphore_mem>> -> memref<!tpu.dma_semaphore, #tpu.memory_space<semaphore_mem>>
        %dma_start3A_222 = arith.constant 0 : i32
        %dma_start3A_223 = tpu.memref_slice %arg5[%select_n3A_189, %add3A_210, %dma_start3A_222] : memref<16x512x8192xf32, #tpu.memory_space<hbm>> -> memref<1x4x8192xf32, #tpu.memory_space<hbm>>
        %dma_start3A_224 = tpu.memref_squeeze %dma_start3A_223 : memref<1x4x8192xf32, #tpu.memory_space<hbm>> -> memref<4x8192xf32, #tpu.memory_space<hbm>>
        %dma_start3A_225 = arith.constant 0 : i32
        %dma_start3A_226 = arith.constant 0 : i32
        %dma_start3A_227 = tpu.memref_slice %arg8[%dma_start3A_211, %dma_start3A_225, %dma_start3A_226] : memref<3x4x8192xf32, #tpu.memory_space<vmem>> -> memref<1x4x8192xf32, #tpu.memory_space<vmem>>
        %dma_start3A_228 = tpu.memref_squeeze %dma_start3A_227 : memref<1x4x8192xf32, #tpu.memory_space<vmem>> -> memref<4x8192xf32, #tpu.memory_space<vmem>>
        tpu.enqueue_dma source(%dma_start3A_228 : memref<4x8192xf32, #tpu.memory_space<vmem>>) target(%dma_start3A_224 : memref<4x8192xf32, #tpu.memory_space<hbm>>) target_semaphore(%dma_start3A_221 : memref<!tpu.dma_semaphore, #tpu.memory_space<semaphore_mem>>)
        %jit3A_229 = arith.constant 4 : i32
        %eq3A_230 = arith.constant 0 : i32
        %eq3A_231 = arith.cmpi eq, %jit3A_229, %eq3A_230 : i32
        %jit3A_232 = arith.constant 1 : i32
        %select_n3A_233 = arith.select %eq3A_231, %jit3A_232, %jit3A_229 : i32
        %rem3A_234 = vector.broadcast %select_n3A_233 : i32 to vector<16xi32>
        %rem3A_235 = arith.remsi %iota3A, %rem3A_234 : vector<16xi32>
        %ne3A_236 = arith.constant 0 : i32
        %ne3A_237 = vector.broadcast %ne3A_236 : i32 to vector<16xi32>
        %ne3A_238 = arith.cmpi ne, %rem3A_235, %ne3A_237 : vector<16xi32>
        %lt3A_239 = arith.constant 0 : i32
        %lt3A_240 = vector.broadcast %lt3A_239 : i32 to vector<16xi32>
        %lt3A_241 = arith.cmpi slt, %rem3A_235, %lt3A_240 : vector<16xi32>
        %lt3A_242 = arith.constant 0 : i32
        %lt3A_243 = arith.cmpi slt, %select_n3A_233, %lt3A_242 : i32
        %ne3A_244 = vector.broadcast %lt3A_243 : i1 to vector<16xi1>
        %ne3A_245 = vector.broadcast %ne3A_244 : vector<16xi1> to vector<16xi1>
        %ne3A_246 = arith.xori %lt3A_241, %ne3A_245 : vector<16xi1>
        %and3A_247 = arith.andi %ne3A_246, %ne3A_238 : vector<16xi1>
        %add3A_248 = vector.broadcast %select_n3A_233 : i32 to vector<16xi32>
        %add3A_249 = arith.addi %rem3A_235, %add3A_248 : vector<16xi32>
        %select_n3A_250 = arith.select %and3A_247, %add3A_249, %rem3A_235 : vector<16xi1>, vector<16xi32>
        %mul3A_251 = arith.constant 4 : i32
        %mul3A_252 = arith.muli %add3A_134, %mul3A_251 : i32
        %add3A_253 = vector.broadcast %mul3A_252 : i32 to vector<16xi32>
        %add3A_254 = arith.addi %add3A_253, %select_n3A_250 : vector<16xi32>
        %gather3A = tpu.vector_load_idx %arg9[%add3A_254] : memref<256xi32, #tpu.memory_space<vmem>>[vector<16xi32>], vector<16xi32>,
        %gather3A_255 = arith.constant 0 : i32
        %gather3A_256 = arith.constant 0 : i32
        %gather3A_257 = arith.constant 0 : i32
        %gather3A_258 = tpu.memref_slice %arg8[%gather3A_255, %gather3A_256, %gather3A_257] : memref<3x4x8192xf32, #tpu.memory_space<vmem>> -> memref<1x4x8192xf32, #tpu.memory_space<vmem>>
        %gather3A_259 = tpu.memref_squeeze %gather3A_258 : memref<1x4x8192xf32, #tpu.memory_space<vmem>> -> memref<4x8192xf32, #tpu.memory_space<vmem>>
        %gather3A_260 = tpu.vector_load_idx %gather3A_259[%select_n3A_250, %gather3A] : memref<4x8192xf32, #tpu.memory_space<vmem>>[vector<16xi32>, vector<16xi32>], vector<16xf32>,
        %get3A = arith.constant 0 : index
        %get3A_261 = tpu.vector_load %arg10[%get3A] {strides = array<i32>} : memref<16xf32, #tpu.memory_space<vmem>>, vector<16xf32>,
        %lt3A_262 = arith.constant 4 : i32
        %lt3A_263 = vector.broadcast %lt3A_262 : i32 to vector<16xi32>
        %lt3A_264 = arith.cmpi slt, %iota3A, %lt3A_263 : vector<16xi32>
        %jit3A_265 = arith.constant 0.000000e+00 : f32
        %broadcast_in_dim3A_266 = vector.broadcast %jit3A_265 : f32 to vector<16xf32>
        %select_n3A_267 = arith.select %lt3A_264, %gather3A_260, %broadcast_in_dim3A_266 : vector<16xi1>, vector<16xf32>
        %add3A_268 = arith.addf %get3A_261, %select_n3A_267 : vector<16xf32>
        %swap3A_269 = arith.constant 0 : index
        %swap3A_270 = tpu.vector_load %arg10[%swap3A_269] {strides = array<i32>} : memref<16xf32, #tpu.memory_space<vmem>>, vector<16xf32>,
        tpu.vector_store %arg10[%swap3A_269], %add3A_268 {strides = array<i32>} : memref<16xf32, #tpu.memory_space<vmem>>, vector<16xf32>,
        %ge3A = arith.constant 1 : i32
        %ge3A_271 = arith.cmpi sge, %add3A_134, %ge3A : i32
        %convert_element_type3A_272 = arith.extui %ge3A_271 : i1 to i32
        %cond3A_273 = arith.constant 0 : i32
        %cond3A_274 = arith.cmpi ne, %convert_element_type3A_272, %cond3A_273 : i32
        scf.if %cond3A_274 {
          %sub3A_282 = arith.constant 1 : i32
          %sub3A_283 = arith.subi %add3A_134, %sub3A_282 : i32
          %jit3A_284 = arith.constant 2 : i32
          %div3A_285 = arith.divsi %add3A, %jit3A_284 : i32
          %sign3A_286 = arith.constant 0 : i32
          %sign3A_287 = arith.cmpi sgt, %add3A, %sign3A_286 : i32
          %sign3A_288 = arith.extui %sign3A_287 : i1 to i32
          %sign3A_289 = arith.constant 0 : i32
          %sign3A_290 = arith.cmpi slt, %add3A, %sign3A_289 : i32
          %sign3A_291 = arith.extui %sign3A_290 : i1 to i32
          %sign3A_292 = arith.subi %sign3A_288, %sign3A_291 : i32
          %sign3A_293 = arith.constant 0 : i32
          %sign3A_294 = arith.cmpi sgt, %jit3A_284, %sign3A_293 : i32
          %sign3A_295 = arith.extui %sign3A_294 : i1 to i32
          %sign3A_296 = arith.constant 0 : i32
          %sign3A_297 = arith.cmpi slt, %jit3A_284, %sign3A_296 : i32
          %sign3A_298 = arith.extui %sign3A_297 : i1 to i32
          %sign3A_299 = arith.subi %sign3A_295, %sign3A_298 : i32
          %ne3A_300 = arith.cmpi ne, %sign3A_292, %sign3A_299 : i32
          %rem3A_301 = arith.remsi %add3A, %jit3A_284 : i32
          %ne3A_302 = arith.constant 0 : i32
          %ne3A_303 = arith.cmpi ne, %rem3A_301, %ne3A_302 : i32
          %and3A_304 = arith.andi %ne3A_300, %ne3A_303 : i1
          %sub3A_305 = arith.constant 1 : i32
          %sub3A_306 = arith.subi %div3A_285, %sub3A_305 : i32
          %select_n3A_307 = arith.select %and3A_304, %sub3A_306, %div3A_285 : i32
          %jit3A_308 = arith.constant 2 : i32
          %eq3A_309 = arith.constant 0 : i32
          %eq3A_310 = arith.cmpi eq, %jit3A_308, %eq3A_309 : i32
          %jit3A_311 = arith.constant 1 : i32
          %select_n3A_312 = arith.select %eq3A_310, %jit3A_311, %jit3A_308 : i32
          %rem3A_313 = arith.remsi %add3A, %select_n3A_312 : i32
          %ne3A_314 = arith.constant 0 : i32
          %ne3A_315 = arith.cmpi ne, %rem3A_313, %ne3A_314 : i32
          %lt3A_316 = arith.constant 0 : i32
          %lt3A_317 = arith.cmpi slt, %rem3A_313, %lt3A_316 : i32
          %lt3A_318 = arith.constant 0 : i32
          %lt3A_319 = arith.cmpi slt, %select_n3A_312, %lt3A_318 : i32
          %ne3A_320 = arith.xori %lt3A_317, %lt3A_319 : i1
          %and3A_321 = arith.andi %ne3A_320, %ne3A_315 : i1
          %add3A_322 = arith.addi %rem3A_313, %select_n3A_312 : i32
          %select_n3A_323 = arith.select %and3A_321, %add3A_322, %rem3A_313 : i32
          %mul3A_324 = arith.constant 256 : i32
          %mul3A_325 = arith.muli %select_n3A_323, %mul3A_324 : i32
          %mul3A_326 = arith.constant 4 : i32
          %mul3A_327 = arith.muli %sub3A_283, %mul3A_326 : i32
          %add3A_328 = arith.addi %mul3A_325, %mul3A_327 : i32
          %dma_wait3A_329 = arith.constant 2 : i32
          %dma_wait3A_330 = arith.constant 2 : i32
          %dma_wait3A_331 = arith.constant 0 : i32
          %dma_wait3A_332 = arith.constant 0 : i32
          %dma_wait3A_333 = tpu.memref_slice %arg8[%dma_wait3A_329, %dma_wait3A_331, %dma_wait3A_332] : memref<3x4x8192xf32, #tpu.memory_space<vmem>> -> memref<1x4x8192xf32, #tpu.memory_space<vmem>>
          %dma_wait3A_334 = tpu.memref_squeeze %dma_wait3A_333 : memref<1x4x8192xf32, #tpu.memory_space<vmem>> -> memref<4x8192xf32, #tpu.memory_space<vmem>>
          %dma_wait3A_335 = arith.constant 0 : i32
          %dma_wait3A_336 = tpu.memref_slice %arg5[%select_n3A_307, %add3A_328, %dma_wait3A_335] : memref<16x512x8192xf32, #tpu.memory_space<hbm>> -> memref<1x4x8192xf32, #tpu.memory_space<hbm>>
          %dma_wait3A_337 = tpu.memref_squeeze %dma_wait3A_336 : memref<1x4x8192xf32, #tpu.memory_space<hbm>> -> memref<4x8192xf32, #tpu.memory_space<hbm>>
          %dma_wait3A_338 = tpu.memref_slice %arg12[%dma_wait3A_330] : memref<3x!tpu.dma_semaphore, #tpu.memory_space<semaphore_mem>> -> memref<1x!tpu.dma_semaphore, #tpu.memory_space<semaphore_mem>>
          %dma_wait3A_339 = tpu.memref_squeeze %dma_wait3A_338 : memref<1x!tpu.dma_semaphore, #tpu.memory_space<semaphore_mem>> -> memref<!tpu.dma_semaphore, #tpu.memory_space<semaphore_mem>>
          %dma_wait3A_340 = arith.constant 0 : i32
          %dma_wait3A_341 = tpu.memref_slice %arg5[%select_n3A_307, %add3A_328, %dma_wait3A_340] : memref<16x512x8192xf32, #tpu.memory_space<hbm>> -> memref<1x4x8192xf32, #tpu.memory_space<hbm>>
          %dma_wait3A_342 = tpu.memref_squeeze %dma_wait3A_341 : memref<1x4x8192xf32, #tpu.memory_space<hbm>> -> memref<4x8192xf32, #tpu.memory_space<hbm>>
          %dma_wait3A_343 = arith.constant 0 : i32
          %dma_wait3A_344 = arith.constant 0 : i32
          %dma_wait3A_345 = tpu.memref_slice %arg8[%dma_wait3A_329, %dma_wait3A_343, %dma_wait3A_344] : memref<3x4x8192xf32, #tpu.memory_space<vmem>> -> memref<1x4x8192xf32, #tpu.memory_space<vmem>>
          %dma_wait3A_346 = tpu.memref_squeeze %dma_wait3A_345 : memref<1x4x8192xf32, #tpu.memory_space<vmem>> -> memref<4x8192xf32, #tpu.memory_space<vmem>>
          tpu.wait_dma2 semaphore(%dma_wait3A_339 : memref<!tpu.dma_semaphore, #tpu.memory_space<semaphore_mem>>) src(%dma_wait3A_346 : memref<4x8192xf32, #tpu.memory_space<vmem>>) dst(%dma_wait3A_342 : memref<4x8192xf32, #tpu.memory_space<hbm>>)
        } else {
        }
        %add3A_275 = arith.constant 2 : i32
        %add3A_276 = arith.addi %add3A_134, %add3A_275 : i32
        %lt3A_277 = arith.constant 64 : i32
        %lt3A_278 = arith.cmpi slt, %add3A_276, %lt3A_277 : i32
        %convert_element_type3A_279 = arith.extui %lt3A_278 : i1 to i32
        %cond3A_280 = arith.constant 0 : i32
        %cond3A_281 = arith.cmpi ne, %convert_element_type3A_279, %cond3A_280 : i32
        scf.if %cond3A_281 {
          %add3A_282 = arith.constant 2 : i32
          %add3A_283 = arith.addi %add3A_134, %add3A_282 : i32
          %dma_start3A_284 = arith.constant 2 : i32
          %dma_start3A_285 = arith.constant 2 : i32
          %dma_start3A_286 = arith.constant 0 : i32
          %dma_start3A_287 = arith.constant 0 : i32
          %dma_start3A_288 = tpu.memref_slice %arg8[%dma_start3A_284, %dma_start3A_286, %dma_start3A_287] : memref<3x4x8192xf32, #tpu.memory_space<vmem>> -> memref<1x4x8192xf32, #tpu.memory_space<vmem>>
          %dma_start3A_289 = tpu.memref_squeeze %dma_start3A_288 : memref<1x4x8192xf32, #tpu.memory_space<vmem>> -> memref<4x8192xf32, #tpu.memory_space<vmem>>
          %dma_start3A_290 = arith.constant 0 : i32
          %dma_start3A_291 = tpu.memref_slice %arg7[%add3A_283, %dma_start3A_290] : memref<64x4xi32, #tpu.memory_space<vmem>> -> memref<1x4xi32, #tpu.memory_space<vmem>>
          %dma_start3A_292 = tpu.memref_squeeze %dma_start3A_291 : memref<1x4xi32, #tpu.memory_space<vmem>> -> memref<4xi32, #tpu.memory_space<vmem>>
          %dma_start3A_293 = arith.constant 0 : i32
          %dma_start3A_294 = arith.constant 0 : i32
          %dma_start3A_295 = tpu.memref_slice %arg4[%dma_start3A_293, %dma_start3A_294] : memref<8192x8192xf32, #tpu.memory_space<hbm>> -> memref<8192x8192xf32, #tpu.memory_space<hbm>>
          %dma_start3A_296 = tpu.memref_slice %arg11[%dma_start3A_285] : memref<3x!tpu.dma_semaphore, #tpu.memory_space<semaphore_mem>> -> memref<1x!tpu.dma_semaphore, #tpu.memory_space<semaphore_mem>>
          %dma_start3A_297 = tpu.memref_squeeze %dma_start3A_296 : memref<1x!tpu.dma_semaphore, #tpu.memory_space<semaphore_mem>> -> memref<!tpu.dma_semaphore, #tpu.memory_space<semaphore_mem>>
          tpu.enqueue_indirect_dma source(%dma_start3A_295 : memref<8192x8192xf32, #tpu.memory_space<hbm>>) target(%dma_start3A_289 : memref<4x8192xf32, #tpu.memory_space<vmem>>) offsets(%dma_start3A_292 : memref<4xi32, #tpu.memory_space<vmem>>) semaphore(%dma_start3A_297 : memref<!tpu.dma_semaphore, #tpu.memory_space<semaphore_mem>>)
        } else {
        }
      } else {
      }
      %add3A_138 = arith.constant 1 : i32
      %add3A_139 = arith.addi %mul3A_132, %add3A_138 : i32
      %lt3A_140 = arith.constant 64 : i32
      %lt3A_141 = arith.cmpi slt, %add3A_139, %lt3A_140 : i32
      %convert_element_type3A_142 = arith.extui %lt3A_141 : i1 to i32
      %cond3A_143 = arith.constant 0 : i32
      %cond3A_144 = arith.cmpi ne, %convert_element_type3A_142, %cond3A_143 : i32
      scf.if %cond3A_144 {
        %dma_wait3A_152 = arith.constant 1 : i32
        %dma_wait3A_153 = arith.constant 1 : i32
        %dma_wait3A_154 = arith.constant 0 : i32
        %dma_wait3A_155 = arith.constant 0 : i32
        %dma_wait3A_156 = tpu.memref_slice %arg8[%dma_wait3A_152, %dma_wait3A_154, %dma_wait3A_155] : memref<3x4x8192xf32, #tpu.memory_space<vmem>> -> memref<1x4x8192xf32, #tpu.memory_space<vmem>>
        %dma_wait3A_157 = tpu.memref_squeeze %dma_wait3A_156 : memref<1x4x8192xf32, #tpu.memory_space<vmem>> -> memref<4x8192xf32, #tpu.memory_space<vmem>>
        %dma_wait3A_158 = arith.constant 0 : i32
        %dma_wait3A_159 = tpu.memref_slice %arg7[%add3A_139, %dma_wait3A_158] : memref<64x4xi32, #tpu.memory_space<vmem>> -> memref<1x4xi32, #tpu.memory_space<vmem>>
        %dma_wait3A_160 = tpu.memref_squeeze %dma_wait3A_159 : memref<1x4xi32, #tpu.memory_space<vmem>> -> memref<4xi32, #tpu.memory_space<vmem>>
        %dma_wait3A_161 = arith.constant 0 : i32
        %dma_wait3A_162 = arith.constant 0 : i32
        %dma_wait3A_163 = tpu.memref_slice %arg4[%dma_wait3A_161, %dma_wait3A_162] : memref<8192x8192xf32, #tpu.memory_space<hbm>> -> memref<8192x8192xf32, #tpu.memory_space<hbm>>
        %dma_wait3A_164 = tpu.memref_slice %arg11[%dma_wait3A_153] : memref<3x!tpu.dma_semaphore, #tpu.memory_space<semaphore_mem>> -> memref<1x!tpu.dma_semaphore, #tpu.memory_space<semaphore_mem>>
        %dma_wait3A_165 = tpu.memref_squeeze %dma_wait3A_164 : memref<1x!tpu.dma_semaphore, #tpu.memory_space<semaphore_mem>> -> memref<!tpu.dma_semaphore, #tpu.memory_space<semaphore_mem>>
        tpu.wait_indirect_dma semaphore(%dma_wait3A_165 : memref<!tpu.dma_semaphore, #tpu.memory_space<semaphore_mem>>) src(%dma_wait3A_163 : memref<8192x8192xf32, #tpu.memory_space<hbm>>) dst(%dma_wait3A_157 : memref<4x8192xf32, #tpu.memory_space<vmem>>)
        %jit3A_166 = arith.constant 2 : i32
        %div3A_167 = arith.divsi %add3A, %jit3A_166 : i32
        %sign3A_168 = arith.constant 0 : i32
        %sign3A_169 = arith.cmpi sgt, %add3A, %sign3A_168 : i32
        %sign3A_170 = arith.extui %sign3A_169 : i1 to i32
        %sign3A_171 = arith.constant 0 : i32
        %sign3A_172 = arith.cmpi slt, %add3A, %sign3A_171 : i32
        %sign3A_173 = arith.extui %sign3A_172 : i1 to i32
        %sign3A_174 = arith.subi %sign3A_170, %sign3A_173 : i32
        %sign3A_175 = arith.constant 0 : i32
        %sign3A_176 = arith.cmpi sgt, %jit3A_166, %sign3A_175 : i32
        %sign3A_177 = arith.extui %sign3A_176 : i1 to i32
        %sign3A_178 = arith.constant 0 : i32
        %sign3A_179 = arith.cmpi slt, %jit3A_166, %sign3A_178 : i32
        %sign3A_180 = arith.extui %sign3A_179 : i1 to i32
        %sign3A_181 = arith.subi %sign3A_177, %sign3A_180 : i32
        %ne3A_182 = arith.cmpi ne, %sign3A_174, %sign3A_181 : i32
        %rem3A_183 = arith.remsi %add3A, %jit3A_166 : i32
        %ne3A_184 = arith.constant 0 : i32
        %ne3A_185 = arith.cmpi ne, %rem3A_183, %ne3A_184 : i32
        %and3A_186 = arith.andi %ne3A_182, %ne3A_185 : i1
        %sub3A_187 = arith.constant 1 : i32
        %sub3A_188 = arith.subi %div3A_167, %sub3A_187 : i32
        %select_n3A_189 = arith.select %and3A_186, %sub3A_188, %div3A_167 : i32
        %jit3A_190 = arith.constant 2 : i32
        %eq3A_191 = arith.constant 0 : i32
        %eq3A_192 = arith.cmpi eq, %jit3A_190, %eq3A_191 : i32
        %jit3A_193 = arith.constant 1 : i32
        %select_n3A_194 = arith.select %eq3A_192, %jit3A_193, %jit3A_190 : i32
        %rem3A_195 = arith.remsi %add3A, %select_n3A_194 : i32
        %ne3A_196 = arith.constant 0 : i32
        %ne3A_197 = arith.cmpi ne, %rem3A_195, %ne3A_196 : i32
        %lt3A_198 = arith.constant 0 : i32
        %lt3A_199 = arith.cmpi slt, %rem3A_195, %lt3A_198 : i32
        %lt3A_200 = arith.constant 0 : i32
        %lt3A_201 = arith.cmpi slt, %select_n3A_194, %lt3A_200 : i32
        %ne3A_202 = arith.xori %lt3A_199, %lt3A_201 : i1
        %and3A_203 = arith.andi %ne3A_202, %ne3A_197 : i1
        %add3A_204 = arith.addi %rem3A_195, %select_n3A_194 : i32
        %select_n3A_205 = arith.select %and3A_203, %add3A_204, %rem3A_195 : i32
        %mul3A_206 = arith.constant 256 : i32
        %mul3A_207 = arith.muli %select_n3A_205, %mul3A_206 : i32
        %mul3A_208 = arith.constant 4 : i32
        %mul3A_209 = arith.muli %add3A_139, %mul3A_208 : i32
        %add3A_210 = arith.addi %mul3A_207, %mul3A_209 : i32
        %dma_start3A_211 = arith.constant 1 : i32
        %dma_start3A_212 = arith.constant 1 : i32
        %dma_start3A_213 = arith.constant 0 : i32
        %dma_start3A_214 = arith.constant 0 : i32
        %dma_start3A_215 = tpu.memref_slice %arg8[%dma_start3A_211, %dma_start3A_213, %dma_start3A_214] : memref<3x4x8192xf32, #tpu.memory_space<vmem>> -> memref<1x4x8192xf32, #tpu.memory_space<vmem>>
        %dma_start3A_216 = tpu.memref_squeeze %dma_start3A_215 : memref<1x4x8192xf32, #tpu.memory_space<vmem>> -> memref<4x8192xf32, #tpu.memory_space<vmem>>
        %dma_start3A_217 = arith.constant 0 : i32
        %dma_start3A_218 = tpu.memref_slice %arg5[%select_n3A_189, %add3A_210, %dma_start3A_217] : memref<16x512x8192xf32, #tpu.memory_space<hbm>> -> memref<1x4x8192xf32, #tpu.memory_space<hbm>>
        %dma_start3A_219 = tpu.memref_squeeze %dma_start3A_218 : memref<1x4x8192xf32, #tpu.memory_space<hbm>> -> memref<4x8192xf32, #tpu.memory_space<hbm>>
        %dma_start3A_220 = tpu.memref_slice %arg12[%dma_start3A_212] : memref<3x!tpu.dma_semaphore, #tpu.memory_space<semaphore_mem>> -> memref<1x!tpu.dma_semaphore, #tpu.memory_space<semaphore_mem>>
        %dma_start3A_221 = tpu.memref_squeeze %dma_start3A_220 : memref<1x!tpu.dma_semaphore, #tpu.memory_space<semaphore_mem>> -> memref<!tpu.dma_semaphore, #tpu.memory_space<semaphore_mem>>
        %dma_start3A_222 = arith.constant 0 : i32
        %dma_start3A_223 = tpu.memref_slice %arg5[%select_n3A_189, %add3A_210, %dma_start3A_222] : memref<16x512x8192xf32, #tpu.memory_space<hbm>> -> memref<1x4x8192xf32, #tpu.memory_space<hbm>>
        %dma_start3A_224 = tpu.memref_squeeze %dma_start3A_223 : memref<1x4x8192xf32, #tpu.memory_space<hbm>> -> memref<4x8192xf32, #tpu.memory_space<hbm>>
        %dma_start3A_225 = arith.constant 0 : i32
        %dma_start3A_226 = arith.constant 0 : i32
        %dma_start3A_227 = tpu.memref_slice %arg8[%dma_start3A_211, %dma_start3A_225, %dma_start3A_226] : memref<3x4x8192xf32, #tpu.memory_space<vmem>> -> memref<1x4x8192xf32, #tpu.memory_space<vmem>>
        %dma_start3A_228 = tpu.memref_squeeze %dma_start3A_227 : memref<1x4x8192xf32, #tpu.memory_space<vmem>> -> memref<4x8192xf32, #tpu.memory_space<vmem>>
        tpu.enqueue_dma source(%dma_start3A_228 : memref<4x8192xf32, #tpu.memory_space<vmem>>) target(%dma_start3A_224 : memref<4x8192xf32, #tpu.memory_space<hbm>>) target_semaphore(%dma_start3A_221 : memref<!tpu.dma_semaphore, #tpu.memory_space<semaphore_mem>>)
        %jit3A_229 = arith.constant 4 : i32
        %eq3A_230 = arith.constant 0 : i32
        %eq3A_231 = arith.cmpi eq, %jit3A_229, %eq3A_230 : i32
        %jit3A_232 = arith.constant 1 : i32
        %select_n3A_233 = arith.select %eq3A_231, %jit3A_232, %jit3A_229 : i32
        %rem3A_234 = vector.broadcast %select_n3A_233 : i32 to vector<16xi32>
        %rem3A_235 = arith.remsi %iota3A, %rem3A_234 : vector<16xi32>
        %ne3A_236 = arith.constant 0 : i32
        %ne3A_237 = vector.broadcast %ne3A_236 : i32 to vector<16xi32>
        %ne3A_238 = arith.cmpi ne, %rem3A_235, %ne3A_237 : vector<16xi32>
        %lt3A_239 = arith.constant 0 : i32
        %lt3A_240 = vector.broadcast %lt3A_239 : i32 to vector<16xi32>
        %lt3A_241 = arith.cmpi slt, %rem3A_235, %lt3A_240 : vector<16xi32>
        %lt3A_242 = arith.constant 0 : i32
        %lt3A_243 = arith.cmpi slt, %select_n3A_233, %lt3A_242 : i32
        %ne3A_244 = vector.broadcast %lt3A_243 : i1 to vector<16xi1>
        %ne3A_245 = vector.broadcast %ne3A_244 : vector<16xi1> to vector<16xi1>
        %ne3A_246 = arith.xori %lt3A_241, %ne3A_245 : vector<16xi1>
        %and3A_247 = arith.andi %ne3A_246, %ne3A_238 : vector<16xi1>
        %add3A_248 = vector.broadcast %select_n3A_233 : i32 to vector<16xi32>
        %add3A_249 = arith.addi %rem3A_235, %add3A_248 : vector<16xi32>
        %select_n3A_250 = arith.select %and3A_247, %add3A_249, %rem3A_235 : vector<16xi1>, vector<16xi32>
        %mul3A_251 = arith.constant 4 : i32
        %mul3A_252 = arith.muli %add3A_139, %mul3A_251 : i32
        %add3A_253 = vector.broadcast %mul3A_252 : i32 to vector<16xi32>
        %add3A_254 = arith.addi %add3A_253, %select_n3A_250 : vector<16xi32>
        %gather3A = tpu.vector_load_idx %arg9[%add3A_254] : memref<256xi32, #tpu.memory_space<vmem>>[vector<16xi32>], vector<16xi32>,
        %gather3A_255 = arith.constant 1 : i32
        %gather3A_256 = arith.constant 0 : i32
        %gather3A_257 = arith.constant 0 : i32
        %gather3A_258 = tpu.memref_slice %arg8[%gather3A_255, %gather3A_256, %gather3A_257] : memref<3x4x8192xf32, #tpu.memory_space<vmem>> -> memref<1x4x8192xf32, #tpu.memory_space<vmem>>
        %gather3A_259 = tpu.memref_squeeze %gather3A_258 : memref<1x4x8192xf32, #tpu.memory_space<vmem>> -> memref<4x8192xf32, #tpu.memory_space<vmem>>
        %gather3A_260 = tpu.vector_load_idx %gather3A_259[%select_n3A_250, %gather3A] : memref<4x8192xf32, #tpu.memory_space<vmem>>[vector<16xi32>, vector<16xi32>], vector<16xf32>,
        %get3A = arith.constant 0 : index
        %get3A_261 = tpu.vector_load %arg10[%get3A] {strides = array<i32>} : memref<16xf32, #tpu.memory_space<vmem>>, vector<16xf32>,
        %lt3A_262 = arith.constant 4 : i32
        %lt3A_263 = vector.broadcast %lt3A_262 : i32 to vector<16xi32>
        %lt3A_264 = arith.cmpi slt, %iota3A, %lt3A_263 : vector<16xi32>
        %jit3A_265 = arith.constant 0.000000e+00 : f32
        %broadcast_in_dim3A_266 = vector.broadcast %jit3A_265 : f32 to vector<16xf32>
        %select_n3A_267 = arith.select %lt3A_264, %gather3A_260, %broadcast_in_dim3A_266 : vector<16xi1>, vector<16xf32>
        %add3A_268 = arith.addf %get3A_261, %select_n3A_267 : vector<16xf32>
        %swap3A_269 = arith.constant 0 : index
        %swap3A_270 = tpu.vector_load %arg10[%swap3A_269] {strides = array<i32>} : memref<16xf32, #tpu.memory_space<vmem>>, vector<16xf32>,
        tpu.vector_store %arg10[%swap3A_269], %add3A_268 {strides = array<i32>} : memref<16xf32, #tpu.memory_space<vmem>>, vector<16xf32>,
        %ge3A = arith.constant 1 : i32
        %ge3A_271 = arith.cmpi sge, %add3A_139, %ge3A : i32
        %convert_element_type3A_272 = arith.extui %ge3A_271 : i1 to i32
        %cond3A_273 = arith.constant 0 : i32
        %cond3A_274 = arith.cmpi ne, %convert_element_type3A_272, %cond3A_273 : i32
        scf.if %cond3A_274 {
          %sub3A_282 = arith.constant 1 : i32
          %sub3A_283 = arith.subi %add3A_139, %sub3A_282 : i32
          %jit3A_284 = arith.constant 2 : i32
          %div3A_285 = arith.divsi %add3A, %jit3A_284 : i32
          %sign3A_286 = arith.constant 0 : i32
          %sign3A_287 = arith.cmpi sgt, %add3A, %sign3A_286 : i32
          %sign3A_288 = arith.extui %sign3A_287 : i1 to i32
          %sign3A_289 = arith.constant 0 : i32
          %sign3A_290 = arith.cmpi slt, %add3A, %sign3A_289 : i32
          %sign3A_291 = arith.extui %sign3A_290 : i1 to i32
          %sign3A_292 = arith.subi %sign3A_288, %sign3A_291 : i32
          %sign3A_293 = arith.constant 0 : i32
          %sign3A_294 = arith.cmpi sgt, %jit3A_284, %sign3A_293 : i32
          %sign3A_295 = arith.extui %sign3A_294 : i1 to i32
          %sign3A_296 = arith.constant 0 : i32
          %sign3A_297 = arith.cmpi slt, %jit3A_284, %sign3A_296 : i32
          %sign3A_298 = arith.extui %sign3A_297 : i1 to i32
          %sign3A_299 = arith.subi %sign3A_295, %sign3A_298 : i32
          %ne3A_300 = arith.cmpi ne, %sign3A_292, %sign3A_299 : i32
          %rem3A_301 = arith.remsi %add3A, %jit3A_284 : i32
          %ne3A_302 = arith.constant 0 : i32
          %ne3A_303 = arith.cmpi ne, %rem3A_301, %ne3A_302 : i32
          %and3A_304 = arith.andi %ne3A_300, %ne3A_303 : i1
          %sub3A_305 = arith.constant 1 : i32
          %sub3A_306 = arith.subi %div3A_285, %sub3A_305 : i32
          %select_n3A_307 = arith.select %and3A_304, %sub3A_306, %div3A_285 : i32
          %jit3A_308 = arith.constant 2 : i32
          %eq3A_309 = arith.constant 0 : i32
          %eq3A_310 = arith.cmpi eq, %jit3A_308, %eq3A_309 : i32
          %jit3A_311 = arith.constant 1 : i32
          %select_n3A_312 = arith.select %eq3A_310, %jit3A_311, %jit3A_308 : i32
          %rem3A_313 = arith.remsi %add3A, %select_n3A_312 : i32
          %ne3A_314 = arith.constant 0 : i32
          %ne3A_315 = arith.cmpi ne, %rem3A_313, %ne3A_314 : i32
          %lt3A_316 = arith.constant 0 : i32
          %lt3A_317 = arith.cmpi slt, %rem3A_313, %lt3A_316 : i32
          %lt3A_318 = arith.constant 0 : i32
          %lt3A_319 = arith.cmpi slt, %select_n3A_312, %lt3A_318 : i32
          %ne3A_320 = arith.xori %lt3A_317, %lt3A_319 : i1
          %and3A_321 = arith.andi %ne3A_320, %ne3A_315 : i1
          %add3A_322 = arith.addi %rem3A_313, %select_n3A_312 : i32
          %select_n3A_323 = arith.select %and3A_321, %add3A_322, %rem3A_313 : i32
          %mul3A_324 = arith.constant 256 : i32
          %mul3A_325 = arith.muli %select_n3A_323, %mul3A_324 : i32
          %mul3A_326 = arith.constant 4 : i32
          %mul3A_327 = arith.muli %sub3A_283, %mul3A_326 : i32
          %add3A_328 = arith.addi %mul3A_325, %mul3A_327 : i32
          %dma_wait3A_329 = arith.constant 0 : i32
          %dma_wait3A_330 = arith.constant 0 : i32
          %dma_wait3A_331 = arith.constant 0 : i32
          %dma_wait3A_332 = arith.constant 0 : i32
          %dma_wait3A_333 = tpu.memref_slice %arg8[%dma_wait3A_329, %dma_wait3A_331, %dma_wait3A_332] : memref<3x4x8192xf32, #tpu.memory_space<vmem>> -> memref<1x4x8192xf32, #tpu.memory_space<vmem>>
          %dma_wait3A_334 = tpu.memref_squeeze %dma_wait3A_333 : memref<1x4x8192xf32, #tpu.memory_space<vmem>> -> memref<4x8192xf32, #tpu.memory_space<vmem>>
          %dma_wait3A_335 = arith.constant 0 : i32
          %dma_wait3A_336 = tpu.memref_slice %arg5[%select_n3A_307, %add3A_328, %dma_wait3A_335] : memref<16x512x8192xf32, #tpu.memory_space<hbm>> -> memref<1x4x8192xf32, #tpu.memory_space<hbm>>
          %dma_wait3A_337 = tpu.memref_squeeze %dma_wait3A_336 : memref<1x4x8192xf32, #tpu.memory_space<hbm>> -> memref<4x8192xf32, #tpu.memory_space<hbm>>
          %dma_wait3A_338 = tpu.memref_slice %arg12[%dma_wait3A_330] : memref<3x!tpu.dma_semaphore, #tpu.memory_space<semaphore_mem>> -> memref<1x!tpu.dma_semaphore, #tpu.memory_space<semaphore_mem>>
          %dma_wait3A_339 = tpu.memref_squeeze %dma_wait3A_338 : memref<1x!tpu.dma_semaphore, #tpu.memory_space<semaphore_mem>> -> memref<!tpu.dma_semaphore, #tpu.memory_space<semaphore_mem>>
          %dma_wait3A_340 = arith.constant 0 : i32
          %dma_wait3A_341 = tpu.memref_slice %arg5[%select_n3A_307, %add3A_328, %dma_wait3A_340] : memref<16x512x8192xf32, #tpu.memory_space<hbm>> -> memref<1x4x8192xf32, #tpu.memory_space<hbm>>
          %dma_wait3A_342 = tpu.memref_squeeze %dma_wait3A_341 : memref<1x4x8192xf32, #tpu.memory_space<hbm>> -> memref<4x8192xf32, #tpu.memory_space<hbm>>
          %dma_wait3A_343 = arith.constant 0 : i32
          %dma_wait3A_344 = arith.constant 0 : i32
          %dma_wait3A_345 = tpu.memref_slice %arg8[%dma_wait3A_329, %dma_wait3A_343, %dma_wait3A_344] : memref<3x4x8192xf32, #tpu.memory_space<vmem>> -> memref<1x4x8192xf32, #tpu.memory_space<vmem>>
          %dma_wait3A_346 = tpu.memref_squeeze %dma_wait3A_345 : memref<1x4x8192xf32, #tpu.memory_space<vmem>> -> memref<4x8192xf32, #tpu.memory_space<vmem>>
          tpu.wait_dma2 semaphore(%dma_wait3A_339 : memref<!tpu.dma_semaphore, #tpu.memory_space<semaphore_mem>>) src(%dma_wait3A_346 : memref<4x8192xf32, #tpu.memory_space<vmem>>) dst(%dma_wait3A_342 : memref<4x8192xf32, #tpu.memory_space<hbm>>)
        } else {
        }
        %add3A_275 = arith.constant 2 : i32
        %add3A_276 = arith.addi %add3A_139, %add3A_275 : i32
        %lt3A_277 = arith.constant 64 : i32
        %lt3A_278 = arith.cmpi slt, %add3A_276, %lt3A_277 : i32
        %convert_element_type3A_279 = arith.extui %lt3A_278 : i1 to i32
        %cond3A_280 = arith.constant 0 : i32
        %cond3A_281 = arith.cmpi ne, %convert_element_type3A_279, %cond3A_280 : i32
        scf.if %cond3A_281 {
          %add3A_282 = arith.constant 2 : i32
          %add3A_283 = arith.addi %add3A_139, %add3A_282 : i32
          %dma_start3A_284 = arith.constant 0 : i32
          %dma_start3A_285 = arith.constant 0 : i32
          %dma_start3A_286 = arith.constant 0 : i32
          %dma_start3A_287 = arith.constant 0 : i32
          %dma_start3A_288 = tpu.memref_slice %arg8[%dma_start3A_284, %dma_start3A_286, %dma_start3A_287] : memref<3x4x8192xf32, #tpu.memory_space<vmem>> -> memref<1x4x8192xf32, #tpu.memory_space<vmem>>
          %dma_start3A_289 = tpu.memref_squeeze %dma_start3A_288 : memref<1x4x8192xf32, #tpu.memory_space<vmem>> -> memref<4x8192xf32, #tpu.memory_space<vmem>>
          %dma_start3A_290 = arith.constant 0 : i32
          %dma_start3A_291 = tpu.memref_slice %arg7[%add3A_283, %dma_start3A_290] : memref<64x4xi32, #tpu.memory_space<vmem>> -> memref<1x4xi32, #tpu.memory_space<vmem>>
          %dma_start3A_292 = tpu.memref_squeeze %dma_start3A_291 : memref<1x4xi32, #tpu.memory_space<vmem>> -> memref<4xi32, #tpu.memory_space<vmem>>
          %dma_start3A_293 = arith.constant 0 : i32
          %dma_start3A_294 = arith.constant 0 : i32
          %dma_start3A_295 = tpu.memref_slice %arg4[%dma_start3A_293, %dma_start3A_294] : memref<8192x8192xf32, #tpu.memory_space<hbm>> -> memref<8192x8192xf32, #tpu.memory_space<hbm>>
          %dma_start3A_296 = tpu.memref_slice %arg11[%dma_start3A_285] : memref<3x!tpu.dma_semaphore, #tpu.memory_space<semaphore_mem>> -> memref<1x!tpu.dma_semaphore, #tpu.memory_space<semaphore_mem>>
          %dma_start3A_297 = tpu.memref_squeeze %dma_start3A_296 : memref<1x!tpu.dma_semaphore, #tpu.memory_space<semaphore_mem>> -> memref<!tpu.dma_semaphore, #tpu.memory_space<semaphore_mem>>
          tpu.enqueue_indirect_dma source(%dma_start3A_295 : memref<8192x8192xf32, #tpu.memory_space<hbm>>) target(%dma_start3A_289 : memref<4x8192xf32, #tpu.memory_space<vmem>>) offsets(%dma_start3A_292 : memref<4xi32, #tpu.memory_space<vmem>>) semaphore(%dma_start3A_297 : memref<!tpu.dma_semaphore, #tpu.memory_space<semaphore_mem>>)
        } else {
        }
      } else {
      }
      %add3A_145 = arith.constant 2 : i32
      %add3A_146 = arith.addi %mul3A_132, %add3A_145 : i32
      %lt3A_147 = arith.constant 64 : i32
      %lt3A_148 = arith.cmpi slt, %add3A_146, %lt3A_147 : i32
      %convert_element_type3A_149 = arith.extui %lt3A_148 : i1 to i32
      %cond3A_150 = arith.constant 0 : i32
      %cond3A_151 = arith.cmpi ne, %convert_element_type3A_149, %cond3A_150 : i32
      scf.if %cond3A_151 {
        %dma_wait3A_152 = arith.constant 2 : i32
        %dma_wait3A_153 = arith.constant 2 : i32
        %dma_wait3A_154 = arith.constant 0 : i32
        %dma_wait3A_155 = arith.constant 0 : i32
        %dma_wait3A_156 = tpu.memref_slice %arg8[%dma_wait3A_152, %dma_wait3A_154, %dma_wait3A_155] : memref<3x4x8192xf32, #tpu.memory_space<vmem>> -> memref<1x4x8192xf32, #tpu.memory_space<vmem>>
        %dma_wait3A_157 = tpu.memref_squeeze %dma_wait3A_156 : memref<1x4x8192xf32, #tpu.memory_space<vmem>> -> memref<4x8192xf32, #tpu.memory_space<vmem>>
        %dma_wait3A_158 = arith.constant 0 : i32
        %dma_wait3A_159 = tpu.memref_slice %arg7[%add3A_146, %dma_wait3A_158] : memref<64x4xi32, #tpu.memory_space<vmem>> -> memref<1x4xi32, #tpu.memory_space<vmem>>
        %dma_wait3A_160 = tpu.memref_squeeze %dma_wait3A_159 : memref<1x4xi32, #tpu.memory_space<vmem>> -> memref<4xi32, #tpu.memory_space<vmem>>
        %dma_wait3A_161 = arith.constant 0 : i32
        %dma_wait3A_162 = arith.constant 0 : i32
        %dma_wait3A_163 = tpu.memref_slice %arg4[%dma_wait3A_161, %dma_wait3A_162] : memref<8192x8192xf32, #tpu.memory_space<hbm>> -> memref<8192x8192xf32, #tpu.memory_space<hbm>>
        %dma_wait3A_164 = tpu.memref_slice %arg11[%dma_wait3A_153] : memref<3x!tpu.dma_semaphore, #tpu.memory_space<semaphore_mem>> -> memref<1x!tpu.dma_semaphore, #tpu.memory_space<semaphore_mem>>
        %dma_wait3A_165 = tpu.memref_squeeze %dma_wait3A_164 : memref<1x!tpu.dma_semaphore, #tpu.memory_space<semaphore_mem>> -> memref<!tpu.dma_semaphore, #tpu.memory_space<semaphore_mem>>
        tpu.wait_indirect_dma semaphore(%dma_wait3A_165 : memref<!tpu.dma_semaphore, #tpu.memory_space<semaphore_mem>>) src(%dma_wait3A_163 : memref<8192x8192xf32, #tpu.memory_space<hbm>>) dst(%dma_wait3A_157 : memref<4x8192xf32, #tpu.memory_space<vmem>>)
        %jit3A_166 = arith.constant 2 : i32
        %div3A_167 = arith.divsi %add3A, %jit3A_166 : i32
        %sign3A_168 = arith.constant 0 : i32
        %sign3A_169 = arith.cmpi sgt, %add3A, %sign3A_168 : i32
        %sign3A_170 = arith.extui %sign3A_169 : i1 to i32
        %sign3A_171 = arith.constant 0 : i32
        %sign3A_172 = arith.cmpi slt, %add3A, %sign3A_171 : i32
        %sign3A_173 = arith.extui %sign3A_172 : i1 to i32
        %sign3A_174 = arith.subi %sign3A_170, %sign3A_173 : i32
        %sign3A_175 = arith.constant 0 : i32
        %sign3A_176 = arith.cmpi sgt, %jit3A_166, %sign3A_175 : i32
        %sign3A_177 = arith.extui %sign3A_176 : i1 to i32
        %sign3A_178 = arith.constant 0 : i32
        %sign3A_179 = arith.cmpi slt, %jit3A_166, %sign3A_178 : i32
        %sign3A_180 = arith.extui %sign3A_179 : i1 to i32
        %sign3A_181 = arith.subi %sign3A_177, %sign3A_180 : i32
        %ne3A_182 = arith.cmpi ne, %sign3A_174, %sign3A_181 : i32
        %rem3A_183 = arith.remsi %add3A, %jit3A_166 : i32
        %ne3A_184 = arith.constant 0 : i32
        %ne3A_185 = arith.cmpi ne, %rem3A_183, %ne3A_184 : i32
        %and3A_186 = arith.andi %ne3A_182, %ne3A_185 : i1
        %sub3A_187 = arith.constant 1 : i32
        %sub3A_188 = arith.subi %div3A_167, %sub3A_187 : i32
        %select_n3A_189 = arith.select %and3A_186, %sub3A_188, %div3A_167 : i32
        %jit3A_190 = arith.constant 2 : i32
        %eq3A_191 = arith.constant 0 : i32
        %eq3A_192 = arith.cmpi eq, %jit3A_190, %eq3A_191 : i32
        %jit3A_193 = arith.constant 1 : i32
        %select_n3A_194 = arith.select %eq3A_192, %jit3A_193, %jit3A_190 : i32
        %rem3A_195 = arith.remsi %add3A, %select_n3A_194 : i32
        %ne3A_196 = arith.constant 0 : i32
        %ne3A_197 = arith.cmpi ne, %rem3A_195, %ne3A_196 : i32
        %lt3A_198 = arith.constant 0 : i32
        %lt3A_199 = arith.cmpi slt, %rem3A_195, %lt3A_198 : i32
        %lt3A_200 = arith.constant 0 : i32
        %lt3A_201 = arith.cmpi slt, %select_n3A_194, %lt3A_200 : i32
        %ne3A_202 = arith.xori %lt3A_199, %lt3A_201 : i1
        %and3A_203 = arith.andi %ne3A_202, %ne3A_197 : i1
        %add3A_204 = arith.addi %rem3A_195, %select_n3A_194 : i32
        %select_n3A_205 = arith.select %and3A_203, %add3A_204, %rem3A_195 : i32
        %mul3A_206 = arith.constant 256 : i32
        %mul3A_207 = arith.muli %select_n3A_205, %mul3A_206 : i32
        %mul3A_208 = arith.constant 4 : i32
        %mul3A_209 = arith.muli %add3A_146, %mul3A_208 : i32
        %add3A_210 = arith.addi %mul3A_207, %mul3A_209 : i32
        %dma_start3A_211 = arith.constant 2 : i32
        %dma_start3A_212 = arith.constant 2 : i32
        %dma_start3A_213 = arith.constant 0 : i32
        %dma_start3A_214 = arith.constant 0 : i32
        %dma_start3A_215 = tpu.memref_slice %arg8[%dma_start3A_211, %dma_start3A_213, %dma_start3A_214] : memref<3x4x8192xf32, #tpu.memory_space<vmem>> -> memref<1x4x8192xf32, #tpu.memory_space<vmem>>
        %dma_start3A_216 = tpu.memref_squeeze %dma_start3A_215 : memref<1x4x8192xf32, #tpu.memory_space<vmem>> -> memref<4x8192xf32, #tpu.memory_space<vmem>>
        %dma_start3A_217 = arith.constant 0 : i32
        %dma_start3A_218 = tpu.memref_slice %arg5[%select_n3A_189, %add3A_210, %dma_start3A_217] : memref<16x512x8192xf32, #tpu.memory_space<hbm>> -> memref<1x4x8192xf32, #tpu.memory_space<hbm>>
        %dma_start3A_219 = tpu.memref_squeeze %dma_start3A_218 : memref<1x4x8192xf32, #tpu.memory_space<hbm>> -> memref<4x8192xf32, #tpu.memory_space<hbm>>
        %dma_start3A_220 = tpu.memref_slice %arg12[%dma_start3A_212] : memref<3x!tpu.dma_semaphore, #tpu.memory_space<semaphore_mem>> -> memref<1x!tpu.dma_semaphore, #tpu.memory_space<semaphore_mem>>
        %dma_start3A_221 = tpu.memref_squeeze %dma_start3A_220 : memref<1x!tpu.dma_semaphore, #tpu.memory_space<semaphore_mem>> -> memref<!tpu.dma_semaphore, #tpu.memory_space<semaphore_mem>>
        %dma_start3A_222 = arith.constant 0 : i32
        %dma_start3A_223 = tpu.memref_slice %arg5[%select_n3A_189, %add3A_210, %dma_start3A_222] : memref<16x512x8192xf32, #tpu.memory_space<hbm>> -> memref<1x4x8192xf32, #tpu.memory_space<hbm>>
        %dma_start3A_224 = tpu.memref_squeeze %dma_start3A_223 : memref<1x4x8192xf32, #tpu.memory_space<hbm>> -> memref<4x8192xf32, #tpu.memory_space<hbm>>
        %dma_start3A_225 = arith.constant 0 : i32
        %dma_start3A_226 = arith.constant 0 : i32
        %dma_start3A_227 = tpu.memref_slice %arg8[%dma_start3A_211, %dma_start3A_225, %dma_start3A_226] : memref<3x4x8192xf32, #tpu.memory_space<vmem>> -> memref<1x4x8192xf32, #tpu.memory_space<vmem>>
        %dma_start3A_228 = tpu.memref_squeeze %dma_start3A_227 : memref<1x4x8192xf32, #tpu.memory_space<vmem>> -> memref<4x8192xf32, #tpu.memory_space<vmem>>
        tpu.enqueue_dma source(%dma_start3A_228 : memref<4x8192xf32, #tpu.memory_space<vmem>>) target(%dma_start3A_224 : memref<4x8192xf32, #tpu.memory_space<hbm>>) target_semaphore(%dma_start3A_221 : memref<!tpu.dma_semaphore, #tpu.memory_space<semaphore_mem>>)
        %jit3A_229 = arith.constant 4 : i32
        %eq3A_230 = arith.constant 0 : i32
        %eq3A_231 = arith.cmpi eq, %jit3A_229, %eq3A_230 : i32
        %jit3A_232 = arith.constant 1 : i32
        %select_n3A_233 = arith.select %eq3A_231, %jit3A_232, %jit3A_229 : i32
        %rem3A_234 = vector.broadcast %select_n3A_233 : i32 to vector<16xi32>
        %rem3A_235 = arith.remsi %iota3A, %rem3A_234 : vector<16xi32>
        %ne3A_236 = arith.constant 0 : i32
        %ne3A_237 = vector.broadcast %ne3A_236 : i32 to vector<16xi32>
        %ne3A_238 = arith.cmpi ne, %rem3A_235, %ne3A_237 : vector<16xi32>
        %lt3A_239 = arith.constant 0 : i32
        %lt3A_240 = vector.broadcast %lt3A_239 : i32 to vector<16xi32>
        %lt3A_241 = arith.cmpi slt, %rem3A_235, %lt3A_240 : vector<16xi32>
        %lt3A_242 = arith.constant 0 : i32
        %lt3A_243 = arith.cmpi slt, %select_n3A_233, %lt3A_242 : i32
        %ne3A_244 = vector.broadcast %lt3A_243 : i1 to vector<16xi1>
        %ne3A_245 = vector.broadcast %ne3A_244 : vector<16xi1> to vector<16xi1>
        %ne3A_246 = arith.xori %lt3A_241, %ne3A_245 : vector<16xi1>
        %and3A_247 = arith.andi %ne3A_246, %ne3A_238 : vector<16xi1>
        %add3A_248 = vector.broadcast %select_n3A_233 : i32 to vector<16xi32>
        %add3A_249 = arith.addi %rem3A_235, %add3A_248 : vector<16xi32>
        %select_n3A_250 = arith.select %and3A_247, %add3A_249, %rem3A_235 : vector<16xi1>, vector<16xi32>
        %mul3A_251 = arith.constant 4 : i32
        %mul3A_252 = arith.muli %add3A_146, %mul3A_251 : i32
        %add3A_253 = vector.broadcast %mul3A_252 : i32 to vector<16xi32>
        %add3A_254 = arith.addi %add3A_253, %select_n3A_250 : vector<16xi32>
        %gather3A = tpu.vector_load_idx %arg9[%add3A_254] : memref<256xi32, #tpu.memory_space<vmem>>[vector<16xi32>], vector<16xi32>,
        %gather3A_255 = arith.constant 2 : i32
        %gather3A_256 = arith.constant 0 : i32
        %gather3A_257 = arith.constant 0 : i32
        %gather3A_258 = tpu.memref_slice %arg8[%gather3A_255, %gather3A_256, %gather3A_257] : memref<3x4x8192xf32, #tpu.memory_space<vmem>> -> memref<1x4x8192xf32, #tpu.memory_space<vmem>>
        %gather3A_259 = tpu.memref_squeeze %gather3A_258 : memref<1x4x8192xf32, #tpu.memory_space<vmem>> -> memref<4x8192xf32, #tpu.memory_space<vmem>>
        %gather3A_260 = tpu.vector_load_idx %gather3A_259[%select_n3A_250, %gather3A] : memref<4x8192xf32, #tpu.memory_space<vmem>>[vector<16xi32>, vector<16xi32>], vector<16xf32>,
        %get3A = arith.constant 0 : index
        %get3A_261 = tpu.vector_load %arg10[%get3A] {strides = array<i32>} : memref<16xf32, #tpu.memory_space<vmem>>, vector<16xf32>,
        %lt3A_262 = arith.constant 4 : i32
        %lt3A_263 = vector.broadcast %lt3A_262 : i32 to vector<16xi32>
        %lt3A_264 = arith.cmpi slt, %iota3A, %lt3A_263 : vector<16xi32>
        %jit3A_265 = arith.constant 0.000000e+00 : f32
        %broadcast_in_dim3A_266 = vector.broadcast %jit3A_265 : f32 to vector<16xf32>
        %select_n3A_267 = arith.select %lt3A_264, %gather3A_260, %broadcast_in_dim3A_266 : vector<16xi1>, vector<16xf32>
        %add3A_268 = arith.addf %get3A_261, %select_n3A_267 : vector<16xf32>
        %swap3A_269 = arith.constant 0 : index
        %swap3A_270 = tpu.vector_load %arg10[%swap3A_269] {strides = array<i32>} : memref<16xf32, #tpu.memory_space<vmem>>, vector<16xf32>,
        tpu.vector_store %arg10[%swap3A_269], %add3A_268 {strides = array<i32>} : memref<16xf32, #tpu.memory_space<vmem>>, vector<16xf32>,
        %ge3A = arith.constant 1 : i32
        %ge3A_271 = arith.cmpi sge, %add3A_146, %ge3A : i32
        %convert_element_type3A_272 = arith.extui %ge3A_271 : i1 to i32
        %cond3A_273 = arith.constant 0 : i32
        %cond3A_274 = arith.cmpi ne, %convert_element_type3A_272, %cond3A_273 : i32
        scf.if %cond3A_274 {
          %sub3A_282 = arith.constant 1 : i32
          %sub3A_283 = arith.subi %add3A_146, %sub3A_282 : i32
          %jit3A_284 = arith.constant 2 : i32
          %div3A_285 = arith.divsi %add3A, %jit3A_284 : i32
          %sign3A_286 = arith.constant 0 : i32
          %sign3A_287 = arith.cmpi sgt, %add3A, %sign3A_286 : i32
          %sign3A_288 = arith.extui %sign3A_287 : i1 to i32
          %sign3A_289 = arith.constant 0 : i32
          %sign3A_290 = arith.cmpi slt, %add3A, %sign3A_289 : i32
          %sign3A_291 = arith.extui %sign3A_290 : i1 to i32
          %sign3A_292 = arith.subi %sign3A_288, %sign3A_291 : i32
          %sign3A_293 = arith.constant 0 : i32
          %sign3A_294 = arith.cmpi sgt, %jit3A_284, %sign3A_293 : i32
          %sign3A_295 = arith.extui %sign3A_294 : i1 to i32
          %sign3A_296 = arith.constant 0 : i32
          %sign3A_297 = arith.cmpi slt, %jit3A_284, %sign3A_296 : i32
          %sign3A_298 = arith.extui %sign3A_297 : i1 to i32
          %sign3A_299 = arith.subi %sign3A_295, %sign3A_298 : i32
          %ne3A_300 = arith.cmpi ne, %sign3A_292, %sign3A_299 : i32
          %rem3A_301 = arith.remsi %add3A, %jit3A_284 : i32
          %ne3A_302 = arith.constant 0 : i32
          %ne3A_303 = arith.cmpi ne, %rem3A_301, %ne3A_302 : i32
          %and3A_304 = arith.andi %ne3A_300, %ne3A_303 : i1
          %sub3A_305 = arith.constant 1 : i32
          %sub3A_306 = arith.subi %div3A_285, %sub3A_305 : i32
          %select_n3A_307 = arith.select %and3A_304, %sub3A_306, %div3A_285 : i32
          %jit3A_308 = arith.constant 2 : i32
          %eq3A_309 = arith.constant 0 : i32
          %eq3A_310 = arith.cmpi eq, %jit3A_308, %eq3A_309 : i32
          %jit3A_311 = arith.constant 1 : i32
          %select_n3A_312 = arith.select %eq3A_310, %jit3A_311, %jit3A_308 : i32
          %rem3A_313 = arith.remsi %add3A, %select_n3A_312 : i32
          %ne3A_314 = arith.constant 0 : i32
          %ne3A_315 = arith.cmpi ne, %rem3A_313, %ne3A_314 : i32
          %lt3A_316 = arith.constant 0 : i32
          %lt3A_317 = arith.cmpi slt, %rem3A_313, %lt3A_316 : i32
          %lt3A_318 = arith.constant 0 : i32
          %lt3A_319 = arith.cmpi slt, %select_n3A_312, %lt3A_318 : i32
          %ne3A_320 = arith.xori %lt3A_317, %lt3A_319 : i1
          %and3A_321 = arith.andi %ne3A_320, %ne3A_315 : i1
          %add3A_322 = arith.addi %rem3A_313, %select_n3A_312 : i32
          %select_n3A_323 = arith.select %and3A_321, %add3A_322, %rem3A_313 : i32
          %mul3A_324 = arith.constant 256 : i32
          %mul3A_325 = arith.muli %select_n3A_323, %mul3A_324 : i32
          %mul3A_326 = arith.constant 4 : i32
          %mul3A_327 = arith.muli %sub3A_283, %mul3A_326 : i32
          %add3A_328 = arith.addi %mul3A_325, %mul3A_327 : i32
          %dma_wait3A_329 = arith.constant 1 : i32
          %dma_wait3A_330 = arith.constant 1 : i32
          %dma_wait3A_331 = arith.constant 0 : i32
          %dma_wait3A_332 = arith.constant 0 : i32
          %dma_wait3A_333 = tpu.memref_slice %arg8[%dma_wait3A_329, %dma_wait3A_331, %dma_wait3A_332] : memref<3x4x8192xf32, #tpu.memory_space<vmem>> -> memref<1x4x8192xf32, #tpu.memory_space<vmem>>
          %dma_wait3A_334 = tpu.memref_squeeze %dma_wait3A_333 : memref<1x4x8192xf32, #tpu.memory_space<vmem>> -> memref<4x8192xf32, #tpu.memory_space<vmem>>
          %dma_wait3A_335 = arith.constant 0 : i32
          %dma_wait3A_336 = tpu.memref_slice %arg5[%select_n3A_307, %add3A_328, %dma_wait3A_335] : memref<16x512x8192xf32, #tpu.memory_space<hbm>> -> memref<1x4x8192xf32, #tpu.memory_space<hbm>>
          %dma_wait3A_337 = tpu.memref_squeeze %dma_wait3A_336 : memref<1x4x8192xf32, #tpu.memory_space<hbm>> -> memref<4x8192xf32, #tpu.memory_space<hbm>>
          %dma_wait3A_338 = tpu.memref_slice %arg12[%dma_wait3A_330] : memref<3x!tpu.dma_semaphore, #tpu.memory_space<semaphore_mem>> -> memref<1x!tpu.dma_semaphore, #tpu.memory_space<semaphore_mem>>
          %dma_wait3A_339 = tpu.memref_squeeze %dma_wait3A_338 : memref<1x!tpu.dma_semaphore, #tpu.memory_space<semaphore_mem>> -> memref<!tpu.dma_semaphore, #tpu.memory_space<semaphore_mem>>
          %dma_wait3A_340 = arith.constant 0 : i32
          %dma_wait3A_341 = tpu.memref_slice %arg5[%select_n3A_307, %add3A_328, %dma_wait3A_340] : memref<16x512x8192xf32, #tpu.memory_space<hbm>> -> memref<1x4x8192xf32, #tpu.memory_space<hbm>>
          %dma_wait3A_342 = tpu.memref_squeeze %dma_wait3A_341 : memref<1x4x8192xf32, #tpu.memory_space<hbm>> -> memref<4x8192xf32, #tpu.memory_space<hbm>>
          %dma_wait3A_343 = arith.constant 0 : i32
          %dma_wait3A_344 = arith.constant 0 : i32
          %dma_wait3A_345 = tpu.memref_slice %arg8[%dma_wait3A_329, %dma_wait3A_343, %dma_wait3A_344] : memref<3x4x8192xf32, #tpu.memory_space<vmem>> -> memref<1x4x8192xf32, #tpu.memory_space<vmem>>
          %dma_wait3A_346 = tpu.memref_squeeze %dma_wait3A_345 : memref<1x4x8192xf32, #tpu.memory_space<vmem>> -> memref<4x8192xf32, #tpu.memory_space<vmem>>
          tpu.wait_dma2 semaphore(%dma_wait3A_339 : memref<!tpu.dma_semaphore, #tpu.memory_space<semaphore_mem>>) src(%dma_wait3A_346 : memref<4x8192xf32, #tpu.memory_space<vmem>>) dst(%dma_wait3A_342 : memref<4x8192xf32, #tpu.memory_space<hbm>>)
        } else {
        }
        %add3A_275 = arith.constant 2 : i32
        %add3A_276 = arith.addi %add3A_146, %add3A_275 : i32
        %lt3A_277 = arith.constant 64 : i32
        %lt3A_278 = arith.cmpi slt, %add3A_276, %lt3A_277 : i32
        %convert_element_type3A_279 = arith.extui %lt3A_278 : i1 to i32
        %cond3A_280 = arith.constant 0 : i32
        %cond3A_281 = arith.cmpi ne, %convert_element_type3A_279, %cond3A_280 : i32
        scf.if %cond3A_281 {
          %add3A_282 = arith.constant 2 : i32
          %add3A_283 = arith.addi %add3A_146, %add3A_282 : i32
          %dma_start3A_284 = arith.constant 1 : i32
          %dma_start3A_285 = arith.constant 1 : i32
          %dma_start3A_286 = arith.constant 0 : i32
          %dma_start3A_287 = arith.constant 0 : i32
          %dma_start3A_288 = tpu.memref_slice %arg8[%dma_start3A_284, %dma_start3A_286, %dma_start3A_287] : memref<3x4x8192xf32, #tpu.memory_space<vmem>> -> memref<1x4x8192xf32, #tpu.memory_space<vmem>>
          %dma_start3A_289 = tpu.memref_squeeze %dma_start3A_288 : memref<1x4x8192xf32, #tpu.memory_space<vmem>> -> memref<4x8192xf32, #tpu.memory_space<vmem>>
          %dma_start3A_290 = arith.constant 0 : i32
          %dma_start3A_291 = tpu.memref_slice %arg7[%add3A_283, %dma_start3A_290] : memref<64x4xi32, #tpu.memory_space<vmem>> -> memref<1x4xi32, #tpu.memory_space<vmem>>
          %dma_start3A_292 = tpu.memref_squeeze %dma_start3A_291 : memref<1x4xi32, #tpu.memory_space<vmem>> -> memref<4xi32, #tpu.memory_space<vmem>>
          %dma_start3A_293 = arith.constant 0 : i32
          %dma_start3A_294 = arith.constant 0 : i32
          %dma_start3A_295 = tpu.memref_slice %arg4[%dma_start3A_293, %dma_start3A_294] : memref<8192x8192xf32, #tpu.memory_space<hbm>> -> memref<8192x8192xf32, #tpu.memory_space<hbm>>
          %dma_start3A_296 = tpu.memref_slice %arg11[%dma_start3A_285] : memref<3x!tpu.dma_semaphore, #tpu.memory_space<semaphore_mem>> -> memref<1x!tpu.dma_semaphore, #tpu.memory_space<semaphore_mem>>
          %dma_start3A_297 = tpu.memref_squeeze %dma_start3A_296 : memref<1x!tpu.dma_semaphore, #tpu.memory_space<semaphore_mem>> -> memref<!tpu.dma_semaphore, #tpu.memory_space<semaphore_mem>>
          tpu.enqueue_indirect_dma source(%dma_start3A_295 : memref<8192x8192xf32, #tpu.memory_space<hbm>>) target(%dma_start3A_289 : memref<4x8192xf32, #tpu.memory_space<vmem>>) offsets(%dma_start3A_292 : memref<4xi32, #tpu.memory_space<vmem>>) semaphore(%dma_start3A_297 : memref<!tpu.dma_semaphore, #tpu.memory_space<semaphore_mem>>)
        } else {
        }
      } else {
      }
    }
    %scan3A_68 = arith.constant 22 : i32
    %jit3A_69 = arith.constant 2 : i32
    %div3A_70 = arith.divsi %add3A, %jit3A_69 : i32
    %sign3A_71 = arith.constant 0 : i32
    %sign3A_72 = arith.cmpi sgt, %add3A, %sign3A_71 : i32
    %sign3A_73 = arith.extui %sign3A_72 : i1 to i32
    %sign3A_74 = arith.constant 0 : i32
    %sign3A_75 = arith.cmpi slt, %add3A, %sign3A_74 : i32
    %sign3A_76 = arith.extui %sign3A_75 : i1 to i32
    %sign3A_77 = arith.subi %sign3A_73, %sign3A_76 : i32
    %sign3A_78 = arith.constant 0 : i32
    %sign3A_79 = arith.cmpi sgt, %jit3A_69, %sign3A_78 : i32
    %sign3A_80 = arith.extui %sign3A_79 : i1 to i32
    %sign3A_81 = arith.constant 0 : i32
    %sign3A_82 = arith.cmpi slt, %jit3A_69, %sign3A_81 : i32
    %sign3A_83 = arith.extui %sign3A_82 : i1 to i32
    %sign3A_84 = arith.subi %sign3A_80, %sign3A_83 : i32
    %ne3A_85 = arith.cmpi ne, %sign3A_77, %sign3A_84 : i32
    %rem3A_86 = arith.remsi %add3A, %jit3A_69 : i32
    %ne3A_87 = arith.constant 0 : i32
    %ne3A_88 = arith.cmpi ne, %rem3A_86, %ne3A_87 : i32
    %and3A_89 = arith.andi %ne3A_85, %ne3A_88 : i1
    %sub3A_90 = arith.constant 1 : i32
    %sub3A_91 = arith.subi %div3A_70, %sub3A_90 : i32
    %select_n3A_92 = arith.select %and3A_89, %sub3A_91, %div3A_70 : i32
    %jit3A_93 = arith.constant 2 : i32
    %eq3A_94 = arith.constant 0 : i32
    %eq3A_95 = arith.cmpi eq, %jit3A_93, %eq3A_94 : i32
    %jit3A_96 = arith.constant 1 : i32
    %select_n3A_97 = arith.select %eq3A_95, %jit3A_96, %jit3A_93 : i32
    %rem3A_98 = arith.remsi %add3A, %select_n3A_97 : i32
    %ne3A_99 = arith.constant 0 : i32
    %ne3A_100 = arith.cmpi ne, %rem3A_98, %ne3A_99 : i32
    %lt3A_101 = arith.constant 0 : i32
    %lt3A_102 = arith.cmpi slt, %rem3A_98, %lt3A_101 : i32
    %lt3A_103 = arith.constant 0 : i32
    %lt3A_104 = arith.cmpi slt, %select_n3A_97, %lt3A_103 : i32
    %ne3A_105 = arith.xori %lt3A_102, %lt3A_104 : i1
    %and3A_106 = arith.andi %ne3A_105, %ne3A_100 : i1
    %add3A_107 = arith.addi %rem3A_98, %select_n3A_97 : i32
    %select_n3A_108 = arith.select %and3A_106, %add3A_107, %rem3A_98 : i32
    %mul3A_109 = arith.constant 256 : i32
    %mul3A_110 = arith.muli %select_n3A_108, %mul3A_109 : i32
    %add3A_111 = arith.constant 252 : i32
    %add3A_112 = arith.addi %mul3A_110, %add3A_111 : i32
    %dma_wait3A = arith.constant 0 : i32
    %dma_wait3A_113 = arith.constant 0 : i32
    %dma_wait3A_114 = arith.constant 0 : i32
    %dma_wait3A_115 = arith.constant 0 : i32
    %dma_wait3A_116 = tpu.memref_slice %arg8[%dma_wait3A, %dma_wait3A_114, %dma_wait3A_115] : memref<3x4x8192xf32, #tpu.memory_space<vmem>> -> memref<1x4x8192xf32, #tpu.memory_space<vmem>>
    %dma_wait3A_117 = tpu.memref_squeeze %dma_wait3A_116 : memref<1x4x8192xf32, #tpu.memory_space<vmem>> -> memref<4x8192xf32, #tpu.memory_space<vmem>>
    %dma_wait3A_118 = arith.constant 0 : i32
    %dma_wait3A_119 = tpu.memref_slice %arg5[%select_n3A_92, %add3A_112, %dma_wait3A_118] : memref<16x512x8192xf32, #tpu.memory_space<hbm>> -> memref<1x4x8192xf32, #tpu.memory_space<hbm>>
    %dma_wait3A_120 = tpu.memref_squeeze %dma_wait3A_119 : memref<1x4x8192xf32, #tpu.memory_space<hbm>> -> memref<4x8192xf32, #tpu.memory_space<hbm>>
    %dma_wait3A_121 = tpu.memref_slice %arg12[%dma_wait3A_113] : memref<3x!tpu.dma_semaphore, #tpu.memory_space<semaphore_mem>> -> memref<1x!tpu.dma_semaphore, #tpu.memory_space<semaphore_mem>>
    %dma_wait3A_122 = tpu.memref_squeeze %dma_wait3A_121 : memref<1x!tpu.dma_semaphore, #tpu.memory_space<semaphore_mem>> -> memref<!tpu.dma_semaphore, #tpu.memory_space<semaphore_mem>>
    %dma_wait3A_123 = arith.constant 0 : i32
    %dma_wait3A_124 = tpu.memref_slice %arg5[%select_n3A_92, %add3A_112, %dma_wait3A_123] : memref<16x512x8192xf32, #tpu.memory_space<hbm>> -> memref<1x4x8192xf32, #tpu.memory_space<hbm>>
    %dma_wait3A_125 = tpu.memref_squeeze %dma_wait3A_124 : memref<1x4x8192xf32, #tpu.memory_space<hbm>> -> memref<4x8192xf32, #tpu.memory_space<hbm>>
    %dma_wait3A_126 = arith.constant 0 : i32
    %dma_wait3A_127 = arith.constant 0 : i32
    %dma_wait3A_128 = tpu.memref_slice %arg8[%dma_wait3A, %dma_wait3A_126, %dma_wait3A_127] : memref<3x4x8192xf32, #tpu.memory_space<vmem>> -> memref<1x4x8192xf32, #tpu.memory_space<vmem>>
    %dma_wait3A_129 = tpu.memref_squeeze %dma_wait3A_128 : memref<1x4x8192xf32, #tpu.memory_space<vmem>> -> memref<4x8192xf32, #tpu.memory_space<vmem>>
    tpu.wait_dma2 semaphore(%dma_wait3A_122 : memref<!tpu.dma_semaphore, #tpu.memory_space<semaphore_mem>>) src(%dma_wait3A_129 : memref<4x8192xf32, #tpu.memory_space<vmem>>) dst(%dma_wait3A_125 : memref<4x8192xf32, #tpu.memory_space<hbm>>)
    "tpu.region"() ({
      %run_scoped3A = tpu.sem_alloc : memref<!tpu.dma_semaphore, #tpu.memory_space<semaphore_mem>>
      %dma_start3A_130 = arith.constant 0 : i32
      %dma_start3A_131 = tpu.memref_slice %arg6[%add3A, %dma_start3A_130] : memref<32x16xf32, #tpu.memory_space<hbm>> -> memref<1x16xf32, #tpu.memory_space<hbm>>
      %dma_start3A_132 = tpu.memref_squeeze %dma_start3A_131 : memref<1x16xf32, #tpu.memory_space<hbm>> -> memref<16xf32, #tpu.memory_space<hbm>>
      %dma_start3A_133 = arith.constant 0 : i32
      %dma_start3A_134 = tpu.memref_slice %arg6[%add3A, %dma_start3A_133] : memref<32x16xf32, #tpu.memory_space<hbm>> -> memref<1x16xf32, #tpu.memory_space<hbm>>
      %dma_start3A_135 = tpu.memref_squeeze %dma_start3A_134 : memref<1x16xf32, #tpu.memory_space<hbm>> -> memref<16xf32, #tpu.memory_space<hbm>>
      tpu.enqueue_dma source(%arg10 : memref<16xf32, #tpu.memory_space<vmem>>) target(%dma_start3A_135 : memref<16xf32, #tpu.memory_space<hbm>>) target_semaphore(%run_scoped3A : memref<!tpu.dma_semaphore, #tpu.memory_space<semaphore_mem>>)
      %dma_wait3A_136 = arith.constant 0 : i32
      %dma_wait3A_137 = tpu.memref_slice %arg6[%add3A, %dma_wait3A_136] : memref<32x16xf32, #tpu.memory_space<hbm>> -> memref<1x16xf32, #tpu.memory_space<hbm>>
      %dma_wait3A_138 = tpu.memref_squeeze %dma_wait3A_137 : memref<1x16xf32, #tpu.memory_space<hbm>> -> memref<16xf32, #tpu.memory_space<hbm>>
      %dma_wait3A_139 = arith.constant 0 : i32
      %dma_wait3A_140 = tpu.memref_slice %arg6[%add3A, %dma_wait3A_139] : memref<32x16xf32, #tpu.memory_space<hbm>> -> memref<1x16xf32, #tpu.memory_space<hbm>>
      %dma_wait3A_141 = tpu.memref_squeeze %dma_wait3A_140 : memref<1x16xf32, #tpu.memory_space<hbm>> -> memref<16xf32, #tpu.memory_space<hbm>>
      tpu.wait_dma2 semaphore(%run_scoped3A : memref<!tpu.dma_semaphore, #tpu.memory_space<semaphore_mem>>) src(%arg10 : memref<16xf32, #tpu.memory_space<vmem>>) dst(%dma_wait3A_141 : memref<16xf32, #tpu.memory_space<hbm>>)
      tpu.yield
    }) : () -> ()
    return
  }
}

#map = affine_map<(d0, d1) -> (0, 0)>
module attributes {stable_mosaic.version = 14 : i64} {
  func.func @sc_lse_sum(%arg0: i32, %arg1: i32, %arg2: memref<16x512xi32, #tpu.memory_space<hbm>>, %arg3: memref<8192x128xf32, #tpu.memory_space<hbm>>, %arg4: memref<32x16xf32, #tpu.memory_space<hbm>>, %arg5: memref<32x16xf32, #tpu.memory_space<hbm>>, %arg6: memref<256xi32, #tpu.memory_space<vmem>>, %arg7: memref<16x16x128xf32, #tpu.memory_space<vmem>>, %arg8: memref<16xf32, #tpu.memory_space<vmem>>, %arg9: memref<!tpu.dma_semaphore, #tpu.memory_space<semaphore_mem>>) attributes {dimension_semantics = [#tpu.dimension_semantics<core_parallel>, #tpu.dimension_semantics<subcore_parallel>], iteration_bounds = array<i64: 2, 16>, scalar_prefetch = 0 : i64, scratch_operands = 4 : i64, tpu.core_type = #tpu.core_type<sc_vector_subcore>, window_params = [{transform_indices = #map}, {transform_indices = #map}, {transform_indices = #map}, {transform_indices = #map}]} {
    %mul3A = arith.constant 2 : i32
    %mul3A_0 = arith.muli %arg1, %mul3A : i32
    %add3A = arith.addi %mul3A_0, %arg0 : i32
    %jit3A = arith.constant 2 : i32
    %div3A = arith.divsi %add3A, %jit3A : i32
    %sign3A = arith.constant 0 : i32
    %sign3A_1 = arith.cmpi sgt, %add3A, %sign3A : i32
    %sign3A_2 = arith.extui %sign3A_1 : i1 to i32
    %sign3A_3 = arith.constant 0 : i32
    %sign3A_4 = arith.cmpi slt, %add3A, %sign3A_3 : i32
    %sign3A_5 = arith.extui %sign3A_4 : i1 to i32
    %sign3A_6 = arith.subi %sign3A_2, %sign3A_5 : i32
    %sign3A_7 = arith.constant 0 : i32
    %sign3A_8 = arith.cmpi sgt, %jit3A, %sign3A_7 : i32
    %sign3A_9 = arith.extui %sign3A_8 : i1 to i32
    %sign3A_10 = arith.constant 0 : i32
    %sign3A_11 = arith.cmpi slt, %jit3A, %sign3A_10 : i32
    %sign3A_12 = arith.extui %sign3A_11 : i1 to i32
    %sign3A_13 = arith.subi %sign3A_9, %sign3A_12 : i32
    %ne3A = arith.cmpi ne, %sign3A_6, %sign3A_13 : i32
    %rem3A = arith.remsi %add3A, %jit3A : i32
    %ne3A_14 = arith.constant 0 : i32
    %ne3A_15 = arith.cmpi ne, %rem3A, %ne3A_14 : i32
    %and3A = arith.andi %ne3A, %ne3A_15 : i1
    %sub3A = arith.constant 1 : i32
    %sub3A_16 = arith.subi %div3A, %sub3A : i32
    %select_n3A = arith.select %and3A, %sub3A_16, %div3A : i32
    %jit3A_17 = arith.constant 2 : i32
    %eq3A = arith.constant 0 : i32
    %eq3A_18 = arith.cmpi eq, %jit3A_17, %eq3A : i32
    %jit3A_19 = arith.constant 1 : i32
    %select_n3A_20 = arith.select %eq3A_18, %jit3A_19, %jit3A_17 : i32
    %rem3A_21 = arith.remsi %add3A, %select_n3A_20 : i32
    %ne3A_22 = arith.constant 0 : i32
    %ne3A_23 = arith.cmpi ne, %rem3A_21, %ne3A_22 : i32
    %lt3A = arith.constant 0 : i32
    %lt3A_24 = arith.cmpi slt, %rem3A_21, %lt3A : i32
    %lt3A_25 = arith.constant 0 : i32
    %lt3A_26 = arith.cmpi slt, %select_n3A_20, %lt3A_25 : i32
    %ne3A_27 = arith.xori %lt3A_24, %lt3A_26 : i1
    %and3A_28 = arith.andi %ne3A_27, %ne3A_23 : i1
    %add3A_29 = arith.addi %rem3A_21, %select_n3A_20 : i32
    %select_n3A_30 = arith.select %and3A_28, %add3A_29, %rem3A_21 : i32
    %mul3A_31 = arith.constant 256 : i32
    %mul3A_32 = arith.muli %select_n3A_30, %mul3A_31 : i32
    "tpu.region"() ({
      %run_scoped3A = tpu.sem_alloc : memref<!tpu.dma_semaphore, #tpu.memory_space<semaphore_mem>>
      %dma_start3A_2150 = tpu.memref_slice %arg2[%select_n3A, %mul3A_32] : memref<16x512xi32, #tpu.memory_space<hbm>> -> memref<1x256xi32, #tpu.memory_space<hbm>>
      %dma_start3A_2151 = tpu.memref_squeeze %dma_start3A_2150 : memref<1x256xi32, #tpu.memory_space<hbm>> -> memref<256xi32, #tpu.memory_space<hbm>>
      %dma_start3A_2152 = tpu.memref_slice %arg2[%select_n3A, %mul3A_32] : memref<16x512xi32, #tpu.memory_space<hbm>> -> memref<1x256xi32, #tpu.memory_space<hbm>>
      %dma_start3A_2153 = tpu.memref_squeeze %dma_start3A_2152 : memref<1x256xi32, #tpu.memory_space<hbm>> -> memref<256xi32, #tpu.memory_space<hbm>>
      tpu.enqueue_dma source(%dma_start3A_2153 : memref<256xi32, #tpu.memory_space<hbm>>) target(%arg6 : memref<256xi32, #tpu.memory_space<vmem>>) target_semaphore(%run_scoped3A : memref<!tpu.dma_semaphore, #tpu.memory_space<semaphore_mem>>)
      %dma_wait3A_2154 = tpu.memref_slice %arg2[%select_n3A, %mul3A_32] : memref<16x512xi32, #tpu.memory_space<hbm>> -> memref<1x256xi32, #tpu.memory_space<hbm>>
      %dma_wait3A_2155 = tpu.memref_squeeze %dma_wait3A_2154 : memref<1x256xi32, #tpu.memory_space<hbm>> -> memref<256xi32, #tpu.memory_space<hbm>>
      %dma_wait3A_2156 = tpu.memref_slice %arg2[%select_n3A, %mul3A_32] : memref<16x512xi32, #tpu.memory_space<hbm>> -> memref<1x256xi32, #tpu.memory_space<hbm>>
      %dma_wait3A_2157 = tpu.memref_squeeze %dma_wait3A_2156 : memref<1x256xi32, #tpu.memory_space<hbm>> -> memref<256xi32, #tpu.memory_space<hbm>>
      tpu.wait_dma2 semaphore(%run_scoped3A : memref<!tpu.dma_semaphore, #tpu.memory_space<semaphore_mem>>) src(%dma_wait3A_2157 : memref<256xi32, #tpu.memory_space<hbm>>) dst(%arg6 : memref<256xi32, #tpu.memory_space<vmem>>)
      tpu.yield
    }) : () -> ()
    %dma_start3A = arith.constant 0 : i32
    %dma_start3A_33 = arith.constant 0 : i32
    %dma_start3A_34 = arith.constant 0 : i32
    %dma_start3A_35 = tpu.memref_slice %arg7[%dma_start3A, %dma_start3A_33, %dma_start3A_34] : memref<16x16x128xf32, #tpu.memory_space<vmem>> -> memref<1x16x128xf32, #tpu.memory_space<vmem>>
    %dma_start3A_36 = tpu.memref_squeeze %dma_start3A_35 : memref<1x16x128xf32, #tpu.memory_space<vmem>> -> memref<16x128xf32, #tpu.memory_space<vmem>>
    %dma_start3A_37 = arith.constant 0 : i32
    %dma_start3A_38 = tpu.memref_slice %arg6[%dma_start3A_37] : memref<256xi32, #tpu.memory_space<vmem>> -> memref<16xi32, #tpu.memory_space<vmem>>
    %dma_start3A_39 = arith.constant 0 : i32
    %dma_start3A_40 = arith.constant 0 : i32
    %dma_start3A_41 = tpu.memref_slice %arg3[%dma_start3A_39, %dma_start3A_40] : memref<8192x128xf32, #tpu.memory_space<hbm>> -> memref<8192x128xf32, #tpu.memory_space<hbm>>
    tpu.enqueue_indirect_dma source(%dma_start3A_41 : memref<8192x128xf32, #tpu.memory_space<hbm>>) target(%dma_start3A_36 : memref<16x128xf32, #tpu.memory_space<vmem>>) offsets(%dma_start3A_38 : memref<16xi32, #tpu.memory_space<vmem>>) semaphore(%arg9 : memref<!tpu.dma_semaphore, #tpu.memory_space<semaphore_mem>>)
    %dma_start3A_42 = arith.constant 1 : i32
    %dma_start3A_43 = arith.constant 0 : i32
    %dma_start3A_44 = arith.constant 0 : i32
    %dma_start3A_45 = tpu.memref_slice %arg7[%dma_start3A_42, %dma_start3A_43, %dma_start3A_44] : memref<16x16x128xf32, #tpu.memory_space<vmem>> -> memref<1x16x128xf32, #tpu.memory_space<vmem>>
    %dma_start3A_46 = tpu.memref_squeeze %dma_start3A_45 : memref<1x16x128xf32, #tpu.memory_space<vmem>> -> memref<16x128xf32, #tpu.memory_space<vmem>>
    %dma_start3A_47 = arith.constant 16 : i32
    %dma_start3A_48 = tpu.memref_slice %arg6[%dma_start3A_47] : memref<256xi32, #tpu.memory_space<vmem>> -> memref<16xi32, #tpu.memory_space<vmem>>
    %dma_start3A_49 = arith.constant 0 : i32
    %dma_start3A_50 = arith.constant 0 : i32
    %dma_start3A_51 = tpu.memref_slice %arg3[%dma_start3A_49, %dma_start3A_50] : memref<8192x128xf32, #tpu.memory_space<hbm>> -> memref<8192x128xf32, #tpu.memory_space<hbm>>
    tpu.enqueue_indirect_dma source(%dma_start3A_51 : memref<8192x128xf32, #tpu.memory_space<hbm>>) target(%dma_start3A_46 : memref<16x128xf32, #tpu.memory_space<vmem>>) offsets(%dma_start3A_48 : memref<16xi32, #tpu.memory_space<vmem>>) semaphore(%arg9 : memref<!tpu.dma_semaphore, #tpu.memory_space<semaphore_mem>>)
    %dma_start3A_52 = arith.constant 2 : i32
    %dma_start3A_53 = arith.constant 0 : i32
    %dma_start3A_54 = arith.constant 0 : i32
    %dma_start3A_55 = tpu.memref_slice %arg7[%dma_start3A_52, %dma_start3A_53, %dma_start3A_54] : memref<16x16x128xf32, #tpu.memory_space<vmem>> -> memref<1x16x128xf32, #tpu.memory_space<vmem>>
    %dma_start3A_56 = tpu.memref_squeeze %dma_start3A_55 : memref<1x16x128xf32, #tpu.memory_space<vmem>> -> memref<16x128xf32, #tpu.memory_space<vmem>>
    %dma_start3A_57 = arith.constant 32 : i32
    %dma_start3A_58 = tpu.memref_slice %arg6[%dma_start3A_57] : memref<256xi32, #tpu.memory_space<vmem>> -> memref<16xi32, #tpu.memory_space<vmem>>
    %dma_start3A_59 = arith.constant 0 : i32
    %dma_start3A_60 = arith.constant 0 : i32
    %dma_start3A_61 = tpu.memref_slice %arg3[%dma_start3A_59, %dma_start3A_60] : memref<8192x128xf32, #tpu.memory_space<hbm>> -> memref<8192x128xf32, #tpu.memory_space<hbm>>
    tpu.enqueue_indirect_dma source(%dma_start3A_61 : memref<8192x128xf32, #tpu.memory_space<hbm>>) target(%dma_start3A_56 : memref<16x128xf32, #tpu.memory_space<vmem>>) offsets(%dma_start3A_58 : memref<16xi32, #tpu.memory_space<vmem>>) semaphore(%arg9 : memref<!tpu.dma_semaphore, #tpu.memory_space<semaphore_mem>>)
    %dma_start3A_62 = arith.constant 3 : i32
    %dma_start3A_63 = arith.constant 0 : i32
    %dma_start3A_64 = arith.constant 0 : i32
    %dma_start3A_65 = tpu.memref_slice %arg7[%dma_start3A_62, %dma_start3A_63, %dma_start3A_64] : memref<16x16x128xf32, #tpu.memory_space<vmem>> -> memref<1x16x128xf32, #tpu.memory_space<vmem>>
    %dma_start3A_66 = tpu.memref_squeeze %dma_start3A_65 : memref<1x16x128xf32, #tpu.memory_space<vmem>> -> memref<16x128xf32, #tpu.memory_space<vmem>>
    %dma_start3A_67 = arith.constant 48 : i32
    %dma_start3A_68 = tpu.memref_slice %arg6[%dma_start3A_67] : memref<256xi32, #tpu.memory_space<vmem>> -> memref<16xi32, #tpu.memory_space<vmem>>
    %dma_start3A_69 = arith.constant 0 : i32
    %dma_start3A_70 = arith.constant 0 : i32
    %dma_start3A_71 = tpu.memref_slice %arg3[%dma_start3A_69, %dma_start3A_70] : memref<8192x128xf32, #tpu.memory_space<hbm>> -> memref<8192x128xf32, #tpu.memory_space<hbm>>
    tpu.enqueue_indirect_dma source(%dma_start3A_71 : memref<8192x128xf32, #tpu.memory_space<hbm>>) target(%dma_start3A_66 : memref<16x128xf32, #tpu.memory_space<vmem>>) offsets(%dma_start3A_68 : memref<16xi32, #tpu.memory_space<vmem>>) semaphore(%arg9 : memref<!tpu.dma_semaphore, #tpu.memory_space<semaphore_mem>>)
    %dma_start3A_72 = arith.constant 4 : i32
    %dma_start3A_73 = arith.constant 0 : i32
    %dma_start3A_74 = arith.constant 0 : i32
    %dma_start3A_75 = tpu.memref_slice %arg7[%dma_start3A_72, %dma_start3A_73, %dma_start3A_74] : memref<16x16x128xf32, #tpu.memory_space<vmem>> -> memref<1x16x128xf32, #tpu.memory_space<vmem>>
    %dma_start3A_76 = tpu.memref_squeeze %dma_start3A_75 : memref<1x16x128xf32, #tpu.memory_space<vmem>> -> memref<16x128xf32, #tpu.memory_space<vmem>>
    %dma_start3A_77 = arith.constant 64 : i32
    %dma_start3A_78 = tpu.memref_slice %arg6[%dma_start3A_77] : memref<256xi32, #tpu.memory_space<vmem>> -> memref<16xi32, #tpu.memory_space<vmem>>
    %dma_start3A_79 = arith.constant 0 : i32
    %dma_start3A_80 = arith.constant 0 : i32
    %dma_start3A_81 = tpu.memref_slice %arg3[%dma_start3A_79, %dma_start3A_80] : memref<8192x128xf32, #tpu.memory_space<hbm>> -> memref<8192x128xf32, #tpu.memory_space<hbm>>
    tpu.enqueue_indirect_dma source(%dma_start3A_81 : memref<8192x128xf32, #tpu.memory_space<hbm>>) target(%dma_start3A_76 : memref<16x128xf32, #tpu.memory_space<vmem>>) offsets(%dma_start3A_78 : memref<16xi32, #tpu.memory_space<vmem>>) semaphore(%arg9 : memref<!tpu.dma_semaphore, #tpu.memory_space<semaphore_mem>>)
    %dma_start3A_82 = arith.constant 5 : i32
    %dma_start3A_83 = arith.constant 0 : i32
    %dma_start3A_84 = arith.constant 0 : i32
    %dma_start3A_85 = tpu.memref_slice %arg7[%dma_start3A_82, %dma_start3A_83, %dma_start3A_84] : memref<16x16x128xf32, #tpu.memory_space<vmem>> -> memref<1x16x128xf32, #tpu.memory_space<vmem>>
    %dma_start3A_86 = tpu.memref_squeeze %dma_start3A_85 : memref<1x16x128xf32, #tpu.memory_space<vmem>> -> memref<16x128xf32, #tpu.memory_space<vmem>>
    %dma_start3A_87 = arith.constant 80 : i32
    %dma_start3A_88 = tpu.memref_slice %arg6[%dma_start3A_87] : memref<256xi32, #tpu.memory_space<vmem>> -> memref<16xi32, #tpu.memory_space<vmem>>
    %dma_start3A_89 = arith.constant 0 : i32
    %dma_start3A_90 = arith.constant 0 : i32
    %dma_start3A_91 = tpu.memref_slice %arg3[%dma_start3A_89, %dma_start3A_90] : memref<8192x128xf32, #tpu.memory_space<hbm>> -> memref<8192x128xf32, #tpu.memory_space<hbm>>
    tpu.enqueue_indirect_dma source(%dma_start3A_91 : memref<8192x128xf32, #tpu.memory_space<hbm>>) target(%dma_start3A_86 : memref<16x128xf32, #tpu.memory_space<vmem>>) offsets(%dma_start3A_88 : memref<16xi32, #tpu.memory_space<vmem>>) semaphore(%arg9 : memref<!tpu.dma_semaphore, #tpu.memory_space<semaphore_mem>>)
    %dma_start3A_92 = arith.constant 6 : i32
    %dma_start3A_93 = arith.constant 0 : i32
    %dma_start3A_94 = arith.constant 0 : i32
    %dma_start3A_95 = tpu.memref_slice %arg7[%dma_start3A_92, %dma_start3A_93, %dma_start3A_94] : memref<16x16x128xf32, #tpu.memory_space<vmem>> -> memref<1x16x128xf32, #tpu.memory_space<vmem>>
    %dma_start3A_96 = tpu.memref_squeeze %dma_start3A_95 : memref<1x16x128xf32, #tpu.memory_space<vmem>> -> memref<16x128xf32, #tpu.memory_space<vmem>>
    %dma_start3A_97 = arith.constant 96 : i32
    %dma_start3A_98 = tpu.memref_slice %arg6[%dma_start3A_97] : memref<256xi32, #tpu.memory_space<vmem>> -> memref<16xi32, #tpu.memory_space<vmem>>
    %dma_start3A_99 = arith.constant 0 : i32
    %dma_start3A_100 = arith.constant 0 : i32
    %dma_start3A_101 = tpu.memref_slice %arg3[%dma_start3A_99, %dma_start3A_100] : memref<8192x128xf32, #tpu.memory_space<hbm>> -> memref<8192x128xf32, #tpu.memory_space<hbm>>
    tpu.enqueue_indirect_dma source(%dma_start3A_101 : memref<8192x128xf32, #tpu.memory_space<hbm>>) target(%dma_start3A_96 : memref<16x128xf32, #tpu.memory_space<vmem>>) offsets(%dma_start3A_98 : memref<16xi32, #tpu.memory_space<vmem>>) semaphore(%arg9 : memref<!tpu.dma_semaphore, #tpu.memory_space<semaphore_mem>>)
    %dma_start3A_102 = arith.constant 7 : i32
    %dma_start3A_103 = arith.constant 0 : i32
    %dma_start3A_104 = arith.constant 0 : i32
    %dma_start3A_105 = tpu.memref_slice %arg7[%dma_start3A_102, %dma_start3A_103, %dma_start3A_104] : memref<16x16x128xf32, #tpu.memory_space<vmem>> -> memref<1x16x128xf32, #tpu.memory_space<vmem>>
    %dma_start3A_106 = tpu.memref_squeeze %dma_start3A_105 : memref<1x16x128xf32, #tpu.memory_space<vmem>> -> memref<16x128xf32, #tpu.memory_space<vmem>>
    %dma_start3A_107 = arith.constant 112 : i32
    %dma_start3A_108 = tpu.memref_slice %arg6[%dma_start3A_107] : memref<256xi32, #tpu.memory_space<vmem>> -> memref<16xi32, #tpu.memory_space<vmem>>
    %dma_start3A_109 = arith.constant 0 : i32
    %dma_start3A_110 = arith.constant 0 : i32
    %dma_start3A_111 = tpu.memref_slice %arg3[%dma_start3A_109, %dma_start3A_110] : memref<8192x128xf32, #tpu.memory_space<hbm>> -> memref<8192x128xf32, #tpu.memory_space<hbm>>
    tpu.enqueue_indirect_dma source(%dma_start3A_111 : memref<8192x128xf32, #tpu.memory_space<hbm>>) target(%dma_start3A_106 : memref<16x128xf32, #tpu.memory_space<vmem>>) offsets(%dma_start3A_108 : memref<16xi32, #tpu.memory_space<vmem>>) semaphore(%arg9 : memref<!tpu.dma_semaphore, #tpu.memory_space<semaphore_mem>>)
    %dma_start3A_112 = arith.constant 8 : i32
    %dma_start3A_113 = arith.constant 0 : i32
    %dma_start3A_114 = arith.constant 0 : i32
    %dma_start3A_115 = tpu.memref_slice %arg7[%dma_start3A_112, %dma_start3A_113, %dma_start3A_114] : memref<16x16x128xf32, #tpu.memory_space<vmem>> -> memref<1x16x128xf32, #tpu.memory_space<vmem>>
    %dma_start3A_116 = tpu.memref_squeeze %dma_start3A_115 : memref<1x16x128xf32, #tpu.memory_space<vmem>> -> memref<16x128xf32, #tpu.memory_space<vmem>>
    %dma_start3A_117 = arith.constant 128 : i32
    %dma_start3A_118 = tpu.memref_slice %arg6[%dma_start3A_117] : memref<256xi32, #tpu.memory_space<vmem>> -> memref<16xi32, #tpu.memory_space<vmem>>
    %dma_start3A_119 = arith.constant 0 : i32
    %dma_start3A_120 = arith.constant 0 : i32
    %dma_start3A_121 = tpu.memref_slice %arg3[%dma_start3A_119, %dma_start3A_120] : memref<8192x128xf32, #tpu.memory_space<hbm>> -> memref<8192x128xf32, #tpu.memory_space<hbm>>
    tpu.enqueue_indirect_dma source(%dma_start3A_121 : memref<8192x128xf32, #tpu.memory_space<hbm>>) target(%dma_start3A_116 : memref<16x128xf32, #tpu.memory_space<vmem>>) offsets(%dma_start3A_118 : memref<16xi32, #tpu.memory_space<vmem>>) semaphore(%arg9 : memref<!tpu.dma_semaphore, #tpu.memory_space<semaphore_mem>>)
    %dma_start3A_122 = arith.constant 9 : i32
    %dma_start3A_123 = arith.constant 0 : i32
    %dma_start3A_124 = arith.constant 0 : i32
    %dma_start3A_125 = tpu.memref_slice %arg7[%dma_start3A_122, %dma_start3A_123, %dma_start3A_124] : memref<16x16x128xf32, #tpu.memory_space<vmem>> -> memref<1x16x128xf32, #tpu.memory_space<vmem>>
    %dma_start3A_126 = tpu.memref_squeeze %dma_start3A_125 : memref<1x16x128xf32, #tpu.memory_space<vmem>> -> memref<16x128xf32, #tpu.memory_space<vmem>>
    %dma_start3A_127 = arith.constant 144 : i32
    %dma_start3A_128 = tpu.memref_slice %arg6[%dma_start3A_127] : memref<256xi32, #tpu.memory_space<vmem>> -> memref<16xi32, #tpu.memory_space<vmem>>
    %dma_start3A_129 = arith.constant 0 : i32
    %dma_start3A_130 = arith.constant 0 : i32
    %dma_start3A_131 = tpu.memref_slice %arg3[%dma_start3A_129, %dma_start3A_130] : memref<8192x128xf32, #tpu.memory_space<hbm>> -> memref<8192x128xf32, #tpu.memory_space<hbm>>
    tpu.enqueue_indirect_dma source(%dma_start3A_131 : memref<8192x128xf32, #tpu.memory_space<hbm>>) target(%dma_start3A_126 : memref<16x128xf32, #tpu.memory_space<vmem>>) offsets(%dma_start3A_128 : memref<16xi32, #tpu.memory_space<vmem>>) semaphore(%arg9 : memref<!tpu.dma_semaphore, #tpu.memory_space<semaphore_mem>>)
    %dma_start3A_132 = arith.constant 10 : i32
    %dma_start3A_133 = arith.constant 0 : i32
    %dma_start3A_134 = arith.constant 0 : i32
    %dma_start3A_135 = tpu.memref_slice %arg7[%dma_start3A_132, %dma_start3A_133, %dma_start3A_134] : memref<16x16x128xf32, #tpu.memory_space<vmem>> -> memref<1x16x128xf32, #tpu.memory_space<vmem>>
    %dma_start3A_136 = tpu.memref_squeeze %dma_start3A_135 : memref<1x16x128xf32, #tpu.memory_space<vmem>> -> memref<16x128xf32, #tpu.memory_space<vmem>>
    %dma_start3A_137 = arith.constant 160 : i32
    %dma_start3A_138 = tpu.memref_slice %arg6[%dma_start3A_137] : memref<256xi32, #tpu.memory_space<vmem>> -> memref<16xi32, #tpu.memory_space<vmem>>
    %dma_start3A_139 = arith.constant 0 : i32
    %dma_start3A_140 = arith.constant 0 : i32
    %dma_start3A_141 = tpu.memref_slice %arg3[%dma_start3A_139, %dma_start3A_140] : memref<8192x128xf32, #tpu.memory_space<hbm>> -> memref<8192x128xf32, #tpu.memory_space<hbm>>
    tpu.enqueue_indirect_dma source(%dma_start3A_141 : memref<8192x128xf32, #tpu.memory_space<hbm>>) target(%dma_start3A_136 : memref<16x128xf32, #tpu.memory_space<vmem>>) offsets(%dma_start3A_138 : memref<16xi32, #tpu.memory_space<vmem>>) semaphore(%arg9 : memref<!tpu.dma_semaphore, #tpu.memory_space<semaphore_mem>>)
    %dma_start3A_142 = arith.constant 11 : i32
    %dma_start3A_143 = arith.constant 0 : i32
    %dma_start3A_144 = arith.constant 0 : i32
    %dma_start3A_145 = tpu.memref_slice %arg7[%dma_start3A_142, %dma_start3A_143, %dma_start3A_144] : memref<16x16x128xf32, #tpu.memory_space<vmem>> -> memref<1x16x128xf32, #tpu.memory_space<vmem>>
    %dma_start3A_146 = tpu.memref_squeeze %dma_start3A_145 : memref<1x16x128xf32, #tpu.memory_space<vmem>> -> memref<16x128xf32, #tpu.memory_space<vmem>>
    %dma_start3A_147 = arith.constant 176 : i32
    %dma_start3A_148 = tpu.memref_slice %arg6[%dma_start3A_147] : memref<256xi32, #tpu.memory_space<vmem>> -> memref<16xi32, #tpu.memory_space<vmem>>
    %dma_start3A_149 = arith.constant 0 : i32
    %dma_start3A_150 = arith.constant 0 : i32
    %dma_start3A_151 = tpu.memref_slice %arg3[%dma_start3A_149, %dma_start3A_150] : memref<8192x128xf32, #tpu.memory_space<hbm>> -> memref<8192x128xf32, #tpu.memory_space<hbm>>
    tpu.enqueue_indirect_dma source(%dma_start3A_151 : memref<8192x128xf32, #tpu.memory_space<hbm>>) target(%dma_start3A_146 : memref<16x128xf32, #tpu.memory_space<vmem>>) offsets(%dma_start3A_148 : memref<16xi32, #tpu.memory_space<vmem>>) semaphore(%arg9 : memref<!tpu.dma_semaphore, #tpu.memory_space<semaphore_mem>>)
    %dma_start3A_152 = arith.constant 12 : i32
    %dma_start3A_153 = arith.constant 0 : i32
    %dma_start3A_154 = arith.constant 0 : i32
    %dma_start3A_155 = tpu.memref_slice %arg7[%dma_start3A_152, %dma_start3A_153, %dma_start3A_154] : memref<16x16x128xf32, #tpu.memory_space<vmem>> -> memref<1x16x128xf32, #tpu.memory_space<vmem>>
    %dma_start3A_156 = tpu.memref_squeeze %dma_start3A_155 : memref<1x16x128xf32, #tpu.memory_space<vmem>> -> memref<16x128xf32, #tpu.memory_space<vmem>>
    %dma_start3A_157 = arith.constant 192 : i32
    %dma_start3A_158 = tpu.memref_slice %arg6[%dma_start3A_157] : memref<256xi32, #tpu.memory_space<vmem>> -> memref<16xi32, #tpu.memory_space<vmem>>
    %dma_start3A_159 = arith.constant 0 : i32
    %dma_start3A_160 = arith.constant 0 : i32
    %dma_start3A_161 = tpu.memref_slice %arg3[%dma_start3A_159, %dma_start3A_160] : memref<8192x128xf32, #tpu.memory_space<hbm>> -> memref<8192x128xf32, #tpu.memory_space<hbm>>
    tpu.enqueue_indirect_dma source(%dma_start3A_161 : memref<8192x128xf32, #tpu.memory_space<hbm>>) target(%dma_start3A_156 : memref<16x128xf32, #tpu.memory_space<vmem>>) offsets(%dma_start3A_158 : memref<16xi32, #tpu.memory_space<vmem>>) semaphore(%arg9 : memref<!tpu.dma_semaphore, #tpu.memory_space<semaphore_mem>>)
    %dma_start3A_162 = arith.constant 13 : i32
    %dma_start3A_163 = arith.constant 0 : i32
    %dma_start3A_164 = arith.constant 0 : i32
    %dma_start3A_165 = tpu.memref_slice %arg7[%dma_start3A_162, %dma_start3A_163, %dma_start3A_164] : memref<16x16x128xf32, #tpu.memory_space<vmem>> -> memref<1x16x128xf32, #tpu.memory_space<vmem>>
    %dma_start3A_166 = tpu.memref_squeeze %dma_start3A_165 : memref<1x16x128xf32, #tpu.memory_space<vmem>> -> memref<16x128xf32, #tpu.memory_space<vmem>>
    %dma_start3A_167 = arith.constant 208 : i32
    %dma_start3A_168 = tpu.memref_slice %arg6[%dma_start3A_167] : memref<256xi32, #tpu.memory_space<vmem>> -> memref<16xi32, #tpu.memory_space<vmem>>
    %dma_start3A_169 = arith.constant 0 : i32
    %dma_start3A_170 = arith.constant 0 : i32
    %dma_start3A_171 = tpu.memref_slice %arg3[%dma_start3A_169, %dma_start3A_170] : memref<8192x128xf32, #tpu.memory_space<hbm>> -> memref<8192x128xf32, #tpu.memory_space<hbm>>
    tpu.enqueue_indirect_dma source(%dma_start3A_171 : memref<8192x128xf32, #tpu.memory_space<hbm>>) target(%dma_start3A_166 : memref<16x128xf32, #tpu.memory_space<vmem>>) offsets(%dma_start3A_168 : memref<16xi32, #tpu.memory_space<vmem>>) semaphore(%arg9 : memref<!tpu.dma_semaphore, #tpu.memory_space<semaphore_mem>>)
    %dma_start3A_172 = arith.constant 14 : i32
    %dma_start3A_173 = arith.constant 0 : i32
    %dma_start3A_174 = arith.constant 0 : i32
    %dma_start3A_175 = tpu.memref_slice %arg7[%dma_start3A_172, %dma_start3A_173, %dma_start3A_174] : memref<16x16x128xf32, #tpu.memory_space<vmem>> -> memref<1x16x128xf32, #tpu.memory_space<vmem>>
    %dma_start3A_176 = tpu.memref_squeeze %dma_start3A_175 : memref<1x16x128xf32, #tpu.memory_space<vmem>> -> memref<16x128xf32, #tpu.memory_space<vmem>>
    %dma_start3A_177 = arith.constant 224 : i32
    %dma_start3A_178 = tpu.memref_slice %arg6[%dma_start3A_177] : memref<256xi32, #tpu.memory_space<vmem>> -> memref<16xi32, #tpu.memory_space<vmem>>
    %dma_start3A_179 = arith.constant 0 : i32
    %dma_start3A_180 = arith.constant 0 : i32
    %dma_start3A_181 = tpu.memref_slice %arg3[%dma_start3A_179, %dma_start3A_180] : memref<8192x128xf32, #tpu.memory_space<hbm>> -> memref<8192x128xf32, #tpu.memory_space<hbm>>
    tpu.enqueue_indirect_dma source(%dma_start3A_181 : memref<8192x128xf32, #tpu.memory_space<hbm>>) target(%dma_start3A_176 : memref<16x128xf32, #tpu.memory_space<vmem>>) offsets(%dma_start3A_178 : memref<16xi32, #tpu.memory_space<vmem>>) semaphore(%arg9 : memref<!tpu.dma_semaphore, #tpu.memory_space<semaphore_mem>>)
    %dma_start3A_182 = arith.constant 15 : i32
    %dma_start3A_183 = arith.constant 0 : i32
    %dma_start3A_184 = arith.constant 0 : i32
    %dma_start3A_185 = tpu.memref_slice %arg7[%dma_start3A_182, %dma_start3A_183, %dma_start3A_184] : memref<16x16x128xf32, #tpu.memory_space<vmem>> -> memref<1x16x128xf32, #tpu.memory_space<vmem>>
    %dma_start3A_186 = tpu.memref_squeeze %dma_start3A_185 : memref<1x16x128xf32, #tpu.memory_space<vmem>> -> memref<16x128xf32, #tpu.memory_space<vmem>>
    %dma_start3A_187 = arith.constant 240 : i32
    %dma_start3A_188 = tpu.memref_slice %arg6[%dma_start3A_187] : memref<256xi32, #tpu.memory_space<vmem>> -> memref<16xi32, #tpu.memory_space<vmem>>
    %dma_start3A_189 = arith.constant 0 : i32
    %dma_start3A_190 = arith.constant 0 : i32
    %dma_start3A_191 = tpu.memref_slice %arg3[%dma_start3A_189, %dma_start3A_190] : memref<8192x128xf32, #tpu.memory_space<hbm>> -> memref<8192x128xf32, #tpu.memory_space<hbm>>
    tpu.enqueue_indirect_dma source(%dma_start3A_191 : memref<8192x128xf32, #tpu.memory_space<hbm>>) target(%dma_start3A_186 : memref<16x128xf32, #tpu.memory_space<vmem>>) offsets(%dma_start3A_188 : memref<16xi32, #tpu.memory_space<vmem>>) semaphore(%arg9 : memref<!tpu.dma_semaphore, #tpu.memory_space<semaphore_mem>>)
    %dma_wait3A = arith.constant 0 : i32
    %dma_wait3A_192 = arith.constant 0 : i32
    %dma_wait3A_193 = arith.constant 0 : i32
    %dma_wait3A_194 = tpu.memref_slice %arg7[%dma_wait3A, %dma_wait3A_192, %dma_wait3A_193] : memref<16x16x128xf32, #tpu.memory_space<vmem>> -> memref<1x16x128xf32, #tpu.memory_space<vmem>>
    %dma_wait3A_195 = tpu.memref_squeeze %dma_wait3A_194 : memref<1x16x128xf32, #tpu.memory_space<vmem>> -> memref<16x128xf32, #tpu.memory_space<vmem>>
    %dma_wait3A_196 = arith.constant 0 : i32
    %dma_wait3A_197 = tpu.memref_slice %arg6[%dma_wait3A_196] : memref<256xi32, #tpu.memory_space<vmem>> -> memref<16xi32, #tpu.memory_space<vmem>>
    %dma_wait3A_198 = arith.constant 0 : i32
    %dma_wait3A_199 = arith.constant 0 : i32
    %dma_wait3A_200 = tpu.memref_slice %arg3[%dma_wait3A_198, %dma_wait3A_199] : memref<8192x128xf32, #tpu.memory_space<hbm>> -> memref<8192x128xf32, #tpu.memory_space<hbm>>
    tpu.wait_indirect_dma semaphore(%arg9 : memref<!tpu.dma_semaphore, #tpu.memory_space<semaphore_mem>>) src(%dma_wait3A_200 : memref<8192x128xf32, #tpu.memory_space<hbm>>) dst(%dma_wait3A_195 : memref<16x128xf32, #tpu.memory_space<vmem>>)
    %dma_wait3A_201 = arith.constant 1 : i32
    %dma_wait3A_202 = arith.constant 0 : i32
    %dma_wait3A_203 = arith.constant 0 : i32
    %dma_wait3A_204 = tpu.memref_slice %arg7[%dma_wait3A_201, %dma_wait3A_202, %dma_wait3A_203] : memref<16x16x128xf32, #tpu.memory_space<vmem>> -> memref<1x16x128xf32, #tpu.memory_space<vmem>>
    %dma_wait3A_205 = tpu.memref_squeeze %dma_wait3A_204 : memref<1x16x128xf32, #tpu.memory_space<vmem>> -> memref<16x128xf32, #tpu.memory_space<vmem>>
    %dma_wait3A_206 = arith.constant 16 : i32
    %dma_wait3A_207 = tpu.memref_slice %arg6[%dma_wait3A_206] : memref<256xi32, #tpu.memory_space<vmem>> -> memref<16xi32, #tpu.memory_space<vmem>>
    %dma_wait3A_208 = arith.constant 0 : i32
    %dma_wait3A_209 = arith.constant 0 : i32
    %dma_wait3A_210 = tpu.memref_slice %arg3[%dma_wait3A_208, %dma_wait3A_209] : memref<8192x128xf32, #tpu.memory_space<hbm>> -> memref<8192x128xf32, #tpu.memory_space<hbm>>
    tpu.wait_indirect_dma semaphore(%arg9 : memref<!tpu.dma_semaphore, #tpu.memory_space<semaphore_mem>>) src(%dma_wait3A_210 : memref<8192x128xf32, #tpu.memory_space<hbm>>) dst(%dma_wait3A_205 : memref<16x128xf32, #tpu.memory_space<vmem>>)
    %dma_wait3A_211 = arith.constant 2 : i32
    %dma_wait3A_212 = arith.constant 0 : i32
    %dma_wait3A_213 = arith.constant 0 : i32
    %dma_wait3A_214 = tpu.memref_slice %arg7[%dma_wait3A_211, %dma_wait3A_212, %dma_wait3A_213] : memref<16x16x128xf32, #tpu.memory_space<vmem>> -> memref<1x16x128xf32, #tpu.memory_space<vmem>>
    %dma_wait3A_215 = tpu.memref_squeeze %dma_wait3A_214 : memref<1x16x128xf32, #tpu.memory_space<vmem>> -> memref<16x128xf32, #tpu.memory_space<vmem>>
    %dma_wait3A_216 = arith.constant 32 : i32
    %dma_wait3A_217 = tpu.memref_slice %arg6[%dma_wait3A_216] : memref<256xi32, #tpu.memory_space<vmem>> -> memref<16xi32, #tpu.memory_space<vmem>>
    %dma_wait3A_218 = arith.constant 0 : i32
    %dma_wait3A_219 = arith.constant 0 : i32
    %dma_wait3A_220 = tpu.memref_slice %arg3[%dma_wait3A_218, %dma_wait3A_219] : memref<8192x128xf32, #tpu.memory_space<hbm>> -> memref<8192x128xf32, #tpu.memory_space<hbm>>
    tpu.wait_indirect_dma semaphore(%arg9 : memref<!tpu.dma_semaphore, #tpu.memory_space<semaphore_mem>>) src(%dma_wait3A_220 : memref<8192x128xf32, #tpu.memory_space<hbm>>) dst(%dma_wait3A_215 : memref<16x128xf32, #tpu.memory_space<vmem>>)
    %dma_wait3A_221 = arith.constant 3 : i32
    %dma_wait3A_222 = arith.constant 0 : i32
    %dma_wait3A_223 = arith.constant 0 : i32
    %dma_wait3A_224 = tpu.memref_slice %arg7[%dma_wait3A_221, %dma_wait3A_222, %dma_wait3A_223] : memref<16x16x128xf32, #tpu.memory_space<vmem>> -> memref<1x16x128xf32, #tpu.memory_space<vmem>>
    %dma_wait3A_225 = tpu.memref_squeeze %dma_wait3A_224 : memref<1x16x128xf32, #tpu.memory_space<vmem>> -> memref<16x128xf32, #tpu.memory_space<vmem>>
    %dma_wait3A_226 = arith.constant 48 : i32
    %dma_wait3A_227 = tpu.memref_slice %arg6[%dma_wait3A_226] : memref<256xi32, #tpu.memory_space<vmem>> -> memref<16xi32, #tpu.memory_space<vmem>>
    %dma_wait3A_228 = arith.constant 0 : i32
    %dma_wait3A_229 = arith.constant 0 : i32
    %dma_wait3A_230 = tpu.memref_slice %arg3[%dma_wait3A_228, %dma_wait3A_229] : memref<8192x128xf32, #tpu.memory_space<hbm>> -> memref<8192x128xf32, #tpu.memory_space<hbm>>
    tpu.wait_indirect_dma semaphore(%arg9 : memref<!tpu.dma_semaphore, #tpu.memory_space<semaphore_mem>>) src(%dma_wait3A_230 : memref<8192x128xf32, #tpu.memory_space<hbm>>) dst(%dma_wait3A_225 : memref<16x128xf32, #tpu.memory_space<vmem>>)
    %dma_wait3A_231 = arith.constant 4 : i32
    %dma_wait3A_232 = arith.constant 0 : i32
    %dma_wait3A_233 = arith.constant 0 : i32
    %dma_wait3A_234 = tpu.memref_slice %arg7[%dma_wait3A_231, %dma_wait3A_232, %dma_wait3A_233] : memref<16x16x128xf32, #tpu.memory_space<vmem>> -> memref<1x16x128xf32, #tpu.memory_space<vmem>>
    %dma_wait3A_235 = tpu.memref_squeeze %dma_wait3A_234 : memref<1x16x128xf32, #tpu.memory_space<vmem>> -> memref<16x128xf32, #tpu.memory_space<vmem>>
    %dma_wait3A_236 = arith.constant 64 : i32
    %dma_wait3A_237 = tpu.memref_slice %arg6[%dma_wait3A_236] : memref<256xi32, #tpu.memory_space<vmem>> -> memref<16xi32, #tpu.memory_space<vmem>>
    %dma_wait3A_238 = arith.constant 0 : i32
    %dma_wait3A_239 = arith.constant 0 : i32
    %dma_wait3A_240 = tpu.memref_slice %arg3[%dma_wait3A_238, %dma_wait3A_239] : memref<8192x128xf32, #tpu.memory_space<hbm>> -> memref<8192x128xf32, #tpu.memory_space<hbm>>
    tpu.wait_indirect_dma semaphore(%arg9 : memref<!tpu.dma_semaphore, #tpu.memory_space<semaphore_mem>>) src(%dma_wait3A_240 : memref<8192x128xf32, #tpu.memory_space<hbm>>) dst(%dma_wait3A_235 : memref<16x128xf32, #tpu.memory_space<vmem>>)
    %dma_wait3A_241 = arith.constant 5 : i32
    %dma_wait3A_242 = arith.constant 0 : i32
    %dma_wait3A_243 = arith.constant 0 : i32
    %dma_wait3A_244 = tpu.memref_slice %arg7[%dma_wait3A_241, %dma_wait3A_242, %dma_wait3A_243] : memref<16x16x128xf32, #tpu.memory_space<vmem>> -> memref<1x16x128xf32, #tpu.memory_space<vmem>>
    %dma_wait3A_245 = tpu.memref_squeeze %dma_wait3A_244 : memref<1x16x128xf32, #tpu.memory_space<vmem>> -> memref<16x128xf32, #tpu.memory_space<vmem>>
    %dma_wait3A_246 = arith.constant 80 : i32
    %dma_wait3A_247 = tpu.memref_slice %arg6[%dma_wait3A_246] : memref<256xi32, #tpu.memory_space<vmem>> -> memref<16xi32, #tpu.memory_space<vmem>>
    %dma_wait3A_248 = arith.constant 0 : i32
    %dma_wait3A_249 = arith.constant 0 : i32
    %dma_wait3A_250 = tpu.memref_slice %arg3[%dma_wait3A_248, %dma_wait3A_249] : memref<8192x128xf32, #tpu.memory_space<hbm>> -> memref<8192x128xf32, #tpu.memory_space<hbm>>
    tpu.wait_indirect_dma semaphore(%arg9 : memref<!tpu.dma_semaphore, #tpu.memory_space<semaphore_mem>>) src(%dma_wait3A_250 : memref<8192x128xf32, #tpu.memory_space<hbm>>) dst(%dma_wait3A_245 : memref<16x128xf32, #tpu.memory_space<vmem>>)
    %dma_wait3A_251 = arith.constant 6 : i32
    %dma_wait3A_252 = arith.constant 0 : i32
    %dma_wait3A_253 = arith.constant 0 : i32
    %dma_wait3A_254 = tpu.memref_slice %arg7[%dma_wait3A_251, %dma_wait3A_252, %dma_wait3A_253] : memref<16x16x128xf32, #tpu.memory_space<vmem>> -> memref<1x16x128xf32, #tpu.memory_space<vmem>>
    %dma_wait3A_255 = tpu.memref_squeeze %dma_wait3A_254 : memref<1x16x128xf32, #tpu.memory_space<vmem>> -> memref<16x128xf32, #tpu.memory_space<vmem>>
    %dma_wait3A_256 = arith.constant 96 : i32
    %dma_wait3A_257 = tpu.memref_slice %arg6[%dma_wait3A_256] : memref<256xi32, #tpu.memory_space<vmem>> -> memref<16xi32, #tpu.memory_space<vmem>>
    %dma_wait3A_258 = arith.constant 0 : i32
    %dma_wait3A_259 = arith.constant 0 : i32
    %dma_wait3A_260 = tpu.memref_slice %arg3[%dma_wait3A_258, %dma_wait3A_259] : memref<8192x128xf32, #tpu.memory_space<hbm>> -> memref<8192x128xf32, #tpu.memory_space<hbm>>
    tpu.wait_indirect_dma semaphore(%arg9 : memref<!tpu.dma_semaphore, #tpu.memory_space<semaphore_mem>>) src(%dma_wait3A_260 : memref<8192x128xf32, #tpu.memory_space<hbm>>) dst(%dma_wait3A_255 : memref<16x128xf32, #tpu.memory_space<vmem>>)
    %dma_wait3A_261 = arith.constant 7 : i32
    %dma_wait3A_262 = arith.constant 0 : i32
    %dma_wait3A_263 = arith.constant 0 : i32
    %dma_wait3A_264 = tpu.memref_slice %arg7[%dma_wait3A_261, %dma_wait3A_262, %dma_wait3A_263] : memref<16x16x128xf32, #tpu.memory_space<vmem>> -> memref<1x16x128xf32, #tpu.memory_space<vmem>>
    %dma_wait3A_265 = tpu.memref_squeeze %dma_wait3A_264 : memref<1x16x128xf32, #tpu.memory_space<vmem>> -> memref<16x128xf32, #tpu.memory_space<vmem>>
    %dma_wait3A_266 = arith.constant 112 : i32
    %dma_wait3A_267 = tpu.memref_slice %arg6[%dma_wait3A_266] : memref<256xi32, #tpu.memory_space<vmem>> -> memref<16xi32, #tpu.memory_space<vmem>>
    %dma_wait3A_268 = arith.constant 0 : i32
    %dma_wait3A_269 = arith.constant 0 : i32
    %dma_wait3A_270 = tpu.memref_slice %arg3[%dma_wait3A_268, %dma_wait3A_269] : memref<8192x128xf32, #tpu.memory_space<hbm>> -> memref<8192x128xf32, #tpu.memory_space<hbm>>
    tpu.wait_indirect_dma semaphore(%arg9 : memref<!tpu.dma_semaphore, #tpu.memory_space<semaphore_mem>>) src(%dma_wait3A_270 : memref<8192x128xf32, #tpu.memory_space<hbm>>) dst(%dma_wait3A_265 : memref<16x128xf32, #tpu.memory_space<vmem>>)
    %dma_wait3A_271 = arith.constant 8 : i32
    %dma_wait3A_272 = arith.constant 0 : i32
    %dma_wait3A_273 = arith.constant 0 : i32
    %dma_wait3A_274 = tpu.memref_slice %arg7[%dma_wait3A_271, %dma_wait3A_272, %dma_wait3A_273] : memref<16x16x128xf32, #tpu.memory_space<vmem>> -> memref<1x16x128xf32, #tpu.memory_space<vmem>>
    %dma_wait3A_275 = tpu.memref_squeeze %dma_wait3A_274 : memref<1x16x128xf32, #tpu.memory_space<vmem>> -> memref<16x128xf32, #tpu.memory_space<vmem>>
    %dma_wait3A_276 = arith.constant 128 : i32
    %dma_wait3A_277 = tpu.memref_slice %arg6[%dma_wait3A_276] : memref<256xi32, #tpu.memory_space<vmem>> -> memref<16xi32, #tpu.memory_space<vmem>>
    %dma_wait3A_278 = arith.constant 0 : i32
    %dma_wait3A_279 = arith.constant 0 : i32
    %dma_wait3A_280 = tpu.memref_slice %arg3[%dma_wait3A_278, %dma_wait3A_279] : memref<8192x128xf32, #tpu.memory_space<hbm>> -> memref<8192x128xf32, #tpu.memory_space<hbm>>
    tpu.wait_indirect_dma semaphore(%arg9 : memref<!tpu.dma_semaphore, #tpu.memory_space<semaphore_mem>>) src(%dma_wait3A_280 : memref<8192x128xf32, #tpu.memory_space<hbm>>) dst(%dma_wait3A_275 : memref<16x128xf32, #tpu.memory_space<vmem>>)
    %dma_wait3A_281 = arith.constant 9 : i32
    %dma_wait3A_282 = arith.constant 0 : i32
    %dma_wait3A_283 = arith.constant 0 : i32
    %dma_wait3A_284 = tpu.memref_slice %arg7[%dma_wait3A_281, %dma_wait3A_282, %dma_wait3A_283] : memref<16x16x128xf32, #tpu.memory_space<vmem>> -> memref<1x16x128xf32, #tpu.memory_space<vmem>>
    %dma_wait3A_285 = tpu.memref_squeeze %dma_wait3A_284 : memref<1x16x128xf32, #tpu.memory_space<vmem>> -> memref<16x128xf32, #tpu.memory_space<vmem>>
    %dma_wait3A_286 = arith.constant 144 : i32
    %dma_wait3A_287 = tpu.memref_slice %arg6[%dma_wait3A_286] : memref<256xi32, #tpu.memory_space<vmem>> -> memref<16xi32, #tpu.memory_space<vmem>>
    %dma_wait3A_288 = arith.constant 0 : i32
    %dma_wait3A_289 = arith.constant 0 : i32
    %dma_wait3A_290 = tpu.memref_slice %arg3[%dma_wait3A_288, %dma_wait3A_289] : memref<8192x128xf32, #tpu.memory_space<hbm>> -> memref<8192x128xf32, #tpu.memory_space<hbm>>
    tpu.wait_indirect_dma semaphore(%arg9 : memref<!tpu.dma_semaphore, #tpu.memory_space<semaphore_mem>>) src(%dma_wait3A_290 : memref<8192x128xf32, #tpu.memory_space<hbm>>) dst(%dma_wait3A_285 : memref<16x128xf32, #tpu.memory_space<vmem>>)
    %dma_wait3A_291 = arith.constant 10 : i32
    %dma_wait3A_292 = arith.constant 0 : i32
    %dma_wait3A_293 = arith.constant 0 : i32
    %dma_wait3A_294 = tpu.memref_slice %arg7[%dma_wait3A_291, %dma_wait3A_292, %dma_wait3A_293] : memref<16x16x128xf32, #tpu.memory_space<vmem>> -> memref<1x16x128xf32, #tpu.memory_space<vmem>>
    %dma_wait3A_295 = tpu.memref_squeeze %dma_wait3A_294 : memref<1x16x128xf32, #tpu.memory_space<vmem>> -> memref<16x128xf32, #tpu.memory_space<vmem>>
    %dma_wait3A_296 = arith.constant 160 : i32
    %dma_wait3A_297 = tpu.memref_slice %arg6[%dma_wait3A_296] : memref<256xi32, #tpu.memory_space<vmem>> -> memref<16xi32, #tpu.memory_space<vmem>>
    %dma_wait3A_298 = arith.constant 0 : i32
    %dma_wait3A_299 = arith.constant 0 : i32
    %dma_wait3A_300 = tpu.memref_slice %arg3[%dma_wait3A_298, %dma_wait3A_299] : memref<8192x128xf32, #tpu.memory_space<hbm>> -> memref<8192x128xf32, #tpu.memory_space<hbm>>
    tpu.wait_indirect_dma semaphore(%arg9 : memref<!tpu.dma_semaphore, #tpu.memory_space<semaphore_mem>>) src(%dma_wait3A_300 : memref<8192x128xf32, #tpu.memory_space<hbm>>) dst(%dma_wait3A_295 : memref<16x128xf32, #tpu.memory_space<vmem>>)
    %dma_wait3A_301 = arith.constant 11 : i32
    %dma_wait3A_302 = arith.constant 0 : i32
    %dma_wait3A_303 = arith.constant 0 : i32
    %dma_wait3A_304 = tpu.memref_slice %arg7[%dma_wait3A_301, %dma_wait3A_302, %dma_wait3A_303] : memref<16x16x128xf32, #tpu.memory_space<vmem>> -> memref<1x16x128xf32, #tpu.memory_space<vmem>>
    %dma_wait3A_305 = tpu.memref_squeeze %dma_wait3A_304 : memref<1x16x128xf32, #tpu.memory_space<vmem>> -> memref<16x128xf32, #tpu.memory_space<vmem>>
    %dma_wait3A_306 = arith.constant 176 : i32
    %dma_wait3A_307 = tpu.memref_slice %arg6[%dma_wait3A_306] : memref<256xi32, #tpu.memory_space<vmem>> -> memref<16xi32, #tpu.memory_space<vmem>>
    %dma_wait3A_308 = arith.constant 0 : i32
    %dma_wait3A_309 = arith.constant 0 : i32
    %dma_wait3A_310 = tpu.memref_slice %arg3[%dma_wait3A_308, %dma_wait3A_309] : memref<8192x128xf32, #tpu.memory_space<hbm>> -> memref<8192x128xf32, #tpu.memory_space<hbm>>
    tpu.wait_indirect_dma semaphore(%arg9 : memref<!tpu.dma_semaphore, #tpu.memory_space<semaphore_mem>>) src(%dma_wait3A_310 : memref<8192x128xf32, #tpu.memory_space<hbm>>) dst(%dma_wait3A_305 : memref<16x128xf32, #tpu.memory_space<vmem>>)
    %dma_wait3A_311 = arith.constant 12 : i32
    %dma_wait3A_312 = arith.constant 0 : i32
    %dma_wait3A_313 = arith.constant 0 : i32
    %dma_wait3A_314 = tpu.memref_slice %arg7[%dma_wait3A_311, %dma_wait3A_312, %dma_wait3A_313] : memref<16x16x128xf32, #tpu.memory_space<vmem>> -> memref<1x16x128xf32, #tpu.memory_space<vmem>>
    %dma_wait3A_315 = tpu.memref_squeeze %dma_wait3A_314 : memref<1x16x128xf32, #tpu.memory_space<vmem>> -> memref<16x128xf32, #tpu.memory_space<vmem>>
    %dma_wait3A_316 = arith.constant 192 : i32
    %dma_wait3A_317 = tpu.memref_slice %arg6[%dma_wait3A_316] : memref<256xi32, #tpu.memory_space<vmem>> -> memref<16xi32, #tpu.memory_space<vmem>>
    %dma_wait3A_318 = arith.constant 0 : i32
    %dma_wait3A_319 = arith.constant 0 : i32
    %dma_wait3A_320 = tpu.memref_slice %arg3[%dma_wait3A_318, %dma_wait3A_319] : memref<8192x128xf32, #tpu.memory_space<hbm>> -> memref<8192x128xf32, #tpu.memory_space<hbm>>
    tpu.wait_indirect_dma semaphore(%arg9 : memref<!tpu.dma_semaphore, #tpu.memory_space<semaphore_mem>>) src(%dma_wait3A_320 : memref<8192x128xf32, #tpu.memory_space<hbm>>) dst(%dma_wait3A_315 : memref<16x128xf32, #tpu.memory_space<vmem>>)
    %dma_wait3A_321 = arith.constant 13 : i32
    %dma_wait3A_322 = arith.constant 0 : i32
    %dma_wait3A_323 = arith.constant 0 : i32
    %dma_wait3A_324 = tpu.memref_slice %arg7[%dma_wait3A_321, %dma_wait3A_322, %dma_wait3A_323] : memref<16x16x128xf32, #tpu.memory_space<vmem>> -> memref<1x16x128xf32, #tpu.memory_space<vmem>>
    %dma_wait3A_325 = tpu.memref_squeeze %dma_wait3A_324 : memref<1x16x128xf32, #tpu.memory_space<vmem>> -> memref<16x128xf32, #tpu.memory_space<vmem>>
    %dma_wait3A_326 = arith.constant 208 : i32
    %dma_wait3A_327 = tpu.memref_slice %arg6[%dma_wait3A_326] : memref<256xi32, #tpu.memory_space<vmem>> -> memref<16xi32, #tpu.memory_space<vmem>>
    %dma_wait3A_328 = arith.constant 0 : i32
    %dma_wait3A_329 = arith.constant 0 : i32
    %dma_wait3A_330 = tpu.memref_slice %arg3[%dma_wait3A_328, %dma_wait3A_329] : memref<8192x128xf32, #tpu.memory_space<hbm>> -> memref<8192x128xf32, #tpu.memory_space<hbm>>
    tpu.wait_indirect_dma semaphore(%arg9 : memref<!tpu.dma_semaphore, #tpu.memory_space<semaphore_mem>>) src(%dma_wait3A_330 : memref<8192x128xf32, #tpu.memory_space<hbm>>) dst(%dma_wait3A_325 : memref<16x128xf32, #tpu.memory_space<vmem>>)
    %dma_wait3A_331 = arith.constant 14 : i32
    %dma_wait3A_332 = arith.constant 0 : i32
    %dma_wait3A_333 = arith.constant 0 : i32
    %dma_wait3A_334 = tpu.memref_slice %arg7[%dma_wait3A_331, %dma_wait3A_332, %dma_wait3A_333] : memref<16x16x128xf32, #tpu.memory_space<vmem>> -> memref<1x16x128xf32, #tpu.memory_space<vmem>>
    %dma_wait3A_335 = tpu.memref_squeeze %dma_wait3A_334 : memref<1x16x128xf32, #tpu.memory_space<vmem>> -> memref<16x128xf32, #tpu.memory_space<vmem>>
    %dma_wait3A_336 = arith.constant 224 : i32
    %dma_wait3A_337 = tpu.memref_slice %arg6[%dma_wait3A_336] : memref<256xi32, #tpu.memory_space<vmem>> -> memref<16xi32, #tpu.memory_space<vmem>>
    %dma_wait3A_338 = arith.constant 0 : i32
    %dma_wait3A_339 = arith.constant 0 : i32
    %dma_wait3A_340 = tpu.memref_slice %arg3[%dma_wait3A_338, %dma_wait3A_339] : memref<8192x128xf32, #tpu.memory_space<hbm>> -> memref<8192x128xf32, #tpu.memory_space<hbm>>
    tpu.wait_indirect_dma semaphore(%arg9 : memref<!tpu.dma_semaphore, #tpu.memory_space<semaphore_mem>>) src(%dma_wait3A_340 : memref<8192x128xf32, #tpu.memory_space<hbm>>) dst(%dma_wait3A_335 : memref<16x128xf32, #tpu.memory_space<vmem>>)
    %dma_wait3A_341 = arith.constant 15 : i32
    %dma_wait3A_342 = arith.constant 0 : i32
    %dma_wait3A_343 = arith.constant 0 : i32
    %dma_wait3A_344 = tpu.memref_slice %arg7[%dma_wait3A_341, %dma_wait3A_342, %dma_wait3A_343] : memref<16x16x128xf32, #tpu.memory_space<vmem>> -> memref<1x16x128xf32, #tpu.memory_space<vmem>>
    %dma_wait3A_345 = tpu.memref_squeeze %dma_wait3A_344 : memref<1x16x128xf32, #tpu.memory_space<vmem>> -> memref<16x128xf32, #tpu.memory_space<vmem>>
    %dma_wait3A_346 = arith.constant 240 : i32
    %dma_wait3A_347 = tpu.memref_slice %arg6[%dma_wait3A_346] : memref<256xi32, #tpu.memory_space<vmem>> -> memref<16xi32, #tpu.memory_space<vmem>>
    %dma_wait3A_348 = arith.constant 0 : i32
    %dma_wait3A_349 = arith.constant 0 : i32
    %dma_wait3A_350 = tpu.memref_slice %arg3[%dma_wait3A_348, %dma_wait3A_349] : memref<8192x128xf32, #tpu.memory_space<hbm>> -> memref<8192x128xf32, #tpu.memory_space<hbm>>
    tpu.wait_indirect_dma semaphore(%arg9 : memref<!tpu.dma_semaphore, #tpu.memory_space<semaphore_mem>>) src(%dma_wait3A_350 : memref<8192x128xf32, #tpu.memory_space<hbm>>) dst(%dma_wait3A_345 : memref<16x128xf32, #tpu.memory_space<vmem>>)
    %broadcast_in_dim3A = arith.constant 0.000000e+00 : f32
    %broadcast_in_dim3A_351 = vector.broadcast %broadcast_in_dim3A : f32 to vector<16xf32>
    %get3A = arith.constant 0 : i32
    %get3A_352 = arith.constant 0 : i32
    %get3A_353 = arith.index_cast %get3A : i32 to index
    %get3A_354 = arith.index_cast %get3A_352 : i32 to index
    %get3A_355 = arith.constant 0 : index
    %get3A_356 = tpu.vector_load %arg7[%get3A_353, %get3A_354, %get3A_355] {strides = array<i32>} : memref<16x16x128xf32, #tpu.memory_space<vmem>>, vector<16xf32>,
    %add3A_357 = arith.addf %broadcast_in_dim3A_351, %get3A_356 : vector<16xf32>
    %get3A_358 = arith.constant 0 : i32
    %get3A_359 = arith.constant 1 : i32
    %get3A_360 = arith.index_cast %get3A_358 : i32 to index
    %get3A_361 = arith.index_cast %get3A_359 : i32 to index
    %get3A_362 = arith.constant 0 : index
    %get3A_363 = tpu.vector_load %arg7[%get3A_360, %get3A_361, %get3A_362] {strides = array<i32>} : memref<16x16x128xf32, #tpu.memory_space<vmem>>, vector<16xf32>,
    %add3A_364 = arith.addf %add3A_357, %get3A_363 : vector<16xf32>
    %get3A_365 = arith.constant 0 : i32
    %get3A_366 = arith.constant 2 : i32
    %get3A_367 = arith.index_cast %get3A_365 : i32 to index
    %get3A_368 = arith.index_cast %get3A_366 : i32 to index
    %get3A_369 = arith.constant 0 : index
    %get3A_370 = tpu.vector_load %arg7[%get3A_367, %get3A_368, %get3A_369] {strides = array<i32>} : memref<16x16x128xf32, #tpu.memory_space<vmem>>, vector<16xf32>,
    %add3A_371 = arith.addf %add3A_364, %get3A_370 : vector<16xf32>
    %get3A_372 = arith.constant 0 : i32
    %get3A_373 = arith.constant 3 : i32
    %get3A_374 = arith.index_cast %get3A_372 : i32 to index
    %get3A_375 = arith.index_cast %get3A_373 : i32 to index
    %get3A_376 = arith.constant 0 : index
    %get3A_377 = tpu.vector_load %arg7[%get3A_374, %get3A_375, %get3A_376] {strides = array<i32>} : memref<16x16x128xf32, #tpu.memory_space<vmem>>, vector<16xf32>,
    %add3A_378 = arith.addf %add3A_371, %get3A_377 : vector<16xf32>
    %get3A_379 = arith.constant 0 : i32
    %get3A_380 = arith.constant 4 : i32
    %get3A_381 = arith.index_cast %get3A_379 : i32 to index
    %get3A_382 = arith.index_cast %get3A_380 : i32 to index
    %get3A_383 = arith.constant 0 : index
    %get3A_384 = tpu.vector_load %arg7[%get3A_381, %get3A_382, %get3A_383] {strides = array<i32>} : memref<16x16x128xf32, #tpu.memory_space<vmem>>, vector<16xf32>,
    %add3A_385 = arith.addf %add3A_378, %get3A_384 : vector<16xf32>
    %get3A_386 = arith.constant 0 : i32
    %get3A_387 = arith.constant 5 : i32
    %get3A_388 = arith.index_cast %get3A_386 : i32 to index
    %get3A_389 = arith.index_cast %get3A_387 : i32 to index
    %get3A_390 = arith.constant 0 : index
    %get3A_391 = tpu.vector_load %arg7[%get3A_388, %get3A_389, %get3A_390] {strides = array<i32>} : memref<16x16x128xf32, #tpu.memory_space<vmem>>, vector<16xf32>,
    %add3A_392 = arith.addf %add3A_385, %get3A_391 : vector<16xf32>
    %get3A_393 = arith.constant 0 : i32
    %get3A_394 = arith.constant 6 : i32
    %get3A_395 = arith.index_cast %get3A_393 : i32 to index
    %get3A_396 = arith.index_cast %get3A_394 : i32 to index
    %get3A_397 = arith.constant 0 : index
    %get3A_398 = tpu.vector_load %arg7[%get3A_395, %get3A_396, %get3A_397] {strides = array<i32>} : memref<16x16x128xf32, #tpu.memory_space<vmem>>, vector<16xf32>,
    %add3A_399 = arith.addf %add3A_392, %get3A_398 : vector<16xf32>
    %get3A_400 = arith.constant 0 : i32
    %get3A_401 = arith.constant 7 : i32
    %get3A_402 = arith.index_cast %get3A_400 : i32 to index
    %get3A_403 = arith.index_cast %get3A_401 : i32 to index
    %get3A_404 = arith.constant 0 : index
    %get3A_405 = tpu.vector_load %arg7[%get3A_402, %get3A_403, %get3A_404] {strides = array<i32>} : memref<16x16x128xf32, #tpu.memory_space<vmem>>, vector<16xf32>,
    %add3A_406 = arith.addf %add3A_399, %get3A_405 : vector<16xf32>
    %get3A_407 = arith.constant 0 : i32
    %get3A_408 = arith.constant 8 : i32
    %get3A_409 = arith.index_cast %get3A_407 : i32 to index
    %get3A_410 = arith.index_cast %get3A_408 : i32 to index
    %get3A_411 = arith.constant 0 : index
    %get3A_412 = tpu.vector_load %arg7[%get3A_409, %get3A_410, %get3A_411] {strides = array<i32>} : memref<16x16x128xf32, #tpu.memory_space<vmem>>, vector<16xf32>,
    %add3A_413 = arith.addf %add3A_406, %get3A_412 : vector<16xf32>
    %get3A_414 = arith.constant 0 : i32
    %get3A_415 = arith.constant 9 : i32
    %get3A_416 = arith.index_cast %get3A_414 : i32 to index
    %get3A_417 = arith.index_cast %get3A_415 : i32 to index
    %get3A_418 = arith.constant 0 : index
    %get3A_419 = tpu.vector_load %arg7[%get3A_416, %get3A_417, %get3A_418] {strides = array<i32>} : memref<16x16x128xf32, #tpu.memory_space<vmem>>, vector<16xf32>,
    %add3A_420 = arith.addf %add3A_413, %get3A_419 : vector<16xf32>
    %get3A_421 = arith.constant 0 : i32
    %get3A_422 = arith.constant 10 : i32
    %get3A_423 = arith.index_cast %get3A_421 : i32 to index
    %get3A_424 = arith.index_cast %get3A_422 : i32 to index
    %get3A_425 = arith.constant 0 : index
    %get3A_426 = tpu.vector_load %arg7[%get3A_423, %get3A_424, %get3A_425] {strides = array<i32>} : memref<16x16x128xf32, #tpu.memory_space<vmem>>, vector<16xf32>,
    %add3A_427 = arith.addf %add3A_420, %get3A_426 : vector<16xf32>
    %get3A_428 = arith.constant 0 : i32
    %get3A_429 = arith.constant 11 : i32
    %get3A_430 = arith.index_cast %get3A_428 : i32 to index
    %get3A_431 = arith.index_cast %get3A_429 : i32 to index
    %get3A_432 = arith.constant 0 : index
    %get3A_433 = tpu.vector_load %arg7[%get3A_430, %get3A_431, %get3A_432] {strides = array<i32>} : memref<16x16x128xf32, #tpu.memory_space<vmem>>, vector<16xf32>,
    %add3A_434 = arith.addf %add3A_427, %get3A_433 : vector<16xf32>
    %get3A_435 = arith.constant 0 : i32
    %get3A_436 = arith.constant 12 : i32
    %get3A_437 = arith.index_cast %get3A_435 : i32 to index
    %get3A_438 = arith.index_cast %get3A_436 : i32 to index
    %get3A_439 = arith.constant 0 : index
    %get3A_440 = tpu.vector_load %arg7[%get3A_437, %get3A_438, %get3A_439] {strides = array<i32>} : memref<16x16x128xf32, #tpu.memory_space<vmem>>, vector<16xf32>,
    %add3A_441 = arith.addf %add3A_434, %get3A_440 : vector<16xf32>
    %get3A_442 = arith.constant 0 : i32
    %get3A_443 = arith.constant 13 : i32
    %get3A_444 = arith.index_cast %get3A_442 : i32 to index
    %get3A_445 = arith.index_cast %get3A_443 : i32 to index
    %get3A_446 = arith.constant 0 : index
    %get3A_447 = tpu.vector_load %arg7[%get3A_444, %get3A_445, %get3A_446] {strides = array<i32>} : memref<16x16x128xf32, #tpu.memory_space<vmem>>, vector<16xf32>,
    %add3A_448 = arith.addf %add3A_441, %get3A_447 : vector<16xf32>
    %get3A_449 = arith.constant 0 : i32
    %get3A_450 = arith.constant 14 : i32
    %get3A_451 = arith.index_cast %get3A_449 : i32 to index
    %get3A_452 = arith.index_cast %get3A_450 : i32 to index
    %get3A_453 = arith.constant 0 : index
    %get3A_454 = tpu.vector_load %arg7[%get3A_451, %get3A_452, %get3A_453] {strides = array<i32>} : memref<16x16x128xf32, #tpu.memory_space<vmem>>, vector<16xf32>,
    %add3A_455 = arith.addf %add3A_448, %get3A_454 : vector<16xf32>
    %get3A_456 = arith.constant 0 : i32
    %get3A_457 = arith.constant 15 : i32
    %get3A_458 = arith.index_cast %get3A_456 : i32 to index
    %get3A_459 = arith.index_cast %get3A_457 : i32 to index
    %get3A_460 = arith.constant 0 : index
    %get3A_461 = tpu.vector_load %arg7[%get3A_458, %get3A_459, %get3A_460] {strides = array<i32>} : memref<16x16x128xf32, #tpu.memory_space<vmem>>, vector<16xf32>,
    %add3A_462 = arith.addf %add3A_455, %get3A_461 : vector<16xf32>
    %get3A_463 = arith.constant 1 : i32
    %get3A_464 = arith.constant 0 : i32
    %get3A_465 = arith.index_cast %get3A_463 : i32 to index
    %get3A_466 = arith.index_cast %get3A_464 : i32 to index
    %get3A_467 = arith.constant 0 : index
    %get3A_468 = tpu.vector_load %arg7[%get3A_465, %get3A_466, %get3A_467] {strides = array<i32>} : memref<16x16x128xf32, #tpu.memory_space<vmem>>, vector<16xf32>,
    %add3A_469 = arith.addf %add3A_462, %get3A_468 : vector<16xf32>
    %get3A_470 = arith.constant 1 : i32
    %get3A_471 = arith.constant 1 : i32
    %get3A_472 = arith.index_cast %get3A_470 : i32 to index
    %get3A_473 = arith.index_cast %get3A_471 : i32 to index
    %get3A_474 = arith.constant 0 : index
    %get3A_475 = tpu.vector_load %arg7[%get3A_472, %get3A_473, %get3A_474] {strides = array<i32>} : memref<16x16x128xf32, #tpu.memory_space<vmem>>, vector<16xf32>,
    %add3A_476 = arith.addf %add3A_469, %get3A_475 : vector<16xf32>
    %get3A_477 = arith.constant 1 : i32
    %get3A_478 = arith.constant 2 : i32
    %get3A_479 = arith.index_cast %get3A_477 : i32 to index
    %get3A_480 = arith.index_cast %get3A_478 : i32 to index
    %get3A_481 = arith.constant 0 : index
    %get3A_482 = tpu.vector_load %arg7[%get3A_479, %get3A_480, %get3A_481] {strides = array<i32>} : memref<16x16x128xf32, #tpu.memory_space<vmem>>, vector<16xf32>,
    %add3A_483 = arith.addf %add3A_476, %get3A_482 : vector<16xf32>
    %get3A_484 = arith.constant 1 : i32
    %get3A_485 = arith.constant 3 : i32
    %get3A_486 = arith.index_cast %get3A_484 : i32 to index
    %get3A_487 = arith.index_cast %get3A_485 : i32 to index
    %get3A_488 = arith.constant 0 : index
    %get3A_489 = tpu.vector_load %arg7[%get3A_486, %get3A_487, %get3A_488] {strides = array<i32>} : memref<16x16x128xf32, #tpu.memory_space<vmem>>, vector<16xf32>,
    %add3A_490 = arith.addf %add3A_483, %get3A_489 : vector<16xf32>
    %get3A_491 = arith.constant 1 : i32
    %get3A_492 = arith.constant 4 : i32
    %get3A_493 = arith.index_cast %get3A_491 : i32 to index
    %get3A_494 = arith.index_cast %get3A_492 : i32 to index
    %get3A_495 = arith.constant 0 : index
    %get3A_496 = tpu.vector_load %arg7[%get3A_493, %get3A_494, %get3A_495] {strides = array<i32>} : memref<16x16x128xf32, #tpu.memory_space<vmem>>, vector<16xf32>,
    %add3A_497 = arith.addf %add3A_490, %get3A_496 : vector<16xf32>
    %get3A_498 = arith.constant 1 : i32
    %get3A_499 = arith.constant 5 : i32
    %get3A_500 = arith.index_cast %get3A_498 : i32 to index
    %get3A_501 = arith.index_cast %get3A_499 : i32 to index
    %get3A_502 = arith.constant 0 : index
    %get3A_503 = tpu.vector_load %arg7[%get3A_500, %get3A_501, %get3A_502] {strides = array<i32>} : memref<16x16x128xf32, #tpu.memory_space<vmem>>, vector<16xf32>,
    %add3A_504 = arith.addf %add3A_497, %get3A_503 : vector<16xf32>
    %get3A_505 = arith.constant 1 : i32
    %get3A_506 = arith.constant 6 : i32
    %get3A_507 = arith.index_cast %get3A_505 : i32 to index
    %get3A_508 = arith.index_cast %get3A_506 : i32 to index
    %get3A_509 = arith.constant 0 : index
    %get3A_510 = tpu.vector_load %arg7[%get3A_507, %get3A_508, %get3A_509] {strides = array<i32>} : memref<16x16x128xf32, #tpu.memory_space<vmem>>, vector<16xf32>,
    %add3A_511 = arith.addf %add3A_504, %get3A_510 : vector<16xf32>
    %get3A_512 = arith.constant 1 : i32
    %get3A_513 = arith.constant 7 : i32
    %get3A_514 = arith.index_cast %get3A_512 : i32 to index
    %get3A_515 = arith.index_cast %get3A_513 : i32 to index
    %get3A_516 = arith.constant 0 : index
    %get3A_517 = tpu.vector_load %arg7[%get3A_514, %get3A_515, %get3A_516] {strides = array<i32>} : memref<16x16x128xf32, #tpu.memory_space<vmem>>, vector<16xf32>,
    %add3A_518 = arith.addf %add3A_511, %get3A_517 : vector<16xf32>
    %get3A_519 = arith.constant 1 : i32
    %get3A_520 = arith.constant 8 : i32
    %get3A_521 = arith.index_cast %get3A_519 : i32 to index
    %get3A_522 = arith.index_cast %get3A_520 : i32 to index
    %get3A_523 = arith.constant 0 : index
    %get3A_524 = tpu.vector_load %arg7[%get3A_521, %get3A_522, %get3A_523] {strides = array<i32>} : memref<16x16x128xf32, #tpu.memory_space<vmem>>, vector<16xf32>,
    %add3A_525 = arith.addf %add3A_518, %get3A_524 : vector<16xf32>
    %get3A_526 = arith.constant 1 : i32
    %get3A_527 = arith.constant 9 : i32
    %get3A_528 = arith.index_cast %get3A_526 : i32 to index
    %get3A_529 = arith.index_cast %get3A_527 : i32 to index
    %get3A_530 = arith.constant 0 : index
    %get3A_531 = tpu.vector_load %arg7[%get3A_528, %get3A_529, %get3A_530] {strides = array<i32>} : memref<16x16x128xf32, #tpu.memory_space<vmem>>, vector<16xf32>,
    %add3A_532 = arith.addf %add3A_525, %get3A_531 : vector<16xf32>
    %get3A_533 = arith.constant 1 : i32
    %get3A_534 = arith.constant 10 : i32
    %get3A_535 = arith.index_cast %get3A_533 : i32 to index
    %get3A_536 = arith.index_cast %get3A_534 : i32 to index
    %get3A_537 = arith.constant 0 : index
    %get3A_538 = tpu.vector_load %arg7[%get3A_535, %get3A_536, %get3A_537] {strides = array<i32>} : memref<16x16x128xf32, #tpu.memory_space<vmem>>, vector<16xf32>,
    %add3A_539 = arith.addf %add3A_532, %get3A_538 : vector<16xf32>
    %get3A_540 = arith.constant 1 : i32
    %get3A_541 = arith.constant 11 : i32
    %get3A_542 = arith.index_cast %get3A_540 : i32 to index
    %get3A_543 = arith.index_cast %get3A_541 : i32 to index
    %get3A_544 = arith.constant 0 : index
    %get3A_545 = tpu.vector_load %arg7[%get3A_542, %get3A_543, %get3A_544] {strides = array<i32>} : memref<16x16x128xf32, #tpu.memory_space<vmem>>, vector<16xf32>,
    %add3A_546 = arith.addf %add3A_539, %get3A_545 : vector<16xf32>
    %get3A_547 = arith.constant 1 : i32
    %get3A_548 = arith.constant 12 : i32
    %get3A_549 = arith.index_cast %get3A_547 : i32 to index
    %get3A_550 = arith.index_cast %get3A_548 : i32 to index
    %get3A_551 = arith.constant 0 : index
    %get3A_552 = tpu.vector_load %arg7[%get3A_549, %get3A_550, %get3A_551] {strides = array<i32>} : memref<16x16x128xf32, #tpu.memory_space<vmem>>, vector<16xf32>,
    %add3A_553 = arith.addf %add3A_546, %get3A_552 : vector<16xf32>
    %get3A_554 = arith.constant 1 : i32
    %get3A_555 = arith.constant 13 : i32
    %get3A_556 = arith.index_cast %get3A_554 : i32 to index
    %get3A_557 = arith.index_cast %get3A_555 : i32 to index
    %get3A_558 = arith.constant 0 : index
    %get3A_559 = tpu.vector_load %arg7[%get3A_556, %get3A_557, %get3A_558] {strides = array<i32>} : memref<16x16x128xf32, #tpu.memory_space<vmem>>, vector<16xf32>,
    %add3A_560 = arith.addf %add3A_553, %get3A_559 : vector<16xf32>
    %get3A_561 = arith.constant 1 : i32
    %get3A_562 = arith.constant 14 : i32
    %get3A_563 = arith.index_cast %get3A_561 : i32 to index
    %get3A_564 = arith.index_cast %get3A_562 : i32 to index
    %get3A_565 = arith.constant 0 : index
    %get3A_566 = tpu.vector_load %arg7[%get3A_563, %get3A_564, %get3A_565] {strides = array<i32>} : memref<16x16x128xf32, #tpu.memory_space<vmem>>, vector<16xf32>,
    %add3A_567 = arith.addf %add3A_560, %get3A_566 : vector<16xf32>
    %get3A_568 = arith.constant 1 : i32
    %get3A_569 = arith.constant 15 : i32
    %get3A_570 = arith.index_cast %get3A_568 : i32 to index
    %get3A_571 = arith.index_cast %get3A_569 : i32 to index
    %get3A_572 = arith.constant 0 : index
    %get3A_573 = tpu.vector_load %arg7[%get3A_570, %get3A_571, %get3A_572] {strides = array<i32>} : memref<16x16x128xf32, #tpu.memory_space<vmem>>, vector<16xf32>,
    %add3A_574 = arith.addf %add3A_567, %get3A_573 : vector<16xf32>
    %get3A_575 = arith.constant 2 : i32
    %get3A_576 = arith.constant 0 : i32
    %get3A_577 = arith.index_cast %get3A_575 : i32 to index
    %get3A_578 = arith.index_cast %get3A_576 : i32 to index
    %get3A_579 = arith.constant 0 : index
    %get3A_580 = tpu.vector_load %arg7[%get3A_577, %get3A_578, %get3A_579] {strides = array<i32>} : memref<16x16x128xf32, #tpu.memory_space<vmem>>, vector<16xf32>,
    %add3A_581 = arith.addf %add3A_574, %get3A_580 : vector<16xf32>
    %get3A_582 = arith.constant 2 : i32
    %get3A_583 = arith.constant 1 : i32
    %get3A_584 = arith.index_cast %get3A_582 : i32 to index
    %get3A_585 = arith.index_cast %get3A_583 : i32 to index
    %get3A_586 = arith.constant 0 : index
    %get3A_587 = tpu.vector_load %arg7[%get3A_584, %get3A_585, %get3A_586] {strides = array<i32>} : memref<16x16x128xf32, #tpu.memory_space<vmem>>, vector<16xf32>,
    %add3A_588 = arith.addf %add3A_581, %get3A_587 : vector<16xf32>
    %get3A_589 = arith.constant 2 : i32
    %get3A_590 = arith.constant 2 : i32
    %get3A_591 = arith.index_cast %get3A_589 : i32 to index
    %get3A_592 = arith.index_cast %get3A_590 : i32 to index
    %get3A_593 = arith.constant 0 : index
    %get3A_594 = tpu.vector_load %arg7[%get3A_591, %get3A_592, %get3A_593] {strides = array<i32>} : memref<16x16x128xf32, #tpu.memory_space<vmem>>, vector<16xf32>,
    %add3A_595 = arith.addf %add3A_588, %get3A_594 : vector<16xf32>
    %get3A_596 = arith.constant 2 : i32
    %get3A_597 = arith.constant 3 : i32
    %get3A_598 = arith.index_cast %get3A_596 : i32 to index
    %get3A_599 = arith.index_cast %get3A_597 : i32 to index
    %get3A_600 = arith.constant 0 : index
    %get3A_601 = tpu.vector_load %arg7[%get3A_598, %get3A_599, %get3A_600] {strides = array<i32>} : memref<16x16x128xf32, #tpu.memory_space<vmem>>, vector<16xf32>,
    %add3A_602 = arith.addf %add3A_595, %get3A_601 : vector<16xf32>
    %get3A_603 = arith.constant 2 : i32
    %get3A_604 = arith.constant 4 : i32
    %get3A_605 = arith.index_cast %get3A_603 : i32 to index
    %get3A_606 = arith.index_cast %get3A_604 : i32 to index
    %get3A_607 = arith.constant 0 : index
    %get3A_608 = tpu.vector_load %arg7[%get3A_605, %get3A_606, %get3A_607] {strides = array<i32>} : memref<16x16x128xf32, #tpu.memory_space<vmem>>, vector<16xf32>,
    %add3A_609 = arith.addf %add3A_602, %get3A_608 : vector<16xf32>
    %get3A_610 = arith.constant 2 : i32
    %get3A_611 = arith.constant 5 : i32
    %get3A_612 = arith.index_cast %get3A_610 : i32 to index
    %get3A_613 = arith.index_cast %get3A_611 : i32 to index
    %get3A_614 = arith.constant 0 : index
    %get3A_615 = tpu.vector_load %arg7[%get3A_612, %get3A_613, %get3A_614] {strides = array<i32>} : memref<16x16x128xf32, #tpu.memory_space<vmem>>, vector<16xf32>,
    %add3A_616 = arith.addf %add3A_609, %get3A_615 : vector<16xf32>
    %get3A_617 = arith.constant 2 : i32
    %get3A_618 = arith.constant 6 : i32
    %get3A_619 = arith.index_cast %get3A_617 : i32 to index
    %get3A_620 = arith.index_cast %get3A_618 : i32 to index
    %get3A_621 = arith.constant 0 : index
    %get3A_622 = tpu.vector_load %arg7[%get3A_619, %get3A_620, %get3A_621] {strides = array<i32>} : memref<16x16x128xf32, #tpu.memory_space<vmem>>, vector<16xf32>,
    %add3A_623 = arith.addf %add3A_616, %get3A_622 : vector<16xf32>
    %get3A_624 = arith.constant 2 : i32
    %get3A_625 = arith.constant 7 : i32
    %get3A_626 = arith.index_cast %get3A_624 : i32 to index
    %get3A_627 = arith.index_cast %get3A_625 : i32 to index
    %get3A_628 = arith.constant 0 : index
    %get3A_629 = tpu.vector_load %arg7[%get3A_626, %get3A_627, %get3A_628] {strides = array<i32>} : memref<16x16x128xf32, #tpu.memory_space<vmem>>, vector<16xf32>,
    %add3A_630 = arith.addf %add3A_623, %get3A_629 : vector<16xf32>
    %get3A_631 = arith.constant 2 : i32
    %get3A_632 = arith.constant 8 : i32
    %get3A_633 = arith.index_cast %get3A_631 : i32 to index
    %get3A_634 = arith.index_cast %get3A_632 : i32 to index
    %get3A_635 = arith.constant 0 : index
    %get3A_636 = tpu.vector_load %arg7[%get3A_633, %get3A_634, %get3A_635] {strides = array<i32>} : memref<16x16x128xf32, #tpu.memory_space<vmem>>, vector<16xf32>,
    %add3A_637 = arith.addf %add3A_630, %get3A_636 : vector<16xf32>
    %get3A_638 = arith.constant 2 : i32
    %get3A_639 = arith.constant 9 : i32
    %get3A_640 = arith.index_cast %get3A_638 : i32 to index
    %get3A_641 = arith.index_cast %get3A_639 : i32 to index
    %get3A_642 = arith.constant 0 : index
    %get3A_643 = tpu.vector_load %arg7[%get3A_640, %get3A_641, %get3A_642] {strides = array<i32>} : memref<16x16x128xf32, #tpu.memory_space<vmem>>, vector<16xf32>,
    %add3A_644 = arith.addf %add3A_637, %get3A_643 : vector<16xf32>
    %get3A_645 = arith.constant 2 : i32
    %get3A_646 = arith.constant 10 : i32
    %get3A_647 = arith.index_cast %get3A_645 : i32 to index
    %get3A_648 = arith.index_cast %get3A_646 : i32 to index
    %get3A_649 = arith.constant 0 : index
    %get3A_650 = tpu.vector_load %arg7[%get3A_647, %get3A_648, %get3A_649] {strides = array<i32>} : memref<16x16x128xf32, #tpu.memory_space<vmem>>, vector<16xf32>,
    %add3A_651 = arith.addf %add3A_644, %get3A_650 : vector<16xf32>
    %get3A_652 = arith.constant 2 : i32
    %get3A_653 = arith.constant 11 : i32
    %get3A_654 = arith.index_cast %get3A_652 : i32 to index
    %get3A_655 = arith.index_cast %get3A_653 : i32 to index
    %get3A_656 = arith.constant 0 : index
    %get3A_657 = tpu.vector_load %arg7[%get3A_654, %get3A_655, %get3A_656] {strides = array<i32>} : memref<16x16x128xf32, #tpu.memory_space<vmem>>, vector<16xf32>,
    %add3A_658 = arith.addf %add3A_651, %get3A_657 : vector<16xf32>
    %get3A_659 = arith.constant 2 : i32
    %get3A_660 = arith.constant 12 : i32
    %get3A_661 = arith.index_cast %get3A_659 : i32 to index
    %get3A_662 = arith.index_cast %get3A_660 : i32 to index
    %get3A_663 = arith.constant 0 : index
    %get3A_664 = tpu.vector_load %arg7[%get3A_661, %get3A_662, %get3A_663] {strides = array<i32>} : memref<16x16x128xf32, #tpu.memory_space<vmem>>, vector<16xf32>,
    %add3A_665 = arith.addf %add3A_658, %get3A_664 : vector<16xf32>
    %get3A_666 = arith.constant 2 : i32
    %get3A_667 = arith.constant 13 : i32
    %get3A_668 = arith.index_cast %get3A_666 : i32 to index
    %get3A_669 = arith.index_cast %get3A_667 : i32 to index
    %get3A_670 = arith.constant 0 : index
    %get3A_671 = tpu.vector_load %arg7[%get3A_668, %get3A_669, %get3A_670] {strides = array<i32>} : memref<16x16x128xf32, #tpu.memory_space<vmem>>, vector<16xf32>,
    %add3A_672 = arith.addf %add3A_665, %get3A_671 : vector<16xf32>
    %get3A_673 = arith.constant 2 : i32
    %get3A_674 = arith.constant 14 : i32
    %get3A_675 = arith.index_cast %get3A_673 : i32 to index
    %get3A_676 = arith.index_cast %get3A_674 : i32 to index
    %get3A_677 = arith.constant 0 : index
    %get3A_678 = tpu.vector_load %arg7[%get3A_675, %get3A_676, %get3A_677] {strides = array<i32>} : memref<16x16x128xf32, #tpu.memory_space<vmem>>, vector<16xf32>,
    %add3A_679 = arith.addf %add3A_672, %get3A_678 : vector<16xf32>
    %get3A_680 = arith.constant 2 : i32
    %get3A_681 = arith.constant 15 : i32
    %get3A_682 = arith.index_cast %get3A_680 : i32 to index
    %get3A_683 = arith.index_cast %get3A_681 : i32 to index
    %get3A_684 = arith.constant 0 : index
    %get3A_685 = tpu.vector_load %arg7[%get3A_682, %get3A_683, %get3A_684] {strides = array<i32>} : memref<16x16x128xf32, #tpu.memory_space<vmem>>, vector<16xf32>,
    %add3A_686 = arith.addf %add3A_679, %get3A_685 : vector<16xf32>
    %get3A_687 = arith.constant 3 : i32
    %get3A_688 = arith.constant 0 : i32
    %get3A_689 = arith.index_cast %get3A_687 : i32 to index
    %get3A_690 = arith.index_cast %get3A_688 : i32 to index
    %get3A_691 = arith.constant 0 : index
    %get3A_692 = tpu.vector_load %arg7[%get3A_689, %get3A_690, %get3A_691] {strides = array<i32>} : memref<16x16x128xf32, #tpu.memory_space<vmem>>, vector<16xf32>,
    %add3A_693 = arith.addf %add3A_686, %get3A_692 : vector<16xf32>
    %get3A_694 = arith.constant 3 : i32
    %get3A_695 = arith.constant 1 : i32
    %get3A_696 = arith.index_cast %get3A_694 : i32 to index
    %get3A_697 = arith.index_cast %get3A_695 : i32 to index
    %get3A_698 = arith.constant 0 : index
    %get3A_699 = tpu.vector_load %arg7[%get3A_696, %get3A_697, %get3A_698] {strides = array<i32>} : memref<16x16x128xf32, #tpu.memory_space<vmem>>, vector<16xf32>,
    %add3A_700 = arith.addf %add3A_693, %get3A_699 : vector<16xf32>
    %get3A_701 = arith.constant 3 : i32
    %get3A_702 = arith.constant 2 : i32
    %get3A_703 = arith.index_cast %get3A_701 : i32 to index
    %get3A_704 = arith.index_cast %get3A_702 : i32 to index
    %get3A_705 = arith.constant 0 : index
    %get3A_706 = tpu.vector_load %arg7[%get3A_703, %get3A_704, %get3A_705] {strides = array<i32>} : memref<16x16x128xf32, #tpu.memory_space<vmem>>, vector<16xf32>,
    %add3A_707 = arith.addf %add3A_700, %get3A_706 : vector<16xf32>
    %get3A_708 = arith.constant 3 : i32
    %get3A_709 = arith.constant 3 : i32
    %get3A_710 = arith.index_cast %get3A_708 : i32 to index
    %get3A_711 = arith.index_cast %get3A_709 : i32 to index
    %get3A_712 = arith.constant 0 : index
    %get3A_713 = tpu.vector_load %arg7[%get3A_710, %get3A_711, %get3A_712] {strides = array<i32>} : memref<16x16x128xf32, #tpu.memory_space<vmem>>, vector<16xf32>,
    %add3A_714 = arith.addf %add3A_707, %get3A_713 : vector<16xf32>
    %get3A_715 = arith.constant 3 : i32
    %get3A_716 = arith.constant 4 : i32
    %get3A_717 = arith.index_cast %get3A_715 : i32 to index
    %get3A_718 = arith.index_cast %get3A_716 : i32 to index
    %get3A_719 = arith.constant 0 : index
    %get3A_720 = tpu.vector_load %arg7[%get3A_717, %get3A_718, %get3A_719] {strides = array<i32>} : memref<16x16x128xf32, #tpu.memory_space<vmem>>, vector<16xf32>,
    %add3A_721 = arith.addf %add3A_714, %get3A_720 : vector<16xf32>
    %get3A_722 = arith.constant 3 : i32
    %get3A_723 = arith.constant 5 : i32
    %get3A_724 = arith.index_cast %get3A_722 : i32 to index
    %get3A_725 = arith.index_cast %get3A_723 : i32 to index
    %get3A_726 = arith.constant 0 : index
    %get3A_727 = tpu.vector_load %arg7[%get3A_724, %get3A_725, %get3A_726] {strides = array<i32>} : memref<16x16x128xf32, #tpu.memory_space<vmem>>, vector<16xf32>,
    %add3A_728 = arith.addf %add3A_721, %get3A_727 : vector<16xf32>
    %get3A_729 = arith.constant 3 : i32
    %get3A_730 = arith.constant 6 : i32
    %get3A_731 = arith.index_cast %get3A_729 : i32 to index
    %get3A_732 = arith.index_cast %get3A_730 : i32 to index
    %get3A_733 = arith.constant 0 : index
    %get3A_734 = tpu.vector_load %arg7[%get3A_731, %get3A_732, %get3A_733] {strides = array<i32>} : memref<16x16x128xf32, #tpu.memory_space<vmem>>, vector<16xf32>,
    %add3A_735 = arith.addf %add3A_728, %get3A_734 : vector<16xf32>
    %get3A_736 = arith.constant 3 : i32
    %get3A_737 = arith.constant 7 : i32
    %get3A_738 = arith.index_cast %get3A_736 : i32 to index
    %get3A_739 = arith.index_cast %get3A_737 : i32 to index
    %get3A_740 = arith.constant 0 : index
    %get3A_741 = tpu.vector_load %arg7[%get3A_738, %get3A_739, %get3A_740] {strides = array<i32>} : memref<16x16x128xf32, #tpu.memory_space<vmem>>, vector<16xf32>,
    %add3A_742 = arith.addf %add3A_735, %get3A_741 : vector<16xf32>
    %get3A_743 = arith.constant 3 : i32
    %get3A_744 = arith.constant 8 : i32
    %get3A_745 = arith.index_cast %get3A_743 : i32 to index
    %get3A_746 = arith.index_cast %get3A_744 : i32 to index
    %get3A_747 = arith.constant 0 : index
    %get3A_748 = tpu.vector_load %arg7[%get3A_745, %get3A_746, %get3A_747] {strides = array<i32>} : memref<16x16x128xf32, #tpu.memory_space<vmem>>, vector<16xf32>,
    %add3A_749 = arith.addf %add3A_742, %get3A_748 : vector<16xf32>
    %get3A_750 = arith.constant 3 : i32
    %get3A_751 = arith.constant 9 : i32
    %get3A_752 = arith.index_cast %get3A_750 : i32 to index
    %get3A_753 = arith.index_cast %get3A_751 : i32 to index
    %get3A_754 = arith.constant 0 : index
    %get3A_755 = tpu.vector_load %arg7[%get3A_752, %get3A_753, %get3A_754] {strides = array<i32>} : memref<16x16x128xf32, #tpu.memory_space<vmem>>, vector<16xf32>,
    %add3A_756 = arith.addf %add3A_749, %get3A_755 : vector<16xf32>
    %get3A_757 = arith.constant 3 : i32
    %get3A_758 = arith.constant 10 : i32
    %get3A_759 = arith.index_cast %get3A_757 : i32 to index
    %get3A_760 = arith.index_cast %get3A_758 : i32 to index
    %get3A_761 = arith.constant 0 : index
    %get3A_762 = tpu.vector_load %arg7[%get3A_759, %get3A_760, %get3A_761] {strides = array<i32>} : memref<16x16x128xf32, #tpu.memory_space<vmem>>, vector<16xf32>,
    %add3A_763 = arith.addf %add3A_756, %get3A_762 : vector<16xf32>
    %get3A_764 = arith.constant 3 : i32
    %get3A_765 = arith.constant 11 : i32
    %get3A_766 = arith.index_cast %get3A_764 : i32 to index
    %get3A_767 = arith.index_cast %get3A_765 : i32 to index
    %get3A_768 = arith.constant 0 : index
    %get3A_769 = tpu.vector_load %arg7[%get3A_766, %get3A_767, %get3A_768] {strides = array<i32>} : memref<16x16x128xf32, #tpu.memory_space<vmem>>, vector<16xf32>,
    %add3A_770 = arith.addf %add3A_763, %get3A_769 : vector<16xf32>
    %get3A_771 = arith.constant 3 : i32
    %get3A_772 = arith.constant 12 : i32
    %get3A_773 = arith.index_cast %get3A_771 : i32 to index
    %get3A_774 = arith.index_cast %get3A_772 : i32 to index
    %get3A_775 = arith.constant 0 : index
    %get3A_776 = tpu.vector_load %arg7[%get3A_773, %get3A_774, %get3A_775] {strides = array<i32>} : memref<16x16x128xf32, #tpu.memory_space<vmem>>, vector<16xf32>,
    %add3A_777 = arith.addf %add3A_770, %get3A_776 : vector<16xf32>
    %get3A_778 = arith.constant 3 : i32
    %get3A_779 = arith.constant 13 : i32
    %get3A_780 = arith.index_cast %get3A_778 : i32 to index
    %get3A_781 = arith.index_cast %get3A_779 : i32 to index
    %get3A_782 = arith.constant 0 : index
    %get3A_783 = tpu.vector_load %arg7[%get3A_780, %get3A_781, %get3A_782] {strides = array<i32>} : memref<16x16x128xf32, #tpu.memory_space<vmem>>, vector<16xf32>,
    %add3A_784 = arith.addf %add3A_777, %get3A_783 : vector<16xf32>
    %get3A_785 = arith.constant 3 : i32
    %get3A_786 = arith.constant 14 : i32
    %get3A_787 = arith.index_cast %get3A_785 : i32 to index
    %get3A_788 = arith.index_cast %get3A_786 : i32 to index
    %get3A_789 = arith.constant 0 : index
    %get3A_790 = tpu.vector_load %arg7[%get3A_787, %get3A_788, %get3A_789] {strides = array<i32>} : memref<16x16x128xf32, #tpu.memory_space<vmem>>, vector<16xf32>,
    %add3A_791 = arith.addf %add3A_784, %get3A_790 : vector<16xf32>
    %get3A_792 = arith.constant 3 : i32
    %get3A_793 = arith.constant 15 : i32
    %get3A_794 = arith.index_cast %get3A_792 : i32 to index
    %get3A_795 = arith.index_cast %get3A_793 : i32 to index
    %get3A_796 = arith.constant 0 : index
    %get3A_797 = tpu.vector_load %arg7[%get3A_794, %get3A_795, %get3A_796] {strides = array<i32>} : memref<16x16x128xf32, #tpu.memory_space<vmem>>, vector<16xf32>,
    %add3A_798 = arith.addf %add3A_791, %get3A_797 : vector<16xf32>
    %get3A_799 = arith.constant 4 : i32
    %get3A_800 = arith.constant 0 : i32
    %get3A_801 = arith.index_cast %get3A_799 : i32 to index
    %get3A_802 = arith.index_cast %get3A_800 : i32 to index
    %get3A_803 = arith.constant 0 : index
    %get3A_804 = tpu.vector_load %arg7[%get3A_801, %get3A_802, %get3A_803] {strides = array<i32>} : memref<16x16x128xf32, #tpu.memory_space<vmem>>, vector<16xf32>,
    %add3A_805 = arith.addf %add3A_798, %get3A_804 : vector<16xf32>
    %get3A_806 = arith.constant 4 : i32
    %get3A_807 = arith.constant 1 : i32
    %get3A_808 = arith.index_cast %get3A_806 : i32 to index
    %get3A_809 = arith.index_cast %get3A_807 : i32 to index
    %get3A_810 = arith.constant 0 : index
    %get3A_811 = tpu.vector_load %arg7[%get3A_808, %get3A_809, %get3A_810] {strides = array<i32>} : memref<16x16x128xf32, #tpu.memory_space<vmem>>, vector<16xf32>,
    %add3A_812 = arith.addf %add3A_805, %get3A_811 : vector<16xf32>
    %get3A_813 = arith.constant 4 : i32
    %get3A_814 = arith.constant 2 : i32
    %get3A_815 = arith.index_cast %get3A_813 : i32 to index
    %get3A_816 = arith.index_cast %get3A_814 : i32 to index
    %get3A_817 = arith.constant 0 : index
    %get3A_818 = tpu.vector_load %arg7[%get3A_815, %get3A_816, %get3A_817] {strides = array<i32>} : memref<16x16x128xf32, #tpu.memory_space<vmem>>, vector<16xf32>,
    %add3A_819 = arith.addf %add3A_812, %get3A_818 : vector<16xf32>
    %get3A_820 = arith.constant 4 : i32
    %get3A_821 = arith.constant 3 : i32
    %get3A_822 = arith.index_cast %get3A_820 : i32 to index
    %get3A_823 = arith.index_cast %get3A_821 : i32 to index
    %get3A_824 = arith.constant 0 : index
    %get3A_825 = tpu.vector_load %arg7[%get3A_822, %get3A_823, %get3A_824] {strides = array<i32>} : memref<16x16x128xf32, #tpu.memory_space<vmem>>, vector<16xf32>,
    %add3A_826 = arith.addf %add3A_819, %get3A_825 : vector<16xf32>
    %get3A_827 = arith.constant 4 : i32
    %get3A_828 = arith.constant 4 : i32
    %get3A_829 = arith.index_cast %get3A_827 : i32 to index
    %get3A_830 = arith.index_cast %get3A_828 : i32 to index
    %get3A_831 = arith.constant 0 : index
    %get3A_832 = tpu.vector_load %arg7[%get3A_829, %get3A_830, %get3A_831] {strides = array<i32>} : memref<16x16x128xf32, #tpu.memory_space<vmem>>, vector<16xf32>,
    %add3A_833 = arith.addf %add3A_826, %get3A_832 : vector<16xf32>
    %get3A_834 = arith.constant 4 : i32
    %get3A_835 = arith.constant 5 : i32
    %get3A_836 = arith.index_cast %get3A_834 : i32 to index
    %get3A_837 = arith.index_cast %get3A_835 : i32 to index
    %get3A_838 = arith.constant 0 : index
    %get3A_839 = tpu.vector_load %arg7[%get3A_836, %get3A_837, %get3A_838] {strides = array<i32>} : memref<16x16x128xf32, #tpu.memory_space<vmem>>, vector<16xf32>,
    %add3A_840 = arith.addf %add3A_833, %get3A_839 : vector<16xf32>
    %get3A_841 = arith.constant 4 : i32
    %get3A_842 = arith.constant 6 : i32
    %get3A_843 = arith.index_cast %get3A_841 : i32 to index
    %get3A_844 = arith.index_cast %get3A_842 : i32 to index
    %get3A_845 = arith.constant 0 : index
    %get3A_846 = tpu.vector_load %arg7[%get3A_843, %get3A_844, %get3A_845] {strides = array<i32>} : memref<16x16x128xf32, #tpu.memory_space<vmem>>, vector<16xf32>,
    %add3A_847 = arith.addf %add3A_840, %get3A_846 : vector<16xf32>
    %get3A_848 = arith.constant 4 : i32
    %get3A_849 = arith.constant 7 : i32
    %get3A_850 = arith.index_cast %get3A_848 : i32 to index
    %get3A_851 = arith.index_cast %get3A_849 : i32 to index
    %get3A_852 = arith.constant 0 : index
    %get3A_853 = tpu.vector_load %arg7[%get3A_850, %get3A_851, %get3A_852] {strides = array<i32>} : memref<16x16x128xf32, #tpu.memory_space<vmem>>, vector<16xf32>,
    %add3A_854 = arith.addf %add3A_847, %get3A_853 : vector<16xf32>
    %get3A_855 = arith.constant 4 : i32
    %get3A_856 = arith.constant 8 : i32
    %get3A_857 = arith.index_cast %get3A_855 : i32 to index
    %get3A_858 = arith.index_cast %get3A_856 : i32 to index
    %get3A_859 = arith.constant 0 : index
    %get3A_860 = tpu.vector_load %arg7[%get3A_857, %get3A_858, %get3A_859] {strides = array<i32>} : memref<16x16x128xf32, #tpu.memory_space<vmem>>, vector<16xf32>,
    %add3A_861 = arith.addf %add3A_854, %get3A_860 : vector<16xf32>
    %get3A_862 = arith.constant 4 : i32
    %get3A_863 = arith.constant 9 : i32
    %get3A_864 = arith.index_cast %get3A_862 : i32 to index
    %get3A_865 = arith.index_cast %get3A_863 : i32 to index
    %get3A_866 = arith.constant 0 : index
    %get3A_867 = tpu.vector_load %arg7[%get3A_864, %get3A_865, %get3A_866] {strides = array<i32>} : memref<16x16x128xf32, #tpu.memory_space<vmem>>, vector<16xf32>,
    %add3A_868 = arith.addf %add3A_861, %get3A_867 : vector<16xf32>
    %get3A_869 = arith.constant 4 : i32
    %get3A_870 = arith.constant 10 : i32
    %get3A_871 = arith.index_cast %get3A_869 : i32 to index
    %get3A_872 = arith.index_cast %get3A_870 : i32 to index
    %get3A_873 = arith.constant 0 : index
    %get3A_874 = tpu.vector_load %arg7[%get3A_871, %get3A_872, %get3A_873] {strides = array<i32>} : memref<16x16x128xf32, #tpu.memory_space<vmem>>, vector<16xf32>,
    %add3A_875 = arith.addf %add3A_868, %get3A_874 : vector<16xf32>
    %get3A_876 = arith.constant 4 : i32
    %get3A_877 = arith.constant 11 : i32
    %get3A_878 = arith.index_cast %get3A_876 : i32 to index
    %get3A_879 = arith.index_cast %get3A_877 : i32 to index
    %get3A_880 = arith.constant 0 : index
    %get3A_881 = tpu.vector_load %arg7[%get3A_878, %get3A_879, %get3A_880] {strides = array<i32>} : memref<16x16x128xf32, #tpu.memory_space<vmem>>, vector<16xf32>,
    %add3A_882 = arith.addf %add3A_875, %get3A_881 : vector<16xf32>
    %get3A_883 = arith.constant 4 : i32
    %get3A_884 = arith.constant 12 : i32
    %get3A_885 = arith.index_cast %get3A_883 : i32 to index
    %get3A_886 = arith.index_cast %get3A_884 : i32 to index
    %get3A_887 = arith.constant 0 : index
    %get3A_888 = tpu.vector_load %arg7[%get3A_885, %get3A_886, %get3A_887] {strides = array<i32>} : memref<16x16x128xf32, #tpu.memory_space<vmem>>, vector<16xf32>,
    %add3A_889 = arith.addf %add3A_882, %get3A_888 : vector<16xf32>
    %get3A_890 = arith.constant 4 : i32
    %get3A_891 = arith.constant 13 : i32
    %get3A_892 = arith.index_cast %get3A_890 : i32 to index
    %get3A_893 = arith.index_cast %get3A_891 : i32 to index
    %get3A_894 = arith.constant 0 : index
    %get3A_895 = tpu.vector_load %arg7[%get3A_892, %get3A_893, %get3A_894] {strides = array<i32>} : memref<16x16x128xf32, #tpu.memory_space<vmem>>, vector<16xf32>,
    %add3A_896 = arith.addf %add3A_889, %get3A_895 : vector<16xf32>
    %get3A_897 = arith.constant 4 : i32
    %get3A_898 = arith.constant 14 : i32
    %get3A_899 = arith.index_cast %get3A_897 : i32 to index
    %get3A_900 = arith.index_cast %get3A_898 : i32 to index
    %get3A_901 = arith.constant 0 : index
    %get3A_902 = tpu.vector_load %arg7[%get3A_899, %get3A_900, %get3A_901] {strides = array<i32>} : memref<16x16x128xf32, #tpu.memory_space<vmem>>, vector<16xf32>,
    %add3A_903 = arith.addf %add3A_896, %get3A_902 : vector<16xf32>
    %get3A_904 = arith.constant 4 : i32
    %get3A_905 = arith.constant 15 : i32
    %get3A_906 = arith.index_cast %get3A_904 : i32 to index
    %get3A_907 = arith.index_cast %get3A_905 : i32 to index
    %get3A_908 = arith.constant 0 : index
    %get3A_909 = tpu.vector_load %arg7[%get3A_906, %get3A_907, %get3A_908] {strides = array<i32>} : memref<16x16x128xf32, #tpu.memory_space<vmem>>, vector<16xf32>,
    %add3A_910 = arith.addf %add3A_903, %get3A_909 : vector<16xf32>
    %get3A_911 = arith.constant 5 : i32
    %get3A_912 = arith.constant 0 : i32
    %get3A_913 = arith.index_cast %get3A_911 : i32 to index
    %get3A_914 = arith.index_cast %get3A_912 : i32 to index
    %get3A_915 = arith.constant 0 : index
    %get3A_916 = tpu.vector_load %arg7[%get3A_913, %get3A_914, %get3A_915] {strides = array<i32>} : memref<16x16x128xf32, #tpu.memory_space<vmem>>, vector<16xf32>,
    %add3A_917 = arith.addf %add3A_910, %get3A_916 : vector<16xf32>
    %get3A_918 = arith.constant 5 : i32
    %get3A_919 = arith.constant 1 : i32
    %get3A_920 = arith.index_cast %get3A_918 : i32 to index
    %get3A_921 = arith.index_cast %get3A_919 : i32 to index
    %get3A_922 = arith.constant 0 : index
    %get3A_923 = tpu.vector_load %arg7[%get3A_920, %get3A_921, %get3A_922] {strides = array<i32>} : memref<16x16x128xf32, #tpu.memory_space<vmem>>, vector<16xf32>,
    %add3A_924 = arith.addf %add3A_917, %get3A_923 : vector<16xf32>
    %get3A_925 = arith.constant 5 : i32
    %get3A_926 = arith.constant 2 : i32
    %get3A_927 = arith.index_cast %get3A_925 : i32 to index
    %get3A_928 = arith.index_cast %get3A_926 : i32 to index
    %get3A_929 = arith.constant 0 : index
    %get3A_930 = tpu.vector_load %arg7[%get3A_927, %get3A_928, %get3A_929] {strides = array<i32>} : memref<16x16x128xf32, #tpu.memory_space<vmem>>, vector<16xf32>,
    %add3A_931 = arith.addf %add3A_924, %get3A_930 : vector<16xf32>
    %get3A_932 = arith.constant 5 : i32
    %get3A_933 = arith.constant 3 : i32
    %get3A_934 = arith.index_cast %get3A_932 : i32 to index
    %get3A_935 = arith.index_cast %get3A_933 : i32 to index
    %get3A_936 = arith.constant 0 : index
    %get3A_937 = tpu.vector_load %arg7[%get3A_934, %get3A_935, %get3A_936] {strides = array<i32>} : memref<16x16x128xf32, #tpu.memory_space<vmem>>, vector<16xf32>,
    %add3A_938 = arith.addf %add3A_931, %get3A_937 : vector<16xf32>
    %get3A_939 = arith.constant 5 : i32
    %get3A_940 = arith.constant 4 : i32
    %get3A_941 = arith.index_cast %get3A_939 : i32 to index
    %get3A_942 = arith.index_cast %get3A_940 : i32 to index
    %get3A_943 = arith.constant 0 : index
    %get3A_944 = tpu.vector_load %arg7[%get3A_941, %get3A_942, %get3A_943] {strides = array<i32>} : memref<16x16x128xf32, #tpu.memory_space<vmem>>, vector<16xf32>,
    %add3A_945 = arith.addf %add3A_938, %get3A_944 : vector<16xf32>
    %get3A_946 = arith.constant 5 : i32
    %get3A_947 = arith.constant 5 : i32
    %get3A_948 = arith.index_cast %get3A_946 : i32 to index
    %get3A_949 = arith.index_cast %get3A_947 : i32 to index
    %get3A_950 = arith.constant 0 : index
    %get3A_951 = tpu.vector_load %arg7[%get3A_948, %get3A_949, %get3A_950] {strides = array<i32>} : memref<16x16x128xf32, #tpu.memory_space<vmem>>, vector<16xf32>,
    %add3A_952 = arith.addf %add3A_945, %get3A_951 : vector<16xf32>
    %get3A_953 = arith.constant 5 : i32
    %get3A_954 = arith.constant 6 : i32
    %get3A_955 = arith.index_cast %get3A_953 : i32 to index
    %get3A_956 = arith.index_cast %get3A_954 : i32 to index
    %get3A_957 = arith.constant 0 : index
    %get3A_958 = tpu.vector_load %arg7[%get3A_955, %get3A_956, %get3A_957] {strides = array<i32>} : memref<16x16x128xf32, #tpu.memory_space<vmem>>, vector<16xf32>,
    %add3A_959 = arith.addf %add3A_952, %get3A_958 : vector<16xf32>
    %get3A_960 = arith.constant 5 : i32
    %get3A_961 = arith.constant 7 : i32
    %get3A_962 = arith.index_cast %get3A_960 : i32 to index
    %get3A_963 = arith.index_cast %get3A_961 : i32 to index
    %get3A_964 = arith.constant 0 : index
    %get3A_965 = tpu.vector_load %arg7[%get3A_962, %get3A_963, %get3A_964] {strides = array<i32>} : memref<16x16x128xf32, #tpu.memory_space<vmem>>, vector<16xf32>,
    %add3A_966 = arith.addf %add3A_959, %get3A_965 : vector<16xf32>
    %get3A_967 = arith.constant 5 : i32
    %get3A_968 = arith.constant 8 : i32
    %get3A_969 = arith.index_cast %get3A_967 : i32 to index
    %get3A_970 = arith.index_cast %get3A_968 : i32 to index
    %get3A_971 = arith.constant 0 : index
    %get3A_972 = tpu.vector_load %arg7[%get3A_969, %get3A_970, %get3A_971] {strides = array<i32>} : memref<16x16x128xf32, #tpu.memory_space<vmem>>, vector<16xf32>,
    %add3A_973 = arith.addf %add3A_966, %get3A_972 : vector<16xf32>
    %get3A_974 = arith.constant 5 : i32
    %get3A_975 = arith.constant 9 : i32
    %get3A_976 = arith.index_cast %get3A_974 : i32 to index
    %get3A_977 = arith.index_cast %get3A_975 : i32 to index
    %get3A_978 = arith.constant 0 : index
    %get3A_979 = tpu.vector_load %arg7[%get3A_976, %get3A_977, %get3A_978] {strides = array<i32>} : memref<16x16x128xf32, #tpu.memory_space<vmem>>, vector<16xf32>,
    %add3A_980 = arith.addf %add3A_973, %get3A_979 : vector<16xf32>
    %get3A_981 = arith.constant 5 : i32
    %get3A_982 = arith.constant 10 : i32
    %get3A_983 = arith.index_cast %get3A_981 : i32 to index
    %get3A_984 = arith.index_cast %get3A_982 : i32 to index
    %get3A_985 = arith.constant 0 : index
    %get3A_986 = tpu.vector_load %arg7[%get3A_983, %get3A_984, %get3A_985] {strides = array<i32>} : memref<16x16x128xf32, #tpu.memory_space<vmem>>, vector<16xf32>,
    %add3A_987 = arith.addf %add3A_980, %get3A_986 : vector<16xf32>
    %get3A_988 = arith.constant 5 : i32
    %get3A_989 = arith.constant 11 : i32
    %get3A_990 = arith.index_cast %get3A_988 : i32 to index
    %get3A_991 = arith.index_cast %get3A_989 : i32 to index
    %get3A_992 = arith.constant 0 : index
    %get3A_993 = tpu.vector_load %arg7[%get3A_990, %get3A_991, %get3A_992] {strides = array<i32>} : memref<16x16x128xf32, #tpu.memory_space<vmem>>, vector<16xf32>,
    %add3A_994 = arith.addf %add3A_987, %get3A_993 : vector<16xf32>
    %get3A_995 = arith.constant 5 : i32
    %get3A_996 = arith.constant 12 : i32
    %get3A_997 = arith.index_cast %get3A_995 : i32 to index
    %get3A_998 = arith.index_cast %get3A_996 : i32 to index
    %get3A_999 = arith.constant 0 : index
    %get3A_1000 = tpu.vector_load %arg7[%get3A_997, %get3A_998, %get3A_999] {strides = array<i32>} : memref<16x16x128xf32, #tpu.memory_space<vmem>>, vector<16xf32>,
    %add3A_1001 = arith.addf %add3A_994, %get3A_1000 : vector<16xf32>
    %get3A_1002 = arith.constant 5 : i32
    %get3A_1003 = arith.constant 13 : i32
    %get3A_1004 = arith.index_cast %get3A_1002 : i32 to index
    %get3A_1005 = arith.index_cast %get3A_1003 : i32 to index
    %get3A_1006 = arith.constant 0 : index
    %get3A_1007 = tpu.vector_load %arg7[%get3A_1004, %get3A_1005, %get3A_1006] {strides = array<i32>} : memref<16x16x128xf32, #tpu.memory_space<vmem>>, vector<16xf32>,
    %add3A_1008 = arith.addf %add3A_1001, %get3A_1007 : vector<16xf32>
    %get3A_1009 = arith.constant 5 : i32
    %get3A_1010 = arith.constant 14 : i32
    %get3A_1011 = arith.index_cast %get3A_1009 : i32 to index
    %get3A_1012 = arith.index_cast %get3A_1010 : i32 to index
    %get3A_1013 = arith.constant 0 : index
    %get3A_1014 = tpu.vector_load %arg7[%get3A_1011, %get3A_1012, %get3A_1013] {strides = array<i32>} : memref<16x16x128xf32, #tpu.memory_space<vmem>>, vector<16xf32>,
    %add3A_1015 = arith.addf %add3A_1008, %get3A_1014 : vector<16xf32>
    %get3A_1016 = arith.constant 5 : i32
    %get3A_1017 = arith.constant 15 : i32
    %get3A_1018 = arith.index_cast %get3A_1016 : i32 to index
    %get3A_1019 = arith.index_cast %get3A_1017 : i32 to index
    %get3A_1020 = arith.constant 0 : index
    %get3A_1021 = tpu.vector_load %arg7[%get3A_1018, %get3A_1019, %get3A_1020] {strides = array<i32>} : memref<16x16x128xf32, #tpu.memory_space<vmem>>, vector<16xf32>,
    %add3A_1022 = arith.addf %add3A_1015, %get3A_1021 : vector<16xf32>
    %get3A_1023 = arith.constant 6 : i32
    %get3A_1024 = arith.constant 0 : i32
    %get3A_1025 = arith.index_cast %get3A_1023 : i32 to index
    %get3A_1026 = arith.index_cast %get3A_1024 : i32 to index
    %get3A_1027 = arith.constant 0 : index
    %get3A_1028 = tpu.vector_load %arg7[%get3A_1025, %get3A_1026, %get3A_1027] {strides = array<i32>} : memref<16x16x128xf32, #tpu.memory_space<vmem>>, vector<16xf32>,
    %add3A_1029 = arith.addf %add3A_1022, %get3A_1028 : vector<16xf32>
    %get3A_1030 = arith.constant 6 : i32
    %get3A_1031 = arith.constant 1 : i32
    %get3A_1032 = arith.index_cast %get3A_1030 : i32 to index
    %get3A_1033 = arith.index_cast %get3A_1031 : i32 to index
    %get3A_1034 = arith.constant 0 : index
    %get3A_1035 = tpu.vector_load %arg7[%get3A_1032, %get3A_1033, %get3A_1034] {strides = array<i32>} : memref<16x16x128xf32, #tpu.memory_space<vmem>>, vector<16xf32>,
    %add3A_1036 = arith.addf %add3A_1029, %get3A_1035 : vector<16xf32>
    %get3A_1037 = arith.constant 6 : i32
    %get3A_1038 = arith.constant 2 : i32
    %get3A_1039 = arith.index_cast %get3A_1037 : i32 to index
    %get3A_1040 = arith.index_cast %get3A_1038 : i32 to index
    %get3A_1041 = arith.constant 0 : index
    %get3A_1042 = tpu.vector_load %arg7[%get3A_1039, %get3A_1040, %get3A_1041] {strides = array<i32>} : memref<16x16x128xf32, #tpu.memory_space<vmem>>, vector<16xf32>,
    %add3A_1043 = arith.addf %add3A_1036, %get3A_1042 : vector<16xf32>
    %get3A_1044 = arith.constant 6 : i32
    %get3A_1045 = arith.constant 3 : i32
    %get3A_1046 = arith.index_cast %get3A_1044 : i32 to index
    %get3A_1047 = arith.index_cast %get3A_1045 : i32 to index
    %get3A_1048 = arith.constant 0 : index
    %get3A_1049 = tpu.vector_load %arg7[%get3A_1046, %get3A_1047, %get3A_1048] {strides = array<i32>} : memref<16x16x128xf32, #tpu.memory_space<vmem>>, vector<16xf32>,
    %add3A_1050 = arith.addf %add3A_1043, %get3A_1049 : vector<16xf32>
    %get3A_1051 = arith.constant 6 : i32
    %get3A_1052 = arith.constant 4 : i32
    %get3A_1053 = arith.index_cast %get3A_1051 : i32 to index
    %get3A_1054 = arith.index_cast %get3A_1052 : i32 to index
    %get3A_1055 = arith.constant 0 : index
    %get3A_1056 = tpu.vector_load %arg7[%get3A_1053, %get3A_1054, %get3A_1055] {strides = array<i32>} : memref<16x16x128xf32, #tpu.memory_space<vmem>>, vector<16xf32>,
    %add3A_1057 = arith.addf %add3A_1050, %get3A_1056 : vector<16xf32>
    %get3A_1058 = arith.constant 6 : i32
    %get3A_1059 = arith.constant 5 : i32
    %get3A_1060 = arith.index_cast %get3A_1058 : i32 to index
    %get3A_1061 = arith.index_cast %get3A_1059 : i32 to index
    %get3A_1062 = arith.constant 0 : index
    %get3A_1063 = tpu.vector_load %arg7[%get3A_1060, %get3A_1061, %get3A_1062] {strides = array<i32>} : memref<16x16x128xf32, #tpu.memory_space<vmem>>, vector<16xf32>,
    %add3A_1064 = arith.addf %add3A_1057, %get3A_1063 : vector<16xf32>
    %get3A_1065 = arith.constant 6 : i32
    %get3A_1066 = arith.constant 6 : i32
    %get3A_1067 = arith.index_cast %get3A_1065 : i32 to index
    %get3A_1068 = arith.index_cast %get3A_1066 : i32 to index
    %get3A_1069 = arith.constant 0 : index
    %get3A_1070 = tpu.vector_load %arg7[%get3A_1067, %get3A_1068, %get3A_1069] {strides = array<i32>} : memref<16x16x128xf32, #tpu.memory_space<vmem>>, vector<16xf32>,
    %add3A_1071 = arith.addf %add3A_1064, %get3A_1070 : vector<16xf32>
    %get3A_1072 = arith.constant 6 : i32
    %get3A_1073 = arith.constant 7 : i32
    %get3A_1074 = arith.index_cast %get3A_1072 : i32 to index
    %get3A_1075 = arith.index_cast %get3A_1073 : i32 to index
    %get3A_1076 = arith.constant 0 : index
    %get3A_1077 = tpu.vector_load %arg7[%get3A_1074, %get3A_1075, %get3A_1076] {strides = array<i32>} : memref<16x16x128xf32, #tpu.memory_space<vmem>>, vector<16xf32>,
    %add3A_1078 = arith.addf %add3A_1071, %get3A_1077 : vector<16xf32>
    %get3A_1079 = arith.constant 6 : i32
    %get3A_1080 = arith.constant 8 : i32
    %get3A_1081 = arith.index_cast %get3A_1079 : i32 to index
    %get3A_1082 = arith.index_cast %get3A_1080 : i32 to index
    %get3A_1083 = arith.constant 0 : index
    %get3A_1084 = tpu.vector_load %arg7[%get3A_1081, %get3A_1082, %get3A_1083] {strides = array<i32>} : memref<16x16x128xf32, #tpu.memory_space<vmem>>, vector<16xf32>,
    %add3A_1085 = arith.addf %add3A_1078, %get3A_1084 : vector<16xf32>
    %get3A_1086 = arith.constant 6 : i32
    %get3A_1087 = arith.constant 9 : i32
    %get3A_1088 = arith.index_cast %get3A_1086 : i32 to index
    %get3A_1089 = arith.index_cast %get3A_1087 : i32 to index
    %get3A_1090 = arith.constant 0 : index
    %get3A_1091 = tpu.vector_load %arg7[%get3A_1088, %get3A_1089, %get3A_1090] {strides = array<i32>} : memref<16x16x128xf32, #tpu.memory_space<vmem>>, vector<16xf32>,
    %add3A_1092 = arith.addf %add3A_1085, %get3A_1091 : vector<16xf32>
    %get3A_1093 = arith.constant 6 : i32
    %get3A_1094 = arith.constant 10 : i32
    %get3A_1095 = arith.index_cast %get3A_1093 : i32 to index
    %get3A_1096 = arith.index_cast %get3A_1094 : i32 to index
    %get3A_1097 = arith.constant 0 : index
    %get3A_1098 = tpu.vector_load %arg7[%get3A_1095, %get3A_1096, %get3A_1097] {strides = array<i32>} : memref<16x16x128xf32, #tpu.memory_space<vmem>>, vector<16xf32>,
    %add3A_1099 = arith.addf %add3A_1092, %get3A_1098 : vector<16xf32>
    %get3A_1100 = arith.constant 6 : i32
    %get3A_1101 = arith.constant 11 : i32
    %get3A_1102 = arith.index_cast %get3A_1100 : i32 to index
    %get3A_1103 = arith.index_cast %get3A_1101 : i32 to index
    %get3A_1104 = arith.constant 0 : index
    %get3A_1105 = tpu.vector_load %arg7[%get3A_1102, %get3A_1103, %get3A_1104] {strides = array<i32>} : memref<16x16x128xf32, #tpu.memory_space<vmem>>, vector<16xf32>,
    %add3A_1106 = arith.addf %add3A_1099, %get3A_1105 : vector<16xf32>
    %get3A_1107 = arith.constant 6 : i32
    %get3A_1108 = arith.constant 12 : i32
    %get3A_1109 = arith.index_cast %get3A_1107 : i32 to index
    %get3A_1110 = arith.index_cast %get3A_1108 : i32 to index
    %get3A_1111 = arith.constant 0 : index
    %get3A_1112 = tpu.vector_load %arg7[%get3A_1109, %get3A_1110, %get3A_1111] {strides = array<i32>} : memref<16x16x128xf32, #tpu.memory_space<vmem>>, vector<16xf32>,
    %add3A_1113 = arith.addf %add3A_1106, %get3A_1112 : vector<16xf32>
    %get3A_1114 = arith.constant 6 : i32
    %get3A_1115 = arith.constant 13 : i32
    %get3A_1116 = arith.index_cast %get3A_1114 : i32 to index
    %get3A_1117 = arith.index_cast %get3A_1115 : i32 to index
    %get3A_1118 = arith.constant 0 : index
    %get3A_1119 = tpu.vector_load %arg7[%get3A_1116, %get3A_1117, %get3A_1118] {strides = array<i32>} : memref<16x16x128xf32, #tpu.memory_space<vmem>>, vector<16xf32>,
    %add3A_1120 = arith.addf %add3A_1113, %get3A_1119 : vector<16xf32>
    %get3A_1121 = arith.constant 6 : i32
    %get3A_1122 = arith.constant 14 : i32
    %get3A_1123 = arith.index_cast %get3A_1121 : i32 to index
    %get3A_1124 = arith.index_cast %get3A_1122 : i32 to index
    %get3A_1125 = arith.constant 0 : index
    %get3A_1126 = tpu.vector_load %arg7[%get3A_1123, %get3A_1124, %get3A_1125] {strides = array<i32>} : memref<16x16x128xf32, #tpu.memory_space<vmem>>, vector<16xf32>,
    %add3A_1127 = arith.addf %add3A_1120, %get3A_1126 : vector<16xf32>
    %get3A_1128 = arith.constant 6 : i32
    %get3A_1129 = arith.constant 15 : i32
    %get3A_1130 = arith.index_cast %get3A_1128 : i32 to index
    %get3A_1131 = arith.index_cast %get3A_1129 : i32 to index
    %get3A_1132 = arith.constant 0 : index
    %get3A_1133 = tpu.vector_load %arg7[%get3A_1130, %get3A_1131, %get3A_1132] {strides = array<i32>} : memref<16x16x128xf32, #tpu.memory_space<vmem>>, vector<16xf32>,
    %add3A_1134 = arith.addf %add3A_1127, %get3A_1133 : vector<16xf32>
    %get3A_1135 = arith.constant 7 : i32
    %get3A_1136 = arith.constant 0 : i32
    %get3A_1137 = arith.index_cast %get3A_1135 : i32 to index
    %get3A_1138 = arith.index_cast %get3A_1136 : i32 to index
    %get3A_1139 = arith.constant 0 : index
    %get3A_1140 = tpu.vector_load %arg7[%get3A_1137, %get3A_1138, %get3A_1139] {strides = array<i32>} : memref<16x16x128xf32, #tpu.memory_space<vmem>>, vector<16xf32>,
    %add3A_1141 = arith.addf %add3A_1134, %get3A_1140 : vector<16xf32>
    %get3A_1142 = arith.constant 7 : i32
    %get3A_1143 = arith.constant 1 : i32
    %get3A_1144 = arith.index_cast %get3A_1142 : i32 to index
    %get3A_1145 = arith.index_cast %get3A_1143 : i32 to index
    %get3A_1146 = arith.constant 0 : index
    %get3A_1147 = tpu.vector_load %arg7[%get3A_1144, %get3A_1145, %get3A_1146] {strides = array<i32>} : memref<16x16x128xf32, #tpu.memory_space<vmem>>, vector<16xf32>,
    %add3A_1148 = arith.addf %add3A_1141, %get3A_1147 : vector<16xf32>
    %get3A_1149 = arith.constant 7 : i32
    %get3A_1150 = arith.constant 2 : i32
    %get3A_1151 = arith.index_cast %get3A_1149 : i32 to index
    %get3A_1152 = arith.index_cast %get3A_1150 : i32 to index
    %get3A_1153 = arith.constant 0 : index
    %get3A_1154 = tpu.vector_load %arg7[%get3A_1151, %get3A_1152, %get3A_1153] {strides = array<i32>} : memref<16x16x128xf32, #tpu.memory_space<vmem>>, vector<16xf32>,
    %add3A_1155 = arith.addf %add3A_1148, %get3A_1154 : vector<16xf32>
    %get3A_1156 = arith.constant 7 : i32
    %get3A_1157 = arith.constant 3 : i32
    %get3A_1158 = arith.index_cast %get3A_1156 : i32 to index
    %get3A_1159 = arith.index_cast %get3A_1157 : i32 to index
    %get3A_1160 = arith.constant 0 : index
    %get3A_1161 = tpu.vector_load %arg7[%get3A_1158, %get3A_1159, %get3A_1160] {strides = array<i32>} : memref<16x16x128xf32, #tpu.memory_space<vmem>>, vector<16xf32>,
    %add3A_1162 = arith.addf %add3A_1155, %get3A_1161 : vector<16xf32>
    %get3A_1163 = arith.constant 7 : i32
    %get3A_1164 = arith.constant 4 : i32
    %get3A_1165 = arith.index_cast %get3A_1163 : i32 to index
    %get3A_1166 = arith.index_cast %get3A_1164 : i32 to index
    %get3A_1167 = arith.constant 0 : index
    %get3A_1168 = tpu.vector_load %arg7[%get3A_1165, %get3A_1166, %get3A_1167] {strides = array<i32>} : memref<16x16x128xf32, #tpu.memory_space<vmem>>, vector<16xf32>,
    %add3A_1169 = arith.addf %add3A_1162, %get3A_1168 : vector<16xf32>
    %get3A_1170 = arith.constant 7 : i32
    %get3A_1171 = arith.constant 5 : i32
    %get3A_1172 = arith.index_cast %get3A_1170 : i32 to index
    %get3A_1173 = arith.index_cast %get3A_1171 : i32 to index
    %get3A_1174 = arith.constant 0 : index
    %get3A_1175 = tpu.vector_load %arg7[%get3A_1172, %get3A_1173, %get3A_1174] {strides = array<i32>} : memref<16x16x128xf32, #tpu.memory_space<vmem>>, vector<16xf32>,
    %add3A_1176 = arith.addf %add3A_1169, %get3A_1175 : vector<16xf32>
    %get3A_1177 = arith.constant 7 : i32
    %get3A_1178 = arith.constant 6 : i32
    %get3A_1179 = arith.index_cast %get3A_1177 : i32 to index
    %get3A_1180 = arith.index_cast %get3A_1178 : i32 to index
    %get3A_1181 = arith.constant 0 : index
    %get3A_1182 = tpu.vector_load %arg7[%get3A_1179, %get3A_1180, %get3A_1181] {strides = array<i32>} : memref<16x16x128xf32, #tpu.memory_space<vmem>>, vector<16xf32>,
    %add3A_1183 = arith.addf %add3A_1176, %get3A_1182 : vector<16xf32>
    %get3A_1184 = arith.constant 7 : i32
    %get3A_1185 = arith.constant 7 : i32
    %get3A_1186 = arith.index_cast %get3A_1184 : i32 to index
    %get3A_1187 = arith.index_cast %get3A_1185 : i32 to index
    %get3A_1188 = arith.constant 0 : index
    %get3A_1189 = tpu.vector_load %arg7[%get3A_1186, %get3A_1187, %get3A_1188] {strides = array<i32>} : memref<16x16x128xf32, #tpu.memory_space<vmem>>, vector<16xf32>,
    %add3A_1190 = arith.addf %add3A_1183, %get3A_1189 : vector<16xf32>
    %get3A_1191 = arith.constant 7 : i32
    %get3A_1192 = arith.constant 8 : i32
    %get3A_1193 = arith.index_cast %get3A_1191 : i32 to index
    %get3A_1194 = arith.index_cast %get3A_1192 : i32 to index
    %get3A_1195 = arith.constant 0 : index
    %get3A_1196 = tpu.vector_load %arg7[%get3A_1193, %get3A_1194, %get3A_1195] {strides = array<i32>} : memref<16x16x128xf32, #tpu.memory_space<vmem>>, vector<16xf32>,
    %add3A_1197 = arith.addf %add3A_1190, %get3A_1196 : vector<16xf32>
    %get3A_1198 = arith.constant 7 : i32
    %get3A_1199 = arith.constant 9 : i32
    %get3A_1200 = arith.index_cast %get3A_1198 : i32 to index
    %get3A_1201 = arith.index_cast %get3A_1199 : i32 to index
    %get3A_1202 = arith.constant 0 : index
    %get3A_1203 = tpu.vector_load %arg7[%get3A_1200, %get3A_1201, %get3A_1202] {strides = array<i32>} : memref<16x16x128xf32, #tpu.memory_space<vmem>>, vector<16xf32>,
    %add3A_1204 = arith.addf %add3A_1197, %get3A_1203 : vector<16xf32>
    %get3A_1205 = arith.constant 7 : i32
    %get3A_1206 = arith.constant 10 : i32
    %get3A_1207 = arith.index_cast %get3A_1205 : i32 to index
    %get3A_1208 = arith.index_cast %get3A_1206 : i32 to index
    %get3A_1209 = arith.constant 0 : index
    %get3A_1210 = tpu.vector_load %arg7[%get3A_1207, %get3A_1208, %get3A_1209] {strides = array<i32>} : memref<16x16x128xf32, #tpu.memory_space<vmem>>, vector<16xf32>,
    %add3A_1211 = arith.addf %add3A_1204, %get3A_1210 : vector<16xf32>
    %get3A_1212 = arith.constant 7 : i32
    %get3A_1213 = arith.constant 11 : i32
    %get3A_1214 = arith.index_cast %get3A_1212 : i32 to index
    %get3A_1215 = arith.index_cast %get3A_1213 : i32 to index
    %get3A_1216 = arith.constant 0 : index
    %get3A_1217 = tpu.vector_load %arg7[%get3A_1214, %get3A_1215, %get3A_1216] {strides = array<i32>} : memref<16x16x128xf32, #tpu.memory_space<vmem>>, vector<16xf32>,
    %add3A_1218 = arith.addf %add3A_1211, %get3A_1217 : vector<16xf32>
    %get3A_1219 = arith.constant 7 : i32
    %get3A_1220 = arith.constant 12 : i32
    %get3A_1221 = arith.index_cast %get3A_1219 : i32 to index
    %get3A_1222 = arith.index_cast %get3A_1220 : i32 to index
    %get3A_1223 = arith.constant 0 : index
    %get3A_1224 = tpu.vector_load %arg7[%get3A_1221, %get3A_1222, %get3A_1223] {strides = array<i32>} : memref<16x16x128xf32, #tpu.memory_space<vmem>>, vector<16xf32>,
    %add3A_1225 = arith.addf %add3A_1218, %get3A_1224 : vector<16xf32>
    %get3A_1226 = arith.constant 7 : i32
    %get3A_1227 = arith.constant 13 : i32
    %get3A_1228 = arith.index_cast %get3A_1226 : i32 to index
    %get3A_1229 = arith.index_cast %get3A_1227 : i32 to index
    %get3A_1230 = arith.constant 0 : index
    %get3A_1231 = tpu.vector_load %arg7[%get3A_1228, %get3A_1229, %get3A_1230] {strides = array<i32>} : memref<16x16x128xf32, #tpu.memory_space<vmem>>, vector<16xf32>,
    %add3A_1232 = arith.addf %add3A_1225, %get3A_1231 : vector<16xf32>
    %get3A_1233 = arith.constant 7 : i32
    %get3A_1234 = arith.constant 14 : i32
    %get3A_1235 = arith.index_cast %get3A_1233 : i32 to index
    %get3A_1236 = arith.index_cast %get3A_1234 : i32 to index
    %get3A_1237 = arith.constant 0 : index
    %get3A_1238 = tpu.vector_load %arg7[%get3A_1235, %get3A_1236, %get3A_1237] {strides = array<i32>} : memref<16x16x128xf32, #tpu.memory_space<vmem>>, vector<16xf32>,
    %add3A_1239 = arith.addf %add3A_1232, %get3A_1238 : vector<16xf32>
    %get3A_1240 = arith.constant 7 : i32
    %get3A_1241 = arith.constant 15 : i32
    %get3A_1242 = arith.index_cast %get3A_1240 : i32 to index
    %get3A_1243 = arith.index_cast %get3A_1241 : i32 to index
    %get3A_1244 = arith.constant 0 : index
    %get3A_1245 = tpu.vector_load %arg7[%get3A_1242, %get3A_1243, %get3A_1244] {strides = array<i32>} : memref<16x16x128xf32, #tpu.memory_space<vmem>>, vector<16xf32>,
    %add3A_1246 = arith.addf %add3A_1239, %get3A_1245 : vector<16xf32>
    %get3A_1247 = arith.constant 8 : i32
    %get3A_1248 = arith.constant 0 : i32
    %get3A_1249 = arith.index_cast %get3A_1247 : i32 to index
    %get3A_1250 = arith.index_cast %get3A_1248 : i32 to index
    %get3A_1251 = arith.constant 0 : index
    %get3A_1252 = tpu.vector_load %arg7[%get3A_1249, %get3A_1250, %get3A_1251] {strides = array<i32>} : memref<16x16x128xf32, #tpu.memory_space<vmem>>, vector<16xf32>,
    %add3A_1253 = arith.addf %add3A_1246, %get3A_1252 : vector<16xf32>
    %get3A_1254 = arith.constant 8 : i32
    %get3A_1255 = arith.constant 1 : i32
    %get3A_1256 = arith.index_cast %get3A_1254 : i32 to index
    %get3A_1257 = arith.index_cast %get3A_1255 : i32 to index
    %get3A_1258 = arith.constant 0 : index
    %get3A_1259 = tpu.vector_load %arg7[%get3A_1256, %get3A_1257, %get3A_1258] {strides = array<i32>} : memref<16x16x128xf32, #tpu.memory_space<vmem>>, vector<16xf32>,
    %add3A_1260 = arith.addf %add3A_1253, %get3A_1259 : vector<16xf32>
    %get3A_1261 = arith.constant 8 : i32
    %get3A_1262 = arith.constant 2 : i32
    %get3A_1263 = arith.index_cast %get3A_1261 : i32 to index
    %get3A_1264 = arith.index_cast %get3A_1262 : i32 to index
    %get3A_1265 = arith.constant 0 : index
    %get3A_1266 = tpu.vector_load %arg7[%get3A_1263, %get3A_1264, %get3A_1265] {strides = array<i32>} : memref<16x16x128xf32, #tpu.memory_space<vmem>>, vector<16xf32>,
    %add3A_1267 = arith.addf %add3A_1260, %get3A_1266 : vector<16xf32>
    %get3A_1268 = arith.constant 8 : i32
    %get3A_1269 = arith.constant 3 : i32
    %get3A_1270 = arith.index_cast %get3A_1268 : i32 to index
    %get3A_1271 = arith.index_cast %get3A_1269 : i32 to index
    %get3A_1272 = arith.constant 0 : index
    %get3A_1273 = tpu.vector_load %arg7[%get3A_1270, %get3A_1271, %get3A_1272] {strides = array<i32>} : memref<16x16x128xf32, #tpu.memory_space<vmem>>, vector<16xf32>,
    %add3A_1274 = arith.addf %add3A_1267, %get3A_1273 : vector<16xf32>
    %get3A_1275 = arith.constant 8 : i32
    %get3A_1276 = arith.constant 4 : i32
    %get3A_1277 = arith.index_cast %get3A_1275 : i32 to index
    %get3A_1278 = arith.index_cast %get3A_1276 : i32 to index
    %get3A_1279 = arith.constant 0 : index
    %get3A_1280 = tpu.vector_load %arg7[%get3A_1277, %get3A_1278, %get3A_1279] {strides = array<i32>} : memref<16x16x128xf32, #tpu.memory_space<vmem>>, vector<16xf32>,
    %add3A_1281 = arith.addf %add3A_1274, %get3A_1280 : vector<16xf32>
    %get3A_1282 = arith.constant 8 : i32
    %get3A_1283 = arith.constant 5 : i32
    %get3A_1284 = arith.index_cast %get3A_1282 : i32 to index
    %get3A_1285 = arith.index_cast %get3A_1283 : i32 to index
    %get3A_1286 = arith.constant 0 : index
    %get3A_1287 = tpu.vector_load %arg7[%get3A_1284, %get3A_1285, %get3A_1286] {strides = array<i32>} : memref<16x16x128xf32, #tpu.memory_space<vmem>>, vector<16xf32>,
    %add3A_1288 = arith.addf %add3A_1281, %get3A_1287 : vector<16xf32>
    %get3A_1289 = arith.constant 8 : i32
    %get3A_1290 = arith.constant 6 : i32
    %get3A_1291 = arith.index_cast %get3A_1289 : i32 to index
    %get3A_1292 = arith.index_cast %get3A_1290 : i32 to index
    %get3A_1293 = arith.constant 0 : index
    %get3A_1294 = tpu.vector_load %arg7[%get3A_1291, %get3A_1292, %get3A_1293] {strides = array<i32>} : memref<16x16x128xf32, #tpu.memory_space<vmem>>, vector<16xf32>,
    %add3A_1295 = arith.addf %add3A_1288, %get3A_1294 : vector<16xf32>
    %get3A_1296 = arith.constant 8 : i32
    %get3A_1297 = arith.constant 7 : i32
    %get3A_1298 = arith.index_cast %get3A_1296 : i32 to index
    %get3A_1299 = arith.index_cast %get3A_1297 : i32 to index
    %get3A_1300 = arith.constant 0 : index
    %get3A_1301 = tpu.vector_load %arg7[%get3A_1298, %get3A_1299, %get3A_1300] {strides = array<i32>} : memref<16x16x128xf32, #tpu.memory_space<vmem>>, vector<16xf32>,
    %add3A_1302 = arith.addf %add3A_1295, %get3A_1301 : vector<16xf32>
    %get3A_1303 = arith.constant 8 : i32
    %get3A_1304 = arith.constant 8 : i32
    %get3A_1305 = arith.index_cast %get3A_1303 : i32 to index
    %get3A_1306 = arith.index_cast %get3A_1304 : i32 to index
    %get3A_1307 = arith.constant 0 : index
    %get3A_1308 = tpu.vector_load %arg7[%get3A_1305, %get3A_1306, %get3A_1307] {strides = array<i32>} : memref<16x16x128xf32, #tpu.memory_space<vmem>>, vector<16xf32>,
    %add3A_1309 = arith.addf %add3A_1302, %get3A_1308 : vector<16xf32>
    %get3A_1310 = arith.constant 8 : i32
    %get3A_1311 = arith.constant 9 : i32
    %get3A_1312 = arith.index_cast %get3A_1310 : i32 to index
    %get3A_1313 = arith.index_cast %get3A_1311 : i32 to index
    %get3A_1314 = arith.constant 0 : index
    %get3A_1315 = tpu.vector_load %arg7[%get3A_1312, %get3A_1313, %get3A_1314] {strides = array<i32>} : memref<16x16x128xf32, #tpu.memory_space<vmem>>, vector<16xf32>,
    %add3A_1316 = arith.addf %add3A_1309, %get3A_1315 : vector<16xf32>
    %get3A_1317 = arith.constant 8 : i32
    %get3A_1318 = arith.constant 10 : i32
    %get3A_1319 = arith.index_cast %get3A_1317 : i32 to index
    %get3A_1320 = arith.index_cast %get3A_1318 : i32 to index
    %get3A_1321 = arith.constant 0 : index
    %get3A_1322 = tpu.vector_load %arg7[%get3A_1319, %get3A_1320, %get3A_1321] {strides = array<i32>} : memref<16x16x128xf32, #tpu.memory_space<vmem>>, vector<16xf32>,
    %add3A_1323 = arith.addf %add3A_1316, %get3A_1322 : vector<16xf32>
    %get3A_1324 = arith.constant 8 : i32
    %get3A_1325 = arith.constant 11 : i32
    %get3A_1326 = arith.index_cast %get3A_1324 : i32 to index
    %get3A_1327 = arith.index_cast %get3A_1325 : i32 to index
    %get3A_1328 = arith.constant 0 : index
    %get3A_1329 = tpu.vector_load %arg7[%get3A_1326, %get3A_1327, %get3A_1328] {strides = array<i32>} : memref<16x16x128xf32, #tpu.memory_space<vmem>>, vector<16xf32>,
    %add3A_1330 = arith.addf %add3A_1323, %get3A_1329 : vector<16xf32>
    %get3A_1331 = arith.constant 8 : i32
    %get3A_1332 = arith.constant 12 : i32
    %get3A_1333 = arith.index_cast %get3A_1331 : i32 to index
    %get3A_1334 = arith.index_cast %get3A_1332 : i32 to index
    %get3A_1335 = arith.constant 0 : index
    %get3A_1336 = tpu.vector_load %arg7[%get3A_1333, %get3A_1334, %get3A_1335] {strides = array<i32>} : memref<16x16x128xf32, #tpu.memory_space<vmem>>, vector<16xf32>,
    %add3A_1337 = arith.addf %add3A_1330, %get3A_1336 : vector<16xf32>
    %get3A_1338 = arith.constant 8 : i32
    %get3A_1339 = arith.constant 13 : i32
    %get3A_1340 = arith.index_cast %get3A_1338 : i32 to index
    %get3A_1341 = arith.index_cast %get3A_1339 : i32 to index
    %get3A_1342 = arith.constant 0 : index
    %get3A_1343 = tpu.vector_load %arg7[%get3A_1340, %get3A_1341, %get3A_1342] {strides = array<i32>} : memref<16x16x128xf32, #tpu.memory_space<vmem>>, vector<16xf32>,
    %add3A_1344 = arith.addf %add3A_1337, %get3A_1343 : vector<16xf32>
    %get3A_1345 = arith.constant 8 : i32
    %get3A_1346 = arith.constant 14 : i32
    %get3A_1347 = arith.index_cast %get3A_1345 : i32 to index
    %get3A_1348 = arith.index_cast %get3A_1346 : i32 to index
    %get3A_1349 = arith.constant 0 : index
    %get3A_1350 = tpu.vector_load %arg7[%get3A_1347, %get3A_1348, %get3A_1349] {strides = array<i32>} : memref<16x16x128xf32, #tpu.memory_space<vmem>>, vector<16xf32>,
    %add3A_1351 = arith.addf %add3A_1344, %get3A_1350 : vector<16xf32>
    %get3A_1352 = arith.constant 8 : i32
    %get3A_1353 = arith.constant 15 : i32
    %get3A_1354 = arith.index_cast %get3A_1352 : i32 to index
    %get3A_1355 = arith.index_cast %get3A_1353 : i32 to index
    %get3A_1356 = arith.constant 0 : index
    %get3A_1357 = tpu.vector_load %arg7[%get3A_1354, %get3A_1355, %get3A_1356] {strides = array<i32>} : memref<16x16x128xf32, #tpu.memory_space<vmem>>, vector<16xf32>,
    %add3A_1358 = arith.addf %add3A_1351, %get3A_1357 : vector<16xf32>
    %get3A_1359 = arith.constant 9 : i32
    %get3A_1360 = arith.constant 0 : i32
    %get3A_1361 = arith.index_cast %get3A_1359 : i32 to index
    %get3A_1362 = arith.index_cast %get3A_1360 : i32 to index
    %get3A_1363 = arith.constant 0 : index
    %get3A_1364 = tpu.vector_load %arg7[%get3A_1361, %get3A_1362, %get3A_1363] {strides = array<i32>} : memref<16x16x128xf32, #tpu.memory_space<vmem>>, vector<16xf32>,
    %add3A_1365 = arith.addf %add3A_1358, %get3A_1364 : vector<16xf32>
    %get3A_1366 = arith.constant 9 : i32
    %get3A_1367 = arith.constant 1 : i32
    %get3A_1368 = arith.index_cast %get3A_1366 : i32 to index
    %get3A_1369 = arith.index_cast %get3A_1367 : i32 to index
    %get3A_1370 = arith.constant 0 : index
    %get3A_1371 = tpu.vector_load %arg7[%get3A_1368, %get3A_1369, %get3A_1370] {strides = array<i32>} : memref<16x16x128xf32, #tpu.memory_space<vmem>>, vector<16xf32>,
    %add3A_1372 = arith.addf %add3A_1365, %get3A_1371 : vector<16xf32>
    %get3A_1373 = arith.constant 9 : i32
    %get3A_1374 = arith.constant 2 : i32
    %get3A_1375 = arith.index_cast %get3A_1373 : i32 to index
    %get3A_1376 = arith.index_cast %get3A_1374 : i32 to index
    %get3A_1377 = arith.constant 0 : index
    %get3A_1378 = tpu.vector_load %arg7[%get3A_1375, %get3A_1376, %get3A_1377] {strides = array<i32>} : memref<16x16x128xf32, #tpu.memory_space<vmem>>, vector<16xf32>,
    %add3A_1379 = arith.addf %add3A_1372, %get3A_1378 : vector<16xf32>
    %get3A_1380 = arith.constant 9 : i32
    %get3A_1381 = arith.constant 3 : i32
    %get3A_1382 = arith.index_cast %get3A_1380 : i32 to index
    %get3A_1383 = arith.index_cast %get3A_1381 : i32 to index
    %get3A_1384 = arith.constant 0 : index
    %get3A_1385 = tpu.vector_load %arg7[%get3A_1382, %get3A_1383, %get3A_1384] {strides = array<i32>} : memref<16x16x128xf32, #tpu.memory_space<vmem>>, vector<16xf32>,
    %add3A_1386 = arith.addf %add3A_1379, %get3A_1385 : vector<16xf32>
    %get3A_1387 = arith.constant 9 : i32
    %get3A_1388 = arith.constant 4 : i32
    %get3A_1389 = arith.index_cast %get3A_1387 : i32 to index
    %get3A_1390 = arith.index_cast %get3A_1388 : i32 to index
    %get3A_1391 = arith.constant 0 : index
    %get3A_1392 = tpu.vector_load %arg7[%get3A_1389, %get3A_1390, %get3A_1391] {strides = array<i32>} : memref<16x16x128xf32, #tpu.memory_space<vmem>>, vector<16xf32>,
    %add3A_1393 = arith.addf %add3A_1386, %get3A_1392 : vector<16xf32>
    %get3A_1394 = arith.constant 9 : i32
    %get3A_1395 = arith.constant 5 : i32
    %get3A_1396 = arith.index_cast %get3A_1394 : i32 to index
    %get3A_1397 = arith.index_cast %get3A_1395 : i32 to index
    %get3A_1398 = arith.constant 0 : index
    %get3A_1399 = tpu.vector_load %arg7[%get3A_1396, %get3A_1397, %get3A_1398] {strides = array<i32>} : memref<16x16x128xf32, #tpu.memory_space<vmem>>, vector<16xf32>,
    %add3A_1400 = arith.addf %add3A_1393, %get3A_1399 : vector<16xf32>
    %get3A_1401 = arith.constant 9 : i32
    %get3A_1402 = arith.constant 6 : i32
    %get3A_1403 = arith.index_cast %get3A_1401 : i32 to index
    %get3A_1404 = arith.index_cast %get3A_1402 : i32 to index
    %get3A_1405 = arith.constant 0 : index
    %get3A_1406 = tpu.vector_load %arg7[%get3A_1403, %get3A_1404, %get3A_1405] {strides = array<i32>} : memref<16x16x128xf32, #tpu.memory_space<vmem>>, vector<16xf32>,
    %add3A_1407 = arith.addf %add3A_1400, %get3A_1406 : vector<16xf32>
    %get3A_1408 = arith.constant 9 : i32
    %get3A_1409 = arith.constant 7 : i32
    %get3A_1410 = arith.index_cast %get3A_1408 : i32 to index
    %get3A_1411 = arith.index_cast %get3A_1409 : i32 to index
    %get3A_1412 = arith.constant 0 : index
    %get3A_1413 = tpu.vector_load %arg7[%get3A_1410, %get3A_1411, %get3A_1412] {strides = array<i32>} : memref<16x16x128xf32, #tpu.memory_space<vmem>>, vector<16xf32>,
    %add3A_1414 = arith.addf %add3A_1407, %get3A_1413 : vector<16xf32>
    %get3A_1415 = arith.constant 9 : i32
    %get3A_1416 = arith.constant 8 : i32
    %get3A_1417 = arith.index_cast %get3A_1415 : i32 to index
    %get3A_1418 = arith.index_cast %get3A_1416 : i32 to index
    %get3A_1419 = arith.constant 0 : index
    %get3A_1420 = tpu.vector_load %arg7[%get3A_1417, %get3A_1418, %get3A_1419] {strides = array<i32>} : memref<16x16x128xf32, #tpu.memory_space<vmem>>, vector<16xf32>,
    %add3A_1421 = arith.addf %add3A_1414, %get3A_1420 : vector<16xf32>
    %get3A_1422 = arith.constant 9 : i32
    %get3A_1423 = arith.constant 9 : i32
    %get3A_1424 = arith.index_cast %get3A_1422 : i32 to index
    %get3A_1425 = arith.index_cast %get3A_1423 : i32 to index
    %get3A_1426 = arith.constant 0 : index
    %get3A_1427 = tpu.vector_load %arg7[%get3A_1424, %get3A_1425, %get3A_1426] {strides = array<i32>} : memref<16x16x128xf32, #tpu.memory_space<vmem>>, vector<16xf32>,
    %add3A_1428 = arith.addf %add3A_1421, %get3A_1427 : vector<16xf32>
    %get3A_1429 = arith.constant 9 : i32
    %get3A_1430 = arith.constant 10 : i32
    %get3A_1431 = arith.index_cast %get3A_1429 : i32 to index
    %get3A_1432 = arith.index_cast %get3A_1430 : i32 to index
    %get3A_1433 = arith.constant 0 : index
    %get3A_1434 = tpu.vector_load %arg7[%get3A_1431, %get3A_1432, %get3A_1433] {strides = array<i32>} : memref<16x16x128xf32, #tpu.memory_space<vmem>>, vector<16xf32>,
    %add3A_1435 = arith.addf %add3A_1428, %get3A_1434 : vector<16xf32>
    %get3A_1436 = arith.constant 9 : i32
    %get3A_1437 = arith.constant 11 : i32
    %get3A_1438 = arith.index_cast %get3A_1436 : i32 to index
    %get3A_1439 = arith.index_cast %get3A_1437 : i32 to index
    %get3A_1440 = arith.constant 0 : index
    %get3A_1441 = tpu.vector_load %arg7[%get3A_1438, %get3A_1439, %get3A_1440] {strides = array<i32>} : memref<16x16x128xf32, #tpu.memory_space<vmem>>, vector<16xf32>,
    %add3A_1442 = arith.addf %add3A_1435, %get3A_1441 : vector<16xf32>
    %get3A_1443 = arith.constant 9 : i32
    %get3A_1444 = arith.constant 12 : i32
    %get3A_1445 = arith.index_cast %get3A_1443 : i32 to index
    %get3A_1446 = arith.index_cast %get3A_1444 : i32 to index
    %get3A_1447 = arith.constant 0 : index
    %get3A_1448 = tpu.vector_load %arg7[%get3A_1445, %get3A_1446, %get3A_1447] {strides = array<i32>} : memref<16x16x128xf32, #tpu.memory_space<vmem>>, vector<16xf32>,
    %add3A_1449 = arith.addf %add3A_1442, %get3A_1448 : vector<16xf32>
    %get3A_1450 = arith.constant 9 : i32
    %get3A_1451 = arith.constant 13 : i32
    %get3A_1452 = arith.index_cast %get3A_1450 : i32 to index
    %get3A_1453 = arith.index_cast %get3A_1451 : i32 to index
    %get3A_1454 = arith.constant 0 : index
    %get3A_1455 = tpu.vector_load %arg7[%get3A_1452, %get3A_1453, %get3A_1454] {strides = array<i32>} : memref<16x16x128xf32, #tpu.memory_space<vmem>>, vector<16xf32>,
    %add3A_1456 = arith.addf %add3A_1449, %get3A_1455 : vector<16xf32>
    %get3A_1457 = arith.constant 9 : i32
    %get3A_1458 = arith.constant 14 : i32
    %get3A_1459 = arith.index_cast %get3A_1457 : i32 to index
    %get3A_1460 = arith.index_cast %get3A_1458 : i32 to index
    %get3A_1461 = arith.constant 0 : index
    %get3A_1462 = tpu.vector_load %arg7[%get3A_1459, %get3A_1460, %get3A_1461] {strides = array<i32>} : memref<16x16x128xf32, #tpu.memory_space<vmem>>, vector<16xf32>,
    %add3A_1463 = arith.addf %add3A_1456, %get3A_1462 : vector<16xf32>
    %get3A_1464 = arith.constant 9 : i32
    %get3A_1465 = arith.constant 15 : i32
    %get3A_1466 = arith.index_cast %get3A_1464 : i32 to index
    %get3A_1467 = arith.index_cast %get3A_1465 : i32 to index
    %get3A_1468 = arith.constant 0 : index
    %get3A_1469 = tpu.vector_load %arg7[%get3A_1466, %get3A_1467, %get3A_1468] {strides = array<i32>} : memref<16x16x128xf32, #tpu.memory_space<vmem>>, vector<16xf32>,
    %add3A_1470 = arith.addf %add3A_1463, %get3A_1469 : vector<16xf32>
    %get3A_1471 = arith.constant 10 : i32
    %get3A_1472 = arith.constant 0 : i32
    %get3A_1473 = arith.index_cast %get3A_1471 : i32 to index
    %get3A_1474 = arith.index_cast %get3A_1472 : i32 to index
    %get3A_1475 = arith.constant 0 : index
    %get3A_1476 = tpu.vector_load %arg7[%get3A_1473, %get3A_1474, %get3A_1475] {strides = array<i32>} : memref<16x16x128xf32, #tpu.memory_space<vmem>>, vector<16xf32>,
    %add3A_1477 = arith.addf %add3A_1470, %get3A_1476 : vector<16xf32>
    %get3A_1478 = arith.constant 10 : i32
    %get3A_1479 = arith.constant 1 : i32
    %get3A_1480 = arith.index_cast %get3A_1478 : i32 to index
    %get3A_1481 = arith.index_cast %get3A_1479 : i32 to index
    %get3A_1482 = arith.constant 0 : index
    %get3A_1483 = tpu.vector_load %arg7[%get3A_1480, %get3A_1481, %get3A_1482] {strides = array<i32>} : memref<16x16x128xf32, #tpu.memory_space<vmem>>, vector<16xf32>,
    %add3A_1484 = arith.addf %add3A_1477, %get3A_1483 : vector<16xf32>
    %get3A_1485 = arith.constant 10 : i32
    %get3A_1486 = arith.constant 2 : i32
    %get3A_1487 = arith.index_cast %get3A_1485 : i32 to index
    %get3A_1488 = arith.index_cast %get3A_1486 : i32 to index
    %get3A_1489 = arith.constant 0 : index
    %get3A_1490 = tpu.vector_load %arg7[%get3A_1487, %get3A_1488, %get3A_1489] {strides = array<i32>} : memref<16x16x128xf32, #tpu.memory_space<vmem>>, vector<16xf32>,
    %add3A_1491 = arith.addf %add3A_1484, %get3A_1490 : vector<16xf32>
    %get3A_1492 = arith.constant 10 : i32
    %get3A_1493 = arith.constant 3 : i32
    %get3A_1494 = arith.index_cast %get3A_1492 : i32 to index
    %get3A_1495 = arith.index_cast %get3A_1493 : i32 to index
    %get3A_1496 = arith.constant 0 : index
    %get3A_1497 = tpu.vector_load %arg7[%get3A_1494, %get3A_1495, %get3A_1496] {strides = array<i32>} : memref<16x16x128xf32, #tpu.memory_space<vmem>>, vector<16xf32>,
    %add3A_1498 = arith.addf %add3A_1491, %get3A_1497 : vector<16xf32>
    %get3A_1499 = arith.constant 10 : i32
    %get3A_1500 = arith.constant 4 : i32
    %get3A_1501 = arith.index_cast %get3A_1499 : i32 to index
    %get3A_1502 = arith.index_cast %get3A_1500 : i32 to index
    %get3A_1503 = arith.constant 0 : index
    %get3A_1504 = tpu.vector_load %arg7[%get3A_1501, %get3A_1502, %get3A_1503] {strides = array<i32>} : memref<16x16x128xf32, #tpu.memory_space<vmem>>, vector<16xf32>,
    %add3A_1505 = arith.addf %add3A_1498, %get3A_1504 : vector<16xf32>
    %get3A_1506 = arith.constant 10 : i32
    %get3A_1507 = arith.constant 5 : i32
    %get3A_1508 = arith.index_cast %get3A_1506 : i32 to index
    %get3A_1509 = arith.index_cast %get3A_1507 : i32 to index
    %get3A_1510 = arith.constant 0 : index
    %get3A_1511 = tpu.vector_load %arg7[%get3A_1508, %get3A_1509, %get3A_1510] {strides = array<i32>} : memref<16x16x128xf32, #tpu.memory_space<vmem>>, vector<16xf32>,
    %add3A_1512 = arith.addf %add3A_1505, %get3A_1511 : vector<16xf32>
    %get3A_1513 = arith.constant 10 : i32
    %get3A_1514 = arith.constant 6 : i32
    %get3A_1515 = arith.index_cast %get3A_1513 : i32 to index
    %get3A_1516 = arith.index_cast %get3A_1514 : i32 to index
    %get3A_1517 = arith.constant 0 : index
    %get3A_1518 = tpu.vector_load %arg7[%get3A_1515, %get3A_1516, %get3A_1517] {strides = array<i32>} : memref<16x16x128xf32, #tpu.memory_space<vmem>>, vector<16xf32>,
    %add3A_1519 = arith.addf %add3A_1512, %get3A_1518 : vector<16xf32>
    %get3A_1520 = arith.constant 10 : i32
    %get3A_1521 = arith.constant 7 : i32
    %get3A_1522 = arith.index_cast %get3A_1520 : i32 to index
    %get3A_1523 = arith.index_cast %get3A_1521 : i32 to index
    %get3A_1524 = arith.constant 0 : index
    %get3A_1525 = tpu.vector_load %arg7[%get3A_1522, %get3A_1523, %get3A_1524] {strides = array<i32>} : memref<16x16x128xf32, #tpu.memory_space<vmem>>, vector<16xf32>,
    %add3A_1526 = arith.addf %add3A_1519, %get3A_1525 : vector<16xf32>
    %get3A_1527 = arith.constant 10 : i32
    %get3A_1528 = arith.constant 8 : i32
    %get3A_1529 = arith.index_cast %get3A_1527 : i32 to index
    %get3A_1530 = arith.index_cast %get3A_1528 : i32 to index
    %get3A_1531 = arith.constant 0 : index
    %get3A_1532 = tpu.vector_load %arg7[%get3A_1529, %get3A_1530, %get3A_1531] {strides = array<i32>} : memref<16x16x128xf32, #tpu.memory_space<vmem>>, vector<16xf32>,
    %add3A_1533 = arith.addf %add3A_1526, %get3A_1532 : vector<16xf32>
    %get3A_1534 = arith.constant 10 : i32
    %get3A_1535 = arith.constant 9 : i32
    %get3A_1536 = arith.index_cast %get3A_1534 : i32 to index
    %get3A_1537 = arith.index_cast %get3A_1535 : i32 to index
    %get3A_1538 = arith.constant 0 : index
    %get3A_1539 = tpu.vector_load %arg7[%get3A_1536, %get3A_1537, %get3A_1538] {strides = array<i32>} : memref<16x16x128xf32, #tpu.memory_space<vmem>>, vector<16xf32>,
    %add3A_1540 = arith.addf %add3A_1533, %get3A_1539 : vector<16xf32>
    %get3A_1541 = arith.constant 10 : i32
    %get3A_1542 = arith.constant 10 : i32
    %get3A_1543 = arith.index_cast %get3A_1541 : i32 to index
    %get3A_1544 = arith.index_cast %get3A_1542 : i32 to index
    %get3A_1545 = arith.constant 0 : index
    %get3A_1546 = tpu.vector_load %arg7[%get3A_1543, %get3A_1544, %get3A_1545] {strides = array<i32>} : memref<16x16x128xf32, #tpu.memory_space<vmem>>, vector<16xf32>,
    %add3A_1547 = arith.addf %add3A_1540, %get3A_1546 : vector<16xf32>
    %get3A_1548 = arith.constant 10 : i32
    %get3A_1549 = arith.constant 11 : i32
    %get3A_1550 = arith.index_cast %get3A_1548 : i32 to index
    %get3A_1551 = arith.index_cast %get3A_1549 : i32 to index
    %get3A_1552 = arith.constant 0 : index
    %get3A_1553 = tpu.vector_load %arg7[%get3A_1550, %get3A_1551, %get3A_1552] {strides = array<i32>} : memref<16x16x128xf32, #tpu.memory_space<vmem>>, vector<16xf32>,
    %add3A_1554 = arith.addf %add3A_1547, %get3A_1553 : vector<16xf32>
    %get3A_1555 = arith.constant 10 : i32
    %get3A_1556 = arith.constant 12 : i32
    %get3A_1557 = arith.index_cast %get3A_1555 : i32 to index
    %get3A_1558 = arith.index_cast %get3A_1556 : i32 to index
    %get3A_1559 = arith.constant 0 : index
    %get3A_1560 = tpu.vector_load %arg7[%get3A_1557, %get3A_1558, %get3A_1559] {strides = array<i32>} : memref<16x16x128xf32, #tpu.memory_space<vmem>>, vector<16xf32>,
    %add3A_1561 = arith.addf %add3A_1554, %get3A_1560 : vector<16xf32>
    %get3A_1562 = arith.constant 10 : i32
    %get3A_1563 = arith.constant 13 : i32
    %get3A_1564 = arith.index_cast %get3A_1562 : i32 to index
    %get3A_1565 = arith.index_cast %get3A_1563 : i32 to index
    %get3A_1566 = arith.constant 0 : index
    %get3A_1567 = tpu.vector_load %arg7[%get3A_1564, %get3A_1565, %get3A_1566] {strides = array<i32>} : memref<16x16x128xf32, #tpu.memory_space<vmem>>, vector<16xf32>,
    %add3A_1568 = arith.addf %add3A_1561, %get3A_1567 : vector<16xf32>
    %get3A_1569 = arith.constant 10 : i32
    %get3A_1570 = arith.constant 14 : i32
    %get3A_1571 = arith.index_cast %get3A_1569 : i32 to index
    %get3A_1572 = arith.index_cast %get3A_1570 : i32 to index
    %get3A_1573 = arith.constant 0 : index
    %get3A_1574 = tpu.vector_load %arg7[%get3A_1571, %get3A_1572, %get3A_1573] {strides = array<i32>} : memref<16x16x128xf32, #tpu.memory_space<vmem>>, vector<16xf32>,
    %add3A_1575 = arith.addf %add3A_1568, %get3A_1574 : vector<16xf32>
    %get3A_1576 = arith.constant 10 : i32
    %get3A_1577 = arith.constant 15 : i32
    %get3A_1578 = arith.index_cast %get3A_1576 : i32 to index
    %get3A_1579 = arith.index_cast %get3A_1577 : i32 to index
    %get3A_1580 = arith.constant 0 : index
    %get3A_1581 = tpu.vector_load %arg7[%get3A_1578, %get3A_1579, %get3A_1580] {strides = array<i32>} : memref<16x16x128xf32, #tpu.memory_space<vmem>>, vector<16xf32>,
    %add3A_1582 = arith.addf %add3A_1575, %get3A_1581 : vector<16xf32>
    %get3A_1583 = arith.constant 11 : i32
    %get3A_1584 = arith.constant 0 : i32
    %get3A_1585 = arith.index_cast %get3A_1583 : i32 to index
    %get3A_1586 = arith.index_cast %get3A_1584 : i32 to index
    %get3A_1587 = arith.constant 0 : index
    %get3A_1588 = tpu.vector_load %arg7[%get3A_1585, %get3A_1586, %get3A_1587] {strides = array<i32>} : memref<16x16x128xf32, #tpu.memory_space<vmem>>, vector<16xf32>,
    %add3A_1589 = arith.addf %add3A_1582, %get3A_1588 : vector<16xf32>
    %get3A_1590 = arith.constant 11 : i32
    %get3A_1591 = arith.constant 1 : i32
    %get3A_1592 = arith.index_cast %get3A_1590 : i32 to index
    %get3A_1593 = arith.index_cast %get3A_1591 : i32 to index
    %get3A_1594 = arith.constant 0 : index
    %get3A_1595 = tpu.vector_load %arg7[%get3A_1592, %get3A_1593, %get3A_1594] {strides = array<i32>} : memref<16x16x128xf32, #tpu.memory_space<vmem>>, vector<16xf32>,
    %add3A_1596 = arith.addf %add3A_1589, %get3A_1595 : vector<16xf32>
    %get3A_1597 = arith.constant 11 : i32
    %get3A_1598 = arith.constant 2 : i32
    %get3A_1599 = arith.index_cast %get3A_1597 : i32 to index
    %get3A_1600 = arith.index_cast %get3A_1598 : i32 to index
    %get3A_1601 = arith.constant 0 : index
    %get3A_1602 = tpu.vector_load %arg7[%get3A_1599, %get3A_1600, %get3A_1601] {strides = array<i32>} : memref<16x16x128xf32, #tpu.memory_space<vmem>>, vector<16xf32>,
    %add3A_1603 = arith.addf %add3A_1596, %get3A_1602 : vector<16xf32>
    %get3A_1604 = arith.constant 11 : i32
    %get3A_1605 = arith.constant 3 : i32
    %get3A_1606 = arith.index_cast %get3A_1604 : i32 to index
    %get3A_1607 = arith.index_cast %get3A_1605 : i32 to index
    %get3A_1608 = arith.constant 0 : index
    %get3A_1609 = tpu.vector_load %arg7[%get3A_1606, %get3A_1607, %get3A_1608] {strides = array<i32>} : memref<16x16x128xf32, #tpu.memory_space<vmem>>, vector<16xf32>,
    %add3A_1610 = arith.addf %add3A_1603, %get3A_1609 : vector<16xf32>
    %get3A_1611 = arith.constant 11 : i32
    %get3A_1612 = arith.constant 4 : i32
    %get3A_1613 = arith.index_cast %get3A_1611 : i32 to index
    %get3A_1614 = arith.index_cast %get3A_1612 : i32 to index
    %get3A_1615 = arith.constant 0 : index
    %get3A_1616 = tpu.vector_load %arg7[%get3A_1613, %get3A_1614, %get3A_1615] {strides = array<i32>} : memref<16x16x128xf32, #tpu.memory_space<vmem>>, vector<16xf32>,
    %add3A_1617 = arith.addf %add3A_1610, %get3A_1616 : vector<16xf32>
    %get3A_1618 = arith.constant 11 : i32
    %get3A_1619 = arith.constant 5 : i32
    %get3A_1620 = arith.index_cast %get3A_1618 : i32 to index
    %get3A_1621 = arith.index_cast %get3A_1619 : i32 to index
    %get3A_1622 = arith.constant 0 : index
    %get3A_1623 = tpu.vector_load %arg7[%get3A_1620, %get3A_1621, %get3A_1622] {strides = array<i32>} : memref<16x16x128xf32, #tpu.memory_space<vmem>>, vector<16xf32>,
    %add3A_1624 = arith.addf %add3A_1617, %get3A_1623 : vector<16xf32>
    %get3A_1625 = arith.constant 11 : i32
    %get3A_1626 = arith.constant 6 : i32
    %get3A_1627 = arith.index_cast %get3A_1625 : i32 to index
    %get3A_1628 = arith.index_cast %get3A_1626 : i32 to index
    %get3A_1629 = arith.constant 0 : index
    %get3A_1630 = tpu.vector_load %arg7[%get3A_1627, %get3A_1628, %get3A_1629] {strides = array<i32>} : memref<16x16x128xf32, #tpu.memory_space<vmem>>, vector<16xf32>,
    %add3A_1631 = arith.addf %add3A_1624, %get3A_1630 : vector<16xf32>
    %get3A_1632 = arith.constant 11 : i32
    %get3A_1633 = arith.constant 7 : i32
    %get3A_1634 = arith.index_cast %get3A_1632 : i32 to index
    %get3A_1635 = arith.index_cast %get3A_1633 : i32 to index
    %get3A_1636 = arith.constant 0 : index
    %get3A_1637 = tpu.vector_load %arg7[%get3A_1634, %get3A_1635, %get3A_1636] {strides = array<i32>} : memref<16x16x128xf32, #tpu.memory_space<vmem>>, vector<16xf32>,
    %add3A_1638 = arith.addf %add3A_1631, %get3A_1637 : vector<16xf32>
    %get3A_1639 = arith.constant 11 : i32
    %get3A_1640 = arith.constant 8 : i32
    %get3A_1641 = arith.index_cast %get3A_1639 : i32 to index
    %get3A_1642 = arith.index_cast %get3A_1640 : i32 to index
    %get3A_1643 = arith.constant 0 : index
    %get3A_1644 = tpu.vector_load %arg7[%get3A_1641, %get3A_1642, %get3A_1643] {strides = array<i32>} : memref<16x16x128xf32, #tpu.memory_space<vmem>>, vector<16xf32>,
    %add3A_1645 = arith.addf %add3A_1638, %get3A_1644 : vector<16xf32>
    %get3A_1646 = arith.constant 11 : i32
    %get3A_1647 = arith.constant 9 : i32
    %get3A_1648 = arith.index_cast %get3A_1646 : i32 to index
    %get3A_1649 = arith.index_cast %get3A_1647 : i32 to index
    %get3A_1650 = arith.constant 0 : index
    %get3A_1651 = tpu.vector_load %arg7[%get3A_1648, %get3A_1649, %get3A_1650] {strides = array<i32>} : memref<16x16x128xf32, #tpu.memory_space<vmem>>, vector<16xf32>,
    %add3A_1652 = arith.addf %add3A_1645, %get3A_1651 : vector<16xf32>
    %get3A_1653 = arith.constant 11 : i32
    %get3A_1654 = arith.constant 10 : i32
    %get3A_1655 = arith.index_cast %get3A_1653 : i32 to index
    %get3A_1656 = arith.index_cast %get3A_1654 : i32 to index
    %get3A_1657 = arith.constant 0 : index
    %get3A_1658 = tpu.vector_load %arg7[%get3A_1655, %get3A_1656, %get3A_1657] {strides = array<i32>} : memref<16x16x128xf32, #tpu.memory_space<vmem>>, vector<16xf32>,
    %add3A_1659 = arith.addf %add3A_1652, %get3A_1658 : vector<16xf32>
    %get3A_1660 = arith.constant 11 : i32
    %get3A_1661 = arith.constant 11 : i32
    %get3A_1662 = arith.index_cast %get3A_1660 : i32 to index
    %get3A_1663 = arith.index_cast %get3A_1661 : i32 to index
    %get3A_1664 = arith.constant 0 : index
    %get3A_1665 = tpu.vector_load %arg7[%get3A_1662, %get3A_1663, %get3A_1664] {strides = array<i32>} : memref<16x16x128xf32, #tpu.memory_space<vmem>>, vector<16xf32>,
    %add3A_1666 = arith.addf %add3A_1659, %get3A_1665 : vector<16xf32>
    %get3A_1667 = arith.constant 11 : i32
    %get3A_1668 = arith.constant 12 : i32
    %get3A_1669 = arith.index_cast %get3A_1667 : i32 to index
    %get3A_1670 = arith.index_cast %get3A_1668 : i32 to index
    %get3A_1671 = arith.constant 0 : index
    %get3A_1672 = tpu.vector_load %arg7[%get3A_1669, %get3A_1670, %get3A_1671] {strides = array<i32>} : memref<16x16x128xf32, #tpu.memory_space<vmem>>, vector<16xf32>,
    %add3A_1673 = arith.addf %add3A_1666, %get3A_1672 : vector<16xf32>
    %get3A_1674 = arith.constant 11 : i32
    %get3A_1675 = arith.constant 13 : i32
    %get3A_1676 = arith.index_cast %get3A_1674 : i32 to index
    %get3A_1677 = arith.index_cast %get3A_1675 : i32 to index
    %get3A_1678 = arith.constant 0 : index
    %get3A_1679 = tpu.vector_load %arg7[%get3A_1676, %get3A_1677, %get3A_1678] {strides = array<i32>} : memref<16x16x128xf32, #tpu.memory_space<vmem>>, vector<16xf32>,
    %add3A_1680 = arith.addf %add3A_1673, %get3A_1679 : vector<16xf32>
    %get3A_1681 = arith.constant 11 : i32
    %get3A_1682 = arith.constant 14 : i32
    %get3A_1683 = arith.index_cast %get3A_1681 : i32 to index
    %get3A_1684 = arith.index_cast %get3A_1682 : i32 to index
    %get3A_1685 = arith.constant 0 : index
    %get3A_1686 = tpu.vector_load %arg7[%get3A_1683, %get3A_1684, %get3A_1685] {strides = array<i32>} : memref<16x16x128xf32, #tpu.memory_space<vmem>>, vector<16xf32>,
    %add3A_1687 = arith.addf %add3A_1680, %get3A_1686 : vector<16xf32>
    %get3A_1688 = arith.constant 11 : i32
    %get3A_1689 = arith.constant 15 : i32
    %get3A_1690 = arith.index_cast %get3A_1688 : i32 to index
    %get3A_1691 = arith.index_cast %get3A_1689 : i32 to index
    %get3A_1692 = arith.constant 0 : index
    %get3A_1693 = tpu.vector_load %arg7[%get3A_1690, %get3A_1691, %get3A_1692] {strides = array<i32>} : memref<16x16x128xf32, #tpu.memory_space<vmem>>, vector<16xf32>,
    %add3A_1694 = arith.addf %add3A_1687, %get3A_1693 : vector<16xf32>
    %get3A_1695 = arith.constant 12 : i32
    %get3A_1696 = arith.constant 0 : i32
    %get3A_1697 = arith.index_cast %get3A_1695 : i32 to index
    %get3A_1698 = arith.index_cast %get3A_1696 : i32 to index
    %get3A_1699 = arith.constant 0 : index
    %get3A_1700 = tpu.vector_load %arg7[%get3A_1697, %get3A_1698, %get3A_1699] {strides = array<i32>} : memref<16x16x128xf32, #tpu.memory_space<vmem>>, vector<16xf32>,
    %add3A_1701 = arith.addf %add3A_1694, %get3A_1700 : vector<16xf32>
    %get3A_1702 = arith.constant 12 : i32
    %get3A_1703 = arith.constant 1 : i32
    %get3A_1704 = arith.index_cast %get3A_1702 : i32 to index
    %get3A_1705 = arith.index_cast %get3A_1703 : i32 to index
    %get3A_1706 = arith.constant 0 : index
    %get3A_1707 = tpu.vector_load %arg7[%get3A_1704, %get3A_1705, %get3A_1706] {strides = array<i32>} : memref<16x16x128xf32, #tpu.memory_space<vmem>>, vector<16xf32>,
    %add3A_1708 = arith.addf %add3A_1701, %get3A_1707 : vector<16xf32>
    %get3A_1709 = arith.constant 12 : i32
    %get3A_1710 = arith.constant 2 : i32
    %get3A_1711 = arith.index_cast %get3A_1709 : i32 to index
    %get3A_1712 = arith.index_cast %get3A_1710 : i32 to index
    %get3A_1713 = arith.constant 0 : index
    %get3A_1714 = tpu.vector_load %arg7[%get3A_1711, %get3A_1712, %get3A_1713] {strides = array<i32>} : memref<16x16x128xf32, #tpu.memory_space<vmem>>, vector<16xf32>,
    %add3A_1715 = arith.addf %add3A_1708, %get3A_1714 : vector<16xf32>
    %get3A_1716 = arith.constant 12 : i32
    %get3A_1717 = arith.constant 3 : i32
    %get3A_1718 = arith.index_cast %get3A_1716 : i32 to index
    %get3A_1719 = arith.index_cast %get3A_1717 : i32 to index
    %get3A_1720 = arith.constant 0 : index
    %get3A_1721 = tpu.vector_load %arg7[%get3A_1718, %get3A_1719, %get3A_1720] {strides = array<i32>} : memref<16x16x128xf32, #tpu.memory_space<vmem>>, vector<16xf32>,
    %add3A_1722 = arith.addf %add3A_1715, %get3A_1721 : vector<16xf32>
    %get3A_1723 = arith.constant 12 : i32
    %get3A_1724 = arith.constant 4 : i32
    %get3A_1725 = arith.index_cast %get3A_1723 : i32 to index
    %get3A_1726 = arith.index_cast %get3A_1724 : i32 to index
    %get3A_1727 = arith.constant 0 : index
    %get3A_1728 = tpu.vector_load %arg7[%get3A_1725, %get3A_1726, %get3A_1727] {strides = array<i32>} : memref<16x16x128xf32, #tpu.memory_space<vmem>>, vector<16xf32>,
    %add3A_1729 = arith.addf %add3A_1722, %get3A_1728 : vector<16xf32>
    %get3A_1730 = arith.constant 12 : i32
    %get3A_1731 = arith.constant 5 : i32
    %get3A_1732 = arith.index_cast %get3A_1730 : i32 to index
    %get3A_1733 = arith.index_cast %get3A_1731 : i32 to index
    %get3A_1734 = arith.constant 0 : index
    %get3A_1735 = tpu.vector_load %arg7[%get3A_1732, %get3A_1733, %get3A_1734] {strides = array<i32>} : memref<16x16x128xf32, #tpu.memory_space<vmem>>, vector<16xf32>,
    %add3A_1736 = arith.addf %add3A_1729, %get3A_1735 : vector<16xf32>
    %get3A_1737 = arith.constant 12 : i32
    %get3A_1738 = arith.constant 6 : i32
    %get3A_1739 = arith.index_cast %get3A_1737 : i32 to index
    %get3A_1740 = arith.index_cast %get3A_1738 : i32 to index
    %get3A_1741 = arith.constant 0 : index
    %get3A_1742 = tpu.vector_load %arg7[%get3A_1739, %get3A_1740, %get3A_1741] {strides = array<i32>} : memref<16x16x128xf32, #tpu.memory_space<vmem>>, vector<16xf32>,
    %add3A_1743 = arith.addf %add3A_1736, %get3A_1742 : vector<16xf32>
    %get3A_1744 = arith.constant 12 : i32
    %get3A_1745 = arith.constant 7 : i32
    %get3A_1746 = arith.index_cast %get3A_1744 : i32 to index
    %get3A_1747 = arith.index_cast %get3A_1745 : i32 to index
    %get3A_1748 = arith.constant 0 : index
    %get3A_1749 = tpu.vector_load %arg7[%get3A_1746, %get3A_1747, %get3A_1748] {strides = array<i32>} : memref<16x16x128xf32, #tpu.memory_space<vmem>>, vector<16xf32>,
    %add3A_1750 = arith.addf %add3A_1743, %get3A_1749 : vector<16xf32>
    %get3A_1751 = arith.constant 12 : i32
    %get3A_1752 = arith.constant 8 : i32
    %get3A_1753 = arith.index_cast %get3A_1751 : i32 to index
    %get3A_1754 = arith.index_cast %get3A_1752 : i32 to index
    %get3A_1755 = arith.constant 0 : index
    %get3A_1756 = tpu.vector_load %arg7[%get3A_1753, %get3A_1754, %get3A_1755] {strides = array<i32>} : memref<16x16x128xf32, #tpu.memory_space<vmem>>, vector<16xf32>,
    %add3A_1757 = arith.addf %add3A_1750, %get3A_1756 : vector<16xf32>
    %get3A_1758 = arith.constant 12 : i32
    %get3A_1759 = arith.constant 9 : i32
    %get3A_1760 = arith.index_cast %get3A_1758 : i32 to index
    %get3A_1761 = arith.index_cast %get3A_1759 : i32 to index
    %get3A_1762 = arith.constant 0 : index
    %get3A_1763 = tpu.vector_load %arg7[%get3A_1760, %get3A_1761, %get3A_1762] {strides = array<i32>} : memref<16x16x128xf32, #tpu.memory_space<vmem>>, vector<16xf32>,
    %add3A_1764 = arith.addf %add3A_1757, %get3A_1763 : vector<16xf32>
    %get3A_1765 = arith.constant 12 : i32
    %get3A_1766 = arith.constant 10 : i32
    %get3A_1767 = arith.index_cast %get3A_1765 : i32 to index
    %get3A_1768 = arith.index_cast %get3A_1766 : i32 to index
    %get3A_1769 = arith.constant 0 : index
    %get3A_1770 = tpu.vector_load %arg7[%get3A_1767, %get3A_1768, %get3A_1769] {strides = array<i32>} : memref<16x16x128xf32, #tpu.memory_space<vmem>>, vector<16xf32>,
    %add3A_1771 = arith.addf %add3A_1764, %get3A_1770 : vector<16xf32>
    %get3A_1772 = arith.constant 12 : i32
    %get3A_1773 = arith.constant 11 : i32
    %get3A_1774 = arith.index_cast %get3A_1772 : i32 to index
    %get3A_1775 = arith.index_cast %get3A_1773 : i32 to index
    %get3A_1776 = arith.constant 0 : index
    %get3A_1777 = tpu.vector_load %arg7[%get3A_1774, %get3A_1775, %get3A_1776] {strides = array<i32>} : memref<16x16x128xf32, #tpu.memory_space<vmem>>, vector<16xf32>,
    %add3A_1778 = arith.addf %add3A_1771, %get3A_1777 : vector<16xf32>
    %get3A_1779 = arith.constant 12 : i32
    %get3A_1780 = arith.constant 12 : i32
    %get3A_1781 = arith.index_cast %get3A_1779 : i32 to index
    %get3A_1782 = arith.index_cast %get3A_1780 : i32 to index
    %get3A_1783 = arith.constant 0 : index
    %get3A_1784 = tpu.vector_load %arg7[%get3A_1781, %get3A_1782, %get3A_1783] {strides = array<i32>} : memref<16x16x128xf32, #tpu.memory_space<vmem>>, vector<16xf32>,
    %add3A_1785 = arith.addf %add3A_1778, %get3A_1784 : vector<16xf32>
    %get3A_1786 = arith.constant 12 : i32
    %get3A_1787 = arith.constant 13 : i32
    %get3A_1788 = arith.index_cast %get3A_1786 : i32 to index
    %get3A_1789 = arith.index_cast %get3A_1787 : i32 to index
    %get3A_1790 = arith.constant 0 : index
    %get3A_1791 = tpu.vector_load %arg7[%get3A_1788, %get3A_1789, %get3A_1790] {strides = array<i32>} : memref<16x16x128xf32, #tpu.memory_space<vmem>>, vector<16xf32>,
    %add3A_1792 = arith.addf %add3A_1785, %get3A_1791 : vector<16xf32>
    %get3A_1793 = arith.constant 12 : i32
    %get3A_1794 = arith.constant 14 : i32
    %get3A_1795 = arith.index_cast %get3A_1793 : i32 to index
    %get3A_1796 = arith.index_cast %get3A_1794 : i32 to index
    %get3A_1797 = arith.constant 0 : index
    %get3A_1798 = tpu.vector_load %arg7[%get3A_1795, %get3A_1796, %get3A_1797] {strides = array<i32>} : memref<16x16x128xf32, #tpu.memory_space<vmem>>, vector<16xf32>,
    %add3A_1799 = arith.addf %add3A_1792, %get3A_1798 : vector<16xf32>
    %get3A_1800 = arith.constant 12 : i32
    %get3A_1801 = arith.constant 15 : i32
    %get3A_1802 = arith.index_cast %get3A_1800 : i32 to index
    %get3A_1803 = arith.index_cast %get3A_1801 : i32 to index
    %get3A_1804 = arith.constant 0 : index
    %get3A_1805 = tpu.vector_load %arg7[%get3A_1802, %get3A_1803, %get3A_1804] {strides = array<i32>} : memref<16x16x128xf32, #tpu.memory_space<vmem>>, vector<16xf32>,
    %add3A_1806 = arith.addf %add3A_1799, %get3A_1805 : vector<16xf32>
    %get3A_1807 = arith.constant 13 : i32
    %get3A_1808 = arith.constant 0 : i32
    %get3A_1809 = arith.index_cast %get3A_1807 : i32 to index
    %get3A_1810 = arith.index_cast %get3A_1808 : i32 to index
    %get3A_1811 = arith.constant 0 : index
    %get3A_1812 = tpu.vector_load %arg7[%get3A_1809, %get3A_1810, %get3A_1811] {strides = array<i32>} : memref<16x16x128xf32, #tpu.memory_space<vmem>>, vector<16xf32>,
    %add3A_1813 = arith.addf %add3A_1806, %get3A_1812 : vector<16xf32>
    %get3A_1814 = arith.constant 13 : i32
    %get3A_1815 = arith.constant 1 : i32
    %get3A_1816 = arith.index_cast %get3A_1814 : i32 to index
    %get3A_1817 = arith.index_cast %get3A_1815 : i32 to index
    %get3A_1818 = arith.constant 0 : index
    %get3A_1819 = tpu.vector_load %arg7[%get3A_1816, %get3A_1817, %get3A_1818] {strides = array<i32>} : memref<16x16x128xf32, #tpu.memory_space<vmem>>, vector<16xf32>,
    %add3A_1820 = arith.addf %add3A_1813, %get3A_1819 : vector<16xf32>
    %get3A_1821 = arith.constant 13 : i32
    %get3A_1822 = arith.constant 2 : i32
    %get3A_1823 = arith.index_cast %get3A_1821 : i32 to index
    %get3A_1824 = arith.index_cast %get3A_1822 : i32 to index
    %get3A_1825 = arith.constant 0 : index
    %get3A_1826 = tpu.vector_load %arg7[%get3A_1823, %get3A_1824, %get3A_1825] {strides = array<i32>} : memref<16x16x128xf32, #tpu.memory_space<vmem>>, vector<16xf32>,
    %add3A_1827 = arith.addf %add3A_1820, %get3A_1826 : vector<16xf32>
    %get3A_1828 = arith.constant 13 : i32
    %get3A_1829 = arith.constant 3 : i32
    %get3A_1830 = arith.index_cast %get3A_1828 : i32 to index
    %get3A_1831 = arith.index_cast %get3A_1829 : i32 to index
    %get3A_1832 = arith.constant 0 : index
    %get3A_1833 = tpu.vector_load %arg7[%get3A_1830, %get3A_1831, %get3A_1832] {strides = array<i32>} : memref<16x16x128xf32, #tpu.memory_space<vmem>>, vector<16xf32>,
    %add3A_1834 = arith.addf %add3A_1827, %get3A_1833 : vector<16xf32>
    %get3A_1835 = arith.constant 13 : i32
    %get3A_1836 = arith.constant 4 : i32
    %get3A_1837 = arith.index_cast %get3A_1835 : i32 to index
    %get3A_1838 = arith.index_cast %get3A_1836 : i32 to index
    %get3A_1839 = arith.constant 0 : index
    %get3A_1840 = tpu.vector_load %arg7[%get3A_1837, %get3A_1838, %get3A_1839] {strides = array<i32>} : memref<16x16x128xf32, #tpu.memory_space<vmem>>, vector<16xf32>,
    %add3A_1841 = arith.addf %add3A_1834, %get3A_1840 : vector<16xf32>
    %get3A_1842 = arith.constant 13 : i32
    %get3A_1843 = arith.constant 5 : i32
    %get3A_1844 = arith.index_cast %get3A_1842 : i32 to index
    %get3A_1845 = arith.index_cast %get3A_1843 : i32 to index
    %get3A_1846 = arith.constant 0 : index
    %get3A_1847 = tpu.vector_load %arg7[%get3A_1844, %get3A_1845, %get3A_1846] {strides = array<i32>} : memref<16x16x128xf32, #tpu.memory_space<vmem>>, vector<16xf32>,
    %add3A_1848 = arith.addf %add3A_1841, %get3A_1847 : vector<16xf32>
    %get3A_1849 = arith.constant 13 : i32
    %get3A_1850 = arith.constant 6 : i32
    %get3A_1851 = arith.index_cast %get3A_1849 : i32 to index
    %get3A_1852 = arith.index_cast %get3A_1850 : i32 to index
    %get3A_1853 = arith.constant 0 : index
    %get3A_1854 = tpu.vector_load %arg7[%get3A_1851, %get3A_1852, %get3A_1853] {strides = array<i32>} : memref<16x16x128xf32, #tpu.memory_space<vmem>>, vector<16xf32>,
    %add3A_1855 = arith.addf %add3A_1848, %get3A_1854 : vector<16xf32>
    %get3A_1856 = arith.constant 13 : i32
    %get3A_1857 = arith.constant 7 : i32
    %get3A_1858 = arith.index_cast %get3A_1856 : i32 to index
    %get3A_1859 = arith.index_cast %get3A_1857 : i32 to index
    %get3A_1860 = arith.constant 0 : index
    %get3A_1861 = tpu.vector_load %arg7[%get3A_1858, %get3A_1859, %get3A_1860] {strides = array<i32>} : memref<16x16x128xf32, #tpu.memory_space<vmem>>, vector<16xf32>,
    %add3A_1862 = arith.addf %add3A_1855, %get3A_1861 : vector<16xf32>
    %get3A_1863 = arith.constant 13 : i32
    %get3A_1864 = arith.constant 8 : i32
    %get3A_1865 = arith.index_cast %get3A_1863 : i32 to index
    %get3A_1866 = arith.index_cast %get3A_1864 : i32 to index
    %get3A_1867 = arith.constant 0 : index
    %get3A_1868 = tpu.vector_load %arg7[%get3A_1865, %get3A_1866, %get3A_1867] {strides = array<i32>} : memref<16x16x128xf32, #tpu.memory_space<vmem>>, vector<16xf32>,
    %add3A_1869 = arith.addf %add3A_1862, %get3A_1868 : vector<16xf32>
    %get3A_1870 = arith.constant 13 : i32
    %get3A_1871 = arith.constant 9 : i32
    %get3A_1872 = arith.index_cast %get3A_1870 : i32 to index
    %get3A_1873 = arith.index_cast %get3A_1871 : i32 to index
    %get3A_1874 = arith.constant 0 : index
    %get3A_1875 = tpu.vector_load %arg7[%get3A_1872, %get3A_1873, %get3A_1874] {strides = array<i32>} : memref<16x16x128xf32, #tpu.memory_space<vmem>>, vector<16xf32>,
    %add3A_1876 = arith.addf %add3A_1869, %get3A_1875 : vector<16xf32>
    %get3A_1877 = arith.constant 13 : i32
    %get3A_1878 = arith.constant 10 : i32
    %get3A_1879 = arith.index_cast %get3A_1877 : i32 to index
    %get3A_1880 = arith.index_cast %get3A_1878 : i32 to index
    %get3A_1881 = arith.constant 0 : index
    %get3A_1882 = tpu.vector_load %arg7[%get3A_1879, %get3A_1880, %get3A_1881] {strides = array<i32>} : memref<16x16x128xf32, #tpu.memory_space<vmem>>, vector<16xf32>,
    %add3A_1883 = arith.addf %add3A_1876, %get3A_1882 : vector<16xf32>
    %get3A_1884 = arith.constant 13 : i32
    %get3A_1885 = arith.constant 11 : i32
    %get3A_1886 = arith.index_cast %get3A_1884 : i32 to index
    %get3A_1887 = arith.index_cast %get3A_1885 : i32 to index
    %get3A_1888 = arith.constant 0 : index
    %get3A_1889 = tpu.vector_load %arg7[%get3A_1886, %get3A_1887, %get3A_1888] {strides = array<i32>} : memref<16x16x128xf32, #tpu.memory_space<vmem>>, vector<16xf32>,
    %add3A_1890 = arith.addf %add3A_1883, %get3A_1889 : vector<16xf32>
    %get3A_1891 = arith.constant 13 : i32
    %get3A_1892 = arith.constant 12 : i32
    %get3A_1893 = arith.index_cast %get3A_1891 : i32 to index
    %get3A_1894 = arith.index_cast %get3A_1892 : i32 to index
    %get3A_1895 = arith.constant 0 : index
    %get3A_1896 = tpu.vector_load %arg7[%get3A_1893, %get3A_1894, %get3A_1895] {strides = array<i32>} : memref<16x16x128xf32, #tpu.memory_space<vmem>>, vector<16xf32>,
    %add3A_1897 = arith.addf %add3A_1890, %get3A_1896 : vector<16xf32>
    %get3A_1898 = arith.constant 13 : i32
    %get3A_1899 = arith.constant 13 : i32
    %get3A_1900 = arith.index_cast %get3A_1898 : i32 to index
    %get3A_1901 = arith.index_cast %get3A_1899 : i32 to index
    %get3A_1902 = arith.constant 0 : index
    %get3A_1903 = tpu.vector_load %arg7[%get3A_1900, %get3A_1901, %get3A_1902] {strides = array<i32>} : memref<16x16x128xf32, #tpu.memory_space<vmem>>, vector<16xf32>,
    %add3A_1904 = arith.addf %add3A_1897, %get3A_1903 : vector<16xf32>
    %get3A_1905 = arith.constant 13 : i32
    %get3A_1906 = arith.constant 14 : i32
    %get3A_1907 = arith.index_cast %get3A_1905 : i32 to index
    %get3A_1908 = arith.index_cast %get3A_1906 : i32 to index
    %get3A_1909 = arith.constant 0 : index
    %get3A_1910 = tpu.vector_load %arg7[%get3A_1907, %get3A_1908, %get3A_1909] {strides = array<i32>} : memref<16x16x128xf32, #tpu.memory_space<vmem>>, vector<16xf32>,
    %add3A_1911 = arith.addf %add3A_1904, %get3A_1910 : vector<16xf32>
    %get3A_1912 = arith.constant 13 : i32
    %get3A_1913 = arith.constant 15 : i32
    %get3A_1914 = arith.index_cast %get3A_1912 : i32 to index
    %get3A_1915 = arith.index_cast %get3A_1913 : i32 to index
    %get3A_1916 = arith.constant 0 : index
    %get3A_1917 = tpu.vector_load %arg7[%get3A_1914, %get3A_1915, %get3A_1916] {strides = array<i32>} : memref<16x16x128xf32, #tpu.memory_space<vmem>>, vector<16xf32>,
    %add3A_1918 = arith.addf %add3A_1911, %get3A_1917 : vector<16xf32>
    %get3A_1919 = arith.constant 14 : i32
    %get3A_1920 = arith.constant 0 : i32
    %get3A_1921 = arith.index_cast %get3A_1919 : i32 to index
    %get3A_1922 = arith.index_cast %get3A_1920 : i32 to index
    %get3A_1923 = arith.constant 0 : index
    %get3A_1924 = tpu.vector_load %arg7[%get3A_1921, %get3A_1922, %get3A_1923] {strides = array<i32>} : memref<16x16x128xf32, #tpu.memory_space<vmem>>, vector<16xf32>,
    %add3A_1925 = arith.addf %add3A_1918, %get3A_1924 : vector<16xf32>
    %get3A_1926 = arith.constant 14 : i32
    %get3A_1927 = arith.constant 1 : i32
    %get3A_1928 = arith.index_cast %get3A_1926 : i32 to index
    %get3A_1929 = arith.index_cast %get3A_1927 : i32 to index
    %get3A_1930 = arith.constant 0 : index
    %get3A_1931 = tpu.vector_load %arg7[%get3A_1928, %get3A_1929, %get3A_1930] {strides = array<i32>} : memref<16x16x128xf32, #tpu.memory_space<vmem>>, vector<16xf32>,
    %add3A_1932 = arith.addf %add3A_1925, %get3A_1931 : vector<16xf32>
    %get3A_1933 = arith.constant 14 : i32
    %get3A_1934 = arith.constant 2 : i32
    %get3A_1935 = arith.index_cast %get3A_1933 : i32 to index
    %get3A_1936 = arith.index_cast %get3A_1934 : i32 to index
    %get3A_1937 = arith.constant 0 : index
    %get3A_1938 = tpu.vector_load %arg7[%get3A_1935, %get3A_1936, %get3A_1937] {strides = array<i32>} : memref<16x16x128xf32, #tpu.memory_space<vmem>>, vector<16xf32>,
    %add3A_1939 = arith.addf %add3A_1932, %get3A_1938 : vector<16xf32>
    %get3A_1940 = arith.constant 14 : i32
    %get3A_1941 = arith.constant 3 : i32
    %get3A_1942 = arith.index_cast %get3A_1940 : i32 to index
    %get3A_1943 = arith.index_cast %get3A_1941 : i32 to index
    %get3A_1944 = arith.constant 0 : index
    %get3A_1945 = tpu.vector_load %arg7[%get3A_1942, %get3A_1943, %get3A_1944] {strides = array<i32>} : memref<16x16x128xf32, #tpu.memory_space<vmem>>, vector<16xf32>,
    %add3A_1946 = arith.addf %add3A_1939, %get3A_1945 : vector<16xf32>
    %get3A_1947 = arith.constant 14 : i32
    %get3A_1948 = arith.constant 4 : i32
    %get3A_1949 = arith.index_cast %get3A_1947 : i32 to index
    %get3A_1950 = arith.index_cast %get3A_1948 : i32 to index
    %get3A_1951 = arith.constant 0 : index
    %get3A_1952 = tpu.vector_load %arg7[%get3A_1949, %get3A_1950, %get3A_1951] {strides = array<i32>} : memref<16x16x128xf32, #tpu.memory_space<vmem>>, vector<16xf32>,
    %add3A_1953 = arith.addf %add3A_1946, %get3A_1952 : vector<16xf32>
    %get3A_1954 = arith.constant 14 : i32
    %get3A_1955 = arith.constant 5 : i32
    %get3A_1956 = arith.index_cast %get3A_1954 : i32 to index
    %get3A_1957 = arith.index_cast %get3A_1955 : i32 to index
    %get3A_1958 = arith.constant 0 : index
    %get3A_1959 = tpu.vector_load %arg7[%get3A_1956, %get3A_1957, %get3A_1958] {strides = array<i32>} : memref<16x16x128xf32, #tpu.memory_space<vmem>>, vector<16xf32>,
    %add3A_1960 = arith.addf %add3A_1953, %get3A_1959 : vector<16xf32>
    %get3A_1961 = arith.constant 14 : i32
    %get3A_1962 = arith.constant 6 : i32
    %get3A_1963 = arith.index_cast %get3A_1961 : i32 to index
    %get3A_1964 = arith.index_cast %get3A_1962 : i32 to index
    %get3A_1965 = arith.constant 0 : index
    %get3A_1966 = tpu.vector_load %arg7[%get3A_1963, %get3A_1964, %get3A_1965] {strides = array<i32>} : memref<16x16x128xf32, #tpu.memory_space<vmem>>, vector<16xf32>,
    %add3A_1967 = arith.addf %add3A_1960, %get3A_1966 : vector<16xf32>
    %get3A_1968 = arith.constant 14 : i32
    %get3A_1969 = arith.constant 7 : i32
    %get3A_1970 = arith.index_cast %get3A_1968 : i32 to index
    %get3A_1971 = arith.index_cast %get3A_1969 : i32 to index
    %get3A_1972 = arith.constant 0 : index
    %get3A_1973 = tpu.vector_load %arg7[%get3A_1970, %get3A_1971, %get3A_1972] {strides = array<i32>} : memref<16x16x128xf32, #tpu.memory_space<vmem>>, vector<16xf32>,
    %add3A_1974 = arith.addf %add3A_1967, %get3A_1973 : vector<16xf32>
    %get3A_1975 = arith.constant 14 : i32
    %get3A_1976 = arith.constant 8 : i32
    %get3A_1977 = arith.index_cast %get3A_1975 : i32 to index
    %get3A_1978 = arith.index_cast %get3A_1976 : i32 to index
    %get3A_1979 = arith.constant 0 : index
    %get3A_1980 = tpu.vector_load %arg7[%get3A_1977, %get3A_1978, %get3A_1979] {strides = array<i32>} : memref<16x16x128xf32, #tpu.memory_space<vmem>>, vector<16xf32>,
    %add3A_1981 = arith.addf %add3A_1974, %get3A_1980 : vector<16xf32>
    %get3A_1982 = arith.constant 14 : i32
    %get3A_1983 = arith.constant 9 : i32
    %get3A_1984 = arith.index_cast %get3A_1982 : i32 to index
    %get3A_1985 = arith.index_cast %get3A_1983 : i32 to index
    %get3A_1986 = arith.constant 0 : index
    %get3A_1987 = tpu.vector_load %arg7[%get3A_1984, %get3A_1985, %get3A_1986] {strides = array<i32>} : memref<16x16x128xf32, #tpu.memory_space<vmem>>, vector<16xf32>,
    %add3A_1988 = arith.addf %add3A_1981, %get3A_1987 : vector<16xf32>
    %get3A_1989 = arith.constant 14 : i32
    %get3A_1990 = arith.constant 10 : i32
    %get3A_1991 = arith.index_cast %get3A_1989 : i32 to index
    %get3A_1992 = arith.index_cast %get3A_1990 : i32 to index
    %get3A_1993 = arith.constant 0 : index
    %get3A_1994 = tpu.vector_load %arg7[%get3A_1991, %get3A_1992, %get3A_1993] {strides = array<i32>} : memref<16x16x128xf32, #tpu.memory_space<vmem>>, vector<16xf32>,
    %add3A_1995 = arith.addf %add3A_1988, %get3A_1994 : vector<16xf32>
    %get3A_1996 = arith.constant 14 : i32
    %get3A_1997 = arith.constant 11 : i32
    %get3A_1998 = arith.index_cast %get3A_1996 : i32 to index
    %get3A_1999 = arith.index_cast %get3A_1997 : i32 to index
    %get3A_2000 = arith.constant 0 : index
    %get3A_2001 = tpu.vector_load %arg7[%get3A_1998, %get3A_1999, %get3A_2000] {strides = array<i32>} : memref<16x16x128xf32, #tpu.memory_space<vmem>>, vector<16xf32>,
    %add3A_2002 = arith.addf %add3A_1995, %get3A_2001 : vector<16xf32>
    %get3A_2003 = arith.constant 14 : i32
    %get3A_2004 = arith.constant 12 : i32
    %get3A_2005 = arith.index_cast %get3A_2003 : i32 to index
    %get3A_2006 = arith.index_cast %get3A_2004 : i32 to index
    %get3A_2007 = arith.constant 0 : index
    %get3A_2008 = tpu.vector_load %arg7[%get3A_2005, %get3A_2006, %get3A_2007] {strides = array<i32>} : memref<16x16x128xf32, #tpu.memory_space<vmem>>, vector<16xf32>,
    %add3A_2009 = arith.addf %add3A_2002, %get3A_2008 : vector<16xf32>
    %get3A_2010 = arith.constant 14 : i32
    %get3A_2011 = arith.constant 13 : i32
    %get3A_2012 = arith.index_cast %get3A_2010 : i32 to index
    %get3A_2013 = arith.index_cast %get3A_2011 : i32 to index
    %get3A_2014 = arith.constant 0 : index
    %get3A_2015 = tpu.vector_load %arg7[%get3A_2012, %get3A_2013, %get3A_2014] {strides = array<i32>} : memref<16x16x128xf32, #tpu.memory_space<vmem>>, vector<16xf32>,
    %add3A_2016 = arith.addf %add3A_2009, %get3A_2015 : vector<16xf32>
    %get3A_2017 = arith.constant 14 : i32
    %get3A_2018 = arith.constant 14 : i32
    %get3A_2019 = arith.index_cast %get3A_2017 : i32 to index
    %get3A_2020 = arith.index_cast %get3A_2018 : i32 to index
    %get3A_2021 = arith.constant 0 : index
    %get3A_2022 = tpu.vector_load %arg7[%get3A_2019, %get3A_2020, %get3A_2021] {strides = array<i32>} : memref<16x16x128xf32, #tpu.memory_space<vmem>>, vector<16xf32>,
    %add3A_2023 = arith.addf %add3A_2016, %get3A_2022 : vector<16xf32>
    %get3A_2024 = arith.constant 14 : i32
    %get3A_2025 = arith.constant 15 : i32
    %get3A_2026 = arith.index_cast %get3A_2024 : i32 to index
    %get3A_2027 = arith.index_cast %get3A_2025 : i32 to index
    %get3A_2028 = arith.constant 0 : index
    %get3A_2029 = tpu.vector_load %arg7[%get3A_2026, %get3A_2027, %get3A_2028] {strides = array<i32>} : memref<16x16x128xf32, #tpu.memory_space<vmem>>, vector<16xf32>,
    %add3A_2030 = arith.addf %add3A_2023, %get3A_2029 : vector<16xf32>
    %get3A_2031 = arith.constant 15 : i32
    %get3A_2032 = arith.constant 0 : i32
    %get3A_2033 = arith.index_cast %get3A_2031 : i32 to index
    %get3A_2034 = arith.index_cast %get3A_2032 : i32 to index
    %get3A_2035 = arith.constant 0 : index
    %get3A_2036 = tpu.vector_load %arg7[%get3A_2033, %get3A_2034, %get3A_2035] {strides = array<i32>} : memref<16x16x128xf32, #tpu.memory_space<vmem>>, vector<16xf32>,
    %add3A_2037 = arith.addf %add3A_2030, %get3A_2036 : vector<16xf32>
    %get3A_2038 = arith.constant 15 : i32
    %get3A_2039 = arith.constant 1 : i32
    %get3A_2040 = arith.index_cast %get3A_2038 : i32 to index
    %get3A_2041 = arith.index_cast %get3A_2039 : i32 to index
    %get3A_2042 = arith.constant 0 : index
    %get3A_2043 = tpu.vector_load %arg7[%get3A_2040, %get3A_2041, %get3A_2042] {strides = array<i32>} : memref<16x16x128xf32, #tpu.memory_space<vmem>>, vector<16xf32>,
    %add3A_2044 = arith.addf %add3A_2037, %get3A_2043 : vector<16xf32>
    %get3A_2045 = arith.constant 15 : i32
    %get3A_2046 = arith.constant 2 : i32
    %get3A_2047 = arith.index_cast %get3A_2045 : i32 to index
    %get3A_2048 = arith.index_cast %get3A_2046 : i32 to index
    %get3A_2049 = arith.constant 0 : index
    %get3A_2050 = tpu.vector_load %arg7[%get3A_2047, %get3A_2048, %get3A_2049] {strides = array<i32>} : memref<16x16x128xf32, #tpu.memory_space<vmem>>, vector<16xf32>,
    %add3A_2051 = arith.addf %add3A_2044, %get3A_2050 : vector<16xf32>
    %get3A_2052 = arith.constant 15 : i32
    %get3A_2053 = arith.constant 3 : i32
    %get3A_2054 = arith.index_cast %get3A_2052 : i32 to index
    %get3A_2055 = arith.index_cast %get3A_2053 : i32 to index
    %get3A_2056 = arith.constant 0 : index
    %get3A_2057 = tpu.vector_load %arg7[%get3A_2054, %get3A_2055, %get3A_2056] {strides = array<i32>} : memref<16x16x128xf32, #tpu.memory_space<vmem>>, vector<16xf32>,
    %add3A_2058 = arith.addf %add3A_2051, %get3A_2057 : vector<16xf32>
    %get3A_2059 = arith.constant 15 : i32
    %get3A_2060 = arith.constant 4 : i32
    %get3A_2061 = arith.index_cast %get3A_2059 : i32 to index
    %get3A_2062 = arith.index_cast %get3A_2060 : i32 to index
    %get3A_2063 = arith.constant 0 : index
    %get3A_2064 = tpu.vector_load %arg7[%get3A_2061, %get3A_2062, %get3A_2063] {strides = array<i32>} : memref<16x16x128xf32, #tpu.memory_space<vmem>>, vector<16xf32>,
    %add3A_2065 = arith.addf %add3A_2058, %get3A_2064 : vector<16xf32>
    %get3A_2066 = arith.constant 15 : i32
    %get3A_2067 = arith.constant 5 : i32
    %get3A_2068 = arith.index_cast %get3A_2066 : i32 to index
    %get3A_2069 = arith.index_cast %get3A_2067 : i32 to index
    %get3A_2070 = arith.constant 0 : index
    %get3A_2071 = tpu.vector_load %arg7[%get3A_2068, %get3A_2069, %get3A_2070] {strides = array<i32>} : memref<16x16x128xf32, #tpu.memory_space<vmem>>, vector<16xf32>,
    %add3A_2072 = arith.addf %add3A_2065, %get3A_2071 : vector<16xf32>
    %get3A_2073 = arith.constant 15 : i32
    %get3A_2074 = arith.constant 6 : i32
    %get3A_2075 = arith.index_cast %get3A_2073 : i32 to index
    %get3A_2076 = arith.index_cast %get3A_2074 : i32 to index
    %get3A_2077 = arith.constant 0 : index
    %get3A_2078 = tpu.vector_load %arg7[%get3A_2075, %get3A_2076, %get3A_2077] {strides = array<i32>} : memref<16x16x128xf32, #tpu.memory_space<vmem>>, vector<16xf32>,
    %add3A_2079 = arith.addf %add3A_2072, %get3A_2078 : vector<16xf32>
    %get3A_2080 = arith.constant 15 : i32
    %get3A_2081 = arith.constant 7 : i32
    %get3A_2082 = arith.index_cast %get3A_2080 : i32 to index
    %get3A_2083 = arith.index_cast %get3A_2081 : i32 to index
    %get3A_2084 = arith.constant 0 : index
    %get3A_2085 = tpu.vector_load %arg7[%get3A_2082, %get3A_2083, %get3A_2084] {strides = array<i32>} : memref<16x16x128xf32, #tpu.memory_space<vmem>>, vector<16xf32>,
    %add3A_2086 = arith.addf %add3A_2079, %get3A_2085 : vector<16xf32>
    %get3A_2087 = arith.constant 15 : i32
    %get3A_2088 = arith.constant 8 : i32
    %get3A_2089 = arith.index_cast %get3A_2087 : i32 to index
    %get3A_2090 = arith.index_cast %get3A_2088 : i32 to index
    %get3A_2091 = arith.constant 0 : index
    %get3A_2092 = tpu.vector_load %arg7[%get3A_2089, %get3A_2090, %get3A_2091] {strides = array<i32>} : memref<16x16x128xf32, #tpu.memory_space<vmem>>, vector<16xf32>,
    %add3A_2093 = arith.addf %add3A_2086, %get3A_2092 : vector<16xf32>
    %get3A_2094 = arith.constant 15 : i32
    %get3A_2095 = arith.constant 9 : i32
    %get3A_2096 = arith.index_cast %get3A_2094 : i32 to index
    %get3A_2097 = arith.index_cast %get3A_2095 : i32 to index
    %get3A_2098 = arith.constant 0 : index
    %get3A_2099 = tpu.vector_load %arg7[%get3A_2096, %get3A_2097, %get3A_2098] {strides = array<i32>} : memref<16x16x128xf32, #tpu.memory_space<vmem>>, vector<16xf32>,
    %add3A_2100 = arith.addf %add3A_2093, %get3A_2099 : vector<16xf32>
    %get3A_2101 = arith.constant 15 : i32
    %get3A_2102 = arith.constant 10 : i32
    %get3A_2103 = arith.index_cast %get3A_2101 : i32 to index
    %get3A_2104 = arith.index_cast %get3A_2102 : i32 to index
    %get3A_2105 = arith.constant 0 : index
    %get3A_2106 = tpu.vector_load %arg7[%get3A_2103, %get3A_2104, %get3A_2105] {strides = array<i32>} : memref<16x16x128xf32, #tpu.memory_space<vmem>>, vector<16xf32>,
    %add3A_2107 = arith.addf %add3A_2100, %get3A_2106 : vector<16xf32>
    %get3A_2108 = arith.constant 15 : i32
    %get3A_2109 = arith.constant 11 : i32
    %get3A_2110 = arith.index_cast %get3A_2108 : i32 to index
    %get3A_2111 = arith.index_cast %get3A_2109 : i32 to index
    %get3A_2112 = arith.constant 0 : index
    %get3A_2113 = tpu.vector_load %arg7[%get3A_2110, %get3A_2111, %get3A_2112] {strides = array<i32>} : memref<16x16x128xf32, #tpu.memory_space<vmem>>, vector<16xf32>,
    %add3A_2114 = arith.addf %add3A_2107, %get3A_2113 : vector<16xf32>
    %get3A_2115 = arith.constant 15 : i32
    %get3A_2116 = arith.constant 12 : i32
    %get3A_2117 = arith.index_cast %get3A_2115 : i32 to index
    %get3A_2118 = arith.index_cast %get3A_2116 : i32 to index
    %get3A_2119 = arith.constant 0 : index
    %get3A_2120 = tpu.vector_load %arg7[%get3A_2117, %get3A_2118, %get3A_2119] {strides = array<i32>} : memref<16x16x128xf32, #tpu.memory_space<vmem>>, vector<16xf32>,
    %add3A_2121 = arith.addf %add3A_2114, %get3A_2120 : vector<16xf32>
    %get3A_2122 = arith.constant 15 : i32
    %get3A_2123 = arith.constant 13 : i32
    %get3A_2124 = arith.index_cast %get3A_2122 : i32 to index
    %get3A_2125 = arith.index_cast %get3A_2123 : i32 to index
    %get3A_2126 = arith.constant 0 : index
    %get3A_2127 = tpu.vector_load %arg7[%get3A_2124, %get3A_2125, %get3A_2126] {strides = array<i32>} : memref<16x16x128xf32, #tpu.memory_space<vmem>>, vector<16xf32>,
    %add3A_2128 = arith.addf %add3A_2121, %get3A_2127 : vector<16xf32>
    %get3A_2129 = arith.constant 15 : i32
    %get3A_2130 = arith.constant 14 : i32
    %get3A_2131 = arith.index_cast %get3A_2129 : i32 to index
    %get3A_2132 = arith.index_cast %get3A_2130 : i32 to index
    %get3A_2133 = arith.constant 0 : index
    %get3A_2134 = tpu.vector_load %arg7[%get3A_2131, %get3A_2132, %get3A_2133] {strides = array<i32>} : memref<16x16x128xf32, #tpu.memory_space<vmem>>, vector<16xf32>,
    %add3A_2135 = arith.addf %add3A_2128, %get3A_2134 : vector<16xf32>
    %get3A_2136 = arith.constant 15 : i32
    %get3A_2137 = arith.constant 15 : i32
    %get3A_2138 = arith.index_cast %get3A_2136 : i32 to index
    %get3A_2139 = arith.index_cast %get3A_2137 : i32 to index
    %get3A_2140 = arith.constant 0 : index
    %get3A_2141 = tpu.vector_load %arg7[%get3A_2138, %get3A_2139, %get3A_2140] {strides = array<i32>} : memref<16x16x128xf32, #tpu.memory_space<vmem>>, vector<16xf32>,
    %add3A_2142 = arith.addf %add3A_2135, %get3A_2141 : vector<16xf32>
    "tpu.region"() ({
      %run_scoped3A = tpu.sem_alloc : memref<!tpu.dma_semaphore, #tpu.memory_space<semaphore_mem>>
      %dma_start3A_2150 = arith.constant 0 : i32
      %dma_start3A_2151 = tpu.memref_slice %arg4[%add3A, %dma_start3A_2150] : memref<32x16xf32, #tpu.memory_space<hbm>> -> memref<1x16xf32, #tpu.memory_space<hbm>>
      %dma_start3A_2152 = tpu.memref_squeeze %dma_start3A_2151 : memref<1x16xf32, #tpu.memory_space<hbm>> -> memref<16xf32, #tpu.memory_space<hbm>>
      %dma_start3A_2153 = arith.constant 0 : i32
      %dma_start3A_2154 = tpu.memref_slice %arg4[%add3A, %dma_start3A_2153] : memref<32x16xf32, #tpu.memory_space<hbm>> -> memref<1x16xf32, #tpu.memory_space<hbm>>
      %dma_start3A_2155 = tpu.memref_squeeze %dma_start3A_2154 : memref<1x16xf32, #tpu.memory_space<hbm>> -> memref<16xf32, #tpu.memory_space<hbm>>
      tpu.enqueue_dma source(%dma_start3A_2155 : memref<16xf32, #tpu.memory_space<hbm>>) target(%arg8 : memref<16xf32, #tpu.memory_space<vmem>>) target_semaphore(%run_scoped3A : memref<!tpu.dma_semaphore, #tpu.memory_space<semaphore_mem>>)
      %dma_wait3A_2156 = arith.constant 0 : i32
      %dma_wait3A_2157 = tpu.memref_slice %arg4[%add3A, %dma_wait3A_2156] : memref<32x16xf32, #tpu.memory_space<hbm>> -> memref<1x16xf32, #tpu.memory_space<hbm>>
      %dma_wait3A_2158 = tpu.memref_squeeze %dma_wait3A_2157 : memref<1x16xf32, #tpu.memory_space<hbm>> -> memref<16xf32, #tpu.memory_space<hbm>>
      %dma_wait3A_2159 = arith.constant 0 : i32
      %dma_wait3A_2160 = tpu.memref_slice %arg4[%add3A, %dma_wait3A_2159] : memref<32x16xf32, #tpu.memory_space<hbm>> -> memref<1x16xf32, #tpu.memory_space<hbm>>
      %dma_wait3A_2161 = tpu.memref_squeeze %dma_wait3A_2160 : memref<1x16xf32, #tpu.memory_space<hbm>> -> memref<16xf32, #tpu.memory_space<hbm>>
      tpu.wait_dma2 semaphore(%run_scoped3A : memref<!tpu.dma_semaphore, #tpu.memory_space<semaphore_mem>>) src(%dma_wait3A_2161 : memref<16xf32, #tpu.memory_space<hbm>>) dst(%arg8 : memref<16xf32, #tpu.memory_space<vmem>>)
      tpu.yield
    }) : () -> ()
    %get3A_2143 = arith.constant 0 : index
    %get3A_2144 = tpu.vector_load %arg8[%get3A_2143] {strides = array<i32>} : memref<16xf32, #tpu.memory_space<vmem>>, vector<16xf32>,
    %mul3A_2145 = arith.constant 1.600000e+01 : f32
    %mul3A_2146 = vector.broadcast %mul3A_2145 : f32 to vector<16xf32>
    %mul3A_2147 = arith.mulf %mul3A_2146, %get3A_2144 : vector<16xf32>
    %sub3A_2148 = arith.subf %add3A_2142, %mul3A_2147 : vector<16xf32>
    %swap3A = arith.constant 0 : index
    %swap3A_2149 = tpu.vector_load %arg8[%swap3A] {strides = array<i32>} : memref<16xf32, #tpu.memory_space<vmem>>, vector<16xf32>,
    tpu.vector_store %arg8[%swap3A], %sub3A_2148 {strides = array<i32>} : memref<16xf32, #tpu.memory_space<vmem>>, vector<16xf32>,
    "tpu.region"() ({
      %run_scoped3A = tpu.sem_alloc : memref<!tpu.dma_semaphore, #tpu.memory_space<semaphore_mem>>
      %dma_start3A_2150 = arith.constant 0 : i32
      %dma_start3A_2151 = tpu.memref_slice %arg5[%add3A, %dma_start3A_2150] : memref<32x16xf32, #tpu.memory_space<hbm>> -> memref<1x16xf32, #tpu.memory_space<hbm>>
      %dma_start3A_2152 = tpu.memref_squeeze %dma_start3A_2151 : memref<1x16xf32, #tpu.memory_space<hbm>> -> memref<16xf32, #tpu.memory_space<hbm>>
      %dma_start3A_2153 = arith.constant 0 : i32
      %dma_start3A_2154 = tpu.memref_slice %arg5[%add3A, %dma_start3A_2153] : memref<32x16xf32, #tpu.memory_space<hbm>> -> memref<1x16xf32, #tpu.memory_space<hbm>>
      %dma_start3A_2155 = tpu.memref_squeeze %dma_start3A_2154 : memref<1x16xf32, #tpu.memory_space<hbm>> -> memref<16xf32, #tpu.memory_space<hbm>>
      tpu.enqueue_dma source(%arg8 : memref<16xf32, #tpu.memory_space<vmem>>) target(%dma_start3A_2155 : memref<16xf32, #tpu.memory_space<hbm>>) target_semaphore(%run_scoped3A : memref<!tpu.dma_semaphore, #tpu.memory_space<semaphore_mem>>)
      %dma_wait3A_2156 = arith.constant 0 : i32
      %dma_wait3A_2157 = tpu.memref_slice %arg5[%add3A, %dma_wait3A_2156] : memref<32x16xf32, #tpu.memory_space<hbm>> -> memref<1x16xf32, #tpu.memory_space<hbm>>
      %dma_wait3A_2158 = tpu.memref_squeeze %dma_wait3A_2157 : memref<1x16xf32, #tpu.memory_space<hbm>> -> memref<16xf32, #tpu.memory_space<hbm>>
      %dma_wait3A_2159 = arith.constant 0 : i32
      %dma_wait3A_2160 = tpu.memref_slice %arg5[%add3A, %dma_wait3A_2159] : memref<32x16xf32, #tpu.memory_space<hbm>> -> memref<1x16xf32, #tpu.memory_space<hbm>>
      %dma_wait3A_2161 = tpu.memref_squeeze %dma_wait3A_2160 : memref<1x16xf32, #tpu.memory_space<hbm>> -> memref<16xf32, #tpu.memory_space<hbm>>
      tpu.wait_dma2 semaphore(%run_scoped3A : memref<!tpu.dma_semaphore, #tpu.memory_space<semaphore_mem>>) src(%arg8 : memref<16xf32, #tpu.memory_space<vmem>>) dst(%dma_wait3A_2161 : memref<16xf32, #tpu.memory_space<hbm>>)
      tpu.yield
    }) : () -> ()
    return
  }
}

module attributes {stable_mosaic.version = 14 : i64} {
  func.func @body(%arg0: i32, %arg1: memref<128x1024xf32, #tpu.memory_space<vmem>>, %arg2: memref<128x1024xf32, #tpu.memory_space<vmem>>, %arg3: memref<128x1024xf32, #tpu.memory_space<vmem>>, %arg4: memref<128x1024xf32, #tpu.memory_space<vmem>>, %arg5: memref<128x1024xf32, #tpu.memory_space<vmem>>, %arg6: memref<128x1024xf32, #tpu.memory_space<vmem>>, %arg7: memref<128x1024xf32, #tpu.memory_space<vmem>>, %arg8: memref<128x1024xf32, #tpu.memory_space<vmem>>, %arg9: memref<128x128xf32, #tpu.memory_space<vmem>>) attributes {dimension_semantics = [#tpu.dimension_semantics<arbitrary>], iteration_bounds = array<i64: 64>, scalar_prefetch = 0 : i64, scratch_operands = 0 : i64, tpu.core_type = #tpu.core_type<tc>, window_params = [{transform_indices = @transform_0, window_bounds = array<i64: 128, 1024>}, {transform_indices = @transform_1, window_bounds = array<i64: 128, 1024>}, {transform_indices = @transform_2, window_bounds = array<i64: 128, 1024>}, {transform_indices = @transform_3, window_bounds = array<i64: 128, 1024>}, {transform_indices = @transform_4, window_bounds = array<i64: 128, 1024>}, {transform_indices = @transform_5, window_bounds = array<i64: 128, 1024>}, {transform_indices = @transform_6, window_bounds = array<i64: 128, 1024>}, {transform_indices = @transform_7, window_bounds = array<i64: 128, 1024>}, {transform_indices = @transform_8, window_bounds = array<i64: 128, 128>}]} {
    %broadcast_in_dim3A = arith.constant 0.000000e+00 : f32
    %broadcast_in_dim3A_0 = vector.broadcast %broadcast_in_dim3A : f32 to vector<128x1xf32>
    %get3A = arith.constant 0 : index
    %get3A_1 = arith.constant 0 : index
    %get3A_2 = vector.load %arg1[%get3A, %get3A_1] : memref<128x1024xf32, #tpu.memory_space<vmem>>, vector<128x1024xf32>
    %exp3A = math.exp %get3A_2 : vector<128x1024xf32>
    %reduce_sum3A = arith.constant dense<0.000000e+00> : vector<128xf32>
    %reduce_sum3A_3 = vector.multi_reduction <add>, %exp3A, %reduce_sum3A [1] : vector<128x1024xf32> to vector<128xf32>
    %broadcast_in_dim3A_4 = vector.shape_cast %reduce_sum3A_3 : vector<128xf32> to vector<128x1xf32>
    %add3A = arith.addf %broadcast_in_dim3A_0, %broadcast_in_dim3A_4 : vector<128x1xf32>
    %get3A_5 = arith.constant 0 : index
    %get3A_6 = arith.constant 0 : index
    %get3A_7 = vector.load %arg2[%get3A_5, %get3A_6] : memref<128x1024xf32, #tpu.memory_space<vmem>>, vector<128x1024xf32>
    %exp3A_8 = math.exp %get3A_7 : vector<128x1024xf32>
    %reduce_sum3A_9 = arith.constant dense<0.000000e+00> : vector<128xf32>
    %reduce_sum3A_10 = vector.multi_reduction <add>, %exp3A_8, %reduce_sum3A_9 [1] : vector<128x1024xf32> to vector<128xf32>
    %broadcast_in_dim3A_11 = vector.shape_cast %reduce_sum3A_10 : vector<128xf32> to vector<128x1xf32>
    %add3A_12 = arith.addf %add3A, %broadcast_in_dim3A_11 : vector<128x1xf32>
    %get3A_13 = arith.constant 0 : index
    %get3A_14 = arith.constant 0 : index
    %get3A_15 = vector.load %arg3[%get3A_13, %get3A_14] : memref<128x1024xf32, #tpu.memory_space<vmem>>, vector<128x1024xf32>
    %exp3A_16 = math.exp %get3A_15 : vector<128x1024xf32>
    %reduce_sum3A_17 = arith.constant dense<0.000000e+00> : vector<128xf32>
    %reduce_sum3A_18 = vector.multi_reduction <add>, %exp3A_16, %reduce_sum3A_17 [1] : vector<128x1024xf32> to vector<128xf32>
    %broadcast_in_dim3A_19 = vector.shape_cast %reduce_sum3A_18 : vector<128xf32> to vector<128x1xf32>
    %add3A_20 = arith.addf %add3A_12, %broadcast_in_dim3A_19 : vector<128x1xf32>
    %get3A_21 = arith.constant 0 : index
    %get3A_22 = arith.constant 0 : index
    %get3A_23 = vector.load %arg4[%get3A_21, %get3A_22] : memref<128x1024xf32, #tpu.memory_space<vmem>>, vector<128x1024xf32>
    %exp3A_24 = math.exp %get3A_23 : vector<128x1024xf32>
    %reduce_sum3A_25 = arith.constant dense<0.000000e+00> : vector<128xf32>
    %reduce_sum3A_26 = vector.multi_reduction <add>, %exp3A_24, %reduce_sum3A_25 [1] : vector<128x1024xf32> to vector<128xf32>
    %broadcast_in_dim3A_27 = vector.shape_cast %reduce_sum3A_26 : vector<128xf32> to vector<128x1xf32>
    %add3A_28 = arith.addf %add3A_20, %broadcast_in_dim3A_27 : vector<128x1xf32>
    %get3A_29 = arith.constant 0 : index
    %get3A_30 = arith.constant 0 : index
    %get3A_31 = vector.load %arg5[%get3A_29, %get3A_30] : memref<128x1024xf32, #tpu.memory_space<vmem>>, vector<128x1024xf32>
    %exp3A_32 = math.exp %get3A_31 : vector<128x1024xf32>
    %reduce_sum3A_33 = arith.constant dense<0.000000e+00> : vector<128xf32>
    %reduce_sum3A_34 = vector.multi_reduction <add>, %exp3A_32, %reduce_sum3A_33 [1] : vector<128x1024xf32> to vector<128xf32>
    %broadcast_in_dim3A_35 = vector.shape_cast %reduce_sum3A_34 : vector<128xf32> to vector<128x1xf32>
    %add3A_36 = arith.addf %add3A_28, %broadcast_in_dim3A_35 : vector<128x1xf32>
    %get3A_37 = arith.constant 0 : index
    %get3A_38 = arith.constant 0 : index
    %get3A_39 = vector.load %arg6[%get3A_37, %get3A_38] : memref<128x1024xf32, #tpu.memory_space<vmem>>, vector<128x1024xf32>
    %exp3A_40 = math.exp %get3A_39 : vector<128x1024xf32>
    %reduce_sum3A_41 = arith.constant dense<0.000000e+00> : vector<128xf32>
    %reduce_sum3A_42 = vector.multi_reduction <add>, %exp3A_40, %reduce_sum3A_41 [1] : vector<128x1024xf32> to vector<128xf32>
    %broadcast_in_dim3A_43 = vector.shape_cast %reduce_sum3A_42 : vector<128xf32> to vector<128x1xf32>
    %add3A_44 = arith.addf %add3A_36, %broadcast_in_dim3A_43 : vector<128x1xf32>
    %get3A_45 = arith.constant 0 : index
    %get3A_46 = arith.constant 0 : index
    %get3A_47 = vector.load %arg7[%get3A_45, %get3A_46] : memref<128x1024xf32, #tpu.memory_space<vmem>>, vector<128x1024xf32>
    %exp3A_48 = math.exp %get3A_47 : vector<128x1024xf32>
    %reduce_sum3A_49 = arith.constant dense<0.000000e+00> : vector<128xf32>
    %reduce_sum3A_50 = vector.multi_reduction <add>, %exp3A_48, %reduce_sum3A_49 [1] : vector<128x1024xf32> to vector<128xf32>
    %broadcast_in_dim3A_51 = vector.shape_cast %reduce_sum3A_50 : vector<128xf32> to vector<128x1xf32>
    %add3A_52 = arith.addf %add3A_44, %broadcast_in_dim3A_51 : vector<128x1xf32>
    %get3A_53 = arith.constant 0 : index
    %get3A_54 = arith.constant 0 : index
    %get3A_55 = vector.load %arg8[%get3A_53, %get3A_54] : memref<128x1024xf32, #tpu.memory_space<vmem>>, vector<128x1024xf32>
    %exp3A_56 = math.exp %get3A_55 : vector<128x1024xf32>
    %reduce_sum3A_57 = arith.constant dense<0.000000e+00> : vector<128xf32>
    %reduce_sum3A_58 = vector.multi_reduction <add>, %exp3A_56, %reduce_sum3A_57 [1] : vector<128x1024xf32> to vector<128xf32>
    %broadcast_in_dim3A_59 = vector.shape_cast %reduce_sum3A_58 : vector<128xf32> to vector<128x1xf32>
    %add3A_60 = arith.addf %add3A_52, %broadcast_in_dim3A_59 : vector<128x1xf32>
    %log3A = math.log %add3A_60 : vector<128x1xf32>
    %broadcast_in_dim3A_61 = vector.shape_cast %log3A : vector<128x1xf32> to vector<128x1xf32>
    %broadcast_in_dim3A_62 = vector.broadcast %broadcast_in_dim3A_61 : vector<128x1xf32> to vector<128x128xf32>
    %swap3A = arith.constant 0 : index
    %swap3A_63 = arith.constant 0 : index
    %swap3A_64 = vector.load %arg9[%swap3A, %swap3A_63] : memref<128x128xf32, #tpu.memory_space<vmem>>, vector<128x128xf32>
    tpu.vector_store %arg9[%swap3A, %swap3A_63], %broadcast_in_dim3A_62 {strides = array<i32>} : memref<128x128xf32, #tpu.memory_space<vmem>>, vector<128x128xf32>,
    return
  }
  func.func @transform_0(%arg0: i32) -> (i32, i32) {
    %c0_i32 = arith.constant 0 : i32
    %c0_i32_0 = arith.constant 0 : i32
    return %arg0, %c0_i32 : i32, i32
  }
  func.func @transform_1(%arg0: i32) -> (i32, i32) {
    %c1_i32 = arith.constant 1 : i32
    %c0_i32 = arith.constant 0 : i32
    return %arg0, %c1_i32 : i32, i32
  }
  func.func @transform_2(%arg0: i32) -> (i32, i32) {
    %c2_i32 = arith.constant 2 : i32
    %c0_i32 = arith.constant 0 : i32
    return %arg0, %c2_i32 : i32, i32
  }
  func.func @transform_3(%arg0: i32) -> (i32, i32) {
    %c3_i32 = arith.constant 3 : i32
    %c0_i32 = arith.constant 0 : i32
    return %arg0, %c3_i32 : i32, i32
  }
  func.func @transform_4(%arg0: i32) -> (i32, i32) {
    %c4_i32 = arith.constant 4 : i32
    %c0_i32 = arith.constant 0 : i32
    return %arg0, %c4_i32 : i32, i32
  }
  func.func @transform_5(%arg0: i32) -> (i32, i32) {
    %c5_i32 = arith.constant 5 : i32
    %c0_i32 = arith.constant 0 : i32
    return %arg0, %c5_i32 : i32, i32
  }
  func.func @transform_6(%arg0: i32) -> (i32, i32) {
    %c6_i32 = arith.constant 6 : i32
    %c0_i32 = arith.constant 0 : i32
    return %arg0, %c6_i32 : i32, i32
  }
  func.func @transform_7(%arg0: i32) -> (i32, i32) {
    %c7_i32 = arith.constant 7 : i32
    %c0_i32 = arith.constant 0 : i32
    return %arg0, %c7_i32 : i32, i32
  }
  func.func @transform_8(%arg0: i32) -> (i32, i32) {
    %c0_i32 = arith.constant 0 : i32
    %c0_i32_0 = arith.constant 0 : i32
    return %arg0, %c0_i32 : i32, i32
  }
}

</mosaic_0001>

<sc_bundles>
// kernel: kernel.5.cloned.1.call-start
scs
__scs_entry_jumppad:
0x0: {  	(pc) =	sbr.rel $0x88, $3  }
0x1: {  	(tag) =	ssettag $0x0;
	lr =	simm.s32 $0x1  }
0x2: {  	[smem:$0x3F9E] =	sst lr;
	_ =	strace $0xD0000000  }
0x3: {  	_ = 	snop  }
0x4: {  	_ = 	snop  }
0x5: {  	_ = 	snop  }
0x6: {  	_ = 	snop  }
0x7: {  	_ = 	snop  }
__scs_overlays_trampoline_lowered:
0x8: {  	[smem:$0x3FAD] =	sst s0  }
0x9: {  	[smem:$0x3FAE] =	sst s1  }
0xa: {  	[smem:$0x3FAF] =	sst s2  }
0xb: {  	[smem:$0x3FB0] =	sst s3  }
0xc: {  	[smem:$0x3FB1] =	sst s4  }
0xd: {  	[smem:$0x3FB2] =	sst s5  }
0xe: {  	[smem:$0x3FB3] =	sst s6  }
0xf: {  	[smem:$0x3FB4] =	sst s7  }
0x10: {  	[smem:$0x3FB5] =	sst s8  }
0x11: {  	[smem:$0x3FB6] =	sst s9;
	s0 =	simm.s32 @!p0 $0x0  }
0x12: {  	s1 =	sld [smem:$0x3F9C];
	s0 =	simm.s32 @p0 $0x1  }
0x13: {  	[smem:$0x3FB7] =	sst s0;
	s0 =	simm.s32 @!p1 $0x0  }
0x14: {  	s2 =	sld [smem:$0x3F9B];
	s0 =	simm.s32 @p1 $0x1  }
0x15: {  	[smem:$0x3FB8] =	sst s0;
	s0 =	simm.s32 @!p2 $0x0  }
0x16: {  	s3 =	sld [smem:$0x3FDB];
	s0 =	simm.s32 @p2 $0x1  }
0x17: {  	s4 =	simm.s32 $0x1BF5;
	[smem:$0x3FBA] =	sst s0  }
0x18: {  	s0 =	sld [smem:$0x3F9D];
	_ =	swait.ge [sflag:s4], $0x0  }
0x19: {  	s7 =	sld [smem:$0x3F9E]  }
0x1a: {  	s8 =	sadd.s32 $0xFFFFE003, lr  }
0x1b: {  	s9 =	sadd.s32 $0xFFFFFEF7, lr;
	s5 =	simm.s32 $0xFFFFFFFF;
	p2 =	slt.u32 s8, $0xFFFFF086  }
0x1c: {  	p1 =	slt.u32 s9, $0xF7A;
	s5 =	simm.s32 @!p2 $0x0  }
0x1d: {  	s5 =	simm.s32 @p1 $0x1;
	p0 =	seq.s32 s7, s2  }
0x1e: {  	s7 =	smul.u32 @!p0 $0xF7A, s2;
	p2 =	seq.s32 @!p0 s5, $0x0  }
0x1f: {  	s9 =	smul.u32 $0xF7A, s1;
	s8 =	simm.s32 @!p0 $0x1BF5;
	p2 =	por !p2, p0  }
0x20: {  	[sflag:s8] =	ssyncset.s32 @!p0 $0xFFFFF086;
	s6 =	sadd.s32 @!p0 s3, s7;
	s7 =	simm.s32 @!p0 $0x108  }
0x21: {  	s3 =	sadd.s32 s3, s9;
	s6 =	sadd.s32 @!p0 $0x88, s6;
	s7 =	simm.s32 @p2 $0x1082  }
0x22: {  	[simem:s7], [sflag:s8] =	dma.local @!p0 [hbm:s6], $0xF7A  }
0x23: {  	s9 =	sor.u32 $0xD0000000, s2;
	s6 =	simm.s32 $0x108;
	_ =	swait.ge @!p0 [sflag:s8], $0x0  }
0x24: {  	s3 =	sadd.s32 $0x88, s3;
	s6 =	simm.s32 @!p1 $0x1082;
	[sflag:s4] =	ssyncset.s32 $0xFFFFF086  }
0x25: {  	[simem:s6], [sflag:s4] =	dma.local [hbm:s3], $0xF7A  }
0x26: {  	[smem:$0x3F9E] =	sst s1;
	(tag) =	ssettag s2;
	_ =	strace s9  }
0x27: {  	s1 =	sld [smem:$0x3FAE]  }
0x28: {  	s2 =	sld [smem:$0x3FAF]  }
0x29: {  	s4 =	sld [smem:$0x3FB1]  }
0x2a: {  	p0 =	seq.s32 s5, $0x0;
	s5 =	sld [smem:$0x3FB2]  }
0x2b: {  	s6 =	sld [smem:$0x3FB3]  }
0x2c: {  	s7 =	sld [smem:$0x3FB4]  }
0x2d: {  	s3 =	simm.s32 $0x108;
	s8 =	sld [smem:$0x3FB5]  }
0x2e: {  	s3 =	simm.s32 @!p0 $0x1082;
	s9 =	sld [smem:$0x3FB6]  }
0x2f: {  	lr =	sadd.s32 s0, s3;
	s0 =	sld [smem:$0x3FAD]  }
0x30: {  	s3 =	sld [smem:$0x3FB0]  }
0x31: {  	[smem:$0x3FB9] =	sst s10  }
0x32: {  	s10 =	sld [smem:$0x3FB7];
	_ =	sdelay $0x3  }
0x33: {  	p0 =	seq.s32 s10, $0x1;
	s10 =	sld [smem:$0x3FB9];
	_ =	sdelay $0x3  }
0x34: {  	[smem:$0x3FB9] =	sst s10  }
0x35: {  	s10 =	sld [smem:$0x3FB8];
	_ =	sdelay $0x3  }
0x36: {  	p1 =	seq.s32 s10, $0x1;
	s10 =	sld [smem:$0x3FB9];
	_ =	sdelay $0x3  }
0x37: {  	[smem:$0x3FB9] =	sst s10  }
0x38: {  	s10 =	sld [smem:$0x3FBA]  }
0x39: {  	_ = 	snop;
	(pc) =	sbr.ind lr, $3  }
0x3a: {  	_ = 	snop  }
0x3b: {  	_ = 	snop  }
0x3c: {  	p2 =	seq.s32 s10, $0x1;
	s10 =	sld [smem:$0x3FB9]  }
0x3d: {  	_ =	shalt  }
0x3e: {  	_ =	shalt  }
0x3f: {  	_ =	shalt  }
0x40: {  	_ =	shalt  }
0x41: {  	_ =	shalt  }
0x42: {  	_ =	shalt  }
0x43: {  	_ =	shalt  }
0x44: {  	_ =	shalt  }
0x45: {  	_ =	shalt  }
0x46: {  	_ =	shalt  }
0x47: {  	_ =	shalt  }
0x48: {  	_ =	shalt  }
0x49: {  	_ =	shalt  }
0x4a: {  	_ =	shalt  }
0x4b: {  	_ =	shalt  }
0x4c: {  	_ =	shalt  }
0x4d: {  	_ =	shalt  }
0x4e: {  	_ =	shalt  }
0x4f: {  	_ =	shalt  }
0x50: {  	_ =	shalt  }
0x51: {  	_ =	shalt  }
0x52: {  	_ =	shalt  }
0x53: {  	_ =	shalt  }
0x54: {  	_ =	shalt  }
0x55: {  	_ =	shalt  }
0x56: {  	_ =	shalt  }
0x57: {  	_ =	shalt  }
0x58: {  	_ =	shalt  }
0x59: {  	_ =	shalt  }
0x5a: {  	_ =	shalt  }
0x5b: {  	_ =	shalt  }
0x5c: {  	_ =	shalt  }
0x5d: {  	_ =	shalt  }
0x5e: {  	_ =	shalt  }
0x5f: {  	_ =	shalt  }
0x60: {  	_ =	shalt  }
0x61: {  	_ =	shalt  }
0x62: {  	_ =	shalt  }
0x63: {  	_ =	shalt  }
0x64: {  	_ =	shalt  }
0x65: {  	_ =	shalt  }
0x66: {  	_ =	shalt  }
0x67: {  	_ =	shalt  }
0x68: {  	_ =	shalt  }
0x69: {  	_ =	shalt  }
0x6a: {  	_ =	shalt  }
0x6b: {  	_ =	shalt  }
0x6c: {  	_ =	shalt  }
0x6d: {  	_ =	shalt  }
0x6e: {  	_ =	shalt  }
0x6f: {  	_ =	shalt  }
0x70: {  	_ =	shalt  }
0x71: {  	_ =	shalt  }
0x72: {  	_ =	shalt  }
0x73: {  	_ =	shalt  }
0x74: {  	_ =	shalt  }
0x75: {  	_ =	shalt  }
0x76: {  	_ =	shalt  }
0x77: {  	_ =	shalt  }
0x78: {  	_ =	shalt  }
0x79: {  	_ =	shalt  }
0x7a: {  	_ =	shalt  }
0x7b: {  	_ =	shalt  }
0x7c: {  	_ =	shalt  }
0x7d: {  	_ =	shalt  }
0x7e: {  	_ =	shalt  }
0x7f: {  	_ =	shalt  }
0x80: {  	_ =	shalt  }
0x81: {  	_ =	shalt  }
0x82: {  	_ =	shalt  }
0x83: {  	_ =	shalt  }
0x84: {  	_ =	shalt  }
0x85: {  	_ =	shalt  }
0x86: {  	_ =	shalt  }
0x87: {  	_ =	shalt  }
.Lfunc_end0:
.L_simem_size_0:
called_computation_lowered:
.L_overlay_start_0:
0x88: {  	s2 =	sld [smem:$0x3FD9]  }
0x89: {  	s3 =	sld [smem:$0x3FFE];
	_ =	sdelay $0x1  }
0x8a: {  	s1 =	srdreg.scid  }
0x8b: {  	s0 =	sand.u32 $0x1, s1  }
0x8c: {  	s14 =	sshll.u32 s0, $0xA;
	s2 =	sadd.s32 s3, s2  }
0x8d: {  	s2 =	sadd.s32 s2, s14  }
0x8e: {  	[smem:$0x3FC5] =	sst s2  }
0x8f: {  	_ = 	snop  }
0x90: {  	s2 =	sld [smem:$0x3FD0];
	_ =	sdelay $0x1  }
0x91: {  	s15 =	sld [smem:$0x3FC8]  }
0x92: {  	s5 =	simm.s32 $0xA;
	s6 =	simm.s32 $0x10;
	s4 =	sld [smem:$0x3FC7]  }
0x93: {  	[smem:s6], [sflag:s5] =	dma.local [hbm:s2], $0x1  }
0x94: {  	_ =	swait.eq [sflag:s5], $0x1  }
0x95: {  	[sflag:s5] =	ssyncset.done $0x0  }
0x96: {  	[sflag:s5] =	ssyncadd.s32 $0xFFFFFFFF  }
0x97: {  	s16 =	sld [smem:$0x10];
	(tm) =	ssettm $0x1  }
0x98: {  	s17 =	sld [smem:$0x3FFB];
	_ =	sdelay $0x3  }
0x99: {  	_ =	strace s17  }
0x9a: {  	s5 =	sld [smem:$0x3FFC];
	_ =	sdelay $0x3  }
0x9b: {  	_ =	strace s5  }
0x9c: {  	s5 =	sld [smem:$0x3FFD];
	_ =	sdelay $0x3  }
0x9d: {  	_ =	strace s5  }
0x9e: {  	_ =	strace $0x8FFFFFFF  }
0x9f: {  	s18 =	sld [smem:$0x3FDB];
	_ =	sdelay $0x1  }
0xa0: {  	s19 =	simm.s32 $_scs_section_size  }
0xa1: {  	s7 =	simm.s32 $_size__tile_overlayer_lowered;
	s8 =	simm.s32 $_tile_overlayer_lowered  }
0xa2: {  	s22 =	simm.s32 $0x1BFF;
	s21 =	sshll.u32 s8, $0x1;
	s5 =	sadd.s32 s19, s18  }
0xa3: {  	s9 =	simm.s32 $0x0;
	s20 =	sshll.u32 s7, $0x1;
	s7 =	sadd.s32 s21, s5  }
0xa4: {  	[timem:s9], [sflag:s22] =	dma.local [hbm:s7], s20  }
0xa5: {  	_ =	swait.ge [sflag:s22], s20  }
0xa6: {  	s6 =	ssub.s32 $0x0, s20;
	[sflag:s22] =	ssyncset.done $0x0  }
0xa7: {  	[sflag:s22] =	ssyncadd.s32 s6;
	_ =	sdelay $0x1  }
0xa8: {  	s23 =	simm.s32 $0x1B8B  }
0xa9: {  	_ =	swait.ge [sflag:s23], $0x1  }
0xaa: {  	[sflag:s23] =	ssyncset.done $0x0  }
0xab: {  	s25 =	simm.s32 $0x1B8E;
	s24 =	sld [smem:$0x3FFE];
	[sflag:s23] =	ssyncadd.s32 $0xFFFFFFFF  }
0xac: {  	s26 =	simm.s32 $execute0_lowered;
	[smem:$0x3FD2] =	sst s25  }
0xad: {  	s7 =	sshll.u32 s26, $0x1;
	_ =	strace $0x80000046;
	[dreg:$0x1] =	wrdreg $0xFFFFFFFF  }
0xae: {  	s28 =	simm.s32 $_size_execute0_lowered;
	s5 =	sadd.s32 s5, s7;
	[dreg:$0x0] =	wrdreg $0x0  }
0xaf: {  	s7 =	sshll.u32 s28, $0x1;
	[dreg:$0x2] =	wrdreg s5  }
0xb0: {  	[dreg:$0x3] =	wrdreg s7  }
0xb1: {  	[dreg:$0x4] =	wrdreg $0xC0  }
0xb2: {  	_ =	task [dreg:s9], $0x5FFFF  }
0xb3: {  	[dreg:$0x1] =	wrdreg $0xFFFFFFFF  }
0xb4: {  	[dreg:$0x0] =	wrdreg $0x60  }
0xb5: {  	[dreg:$0x2] =	wrdreg s24  }
0xb6: {  	[dreg:$0x3] =	wrdreg s15  }
0xb7: {  	[dreg:$0x4] =	wrdreg s4  }
0xb8: {  	[dreg:$0x5] =	wrdreg s16  }
0xb9: {  	[dreg:$0x6] =	wrdreg $0x9  }
0xba: {  	_ =	task.clear_ibuf [dreg:s9], $0x7FFFF;
	_ =	strace $0x90000046  }
0xbb: {  	s29 =	simm.s32 $0x9;
	_ =	strace $0x80000048  }
0xbc: {  	_ =	swait.ge [sflag:s29], $0x1  }
0xbd: {  	[sflag:s29] =	ssyncadd.s32 $0xFFFFFFFF  }
0xbe: {  	_ =	strace $0x90000048  }
0xbf: {  	_ =	sfence  }
0xc0: {  	s30 =	sld [smem:$0x0];
	_ =	sdelay $0x2  }
0xc1: {  	s31 =	sshll.u32 s1, $0xD;
	s1 =	sshrl.u32 s1, $0x2  }
0xc2: {  	s3 =	sand.u32 $0x4000, s31;
	s1 =	sadd.s32 s1, s30  }
0xc3: {  	s0 =	sor.u32 s3, s0;
	s1 =	sshll.u32 s1, $0x11  }
0xc4: {  	s0 =	sor.u32 s1, s0  }
0xc5: {  	s0 =	sadd.s32 $0x8F2B, s0  }
0xc6: {  	[sflag:s0] =	ssyncadd.remote.s32 $0x1  }
0xc7: {  	_ =	sfence.sel $0xFFFF  }
0xc8: {  	[dreg:$0x0] =	wrdreg $0xFFFFFFFF;
	(pc) =	sbr.abs _section_cstart, $3  }
0xc9: {  	[dreg:$0x1] =	wrdreg $0xFFFFFFFF  }
0xca: {  	_ =	task.clear_ibuf [dreg:s9], $0x2FFFF;
	_ =	strace $0x9FFFFFFF  }
0xcb: {  	(tm) =	ssettm $0x7FFFFFFF  }
tec
execute0_lowered:
.L_overlay_start_1:
0x0: {  	(tag) =	ssettag $0x1  }
0x1: {  	s0 =	rddreg [dreg:$0x0]  }
0x2: {  	s2 =	rddreg [dreg:$0x1]  }
0x3: {  	s23 =	rddreg [dreg:$0x2]  }
0x4: {  	s24 =	rddreg [dreg:$0x3];
	s4 =	simm.s32 $0x0  }
0x5: {  	[smem:$0x7FF] =	sst s4;
	s11 =	sadd.s32 $0x400, s23  }
0x6: {  	s12 =	sadd.s32 $0x600, s23;
	_ =	strace $0x80000047;
	[dreg:$0xb] =	wrdreg s11  }
0x7: {  	s13 =	sadd.s32 $0x800, s23;
	[dreg:$0xc] =	wrdreg s12  }
0x8: {  	s1 =	srdreg.scid;
	s14 =	sadd.s32 $0xA00, s23;
	[dreg:$0xd] =	wrdreg s13  }
0x9: {  	s7 =	stileid.u32;
	s15 =	sadd.s32 $0xC00, s23;
	[dreg:$0xe] =	wrdreg s14  }
0xa: {  	s5 =	simm.s32 $0x1;
	s16 =	sadd.s32 $0xE00, s23;
	[dreg:$0xf] =	wrdreg s15  }
0xb: {  	s29 =	simm.s32 $0x1A000;
	s17 =	sadd.s32 $0x1000, s23;
	[dreg:$0x10] =	wrdreg s16  }
0xc: {  	s1 =	sand.u32 $0x1, s1;
	s18 =	sadd.s32 $0x1200, s23;
	[dreg:$0x11] =	wrdreg s17  }
0xd: {  	s3 =	sshll.u32 s7, $0x1;
	s19 =	sadd.s32 $0x1400, s23;
	[dreg:$0x12] =	wrdreg s18  }
0xe: {  	s20 =	sadd.s32 $0x1600, s23;
	s21 =	sadd.s32 $0x1800, s23;
	[dreg:$0x13] =	wrdreg s19  }
0xf: {  	s22 =	sadd.s32 $0x1A00, s23;
	s25 =	sadd.s32 $0x1C00, s23;
	[dreg:$0x14] =	wrdreg s20  }
0x10: {  	s3 =	sor.u32 s1, s3;
	p1 =	seq.s32 s1, $0x1;
	[dreg:$0x15] =	wrdreg s21  }
0x11: {  	s8 =	sshll.u32 s1, $0xB;
	s10 =	ssub.s32 $0x2, s1;
	[dreg:$0x16] =	wrdreg s22  }
0x12: {  	[dreg:$0x17] =	wrdreg s25;
	s1 =	sshll.u32 s1, $0x15;
	s25 =	simm.s32 $0x400  }
0x13: {  	p0 =	seq.s32 s3, $0x0;
	s6 =	sshll.u32 s3, $0xA;
	s3 =	sshll.u32 s3, $0x4  }
0x14: {  	s31 =	sshrl.u32 s10, $0x1;
	p0 =	por !p0, !p1;
	s6 =	sadd.s32 s6, s0  }
0x15: {  	s0 =	sadd.s32 s3, s0;
	s3 =	ssub.s32 s10, s31;
	s10 =	sadd.s32 $0x200, s23  }
0x16: {  	s31 =	sadd.s32 $0x1E00, s23;
	p0 =	por !p0, !p0;
	[dreg:$0xa] =	wrdreg s10  }
0x17: {  	s6 =	sadd.s32 $0xA00, s6;
	[dreg:$0x18] =	wrdreg s31;
	s5 =	simm.s32 @!p0 $0x0  }
0x18: {  	s0 =	sadd.s32 $0x8A00, s0;
	[dreg:$0x5] =	wrdreg s6;
	s5 =	ssub.s32 s7, s5  }
0x19: {  	s28 =	smax.u32 s3, $0x1;
	[dreg:$0x7] =	wrdreg s0;
	s7 =	sshll.u32 s5, $0x9  }
0x1a: {  	[dreg:$0x8] =	wrdreg s28;
	s9 =	sshll.u32 s5, $0x7;
	s7 =	sand.u32 $0xFFFFF000, s7  }
.Ltmp0:
0x1b: {  	s30 =	sand.u32 $0x380, s9;
	s7 =	sor.u32 s8, s7;
	(pc) =	sbr.rel .LBB2_1-.Ltmp0, $4  }
0x1c: {  	s26 =	sshll.u32 s5, $0x16;
	s5 =	smov.u32 s24;
	s7 =	sor.u32 s30, s7  }
0x1d: {  	v1 =	vlaneseq.u32;
	v0 =	vimm.f32 $0.0e+00;
	s23 =	smov.u32 s26;
	s30 =	sor.u32 $0x10000, s1;
	s9 =	sshrl.u32 s7, $0x3  }
0x1e: {  	vm0 =	vmmov $0xffff;
	v2 =	vshrl.u32 v1, $0x2;
	v1 =	vand.u32 $0x3, v1;
	s1 =	simm.s32 $0x7;
	[dreg:$0x9] =	wrdreg s30;
	s2 =	sadd.s32 s2, s9  }
0x1f: {  	vm1 =	vmmov $0xf;
	v2 =	vmul.u32 $0x8, v2;
	v3 =	vmul.u32 $0x80, v1;
	s7 =	simm.s32 $0x2000;
	[dreg:$0x6] =	wrdreg s2;
	s2 =	simm.s32 $0x0  }
.LBB2_4:
0x20: {  	s0 =	simm.s32 $0x4  }
0x21: {  	_ =	swait.ge [sflag:s0], $0x8000  }
0x22: {  	[sflag:s0] =	ssyncset.done $0x0  }
0x23: {  	s1 =	simm.s32 $0x1A100;
	s30 =	rddreg [dreg:$0x7];
	[sflag:s0] =	ssyncadd.s32 $0xFFFF8000  }
0x24: {  	[hbm4b:s30+s4] =	stream.linear.scatter [tilespmem:s1], [sflag:$0x7], $0x80, $0x38;
	[tilespmem:$0x1A180] =	vst v63  }
0x25: {  	s1 =	simm.s32 $0x7  }
0x26: {  	_ =	swait.ge [sflag:s1], $0x80  }
0x27: {  	s2 =	rddreg [dreg:$0x19]  }
0x28: {  	s31 =	rddreg [dreg:$0x8];
	s2 =	sadd.s32 $0x1, s2  }
0x29: {  	p0 =	sne.s32 s2, s31  }
.Ltmp1:
0x2a: {  	_ = 	snop;
	(pc) =	sbr.rel @!p0 .LBB2_5-.Ltmp1, $3  }
0x2b: {  	_ =	sdelay $0x1  }
0x2c: {  	[sflag:s1] =	ssyncset.done $0x0  }
0x2d: {  	[sflag:s1] =	ssyncadd.s32 $0xFFFFFF80  }
.LBB2_1:
0x2e: {  	[dreg:$0x19] =	wrdreg s2  }
0x2f: {  	s0 =	rddreg [dreg:$0x5]  }
0x30: {  	[tilespmem:s4], [sflag:$0x7] =	stream.linear.gather [hbm4b:s0+s4], $0x2000, $0x38;
	[tilespmem:$0x1A180] =	vst v63  }
0x31: {  	_ =	swait.ge [sflag:s1], $0x2000  }
0x32: {  	[sflag:s1] =	ssyncset.done $0x0  }
0x33: {  	s30 =	simm.s32 $0x80;
	s26 =	rddreg [dreg:$0x6];
	[sflag:s1] =	ssyncadd.s32 $0xFFFFE000  }
0x34: {  	[tilespmem:s29], [sflag:$0x7] =	stream.strided.gather [hbm4b:s26+s30], $0x100, s25, s30, $0x38;
	[tilespmem:$0x1A180] =	vst v63  }
0x35: {  	_ =	swait.ge [sflag:s1], $0x100  }
0x36: {  	[sflag:s1] =	ssyncset.done $0x0  }
0x37: {  	[sflag:s1] =	ssyncadd.s32 $0xFFFFFF00  }
0x38: {  	v4 =	vld.msk [tilespmem:$0x0], $0xf;
	_ =	sdelay $0x4  }
0x39: {  	v5 =	vshll.u32 v4, $0x6  }
0x3a: {  	v4 =	vand.u32 $0x7, v4;
	v5 =	vand.u32 $0xFFFFFE00, v5  }
0x3b: {  	v4 =	vor.u32 v4, v5  }
0x3c: {  	v4 =	vperm.xlane v4, v1;
	_ =	sdelay $0x1  }
0x3d: {  	v4 =	vadd.s32 v2, v4;
	_ =	sdelay $0x3  }
0x3e: {  	[tilespmem:$0x1A100] =	vst v0;
	s31 =	rddreg [dreg:$0x2]  }
0x3f: {  	[tilespmem:s7], [sflag:$0x1] =	stream.indirect_vreg.gather [hbm4b:s31+s4], $0x80, v4, vm0, $0xb8;
	[tilespmem:$0x1A180] =	vst v63  }
0x40: {  	s10 =	simm.s32 $0x2800;
	s2 =	rddreg [dreg:$0xa]  }
0x41: {  	[tilespmem:s10], [sflag:$0x1] =	stream.indirect_vreg.gather [hbm4b:s2+s4], $0x80, v4, vm0, $0xb8;
	[tilespmem:$0x1A180] =	vst v63  }
0x42: {  	s11 =	simm.s32 $0x3000;
	s3 =	rddreg [dreg:$0xb]  }
0x43: {  	[tilespmem:s11], [sflag:$0x1] =	stream.indirect_vreg.gather [hbm4b:s3+s4], $0x80, v4, vm0, $0xb8;
	[tilespmem:$0x1A180] =	vst v63  }
0x44: {  	s12 =	simm.s32 $0x3800;
	s6 =	rddreg [dreg:$0xc]  }
0x45: {  	[tilespmem:s12], [sflag:$0x1] =	stream.indirect_vreg.gather [hbm4b:s6+s4], $0x80, v4, vm0, $0xb8;
	[tilespmem:$0x1A180] =	vst v63  }
0x46: {  	s13 =	simm.s32 $0x4000;
	s9 =	rddreg [dreg:$0xd]  }
0x47: {  	[tilespmem:s13], [sflag:$0x1] =	stream.indirect_vreg.gather [hbm4b:s9+s4], $0x80, v4, vm0, $0xb8;
	[tilespmem:$0x1A180] =	vst v63  }
0x48: {  	s14 =	simm.s32 $0x4800;
	s10 =	rddreg [dreg:$0xe]  }
0x49: {  	[tilespmem:s14], [sflag:$0x1] =	stream.indirect_vreg.gather [hbm4b:s10+s4], $0x80, v4, vm0, $0xb8;
	[tilespmem:$0x1A180] =	vst v63  }
0x4a: {  	s15 =	simm.s32 $0x5000;
	s11 =	rddreg [dreg:$0xf]  }
0x4b: {  	[tilespmem:s15], [sflag:$0x1] =	stream.indirect_vreg.gather [hbm4b:s11+s4], $0x80, v4, vm0, $0xb8;
	[tilespmem:$0x1A180] =	vst v63  }
0x4c: {  	s16 =	simm.s32 $0x5800;
	s12 =	rddreg [dreg:$0x10]  }
0x4d: {  	[tilespmem:s16], [sflag:$0x1] =	stream.indirect_vreg.gather [hbm4b:s12+s4], $0x80, v4, vm0, $0xb8;
	[tilespmem:$0x1A180] =	vst v63  }
0x4e: {  	s17 =	simm.s32 $0x6000;
	s13 =	rddreg [dreg:$0x11]  }
0x4f: {  	[tilespmem:s17], [sflag:$0x1] =	stream.indirect_vreg.gather [hbm4b:s13+s4], $0x80, v4, vm0, $0xb8;
	[tilespmem:$0x1A180] =	vst v63  }
0x50: {  	s18 =	simm.s32 $0x6800;
	s14 =	rddreg [dreg:$0x12]  }
0x51: {  	[tilespmem:s18], [sflag:$0x1] =	stream.indirect_vreg.gather [hbm4b:s14+s4], $0x80, v4, vm0, $0xb8;
	[tilespmem:$0x1A180] =	vst v63  }
0x52: {  	s19 =	simm.s32 $0x7000;
	s15 =	rddreg [dreg:$0x13]  }
0x53: {  	[tilespmem:s19], [sflag:$0x1] =	stream.indirect_vreg.gather [hbm4b:s15+s4], $0x80, v4, vm0, $0xb8;
	[tilespmem:$0x1A180] =	vst v63  }
0x54: {  	s20 =	simm.s32 $0x7800;
	s16 =	rddreg [dreg:$0x14]  }
0x55: {  	[tilespmem:s20], [sflag:$0x1] =	stream.indirect_vreg.gather [hbm4b:s16+s4], $0x80, v4, vm0, $0xb8;
	[tilespmem:$0x1A180] =	vst v63  }
0x56: {  	s21 =	simm.s32 $0x8000;
	s17 =	rddreg [dreg:$0x15]  }
0x57: {  	[tilespmem:s21], [sflag:$0x1] =	stream.indirect_vreg.gather [hbm4b:s17+s4], $0x80, v4, vm0, $0xb8;
	[tilespmem:$0x1A180] =	vst v63  }
0x58: {  	s22 =	simm.s32 $0x8800;
	s18 =	rddreg [dreg:$0x16]  }
0x59: {  	[tilespmem:s22], [sflag:$0x1] =	stream.indirect_vreg.gather [hbm4b:s18+s4], $0x80, v4, vm0, $0xb8;
	[tilespmem:$0x1A180] =	vst v63  }
0x5a: {  	s24 =	simm.s32 $0x9000;
	s19 =	rddreg [dreg:$0x17]  }
0x5b: {  	[tilespmem:s24], [sflag:$0x1] =	stream.indirect_vreg.gather [hbm4b:s19+s4], $0x80, v4, vm0, $0xb8;
	[tilespmem:$0x1A180] =	vst v63  }
0x5c: {  	s26 =	simm.s32 $0x9800;
	s8 =	rddreg [dreg:$0x18]  }
0x5d: {  	[tilespmem:s26], [sflag:$0x1] =	stream.indirect_vreg.gather [hbm4b:s8+s4], $0x80, v4, vm0, $0xb8;
	[tilespmem:$0x1A180] =	vst v63  }
0x5e: {  	v4 =	vld.msk [tilespmem:$0x80], $0xf;
	_ =	sdelay $0x4  }
0x5f: {  	v5 =	vshll.u32 v4, $0x6  }
0x60: {  	v4 =	vand.u32 $0x7, v4;
	v5 =	vand.u32 $0xFFFFFE00, v5  }
0x61: {  	v4 =	vor.u32 v4, v5  }
0x62: {  	v4 =	vperm.xlane v4, v1;
	_ =	sdelay $0x1  }
0x63: {  	v4 =	vadd.s32 v2, v4;
	_ =	sdelay $0x3  }
0x64: {  	s30 =	simm.s32 $0xA000  }
0x65: {  	[tilespmem:s30], [sflag:$0x2] =	stream.indirect_vreg.gather [hbm4b:s31+s4], $0x80, v4, vm0, $0xb8;
	[tilespmem:$0x1A180] =	vst v63  }
0x66: {  	s31 =	simm.s32 $0xA800  }
0x67: {  	[tilespmem:s31], [sflag:$0x2] =	stream.indirect_vreg.gather [hbm4b:s2+s4], $0x80, v4, vm0, $0xb8;
	[tilespmem:$0x1A180] =	vst v63  }
0x68: {  	s1 =	simm.s32 $0xB000  }
0x69: {  	[tilespmem:s1], [sflag:$0x2] =	stream.indirect_vreg.gather [hbm4b:s3+s4], $0x80, v4, vm0, $0xb8;
	[tilespmem:$0x1A180] =	vst v63  }
0x6a: {  	s2 =	simm.s32 $0xB800  }
0x6b: {  	[tilespmem:s2], [sflag:$0x2] =	stream.indirect_vreg.gather [hbm4b:s6+s4], $0x80, v4, vm0, $0xb8;
	[tilespmem:$0x1A180] =	vst v63  }
0x6c: {  	s3 =	simm.s32 $0xC000  }
0x6d: {  	[tilespmem:s3], [sflag:$0x2] =	stream.indirect_vreg.gather [hbm4b:s9+s4], $0x80, v4, vm0, $0xb8;
	[tilespmem:$0x1A180] =	vst v63  }
0x6e: {  	s6 =	simm.s32 $0xC800  }
0x6f: {  	[tilespmem:s6], [sflag:$0x2] =	stream.indirect_vreg.gather [hbm4b:s10+s4], $0x80, v4, vm0, $0xb8;
	[tilespmem:$0x1A180] =	vst v63  }
0x70: {  	s9 =	simm.s32 $0xD000  }
0x71: {  	[tilespmem:s9], [sflag:$0x2] =	stream.indirect_vreg.gather [hbm4b:s11+s4], $0x80, v4, vm0, $0xb8;
	[tilespmem:$0x1A180] =	vst v63  }
0x72: {  	s10 =	simm.s32 $0xD800  }
0x73: {  	[tilespmem:s10], [sflag:$0x2] =	stream.indirect_vreg.gather [hbm4b:s12+s4], $0x80, v4, vm0, $0xb8;
	[tilespmem:$0x1A180] =	vst v63  }
0x74: {  	s12 =	simm.s32 $0xE000  }
0x75: {  	[tilespmem:s12], [sflag:$0x2] =	stream.indirect_vreg.gather [hbm4b:s13+s4], $0x80, v4, vm0, $0xb8;
	[tilespmem:$0x1A180] =	vst v63  }
0x76: {  	s20 =	simm.s32 $0xE800  }
0x77: {  	[tilespmem:s20], [sflag:$0x2] =	stream.indirect_vreg.gather [hbm4b:s14+s4], $0x80, v4, vm0, $0xb8;
	[tilespmem:$0x1A180] =	vst v63  }
0x78: {  	s21 =	simm.s32 $0xF000  }
0x79: {  	[tilespmem:s21], [sflag:$0x2] =	stream.indirect_vreg.gather [hbm4b:s15+s4], $0x80, v4, vm0, $0xb8;
	[tilespmem:$0x1A180] =	vst v63  }
0x7a: {  	s22 =	simm.s32 $0xF800  }
0x7b: {  	[tilespmem:s22], [sflag:$0x2] =	stream.indirect_vreg.gather [hbm4b:s16+s4], $0x80, v4, vm0, $0xb8;
	[tilespmem:$0x1A180] =	vst v63  }
0x7c: {  	s24 =	simm.s32 $0x10000  }
0x7d: {  	[tilespmem:s24], [sflag:$0x2] =	stream.indirect_vreg.gather [hbm4b:s17+s4], $0x80, v4, vm0, $0xb8;
	[tilespmem:$0x1A180] =	vst v63  }
0x7e: {  	s28 =	simm.s32 $0x0;
	s26 =	simm.s32 $0x10800;
	s30 =	simm.s32 $0x11000  }
0x7f: {  	[tilespmem:s26], [sflag:$0x2] =	stream.indirect_vreg.gather [hbm4b:s18+s4], $0x80, v4, vm0, $0xb8;
	[tilespmem:$0x1A180] =	vst v63  }
0x80: {  	s31 =	simm.s32 $0x11800;
	s2 =	simm.s32 $0x0;
	s3 =	rddreg [dreg:$0x9]  }
0x81: {  	[tilespmem:s30], [sflag:$0x2] =	stream.indirect_vreg.gather [hbm4b:s19+s4], $0x80, v4, vm0, $0xb8;
	[tilespmem:$0x1A180] =	vst v63  }
0x82: {  	s6 =	simm.s32 $0x0;
	s11 =	simm.s32 $0x200;
	s24 =	simm.s32 $0x8  }
0x83: {  	[tilespmem:s31], [sflag:$0x2] =	stream.indirect_vreg.gather [hbm4b:s8+s4], $0x80, v4, vm0, $0xb8;
	[tilespmem:$0x1A180] =	vst v63  }
.LBB2_2:
0x84: {  	s30 =	sadd.s32 $0xFFFF0000, s3  }
0x85: {  	s31 =	sadd.s32 $0xFFFFFFF8, s24;
	s30 =	sand.u32 $0x7F0000, s30  }
0x86: {  	s0 =	simm.s32 $0x1;
	v4 =	vor.u32 s31, v1;
	s1 =	sadd.s32 s23, s30;
	s30 =	sand.u32 $0x200, s2  }
0x87: {  	_ =	swait.ge [sflag:s0], $0x8000;
	s1 =	sor.u32 s30, s1  }
0x88: {  	[sflag:s0] =	ssyncset.done $0x0;
	s1 =	sshrl.u32 s1, $0x3  }
0x89: {  	[sflag:s0] =	ssyncadd.s32 $0xFFFF8000;
	s1 =	sadd.s32 s5, s1  }
0x8a: {  	[hbm4b:s1+s11] =	stream.strided.scatter [tilespmem:s7], [sflag:$0x4], $0x8000, s25, s11, $0x38;
	[tilespmem:$0x1A180] =	vst v63  }
0x8b: {  	v4 =	vld.idx.msk [tilespmem:v4+s29+$0x0], $0xffff;
	_ =	sdelay $0x4  }
0x8c: {  	v5 =	vshll.u32 v4, $0x2  }
0x8d: {  	v4 =	vand.u32 $0x7F, v4;
	v5 =	vand.u32 $0xFFFFFE00, v5  }
0x8e: {  	v4 =	vor.u32 v5, v4  }
0x8f: {  	v4 =	vor.u32 v3, v4;
	_ =	sdelay $0x4  }
0x90: {  	v4 =	vld.idx.msk [tilespmem:v4+s7+$0x0], $0xffff  }
0x91: {  	v5 =	vld [tilespmem:$0x1A100];
	_ =	sdelay $0x2  }
0x92: {  	p0 =	seq.s32 s24, $0x8  }
0x93: {  	p1 =	seq.s32 @!p0 s24, $0x104;
	v4 =	vnsel vm1, $0x0, v4  }
0x94: {  	p1 =	por p0, !p1;
	v4 =	vadd.f32 v4, v5  }
.Ltmp2:
0x95: {  	_ = 	snop;
	(pc) =	sbr.rel @!p1 .LBB2_4-.Ltmp2, $4  }
0x96: {  	s1 =	simm.s32 @!p0 $0x6;
	[tilespmem:$0x1A100] =	vst v4  }
0x97: {  	_ =	swait.ge @!p0 [sflag:s1], $0x8000  }
0x98: {  	[sflag:s1] =	ssyncset.done @!p0 $0x0  }
0x99: {  	[sflag:s1] =	ssyncadd.s32 @!p0 $0xFFFF8000  }
0x9a: {  	s1 =	sshra.s32 s28, $0x2  }
0x9b: {  	v4 =	vld.msk [tilespmem:s1+$0x100], $0xf;
	_ =	sdelay $0x4  }
0x9c: {  	v5 =	vshll.u32 v4, $0x6  }
0x9d: {  	v4 =	vand.u32 $0x7, v4;
	v5 =	vand.u32 $0xFFFFFE00, v5  }
0x9e: {  	v4 =	vor.u32 v4, v5  }
0x9f: {  	v4 =	vperm.xlane v4, v1;
	_ =	sdelay $0x1  }
0xa0: {  	v4 =	vadd.s32 v2, v4;
	_ =	sdelay $0x3  }
0xa1: {  	s11 =	rddreg [dreg:$0x2];
	s29 =	simm.s32 $0x12000  }
0xa2: {  	[tilespmem:s29], [sflag:$0x3] =	stream.indirect_vreg.gather [hbm4b:s11+s4], $0x80, v4, vm0, $0xb8;
	[tilespmem:$0x1A180] =	vst v63  }
0xa3: {  	s9 =	rddreg [dreg:$0xa];
	s0 =	simm.s32 $0x12800  }
0xa4: {  	[tilespmem:s0], [sflag:$0x3] =	stream.indirect_vreg.gather [hbm4b:s9+s4], $0x80, v4, vm0, $0xb8;
	[tilespmem:$0x1A180] =	vst v63  }
0xa5: {  	s10 =	rddreg [dreg:$0xb];
	s13 =	simm.s32 $0x13000  }
0xa6: {  	[tilespmem:s13], [sflag:$0x3] =	stream.indirect_vreg.gather [hbm4b:s10+s4], $0x80, v4, vm0, $0xb8;
	[tilespmem:$0x1A180] =	vst v63  }
0xa7: {  	s22 =	rddreg [dreg:$0xc];
	s14 =	simm.s32 $0x13800  }
0xa8: {  	[tilespmem:s14], [sflag:$0x3] =	stream.indirect_vreg.gather [hbm4b:s22+s4], $0x80, v4, vm0, $0xb8;
	[tilespmem:$0x1A180] =	vst v63  }
0xa9: {  	s12 =	rddreg [dreg:$0xd];
	s15 =	simm.s32 $0x14000  }
0xaa: {  	[tilespmem:s15], [sflag:$0x3] =	stream.indirect_vreg.gather [hbm4b:s12+s4], $0x80, v4, vm0, $0xb8;
	[tilespmem:$0x1A180] =	vst v63  }
0xab: {  	s16 =	simm.s32 $0x14800;
	s13 =	rddreg [dreg:$0xe]  }
0xac: {  	[tilespmem:s16], [sflag:$0x3] =	stream.indirect_vreg.gather [hbm4b:s13+s4], $0x80, v4, vm0, $0xb8;
	[tilespmem:$0x1A180] =	vst v63  }
0xad: {  	s17 =	simm.s32 $0x15000;
	s14 =	rddreg [dreg:$0xf]  }
0xae: {  	[tilespmem:s17], [sflag:$0x3] =	stream.indirect_vreg.gather [hbm4b:s14+s4], $0x80, v4, vm0, $0xb8;
	[tilespmem:$0x1A180] =	vst v63  }
0xaf: {  	s18 =	simm.s32 $0x15800;
	s15 =	rddreg [dreg:$0x10]  }
0xb0: {  	[tilespmem:s18], [sflag:$0x3] =	stream.indirect_vreg.gather [hbm4b:s15+s4], $0x80, v4, vm0, $0xb8;
	[tilespmem:$0x1A180] =	vst v63  }
0xb1: {  	s19 =	simm.s32 $0x16000;
	s16 =	rddreg [dreg:$0x11]  }
0xb2: {  	[tilespmem:s19], [sflag:$0x3] =	stream.indirect_vreg.gather [hbm4b:s16+s4], $0x80, v4, vm0, $0xb8;
	[tilespmem:$0x1A180] =	vst v63  }
0xb3: {  	s20 =	simm.s32 $0x16800;
	s17 =	rddreg [dreg:$0x12]  }
0xb4: {  	[tilespmem:s20], [sflag:$0x3] =	stream.indirect_vreg.gather [hbm4b:s17+s4], $0x80, v4, vm0, $0xb8;
	[tilespmem:$0x1A180] =	vst v63  }
0xb5: {  	s21 =	simm.s32 $0x17000;
	s18 =	rddreg [dreg:$0x13]  }
0xb6: {  	[tilespmem:s21], [sflag:$0x3] =	stream.indirect_vreg.gather [hbm4b:s18+s4], $0x80, v4, vm0, $0xb8;
	[tilespmem:$0x1A180] =	vst v63  }
0xb7: {  	s25 =	simm.s32 $0x17800;
	s19 =	rddreg [dreg:$0x14]  }
0xb8: {  	[tilespmem:s25], [sflag:$0x3] =	stream.indirect_vreg.gather [hbm4b:s19+s4], $0x80, v4, vm0, $0xb8;
	[tilespmem:$0x1A180] =	vst v63  }
0xb9: {  	s26 =	simm.s32 $0x18000;
	s20 =	rddreg [dreg:$0x15]  }
0xba: {  	[tilespmem:s26], [sflag:$0x3] =	stream.indirect_vreg.gather [hbm4b:s20+s4], $0x80, v4, vm0, $0xb8;
	[tilespmem:$0x1A180] =	vst v63  }
0xbb: {  	s31 =	simm.s32 $0x18800;
	s21 =	rddreg [dreg:$0x16]  }
0xbc: {  	[tilespmem:s31], [sflag:$0x3] =	stream.indirect_vreg.gather [hbm4b:s21+s4], $0x80, v4, vm0, $0xb8;
	[tilespmem:$0x1A180] =	vst v63  }
0xbd: {  	s8 =	simm.s32 $0x19000;
	s31 =	sadd.s32 $0xFFFF8000, s3  }
0xbe: {  	s0 =	sxor.u32 $0xFFFFFFFF, s28;
	s26 =	rddreg [dreg:$0x17];
	s31 =	sand.u32 $0x7FFF0000, s31  }
0xbf: {  	[tilespmem:s8], [sflag:$0x3] =	stream.indirect_vreg.gather [hbm4b:s26+s4], $0x80, v4, vm0, $0xb8;
	[tilespmem:$0x1A180] =	vst v63  }
0xc0: {  	s0 =	sand.u32 $0x200, s0;
	s31 =	sadd.s32 s23, s31  }
0xc1: {  	s25 =	simm.s32 $0x19800;
	s8 =	rddreg [dreg:$0x18];
	s0 =	sor.u32 s0, s31  }
0xc2: {  	[tilespmem:s25], [sflag:$0x3] =	stream.indirect_vreg.gather [hbm4b:s8+s4], $0x80, v4, vm0, $0xb8;
	[tilespmem:$0x1A180] =	vst v63  }
0xc3: {  	s31 =	simm.s32 $0x2;
	s25 =	smov.u32 s5;
	s5 =	sadd.s32 $0xFFFFFFFC, s24  }
0xc4: {  	s7 =	simm.s32 $0x200;
	s0 =	sshrl.u32 s0, $0x3;
	v4 =	vor.u32 s5, v1;
	_ =	swait.ge [sflag:s31], $0x8000  }
0xc5: {  	s5 =	smov.u32 s25;
	s25 =	simm.s32 $0x400;
	[sflag:s31] =	ssyncset.done $0x0  }
0xc6: {  	s0 =	sadd.s32 s5, s0;
	[sflag:s31] =	ssyncadd.s32 $0xFFFF8000;
	s31 =	simm.s32 $0xA000  }
0xc7: {  	[hbm4b:s0+s7] =	stream.strided.scatter [tilespmem:s31], [sflag:$0x5], $0x8000, s25, s7, $0x38;
	[tilespmem:$0x1A180] =	vst v63  }
0xc8: {  	s7 =	simm.s32 $0x1A000  }
0xc9: {  	v4 =	vld.idx.msk [tilespmem:v4+s7+$0x0], $0xffff;
	_ =	sdelay $0x4  }
0xca: {  	v5 =	vshll.u32 v4, $0x2  }
0xcb: {  	v4 =	vand.u32 $0x7F, v4;
	v5 =	vand.u32 $0xFFFFFE00, v5  }
0xcc: {  	v4 =	vor.u32 v5, v4  }
0xcd: {  	v4 =	vor.u32 v3, v4;
	_ =	sdelay $0x4  }
0xce: {  	v4 =	vld.idx.msk [tilespmem:v4+s31+$0x0], $0xffff  }
0xcf: {  	v5 =	vld [tilespmem:$0x1A100];
	_ =	sdelay $0x3  }
0xd0: {  	v4 =	vnsel vm1, $0x0, v4  }
0xd1: {  	v4 =	vadd.f32 v4, v5;
	_ =	sdelay $0x1  }
0xd2: {  	s31 =	simm.s32 $0x4;
	[tilespmem:$0x1A100] =	vst v4  }
0xd3: {  	_ =	swait.ge [sflag:s31], $0x8000  }
0xd4: {  	[sflag:s31] =	ssyncset.done $0x0  }
0xd5: {  	[sflag:s31] =	ssyncadd.s32 $0xFFFF8000  }
0xd6: {  	v4 =	vld.msk [tilespmem:s1+$0x180], $0xf;
	_ =	sdelay $0x4  }
0xd7: {  	v5 =	vshll.u32 v4, $0x6  }
0xd8: {  	v4 =	vand.u32 $0x7, v4;
	v5 =	vand.u32 $0xFFFFFE00, v5  }
0xd9: {  	v4 =	vor.u32 v4, v5  }
0xda: {  	v4 =	vperm.xlane v4, v1;
	_ =	sdelay $0x1  }
0xdb: {  	v4 =	vadd.s32 v2, v4;
	_ =	sdelay $0x3  }
0xdc: {  	s1 =	simm.s32 $0x2000  }
0xdd: {  	[tilespmem:s1], [sflag:$0x1] =	stream.indirect_vreg.gather [hbm4b:s11+s4], $0x80, v4, vm0, $0xb8;
	[tilespmem:$0x1A180] =	vst v63  }
0xde: {  	s7 =	simm.s32 $0x2800  }
0xdf: {  	[tilespmem:s7], [sflag:$0x1] =	stream.indirect_vreg.gather [hbm4b:s9+s4], $0x80, v4, vm0, $0xb8;
	[tilespmem:$0x1A180] =	vst v63  }
0xe0: {  	s1 =	simm.s32 $0x3000  }
0xe1: {  	[tilespmem:s1], [sflag:$0x1] =	stream.indirect_vreg.gather [hbm4b:s10+s4], $0x80, v4, vm0, $0xb8;
	[tilespmem:$0x1A180] =	vst v63  }
0xe2: {  	s7 =	simm.s32 $0x3800  }
0xe3: {  	[tilespmem:s7], [sflag:$0x1] =	stream.indirect_vreg.gather [hbm4b:s22+s4], $0x80, v4, vm0, $0xb8;
	[tilespmem:$0x1A180] =	vst v63  }
0xe4: {  	s1 =	simm.s32 $0x4000  }
0xe5: {  	[tilespmem:s1], [sflag:$0x1] =	stream.indirect_vreg.gather [hbm4b:s12+s4], $0x80, v4, vm0, $0xb8;
	[tilespmem:$0x1A180] =	vst v63  }
0xe6: {  	s7 =	simm.s32 $0x4800  }
0xe7: {  	[tilespmem:s7], [sflag:$0x1] =	stream.indirect_vreg.gather [hbm4b:s13+s4], $0x80, v4, vm0, $0xb8;
	[tilespmem:$0x1A180] =	vst v63  }
0xe8: {  	s1 =	simm.s32 $0x5000  }
0xe9: {  	[tilespmem:s1], [sflag:$0x1] =	stream.indirect_vreg.gather [hbm4b:s14+s4], $0x80, v4, vm0, $0xb8;
	[tilespmem:$0x1A180] =	vst v63  }
0xea: {  	s7 =	simm.s32 $0x5800  }
0xeb: {  	[tilespmem:s7], [sflag:$0x1] =	stream.indirect_vreg.gather [hbm4b:s15+s4], $0x80, v4, vm0, $0xb8;
	[tilespmem:$0x1A180] =	vst v63  }
0xec: {  	s1 =	simm.s32 $0x6000  }
0xed: {  	[tilespmem:s1], [sflag:$0x1] =	stream.indirect_vreg.gather [hbm4b:s16+s4], $0x80, v4, vm0, $0xb8;
	[tilespmem:$0x1A180] =	vst v63  }
0xee: {  	s7 =	simm.s32 $0x6800  }
0xef: {  	[tilespmem:s7], [sflag:$0x1] =	stream.indirect_vreg.gather [hbm4b:s17+s4], $0x80, v4, vm0, $0xb8;
	[tilespmem:$0x1A180] =	vst v63  }
0xf0: {  	s1 =	simm.s32 $0x7000  }
0xf1: {  	[tilespmem:s1], [sflag:$0x1] =	stream.indirect_vreg.gather [hbm4b:s18+s4], $0x80, v4, vm0, $0xb8;
	[tilespmem:$0x1A180] =	vst v63  }
0xf2: {  	s7 =	simm.s32 $0x7800  }
0xf3: {  	[tilespmem:s7], [sflag:$0x1] =	stream.indirect_vreg.gather [hbm4b:s19+s4], $0x80, v4, vm0, $0xb8;
	[tilespmem:$0x1A180] =	vst v63  }
0xf4: {  	s1 =	simm.s32 $0x8000  }
0xf5: {  	[tilespmem:s1], [sflag:$0x1] =	stream.indirect_vreg.gather [hbm4b:s20+s4], $0x80, v4, vm0, $0xb8;
	[tilespmem:$0x1A180] =	vst v63  }
0xf6: {  	s7 =	simm.s32 $0x8800  }
0xf7: {  	[tilespmem:s7], [sflag:$0x1] =	stream.indirect_vreg.gather [hbm4b:s21+s4], $0x80, v4, vm0, $0xb8;
	[tilespmem:$0x1A180] =	vst v63  }
0xf8: {  	s1 =	simm.s32 $0x9000  }
0xf9: {  	[tilespmem:s1], [sflag:$0x1] =	stream.indirect_vreg.gather [hbm4b:s26+s4], $0x80, v4, vm0, $0xb8;
	[tilespmem:$0x1A180] =	vst v63  }
0xfa: {  	s7 =	simm.s32 $0x9800;
	s1 =	sand.u32 $0xFF0000, s3  }
0xfb: {  	[tilespmem:s7], [sflag:$0x1] =	stream.indirect_vreg.gather [hbm4b:s8+s4], $0x80, v4, vm0, $0xb8;
	[tilespmem:$0x1A180] =	vst v63  }
0xfc: {  	s0 =	sadd.s32 s23, s1;
	v4 =	vor.u32 s24, v1;
	s7 =	simm.s32 $0x3  }
0xfd: {  	s31 =	smov.u32 s11;
	s0 =	sor.u32 s30, s0;
	_ =	swait.ge [sflag:s7], $0x8000  }
0xfe: {  	s11 =	simm.s32 $0x200;
	s0 =	sshrl.u32 s0, $0x3;
	[sflag:s7] =	ssyncset.done $0x0  }
0xff: {  	s0 =	sadd.s32 s5, s0;
	[sflag:s7] =	ssyncadd.s32 $0xFFFF8000;
	s7 =	simm.s32 $0x1A000  }
0x100: {  	[hbm4b:s0+s11] =	stream.strided.scatter [tilespmem:s29], [sflag:$0x6], $0x8000, s25, s11, $0x38;
	[tilespmem:$0x1A180] =	vst v63  }
0x101: {  	v4 =	vld.idx.msk [tilespmem:v4+s7+$0x0], $0xffff;
	_ =	sdelay $0x4  }
0x102: {  	v5 =	vshll.u32 v4, $0x2  }
0x103: {  	v4 =	vand.u32 $0x7F, v4;
	v5 =	vand.u32 $0xFFFFFE00, v5  }
0x104: {  	v4 =	vor.u32 v5, v4  }
0x105: {  	v4 =	vor.u32 v3, v4;
	_ =	sdelay $0x4  }
0x106: {  	v4 =	vld.idx.msk [tilespmem:v4+s29+$0x0], $0xffff  }
0x107: {  	v5 =	vld [tilespmem:$0x1A100];
	_ =	sdelay $0x3  }
0x108: {  	v4 =	vnsel vm1, $0x0, v4  }
0x109: {  	v4 =	vadd.f32 v4, v5;
	_ =	sdelay $0x1  }
0x10a: {  	s30 =	simm.s32 $0x5;
	[tilespmem:$0x1A100] =	vst v4  }
0x10b: {  	_ =	swait.ge [sflag:s30], $0x8000  }
0x10c: {  	p0 =	sgt.u32 s6, $0x13;
	[sflag:s30] =	ssyncset.done $0x0  }
0x10d: {  	s0 =	sshra.s32 @!p0 s28, $0x2;
	[sflag:s30] =	ssyncadd.s32 $0xFFFF8000  }
0x10e: {  	v4 =	vld.msk @!p0 [tilespmem:s0+$0x200], $0xf;
	_ =	sdelay $0x4  }
0x10f: {  	v5 =	vshll.u32 @!p0 v4, $0x6  }
0x110: {  	v6 =	vlaneseq.u32 @!p0;
	v4 =	vand.u32 @!p0 $0x7, v4;
	v5 =	vand.u32 @!p0 $0xFFFFFE00, v5  }
0x111: {  	v4 =	vor.u32 @!p0 v4, v5;
	v5 =	vand.u32 @!p0 $0x3, v6;
	v6 =	vshrl.u32 @!p0 v6, $0x2  }
0x112: {  	v4 =	vperm.xlane @!p0 v4, v5;
	v5 =	vmul.u32 @!p0 $0x8, v6;
	_ =	sdelay $0x1  }
0x113: {  	v4 =	vadd.s32 @!p0 v5, v4;
	_ =	sdelay $0x3  }
0x114: {  	vm2 =	vmmov @!p0 $0xffff;
	s1 =	simm.s32 @!p0 $0xA000;
	s0 =	simm.s32 @!p0 $0x0  }
0x115: {  	[tilespmem:s1], [sflag:$0x2] =	stream.indirect_vreg.gather @!p0 [hbm4b:s31+s0], $0x80, v4, vm2, $0xb8;
	[tilespmem:$0x1A180] =	vst v63  }
0x116: {  	s1 =	simm.s32 @!p0 $0xA800  }
0x117: {  	[tilespmem:s1], [sflag:$0x2] =	stream.indirect_vreg.gather @!p0 [hbm4b:s9+s0], $0x80, v4, vm2, $0xb8;
	[tilespmem:$0x1A180] =	vst v63  }
0x118: {  	s1 =	simm.s32 @!p0 $0xB000  }
0x119: {  	[tilespmem:s1], [sflag:$0x2] =	stream.indirect_vreg.gather @!p0 [hbm4b:s10+s0], $0x80, v4, vm2, $0xb8;
	[tilespmem:$0x1A180] =	vst v63  }
0x11a: {  	s1 =	simm.s32 @!p0 $0xB800  }
0x11b: {  	[tilespmem:s1], [sflag:$0x2] =	stream.indirect_vreg.gather @!p0 [hbm4b:s22+s0], $0x80, v4, vm2, $0xb8;
	[tilespmem:$0x1A180] =	vst v63  }
0x11c: {  	s1 =	simm.s32 @!p0 $0xC000  }
0x11d: {  	[tilespmem:s1], [sflag:$0x2] =	stream.indirect_vreg.gather @!p0 [hbm4b:s12+s0], $0x80, v4, vm2, $0xb8;
	[tilespmem:$0x1A180] =	vst v63  }
0x11e: {  	s1 =	simm.s32 @!p0 $0xC800  }
0x11f: {  	[tilespmem:s1], [sflag:$0x2] =	stream.indirect_vreg.gather @!p0 [hbm4b:s13+s0], $0x80, v4, vm2, $0xb8;
	[tilespmem:$0x1A180] =	vst v63  }
0x120: {  	s1 =	simm.s32 @!p0 $0xD000  }
0x121: {  	[tilespmem:s1], [sflag:$0x2] =	stream.indirect_vreg.gather @!p0 [hbm4b:s14+s0], $0x80, v4, vm2, $0xb8;
	[tilespmem:$0x1A180] =	vst v63  }
0x122: {  	s1 =	simm.s32 @!p0 $0xD800  }
0x123: {  	[tilespmem:s1], [sflag:$0x2] =	stream.indirect_vreg.gather @!p0 [hbm4b:s15+s0], $0x80, v4, vm2, $0xb8;
	[tilespmem:$0x1A180] =	vst v63  }
0x124: {  	s1 =	simm.s32 @!p0 $0xE000  }
0x125: {  	[tilespmem:s1], [sflag:$0x2] =	stream.indirect_vreg.gather @!p0 [hbm4b:s16+s0], $0x80, v4, vm2, $0xb8;
	[tilespmem:$0x1A180] =	vst v63  }
0x126: {  	s1 =	simm.s32 @!p0 $0xE800  }
0x127: {  	[tilespmem:s1], [sflag:$0x2] =	stream.indirect_vreg.gather @!p0 [hbm4b:s17+s0], $0x80, v4, vm2, $0xb8;
	[tilespmem:$0x1A180] =	vst v63  }
0x128: {  	s1 =	simm.s32 @!p0 $0xF000  }
0x129: {  	[tilespmem:s1], [sflag:$0x2] =	stream.indirect_vreg.gather @!p0 [hbm4b:s18+s0], $0x80, v4, vm2, $0xb8;
	[tilespmem:$0x1A180] =	vst v63  }
0x12a: {  	s1 =	simm.s32 @!p0 $0xF800  }
0x12b: {  	[tilespmem:s1], [sflag:$0x2] =	stream.indirect_vreg.gather @!p0 [hbm4b:s19+s0], $0x80, v4, vm2, $0xb8;
	[tilespmem:$0x1A180] =	vst v63  }
0x12c: {  	s1 =	simm.s32 @!p0 $0x10000  }
0x12d: {  	[tilespmem:s1], [sflag:$0x2] =	stream.indirect_vreg.gather @!p0 [hbm4b:s20+s0], $0x80, v4, vm2, $0xb8;
	[tilespmem:$0x1A180] =	vst v63  }
0x12e: {  	s1 =	simm.s32 @!p0 $0x10800  }
0x12f: {  	[tilespmem:s1], [sflag:$0x2] =	stream.indirect_vreg.gather @!p0 [hbm4b:s21+s0], $0x80, v4, vm2, $0xb8;
	[tilespmem:$0x1A180] =	vst v63  }
0x130: {  	s1 =	simm.s32 @!p0 $0x11000  }
0x131: {  	[tilespmem:s1], [sflag:$0x2] =	stream.indirect_vreg.gather @!p0 [hbm4b:s26+s0], $0x80, v4, vm2, $0xb8;
	[tilespmem:$0x1A180] =	vst v63  }
0x132: {  	s24 =	sadd.s32 $0xC, s24;
	s1 =	simm.s32 @!p0 $0x11800  }
0x133: {  	[tilespmem:s1], [sflag:$0x2] =	stream.indirect_vreg.gather @!p0 [hbm4b:s8+s0], $0x80, v4, vm2, $0xb8;
	[tilespmem:$0x1A180] =	vst v63  }
0x134: {  	p0 =	sne.s32 s24, $0x110  }
.Ltmp3:
0x135: {  	_ = 	snop;
	(pc) =	sbr.rel @p0 .LBB2_2-.Ltmp3, $4  }
.Ltmp4:
0x136: {  	_ = 	snop;
	(pc) =	sbr.rel @!p0 .LBB2_4-.Ltmp4, $4  }
0x137: {  	_ = 	snop  }
0x138: {  	s6 =	sadd.s32 $0x1, s6;
	s2 =	sadd.s32 $0x200, s2;
	s3 =	sadd.s32 $0x18000, s3  }
0x139: {  	s28 =	sadd.s32 $0x600, s28;
	s7 =	simm.s32 $0x2000;
	s29 =	simm.s32 $0x1A000  }
0x13a: {  	_ = 	snop  }
.LBB2_5:
0x13b: {  	_ =	sfence.sel $0x180000  }
0x13c: {  	[bflag:$0x0] =	sbarrier.arrive $0xFFFF  }
0x13d: {  	_ =	strace $0x90000047  }
0x13e: {  	s0 =	stileid.u32;
	[bflag:$0x2] =	sbarrier.arrive $0xFFFF  }
0x13f: {  	p0 =	sne.s32 s0, $0x0;
	s0 =	rddreg [dreg:$0x4]  }
0x140: {  	s0 =	sadd.s32 @!p0 $0x100000, s0  }
0x141: {  	[sflag:s0] =	ssyncadd.tile.s32 @!p0 $0x1;
	_ =	shalt  }
.Lfunc_end2:
_tile_overlayer_lowered:
.L_overlay_start_2:
0x142: {  	(tag) =	ssettag $0x2  }
0x143: {  	s0 =	rddreg [dreg:$0x0];
	s2 =	stileid.u32  }
0x144: {  	s1 =	rddreg [dreg:$0x1];
	p0 =	sne.s32 s2, $0x0  }
0x145: {  	s3 =	rddreg [dreg:$0x2];
	[bflag:$0x3] =	sbarrier.arrive $0xFFFF;
	s2 =	simm.s32 @!p0 $0x1C07  }
0x146: {  	[timem:s3], [sflag:s2] =	dma.local @!p0 [hbm:s0], s1  }
0x147: {  	s0 =	simm.s32 @!p0 $0x7  }
0x148: {  	_ =	swait.ge @!p0 [sflag:s0], s1  }
0x149: {  	s1 =	ssub.s32 @!p0 $0x0, s1;
	[sflag:s0] =	ssyncset.done @!p0 $0x0  }
0x14a: {  	[sflag:s0] =	ssyncadd.s32 @!p0 s1  }
0x14b: {  	[bflag:$0x3] =	sbarrier.arrive $0xFFFF  }
0x14c: {  	_ =	shalt  }

// kernel: kernel.8.cloned.1.call-start
scs
__scs_entry_jumppad:
0x0: {  	(pc) =	sbr.rel $0x88, $3  }
0x1: {  	(tag) =	ssettag $0x0;
	lr =	simm.s32 $0x1  }
0x2: {  	[smem:$0x3F9E] =	sst lr;
	_ =	strace $0xD0000000  }
0x3: {  	_ = 	snop  }
0x4: {  	_ = 	snop  }
0x5: {  	_ = 	snop  }
0x6: {  	_ = 	snop  }
0x7: {  	_ = 	snop  }
__scs_overlays_trampoline_lowered:
0x8: {  	[smem:$0x3FAD] =	sst s0  }
0x9: {  	[smem:$0x3FAE] =	sst s1  }
0xa: {  	[smem:$0x3FAF] =	sst s2  }
0xb: {  	[smem:$0x3FB0] =	sst s3  }
0xc: {  	[smem:$0x3FB1] =	sst s4  }
0xd: {  	[smem:$0x3FB2] =	sst s5  }
0xe: {  	[smem:$0x3FB3] =	sst s6  }
0xf: {  	[smem:$0x3FB4] =	sst s7  }
0x10: {  	[smem:$0x3FB5] =	sst s8  }
0x11: {  	[smem:$0x3FB6] =	sst s9;
	s0 =	simm.s32 @!p0 $0x0  }
0x12: {  	s1 =	sld [smem:$0x3F9C];
	s0 =	simm.s32 @p0 $0x1  }
0x13: {  	[smem:$0x3FB7] =	sst s0;
	s0 =	simm.s32 @!p1 $0x0  }
0x14: {  	s2 =	sld [smem:$0x3F9B];
	s0 =	simm.s32 @p1 $0x1  }
0x15: {  	[smem:$0x3FB8] =	sst s0;
	s0 =	simm.s32 @!p2 $0x0  }
0x16: {  	s3 =	sld [smem:$0x3FDB];
	s0 =	simm.s32 @p2 $0x1  }
0x17: {  	s4 =	simm.s32 $0x1BF5;
	[smem:$0x3FBA] =	sst s0  }
0x18: {  	s0 =	sld [smem:$0x3F9D];
	_ =	swait.ge [sflag:s4], $0x0  }
0x19: {  	s7 =	sld [smem:$0x3F9E]  }
0x1a: {  	s8 =	sadd.s32 $0xFFFFE003, lr  }
0x1b: {  	s9 =	sadd.s32 $0xFFFFFEF7, lr;
	s5 =	simm.s32 $0xFFFFFFFF;
	p2 =	slt.u32 s8, $0xFFFFF086  }
0x1c: {  	p1 =	slt.u32 s9, $0xF7A;
	s5 =	simm.s32 @!p2 $0x0  }
0x1d: {  	s5 =	simm.s32 @p1 $0x1;
	p0 =	seq.s32 s7, s2  }
0x1e: {  	s7 =	smul.u32 @!p0 $0xF7A, s2;
	p2 =	seq.s32 @!p0 s5, $0x0  }
0x1f: {  	s9 =	smul.u32 $0xF7A, s1;
	s8 =	simm.s32 @!p0 $0x1BF5;
	p2 =	por !p2, p0  }
0x20: {  	[sflag:s8] =	ssyncset.s32 @!p0 $0xFFFFF086;
	s6 =	sadd.s32 @!p0 s3, s7;
	s7 =	simm.s32 @!p0 $0x108  }
0x21: {  	s3 =	sadd.s32 s3, s9;
	s6 =	sadd.s32 @!p0 $0x88, s6;
	s7 =	simm.s32 @p2 $0x1082  }
0x22: {  	[simem:s7], [sflag:s8] =	dma.local @!p0 [hbm:s6], $0xF7A  }
0x23: {  	s9 =	sor.u32 $0xD0000000, s2;
	s6 =	simm.s32 $0x108;
	_ =	swait.ge @!p0 [sflag:s8], $0x0  }
0x24: {  	s3 =	sadd.s32 $0x88, s3;
	s6 =	simm.s32 @!p1 $0x1082;
	[sflag:s4] =	ssyncset.s32 $0xFFFFF086  }
0x25: {  	[simem:s6], [sflag:s4] =	dma.local [hbm:s3], $0xF7A  }
0x26: {  	[smem:$0x3F9E] =	sst s1;
	(tag) =	ssettag s2;
	_ =	strace s9  }
0x27: {  	s1 =	sld [smem:$0x3FAE]  }
0x28: {  	s2 =	sld [smem:$0x3FAF]  }
0x29: {  	s4 =	sld [smem:$0x3FB1]  }
0x2a: {  	p0 =	seq.s32 s5, $0x0;
	s5 =	sld [smem:$0x3FB2]  }
0x2b: {  	s6 =	sld [smem:$0x3FB3]  }
0x2c: {  	s7 =	sld [smem:$0x3FB4]  }
0x2d: {  	s3 =	simm.s32 $0x108;
	s8 =	sld [smem:$0x3FB5]  }
0x2e: {  	s3 =	simm.s32 @!p0 $0x1082;
	s9 =	sld [smem:$0x3FB6]  }
0x2f: {  	lr =	sadd.s32 s0, s3;
	s0 =	sld [smem:$0x3FAD]  }
0x30: {  	s3 =	sld [smem:$0x3FB0]  }
0x31: {  	[smem:$0x3FB9] =	sst s10  }
0x32: {  	s10 =	sld [smem:$0x3FB7];
	_ =	sdelay $0x3  }
0x33: {  	p0 =	seq.s32 s10, $0x1;
	s10 =	sld [smem:$0x3FB9];
	_ =	sdelay $0x3  }
0x34: {  	[smem:$0x3FB9] =	sst s10  }
0x35: {  	s10 =	sld [smem:$0x3FB8];
	_ =	sdelay $0x3  }
0x36: {  	p1 =	seq.s32 s10, $0x1;
	s10 =	sld [smem:$0x3FB9];
	_ =	sdelay $0x3  }
0x37: {  	[smem:$0x3FB9] =	sst s10  }
0x38: {  	s10 =	sld [smem:$0x3FBA]  }
0x39: {  	_ = 	snop;
	(pc) =	sbr.ind lr, $3  }
0x3a: {  	_ = 	snop  }
0x3b: {  	_ = 	snop  }
0x3c: {  	p2 =	seq.s32 s10, $0x1;
	s10 =	sld [smem:$0x3FB9]  }
0x3d: {  	_ =	shalt  }
0x3e: {  	_ =	shalt  }
0x3f: {  	_ =	shalt  }
0x40: {  	_ =	shalt  }
0x41: {  	_ =	shalt  }
0x42: {  	_ =	shalt  }
0x43: {  	_ =	shalt  }
0x44: {  	_ =	shalt  }
0x45: {  	_ =	shalt  }
0x46: {  	_ =	shalt  }
0x47: {  	_ =	shalt  }
0x48: {  	_ =	shalt  }
0x49: {  	_ =	shalt  }
0x4a: {  	_ =	shalt  }
0x4b: {  	_ =	shalt  }
0x4c: {  	_ =	shalt  }
0x4d: {  	_ =	shalt  }
0x4e: {  	_ =	shalt  }
0x4f: {  	_ =	shalt  }
0x50: {  	_ =	shalt  }
0x51: {  	_ =	shalt  }
0x52: {  	_ =	shalt  }
0x53: {  	_ =	shalt  }
0x54: {  	_ =	shalt  }
0x55: {  	_ =	shalt  }
0x56: {  	_ =	shalt  }
0x57: {  	_ =	shalt  }
0x58: {  	_ =	shalt  }
0x59: {  	_ =	shalt  }
0x5a: {  	_ =	shalt  }
0x5b: {  	_ =	shalt  }
0x5c: {  	_ =	shalt  }
0x5d: {  	_ =	shalt  }
0x5e: {  	_ =	shalt  }
0x5f: {  	_ =	shalt  }
0x60: {  	_ =	shalt  }
0x61: {  	_ =	shalt  }
0x62: {  	_ =	shalt  }
0x63: {  	_ =	shalt  }
0x64: {  	_ =	shalt  }
0x65: {  	_ =	shalt  }
0x66: {  	_ =	shalt  }
0x67: {  	_ =	shalt  }
0x68: {  	_ =	shalt  }
0x69: {  	_ =	shalt  }
0x6a: {  	_ =	shalt  }
0x6b: {  	_ =	shalt  }
0x6c: {  	_ =	shalt  }
0x6d: {  	_ =	shalt  }
0x6e: {  	_ =	shalt  }
0x6f: {  	_ =	shalt  }
0x70: {  	_ =	shalt  }
0x71: {  	_ =	shalt  }
0x72: {  	_ =	shalt  }
0x73: {  	_ =	shalt  }
0x74: {  	_ =	shalt  }
0x75: {  	_ =	shalt  }
0x76: {  	_ =	shalt  }
0x77: {  	_ =	shalt  }
0x78: {  	_ =	shalt  }
0x79: {  	_ =	shalt  }
0x7a: {  	_ =	shalt  }
0x7b: {  	_ =	shalt  }
0x7c: {  	_ =	shalt  }
0x7d: {  	_ =	shalt  }
0x7e: {  	_ =	shalt  }
0x7f: {  	_ =	shalt  }
0x80: {  	_ =	shalt  }
0x81: {  	_ =	shalt  }
0x82: {  	_ =	shalt  }
0x83: {  	_ =	shalt  }
0x84: {  	_ =	shalt  }
0x85: {  	_ =	shalt  }
0x86: {  	_ =	shalt  }
0x87: {  	_ =	shalt  }
.Lfunc_end0:
.L_simem_size_0:
called_computation.1_lowered:
.L_overlay_start_0:
0x88: {  	s2 =	sld [smem:$0x3FD9]  }
0x89: {  	s3 =	sld [smem:$0x3FFE];
	_ =	sdelay $0x1  }
0x8a: {  	s1 =	srdreg.scid  }
0x8b: {  	s0 =	sand.u32 $0x1, s1  }
0x8c: {  	s17 =	sshll.u32 s0, $0xA;
	s2 =	sadd.s32 s3, s2  }
0x8d: {  	s2 =	sadd.s32 s2, s17  }
0x8e: {  	[smem:$0x3FC5] =	sst s2  }
0x8f: {  	_ = 	snop  }
0x90: {  	s2 =	sld [smem:$0x3FC9];
	(tm) =	ssettm $0x1  }
0x91: {  	s18 =	sld [smem:$0x3FFB];
	_ =	sdelay $0x3  }
0x92: {  	_ =	strace s18  }
0x93: {  	s3 =	sld [smem:$0x3FFC];
	_ =	sdelay $0x3  }
0x94: {  	_ =	strace s3  }
0x95: {  	s3 =	sld [smem:$0x3FFD];
	_ =	sdelay $0x3  }
0x96: {  	_ =	strace s3  }
0x97: {  	_ =	strace $0x8FFFFFFF  }
0x98: {  	s19 =	sld [smem:$0x3FDB];
	_ =	sdelay $0x1  }
0x99: {  	s4 =	simm.s32 $_scs_section_size  }
0x9a: {  	s5 =	simm.s32 $_size__tile_overlayer_lowered;
	s6 =	simm.s32 $_tile_overlayer_lowered  }
0x9b: {  	s22 =	simm.s32 $0x1BFF;
	s21 =	sshll.u32 s6, $0x1;
	s3 =	sadd.s32 s4, s19  }
0x9c: {  	s7 =	simm.s32 $0x0;
	s20 =	sshll.u32 s5, $0x1;
	s5 =	sadd.s32 s21, s3  }
0x9d: {  	[timem:s7], [sflag:s22] =	dma.local [hbm:s5], s20  }
0x9e: {  	_ =	swait.ge [sflag:s22], s20  }
0x9f: {  	s4 =	ssub.s32 $0x0, s20;
	[sflag:s22] =	ssyncset.done $0x0  }
0xa0: {  	[sflag:s22] =	ssyncadd.s32 s4;
	_ =	sdelay $0x1  }
0xa1: {  	s23 =	simm.s32 $0x1B8B  }
0xa2: {  	_ =	swait.ge [sflag:s23], $0x1  }
0xa3: {  	[sflag:s23] =	ssyncset.done $0x0  }
0xa4: {  	s25 =	simm.s32 $0x1B8E;
	s24 =	sld [smem:$0x3FFE];
	[sflag:s23] =	ssyncadd.s32 $0xFFFFFFFF  }
0xa5: {  	s26 =	simm.s32 $execute0_lowered;
	[smem:$0x3FD2] =	sst s25  }
0xa6: {  	s5 =	sshll.u32 s26, $0x1;
	_ =	strace $0x80000049;
	[dreg:$0x1] =	wrdreg $0xFFFFFFFF  }
0xa7: {  	s28 =	simm.s32 $_size_execute0_lowered;
	s3 =	sadd.s32 s3, s5;
	[dreg:$0x0] =	wrdreg $0x0  }
0xa8: {  	s5 =	sshll.u32 s28, $0x1;
	[dreg:$0x2] =	wrdreg s3  }
0xa9: {  	[dreg:$0x3] =	wrdreg s5  }
0xaa: {  	[dreg:$0x4] =	wrdreg $0xC0  }
0xab: {  	_ =	task [dreg:s7], $0x5FFFF  }
0xac: {  	[dreg:$0x1] =	wrdreg $0xFFFFFFFF  }
0xad: {  	[dreg:$0x0] =	wrdreg $0x60  }
0xae: {  	[dreg:$0x2] =	wrdreg s2  }
0xaf: {  	[dreg:$0x3] =	wrdreg s24  }
0xb0: {  	[dreg:$0x4] =	wrdreg $0x9  }
0xb1: {  	_ =	task.clear_ibuf [dreg:s7], $0x5FFFF;
	_ =	strace $0x90000049  }
0xb2: {  	s29 =	simm.s32 $0x9;
	_ =	strace $0x8000004B  }
0xb3: {  	_ =	swait.ge [sflag:s29], $0x1  }
0xb4: {  	[sflag:s29] =	ssyncadd.s32 $0xFFFFFFFF  }
0xb5: {  	_ =	strace $0x9000004B  }
0xb6: {  	_ =	sfence  }
0xb7: {  	s30 =	sld [smem:$0x0];
	_ =	sdelay $0x2  }
0xb8: {  	s31 =	sshll.u32 s1, $0xD;
	s1 =	sshrl.u32 s1, $0x2  }
0xb9: {  	s3 =	sand.u32 $0x4000, s31;
	s1 =	sadd.s32 s1, s30  }
0xba: {  	s0 =	sor.u32 s3, s0;
	s1 =	sshll.u32 s1, $0x11  }
0xbb: {  	s0 =	sor.u32 s1, s0  }
0xbc: {  	s0 =	sadd.s32 $0x8F2B, s0  }
0xbd: {  	[sflag:s0] =	ssyncadd.remote.s32 $0x1  }
0xbe: {  	_ =	sfence.sel $0xFFFF  }
0xbf: {  	[dreg:$0x0] =	wrdreg $0xFFFFFFFF;
	(pc) =	sbr.abs _section_cstart, $3  }
0xc0: {  	[dreg:$0x1] =	wrdreg $0xFFFFFFFF  }
0xc1: {  	_ =	task.clear_ibuf [dreg:s7], $0x2FFFF;
	_ =	strace $0x9FFFFFFF  }
0xc2: {  	(tm) =	ssettm $0x7FFFFFFF  }
0xc3: {  	_ =	shalt  }
tec
execute0_lowered:
.L_overlay_start_1:
0x0: {  	(tag) =	ssettag $0x1  }
0x1: {  	s1 =	srdreg.scid;
	s0 =	stileid.u32  }
0x2: {  	s1 =	sand.u32 $0x1, s1;
	s2 =	sshll.u32 s0, $0x1  }
0x3: {  	s4 =	rddreg [dreg:$0x0];
	s3 =	sor.u32 s1, s2  }
0x4: {  	s7 =	rddreg [dreg:$0x1];
	p1 =	seq.s32 s1, $0x1;
	p0 =	seq.s32 s3, $0x0  }
0x5: {  	s18 =	simm.s32 $0x400;
	s20 =	simm.s32 $0x100;
	p0 =	por !p0, !p1  }
0x6: {  	s21 =	simm.s32 $0x900;
	s2 =	simm.s32 $0x1;
	p0 =	por !p0, !p0  }
0x7: {  	s22 =	simm.s32 $0x20;
	s23 =	simm.s32 $0x1100;
	s2 =	simm.s32 @!p0 $0x0  }
0x8: {  	s24 =	simm.s32 $0x30;
	s25 =	simm.s32 $0x1900;
	s2 =	ssub.s32 s0, s2  }
0x9: {  	s3 =	sshll.u32 s3, $0x4;
	s5 =	sshll.u32 s2, $0x9;
	s2 =	sshll.u32 s2, $0x7  }
0xa: {  	s14 =	sadd.s32 s3, s7;
	s13 =	sand.u32 $0x380, s2;
	s2 =	simm.s32 $0x0  }
0xb: {  	s8 =	simm.s32 $0x10;
	s16 =	sadd.s32 $0x8A00, s14;
	[smem:$0x7FF] =	sst s2  }
0xc: {  	s17 =	sadd.s32 $0xA00, s14;
	_ =	strace $0x8000004A;
	[dreg:$0x4] =	wrdreg s16  }
0xd: {  	s26 =	simm.s32 $0x40;
	s12 =	simm.s32 $0x60;
	[dreg:$0x5] =	wrdreg s17  }
0xe: {  	s28 =	simm.s32 $0xE0;
	s29 =	simm.s32 $0x7100;
	[dreg:$0x6] =	wrdreg s18  }
0xf: {  	s30 =	simm.s32 $0xF0;
	s31 =	simm.s32 $0x7900;
	[dreg:$0x7] =	wrdreg s20  }
0x10: {  	s6 =	sshll.u32 s1, $0xB;
	s1 =	ssub.s32 $0x2, s1;
	[dreg:$0x8] =	wrdreg s21  }
0x11: {  	s19 =	sshrl.u32 s1, $0x1;
	s3 =	sadd.s32 $0x8C00, s7;
	[dreg:$0x9] =	wrdreg s22  }
0x12: {  	s1 =	ssub.s32 s1, s19;
	s7 =	simm.s32 $0x2;
	[dreg:$0xa] =	wrdreg s23  }
0x13: {  	s19 =	simm.s32 $0xA0;
	s5 =	sand.u32 $0xFFFFF000, s5;
	[dreg:$0xb] =	wrdreg s24  }
0x14: {  	s14 =	simm.s32 $0x70;
	s5 =	sor.u32 s6, s5;
	[dreg:$0xc] =	wrdreg s25  }
0x15: {  	s6 =	simm.s32 $0x80;
	s5 =	sor.u32 s13, s5;
	[dreg:$0xd] =	wrdreg s26  }
0x16: {  	s13 =	simm.s32 $0x3100;
	s16 =	simm.s32 $0x4100;
	s17 =	simm.s32 $0x90  }
0x17: {  	s18 =	simm.s32 $0x4900;
	s20 =	simm.s32 $0x5100;
	s21 =	simm.s32 $0xB0  }
0x18: {  	s22 =	simm.s32 $0x5900;
	s23 =	simm.s32 $0xC0;
	s24 =	simm.s32 $0x6100  }
0x19: {  	s25 =	simm.s32 $0xD0;
	s26 =	simm.s32 $0x6900;
	s5 =	sshrl.u32 s5, $0x3  }
0x1a: {  	s15 =	sadd.s32 s4, s5;
	s4 =	simm.s32 $0x1;
	s5 =	smax.u32 s1, $0x1  }
0x1b: {  	s1 =	simm.s32 $0x8100;
	[dreg:$0x3] =	wrdreg s15;
	s15 =	simm.s32 $0x3900  }
.LBB2_1:
0x1c: {  	s0 =	rddreg [dreg:$0x3]  }
0x1d: {  	s9 =	rddreg [dreg:$0x6]  }
0x1e: {  	[tilespmem:s2], [sflag:$0x2] =	stream.strided.gather [hbm4b:s0+s6], $0x100, s9, s6, $0x38;
	[tilespmem:$0x8180] =	vst v63  }
0x1f: {  	_ =	swait.ge [sflag:s7], $0x100  }
0x20: {  	s10 =	rddreg [dreg:$0x7]  }
0x21: {  	[sflag:s7] =	ssyncset.done $0x0;
	s11 =	rddreg [dreg:$0x8]  }
0x22: {  	s0 =	rddreg [dreg:$0x9];
	[sflag:s7] =	ssyncadd.s32 $0xFFFFFF00  }
0x23: {  	[tilespmem:s10], [sflag:$0x1] =	stream.indirect.gather [hbm4b:s3+s8], $0x80, s2, s8, $0xb8;
	[tilespmem:$0x8180] =	vst v63  }
0x24: {  	s9 =	rddreg [dreg:$0xa]  }
0x25: {  	[tilespmem:s11], [sflag:$0x1] =	stream.indirect.gather [hbm4b:s3+s8], $0x80, s8, s8, $0xb8;
	[tilespmem:$0x8180] =	vst v63  }
0x26: {  	s10 =	rddreg [dreg:$0xb]  }
0x27: {  	[tilespmem:s9], [sflag:$0x1] =	stream.indirect.gather [hbm4b:s3+s8], $0x80, s0, s8, $0xb8;
	[tilespmem:$0x8180] =	vst v63  }
0x28: {  	s11 =	rddreg [dreg:$0xc]  }
0x29: {  	[tilespmem:s11], [sflag:$0x1] =	stream.indirect.gather [hbm4b:s3+s8], $0x80, s10, s8, $0xb8;
	[tilespmem:$0x8180] =	vst v63  }
0x2a: {  	s9 =	rddreg [dreg:$0xd];
	s11 =	simm.s32 $0x2100  }
0x2b: {  	[tilespmem:s11], [sflag:$0x1] =	stream.indirect.gather [hbm4b:s3+s8], $0x80, s9, s8, $0xb8;
	[tilespmem:$0x8180] =	vst v63  }
0x2c: {  	s10 =	simm.s32 $0x50;
	s11 =	simm.s32 $0x2900  }
0x2d: {  	[tilespmem:s11], [sflag:$0x1] =	stream.indirect.gather [hbm4b:s3+s8], $0x80, s10, s8, $0xb8;
	[tilespmem:$0x8180] =	vst v63  }
0x2e: {  	_ = 	snop  }
0x2f: {  	[tilespmem:s13], [sflag:$0x1] =	stream.indirect.gather [hbm4b:s3+s8], $0x80, s12, s8, $0xb8;
	[tilespmem:$0x8180] =	vst v63  }
0x30: {  	_ = 	snop  }
0x31: {  	[tilespmem:s15], [sflag:$0x1] =	stream.indirect.gather [hbm4b:s3+s8], $0x80, s14, s8, $0xb8;
	[tilespmem:$0x8180] =	vst v63  }
0x32: {  	_ = 	snop  }
0x33: {  	[tilespmem:s16], [sflag:$0x1] =	stream.indirect.gather [hbm4b:s3+s8], $0x80, s6, s8, $0xb8;
	[tilespmem:$0x8180] =	vst v63  }
0x34: {  	_ = 	snop  }
0x35: {  	[tilespmem:s18], [sflag:$0x1] =	stream.indirect.gather [hbm4b:s3+s8], $0x80, s17, s8, $0xb8;
	[tilespmem:$0x8180] =	vst v63  }
0x36: {  	_ = 	snop  }
0x37: {  	[tilespmem:s20], [sflag:$0x1] =	stream.indirect.gather [hbm4b:s3+s8], $0x80, s19, s8, $0xb8;
	[tilespmem:$0x8180] =	vst v63  }
0x38: {  	_ = 	snop  }
0x39: {  	[tilespmem:s22], [sflag:$0x1] =	stream.indirect.gather [hbm4b:s3+s8], $0x80, s21, s8, $0xb8;
	[tilespmem:$0x8180] =	vst v63  }
0x3a: {  	_ = 	snop  }
0x3b: {  	[tilespmem:s24], [sflag:$0x1] =	stream.indirect.gather [hbm4b:s3+s8], $0x80, s23, s8, $0xb8;
	[tilespmem:$0x8180] =	vst v63  }
0x3c: {  	_ = 	snop  }
0x3d: {  	[tilespmem:s26], [sflag:$0x1] =	stream.indirect.gather [hbm4b:s3+s8], $0x80, s25, s8, $0xb8;
	[tilespmem:$0x8180] =	vst v63  }
0x3e: {  	_ = 	snop  }
0x3f: {  	[tilespmem:s29], [sflag:$0x1] =	stream.indirect.gather [hbm4b:s3+s8], $0x80, s28, s8, $0xb8;
	[tilespmem:$0x8180] =	vst v63  }
0x40: {  	_ = 	snop  }
0x41: {  	[tilespmem:s31], [sflag:$0x1] =	stream.indirect.gather [hbm4b:s3+s8], $0x80, s30, s8, $0xb8;
	[tilespmem:$0x8180] =	vst v63  }
0x42: {  	_ =	swait.ge [sflag:s4], $0x800  }
0x43: {  	[sflag:s4] =	ssyncset.done $0x0  }
0x44: {  	[sflag:s4] =	ssyncadd.s32 $0xFFFFF800  }
0x45: {  	_ =	swait.ge [sflag:s4], $0x800  }
0x46: {  	[sflag:s4] =	ssyncset.done $0x0  }
0x47: {  	[sflag:s4] =	ssyncadd.s32 $0xFFFFF800  }
0x48: {  	_ =	swait.ge [sflag:s4], $0x800  }
0x49: {  	[sflag:s4] =	ssyncset.done $0x0  }
0x4a: {  	[sflag:s4] =	ssyncadd.s32 $0xFFFFF800  }
0x4b: {  	_ =	swait.ge [sflag:s4], $0x800  }
0x4c: {  	[sflag:s4] =	ssyncset.done $0x0  }
0x4d: {  	[sflag:s4] =	ssyncadd.s32 $0xFFFFF800  }
0x4e: {  	_ =	swait.ge [sflag:s4], $0x800  }
0x4f: {  	[sflag:s4] =	ssyncset.done $0x0  }
0x50: {  	[sflag:s4] =	ssyncadd.s32 $0xFFFFF800  }
0x51: {  	_ =	swait.ge [sflag:s4], $0x800  }
0x52: {  	[sflag:s4] =	ssyncset.done $0x0  }
0x53: {  	[sflag:s4] =	ssyncadd.s32 $0xFFFFF800  }
0x54: {  	_ =	swait.ge [sflag:s4], $0x800  }
0x55: {  	[sflag:s4] =	ssyncset.done $0x0  }
0x56: {  	[sflag:s4] =	ssyncadd.s32 $0xFFFFF800  }
0x57: {  	_ =	swait.ge [sflag:s4], $0x800  }
0x58: {  	[sflag:s4] =	ssyncset.done $0x0  }
0x59: {  	[sflag:s4] =	ssyncadd.s32 $0xFFFFF800  }
0x5a: {  	_ =	swait.ge [sflag:s4], $0x800  }
0x5b: {  	[sflag:s4] =	ssyncset.done $0x0  }
0x5c: {  	[sflag:s4] =	ssyncadd.s32 $0xFFFFF800  }
0x5d: {  	_ =	swait.ge [sflag:s4], $0x800  }
0x5e: {  	[sflag:s4] =	ssyncset.done $0x0  }
0x5f: {  	[sflag:s4] =	ssyncadd.s32 $0xFFFFF800  }
0x60: {  	_ =	swait.ge [sflag:s4], $0x800  }
0x61: {  	[sflag:s4] =	ssyncset.done $0x0  }
0x62: {  	[sflag:s4] =	ssyncadd.s32 $0xFFFFF800  }
0x63: {  	_ =	swait.ge [sflag:s4], $0x800  }
0x64: {  	[sflag:s4] =	ssyncset.done $0x0  }
0x65: {  	[sflag:s4] =	ssyncadd.s32 $0xFFFFF800  }
0x66: {  	_ =	swait.ge [sflag:s4], $0x800  }
0x67: {  	[sflag:s4] =	ssyncset.done $0x0  }
0x68: {  	[sflag:s4] =	ssyncadd.s32 $0xFFFFF800  }
0x69: {  	_ =	swait.ge [sflag:s4], $0x800  }
0x6a: {  	[sflag:s4] =	ssyncset.done $0x0  }
0x6b: {  	[sflag:s4] =	ssyncadd.s32 $0xFFFFF800  }
0x6c: {  	_ =	swait.ge [sflag:s4], $0x800  }
0x6d: {  	[sflag:s4] =	ssyncset.done $0x0  }
0x6e: {  	[sflag:s4] =	ssyncadd.s32 $0xFFFFF800  }
0x6f: {  	_ =	swait.ge [sflag:s4], $0x800  }
0x70: {  	[sflag:s4] =	ssyncset.done $0x0  }
0x71: {  	[sflag:s4] =	ssyncadd.s32 $0xFFFFF800  }
0x72: {  	v0 =	vld [tilespmem:$0x100];
	_ =	sdelay $0x1  }
0x73: {  	v1 =	vld [tilespmem:$0x180];
	_ =	sdelay $0x1  }
0x74: {  	v2 =	vld [tilespmem:$0x200]  }
0x75: {  	v0 =	vadd.f32 $0.0e+00, v0  }
0x76: {  	v3 =	vld [tilespmem:$0x280]  }
0x77: {  	v0 =	vadd.f32 v1, v0  }
0x78: {  	v44 =	vld [tilespmem:$0x300]  }
0x79: {  	v0 =	vadd.f32 v2, v0  }
0x7a: {  	v45 =	vld [tilespmem:$0x380]  }
0x7b: {  	v0 =	vadd.f32 v3, v0  }
0x7c: {  	v46 =	vld [tilespmem:$0x400]  }
0x7d: {  	v0 =	vadd.f32 v44, v0  }
0x7e: {  	v47 =	vld [tilespmem:$0x480]  }
0x7f: {  	v0 =	vadd.f32 v45, v0  }
0x80: {  	v48 =	vld [tilespmem:$0x500]  }
0x81: {  	v0 =	vadd.f32 v46, v0  }
0x82: {  	v49 =	vld [tilespmem:$0x580]  }
0x83: {  	v0 =	vadd.f32 v47, v0  }
0x84: {  	v50 =	vld [tilespmem:$0x600]  }
0x85: {  	v0 =	vadd.f32 v48, v0  }
0x86: {  	v51 =	vld [tilespmem:$0x680]  }
0x87: {  	v0 =	vadd.f32 v49, v0  }
0x88: {  	v52 =	vld [tilespmem:$0x700]  }
0x89: {  	v0 =	vadd.f32 v50, v0  }
0x8a: {  	v53 =	vld [tilespmem:$0x780]  }
0x8b: {  	v0 =	vadd.f32 v51, v0  }
0x8c: {  	v54 =	vld [tilespmem:$0x800]  }
0x8d: {  	v0 =	vadd.f32 v52, v0  }
0x8e: {  	v55 =	vld [tilespmem:$0x880]  }
0x8f: {  	v0 =	vadd.f32 v53, v0  }
0x90: {  	v56 =	vld [tilespmem:$0x900]  }
0x91: {  	v0 =	vadd.f32 v54, v0  }
0x92: {  	v57 =	vld [tilespmem:$0x980]  }
0x93: {  	v0 =	vadd.f32 v55, v0  }
0x94: {  	v58 =	vld [tilespmem:$0xA00]  }
0x95: {  	v0 =	vadd.f32 v56, v0  }
0x96: {  	v59 =	vld [tilespmem:$0xA80]  }
0x97: {  	v0 =	vadd.f32 v57, v0  }
0x98: {  	v60 =	vld [tilespmem:$0xB00]  }
0x99: {  	v0 =	vadd.f32 v58, v0  }
0x9a: {  	v61 =	vld [tilespmem:$0xB80]  }
0x9b: {  	v0 =	vadd.f32 v59, v0  }
0x9c: {  	v62 =	vld [tilespmem:$0xC00]  }
0x9d: {  	v0 =	vadd.f32 v60, v0  }
0x9e: {  	v63 =	vld [tilespmem:$0xC80]  }
0x9f: {  	v0 =	vadd.f32 v61, v0  }
0xa0: {  	v6 =	vld [tilespmem:$0xD00]  }
0xa1: {  	v0 =	vadd.f32 v62, v0  }
0xa2: {  	v7 =	vld [tilespmem:$0xD80]  }
0xa3: {  	v0 =	vadd.f32 v63, v0  }
0xa4: {  	v8 =	vld [tilespmem:$0xE00]  }
0xa5: {  	v0 =	vadd.f32 v6, v0  }
0xa6: {  	v9 =	vld [tilespmem:$0xE80]  }
0xa7: {  	v0 =	vadd.f32 v7, v0  }
0xa8: {  	v10 =	vld [tilespmem:$0xF00]  }
0xa9: {  	v0 =	vadd.f32 v8, v0  }
0xaa: {  	v11 =	vld [tilespmem:$0xF80]  }
0xab: {  	v0 =	vadd.f32 v9, v0  }
0xac: {  	v12 =	vld [tilespmem:$0x1000]  }
0xad: {  	v0 =	vadd.f32 v10, v0  }
0xae: {  	v13 =	vld [tilespmem:$0x1080]  }
0xaf: {  	v0 =	vadd.f32 v11, v0  }
0xb0: {  	v14 =	vld [tilespmem:$0x1100]  }
0xb1: {  	v0 =	vadd.f32 v12, v0  }
0xb2: {  	v15 =	vld [tilespmem:$0x1180]  }
0xb3: {  	v0 =	vadd.f32 v13, v0  }
0xb4: {  	v16 =	vld [tilespmem:$0x1200]  }
0xb5: {  	v0 =	vadd.f32 v14, v0  }
0xb6: {  	v17 =	vld [tilespmem:$0x1280]  }
0xb7: {  	v0 =	vadd.f32 v15, v0  }
0xb8: {  	v18 =	vld [tilespmem:$0x1300]  }
0xb9: {  	v0 =	vadd.f32 v16, v0  }
0xba: {  	v19 =	vld [tilespmem:$0x1380]  }
0xbb: {  	v0 =	vadd.f32 v17, v0  }
0xbc: {  	v20 =	vld [tilespmem:$0x1400]  }
0xbd: {  	v0 =	vadd.f32 v18, v0  }
0xbe: {  	v21 =	vld [tilespmem:$0x1480]  }
0xbf: {  	v0 =	vadd.f32 v19, v0  }
0xc0: {  	v22 =	vld [tilespmem:$0x1500]  }
0xc1: {  	v0 =	vadd.f32 v20, v0  }
0xc2: {  	v23 =	vld [tilespmem:$0x1580]  }
0xc3: {  	v0 =	vadd.f32 v21, v0  }
0xc4: {  	v24 =	vld [tilespmem:$0x1600]  }
0xc5: {  	v0 =	vadd.f32 v22, v0  }
0xc6: {  	v25 =	vld [tilespmem:$0x1680]  }
0xc7: {  	v0 =	vadd.f32 v23, v0  }
0xc8: {  	v26 =	vld [tilespmem:$0x1700]  }
0xc9: {  	v0 =	vadd.f32 v24, v0  }
0xca: {  	v27 =	vld [tilespmem:$0x1780]  }
0xcb: {  	v0 =	vadd.f32 v25, v0  }
0xcc: {  	v28 =	vld [tilespmem:$0x1800]  }
0xcd: {  	v0 =	vadd.f32 v26, v0  }
0xce: {  	v29 =	vld [tilespmem:$0x1880]  }
0xcf: {  	v0 =	vadd.f32 v27, v0  }
0xd0: {  	v30 =	vld [tilespmem:$0x1900]  }
0xd1: {  	v0 =	vadd.f32 v28, v0  }
0xd2: {  	v31 =	vld [tilespmem:$0x1980]  }
0xd3: {  	v0 =	vadd.f32 v29, v0  }
0xd4: {  	v32 =	vld [tilespmem:$0x1A00]  }
0xd5: {  	v0 =	vadd.f32 v30, v0  }
0xd6: {  	v33 =	vld [tilespmem:$0x1A80]  }
0xd7: {  	v0 =	vadd.f32 v31, v0  }
0xd8: {  	v34 =	vld [tilespmem:$0x1B00]  }
0xd9: {  	v0 =	vadd.f32 v32, v0  }
0xda: {  	v35 =	vld [tilespmem:$0x1B80]  }
0xdb: {  	v0 =	vadd.f32 v33, v0  }
0xdc: {  	v36 =	vld [tilespmem:$0x1C00]  }
0xdd: {  	v0 =	vadd.f32 v34, v0  }
0xde: {  	v37 =	vld [tilespmem:$0x1C80]  }
0xdf: {  	v0 =	vadd.f32 v35, v0  }
0xe0: {  	v38 =	vld [tilespmem:$0x1D00]  }
0xe1: {  	v0 =	vadd.f32 v36, v0  }
0xe2: {  	v39 =	vld [tilespmem:$0x1D80]  }
0xe3: {  	v0 =	vadd.f32 v37, v0  }
0xe4: {  	v40 =	vld [tilespmem:$0x1E00]  }
0xe5: {  	v0 =	vadd.f32 v38, v0  }
0xe6: {  	v41 =	vld [tilespmem:$0x1E80]  }
0xe7: {  	v0 =	vadd.f32 v39, v0  }
0xe8: {  	v42 =	vld [tilespmem:$0x1F00]  }
0xe9: {  	v0 =	vadd.f32 v40, v0  }
0xea: {  	v43 =	vld [tilespmem:$0x1F80]  }
0xeb: {  	v0 =	vadd.f32 v41, v0  }
0xec: {  	v44 =	vld [tilespmem:$0x2000]  }
0xed: {  	v0 =	vadd.f32 v42, v0  }
0xee: {  	v45 =	vld [tilespmem:$0x2080]  }
0xef: {  	v0 =	vadd.f32 v43, v0  }
0xf0: {  	v46 =	vld [tilespmem:$0x2100]  }
0xf1: {  	v0 =	vadd.f32 v44, v0  }
0xf2: {  	v47 =	vld [tilespmem:$0x2180]  }
0xf3: {  	v0 =	vadd.f32 v45, v0  }
0xf4: {  	v48 =	vld [tilespmem:$0x2200]  }
0xf5: {  	v0 =	vadd.f32 v46, v0  }
0xf6: {  	v49 =	vld [tilespmem:$0x2280]  }
0xf7: {  	v0 =	vadd.f32 v47, v0  }
0xf8: {  	v50 =	vld [tilespmem:$0x2300]  }
0xf9: {  	v0 =	vadd.f32 v48, v0  }
0xfa: {  	v51 =	vld [tilespmem:$0x2380]  }
0xfb: {  	v0 =	vadd.f32 v49, v0  }
0xfc: {  	v52 =	vld [tilespmem:$0x2400]  }
0xfd: {  	v0 =	vadd.f32 v50, v0  }
0xfe: {  	v53 =	vld [tilespmem:$0x2480]  }
0xff: {  	v0 =	vadd.f32 v51, v0  }
0x100: {  	v54 =	vld [tilespmem:$0x2500]  }
0x101: {  	v0 =	vadd.f32 v52, v0  }
0x102: {  	v55 =	vld [tilespmem:$0x2580]  }
0x103: {  	v0 =	vadd.f32 v53, v0  }
0x104: {  	v56 =	vld [tilespmem:$0x2600]  }
0x105: {  	v0 =	vadd.f32 v54, v0  }
0x106: {  	v57 =	vld [tilespmem:$0x2680]  }
0x107: {  	v0 =	vadd.f32 v55, v0  }
0x108: {  	v58 =	vld [tilespmem:$0x2700]  }
0x109: {  	v0 =	vadd.f32 v56, v0  }
0x10a: {  	v59 =	vld [tilespmem:$0x2780]  }
0x10b: {  	v0 =	vadd.f32 v57, v0  }
0x10c: {  	v60 =	vld [tilespmem:$0x2800]  }
0x10d: {  	v0 =	vadd.f32 v58, v0  }
0x10e: {  	v61 =	vld [tilespmem:$0x2880]  }
0x10f: {  	v0 =	vadd.f32 v59, v0  }
0x110: {  	v62 =	vld [tilespmem:$0x2900]  }
0x111: {  	v0 =	vadd.f32 v60, v0  }
0x112: {  	v63 =	vld [tilespmem:$0x2980]  }
0x113: {  	v0 =	vadd.f32 v61, v0  }
0x114: {  	v6 =	vld [tilespmem:$0x2A00]  }
0x115: {  	v0 =	vadd.f32 v62, v0  }
0x116: {  	v7 =	vld [tilespmem:$0x2A80]  }
0x117: {  	v0 =	vadd.f32 v63, v0  }
0x118: {  	v8 =	vld [tilespmem:$0x2B00]  }
0x119: {  	v0 =	vadd.f32 v6, v0  }
0x11a: {  	v9 =	vld [tilespmem:$0x2B80]  }
0x11b: {  	v0 =	vadd.f32 v7, v0  }
0x11c: {  	v10 =	vld [tilespmem:$0x2C00]  }
0x11d: {  	v0 =	vadd.f32 v8, v0  }
0x11e: {  	v11 =	vld [tilespmem:$0x2C80]  }
0x11f: {  	v0 =	vadd.f32 v9, v0  }
0x120: {  	v12 =	vld [tilespmem:$0x2D00]  }
0x121: {  	v0 =	vadd.f32 v10, v0  }
0x122: {  	v13 =	vld [tilespmem:$0x2D80]  }
0x123: {  	v0 =	vadd.f32 v11, v0  }
0x124: {  	v14 =	vld [tilespmem:$0x2E00]  }
0x125: {  	v0 =	vadd.f32 v12, v0  }
0x126: {  	v15 =	vld [tilespmem:$0x2E80]  }
0x127: {  	v0 =	vadd.f32 v13, v0  }
0x128: {  	v16 =	vld [tilespmem:$0x2F00]  }
0x129: {  	v0 =	vadd.f32 v14, v0  }
0x12a: {  	v17 =	vld [tilespmem:$0x2F80]  }
0x12b: {  	v0 =	vadd.f32 v15, v0  }
0x12c: {  	v18 =	vld [tilespmem:$0x3000]  }
0x12d: {  	v0 =	vadd.f32 v16, v0  }
0x12e: {  	v19 =	vld [tilespmem:$0x3080]  }
0x12f: {  	v0 =	vadd.f32 v17, v0  }
0x130: {  	v20 =	vld [tilespmem:$0x3100]  }
0x131: {  	v0 =	vadd.f32 v18, v0  }
0x132: {  	v21 =	vld [tilespmem:$0x3180]  }
0x133: {  	v0 =	vadd.f32 v19, v0  }
0x134: {  	v22 =	vld [tilespmem:$0x3200]  }
0x135: {  	v0 =	vadd.f32 v20, v0  }
0x136: {  	v23 =	vld [tilespmem:$0x3280]  }
0x137: {  	v0 =	vadd.f32 v21, v0  }
0x138: {  	v24 =	vld [tilespmem:$0x3300]  }
0x139: {  	v0 =	vadd.f32 v22, v0  }
0x13a: {  	v25 =	vld [tilespmem:$0x3380]  }
0x13b: {  	v0 =	vadd.f32 v23, v0  }
0x13c: {  	v26 =	vld [tilespmem:$0x3400]  }
0x13d: {  	v0 =	vadd.f32 v24, v0  }
0x13e: {  	v27 =	vld [tilespmem:$0x3480]  }
0x13f: {  	v0 =	vadd.f32 v25, v0  }
0x140: {  	v28 =	vld [tilespmem:$0x3500]  }
0x141: {  	v0 =	vadd.f32 v26, v0  }
0x142: {  	v29 =	vld [tilespmem:$0x3580]  }
0x143: {  	v0 =	vadd.f32 v27, v0  }
0x144: {  	v30 =	vld [tilespmem:$0x3600]  }
0x145: {  	v0 =	vadd.f32 v28, v0  }
0x146: {  	v31 =	vld [tilespmem:$0x3680]  }
0x147: {  	v0 =	vadd.f32 v29, v0  }
0x148: {  	v32 =	vld [tilespmem:$0x3700]  }
0x149: {  	v0 =	vadd.f32 v30, v0  }
0x14a: {  	v33 =	vld [tilespmem:$0x3780]  }
0x14b: {  	v0 =	vadd.f32 v31, v0  }
0x14c: {  	v34 =	vld [tilespmem:$0x3800]  }
0x14d: {  	v0 =	vadd.f32 v32, v0  }
0x14e: {  	v35 =	vld [tilespmem:$0x3880]  }
0x14f: {  	v0 =	vadd.f32 v33, v0  }
0x150: {  	v36 =	vld [tilespmem:$0x3900]  }
0x151: {  	v0 =	vadd.f32 v34, v0  }
0x152: {  	v37 =	vld [tilespmem:$0x3980]  }
0x153: {  	v0 =	vadd.f32 v35, v0  }
0x154: {  	v38 =	vld [tilespmem:$0x3A00]  }
0x155: {  	v0 =	vadd.f32 v36, v0  }
0x156: {  	v39 =	vld [tilespmem:$0x3A80]  }
0x157: {  	v0 =	vadd.f32 v37, v0  }
0x158: {  	v40 =	vld [tilespmem:$0x3B00]  }
0x159: {  	v0 =	vadd.f32 v38, v0  }
0x15a: {  	v41 =	vld [tilespmem:$0x3B80]  }
0x15b: {  	v0 =	vadd.f32 v39, v0  }
0x15c: {  	v42 =	vld [tilespmem:$0x3C00]  }
0x15d: {  	v0 =	vadd.f32 v40, v0  }
0x15e: {  	v43 =	vld [tilespmem:$0x3C80]  }
0x15f: {  	v0 =	vadd.f32 v41, v0  }
0x160: {  	v44 =	vld [tilespmem:$0x3D00]  }
0x161: {  	v0 =	vadd.f32 v42, v0  }
0x162: {  	v45 =	vld [tilespmem:$0x3D80]  }
0x163: {  	v0 =	vadd.f32 v43, v0  }
0x164: {  	v46 =	vld [tilespmem:$0x3E00]  }
0x165: {  	v0 =	vadd.f32 v44, v0  }
0x166: {  	v47 =	vld [tilespmem:$0x3E80]  }
0x167: {  	v0 =	vadd.f32 v45, v0  }
0x168: {  	v48 =	vld [tilespmem:$0x3F00]  }
0x169: {  	v0 =	vadd.f32 v46, v0  }
0x16a: {  	v49 =	vld [tilespmem:$0x3F80]  }
0x16b: {  	v0 =	vadd.f32 v47, v0  }
0x16c: {  	v50 =	vld [tilespmem:$0x4000]  }
0x16d: {  	v0 =	vadd.f32 v48, v0  }
0x16e: {  	v51 =	vld [tilespmem:$0x4080]  }
0x16f: {  	v0 =	vadd.f32 v49, v0  }
0x170: {  	v52 =	vld [tilespmem:$0x4100]  }
0x171: {  	v0 =	vadd.f32 v50, v0  }
0x172: {  	v53 =	vld [tilespmem:$0x4180]  }
0x173: {  	v0 =	vadd.f32 v51, v0  }
0x174: {  	v54 =	vld [tilespmem:$0x4200]  }
0x175: {  	v0 =	vadd.f32 v52, v0  }
0x176: {  	v55 =	vld [tilespmem:$0x4280]  }
0x177: {  	v0 =	vadd.f32 v53, v0  }
0x178: {  	v56 =	vld [tilespmem:$0x4300]  }
0x179: {  	v0 =	vadd.f32 v54, v0  }
0x17a: {  	v57 =	vld [tilespmem:$0x4380]  }
0x17b: {  	v0 =	vadd.f32 v55, v0  }
0x17c: {  	v58 =	vld [tilespmem:$0x4400]  }
0x17d: {  	v0 =	vadd.f32 v56, v0  }
0x17e: {  	v59 =	vld [tilespmem:$0x4480]  }
0x17f: {  	v0 =	vadd.f32 v57, v0  }
0x180: {  	v60 =	vld [tilespmem:$0x4500]  }
0x181: {  	v0 =	vadd.f32 v58, v0  }
0x182: {  	v61 =	vld [tilespmem:$0x4580]  }
0x183: {  	v0 =	vadd.f32 v59, v0  }
0x184: {  	v62 =	vld [tilespmem:$0x4600]  }
0x185: {  	v0 =	vadd.f32 v60, v0  }
0x186: {  	v63 =	vld [tilespmem:$0x4680]  }
0x187: {  	v0 =	vadd.f32 v61, v0  }
0x188: {  	v6 =	vld [tilespmem:$0x4700]  }
0x189: {  	v0 =	vadd.f32 v62, v0  }
0x18a: {  	v7 =	vld [tilespmem:$0x4780]  }
0x18b: {  	v0 =	vadd.f32 v63, v0  }
0x18c: {  	v8 =	vld [tilespmem:$0x4800]  }
0x18d: {  	v0 =	vadd.f32 v6, v0  }
0x18e: {  	v9 =	vld [tilespmem:$0x4880]  }
0x18f: {  	v0 =	vadd.f32 v7, v0  }
0x190: {  	v10 =	vld [tilespmem:$0x4900]  }
0x191: {  	v0 =	vadd.f32 v8, v0  }
0x192: {  	v11 =	vld [tilespmem:$0x4980]  }
0x193: {  	v0 =	vadd.f32 v9, v0  }
0x194: {  	v12 =	vld [tilespmem:$0x4A00]  }
0x195: {  	v0 =	vadd.f32 v10, v0  }
0x196: {  	v13 =	vld [tilespmem:$0x4A80]  }
0x197: {  	v0 =	vadd.f32 v11, v0  }
0x198: {  	v14 =	vld [tilespmem:$0x4B00]  }
0x199: {  	v0 =	vadd.f32 v12, v0  }
0x19a: {  	v15 =	vld [tilespmem:$0x4B80]  }
0x19b: {  	v0 =	vadd.f32 v13, v0  }
0x19c: {  	v16 =	vld [tilespmem:$0x4C00]  }
0x19d: {  	v0 =	vadd.f32 v14, v0  }
0x19e: {  	v17 =	vld [tilespmem:$0x4C80]  }
0x19f: {  	v0 =	vadd.f32 v15, v0  }
0x1a0: {  	v18 =	vld [tilespmem:$0x4D00]  }
0x1a1: {  	v0 =	vadd.f32 v16, v0  }
0x1a2: {  	v19 =	vld [tilespmem:$0x4D80]  }
0x1a3: {  	v0 =	vadd.f32 v17, v0  }
0x1a4: {  	v20 =	vld [tilespmem:$0x4E00]  }
0x1a5: {  	v0 =	vadd.f32 v18, v0  }
0x1a6: {  	v21 =	vld [tilespmem:$0x4E80]  }
0x1a7: {  	v0 =	vadd.f32 v19, v0  }
0x1a8: {  	v22 =	vld [tilespmem:$0x4F00]  }
0x1a9: {  	v0 =	vadd.f32 v20, v0  }
0x1aa: {  	v23 =	vld [tilespmem:$0x4F80]  }
0x1ab: {  	v0 =	vadd.f32 v21, v0  }
0x1ac: {  	v24 =	vld [tilespmem:$0x5000]  }
0x1ad: {  	v0 =	vadd.f32 v22, v0  }
0x1ae: {  	v25 =	vld [tilespmem:$0x5080]  }
0x1af: {  	v0 =	vadd.f32 v23, v0  }
0x1b0: {  	v26 =	vld [tilespmem:$0x5100]  }
0x1b1: {  	v0 =	vadd.f32 v24, v0  }
0x1b2: {  	v27 =	vld [tilespmem:$0x5180]  }
0x1b3: {  	v0 =	vadd.f32 v25, v0  }
0x1b4: {  	v28 =	vld [tilespmem:$0x5200]  }
0x1b5: {  	v0 =	vadd.f32 v26, v0  }
0x1b6: {  	v29 =	vld [tilespmem:$0x5280]  }
0x1b7: {  	v0 =	vadd.f32 v27, v0  }
0x1b8: {  	v30 =	vld [tilespmem:$0x5300]  }
0x1b9: {  	v0 =	vadd.f32 v28, v0  }
0x1ba: {  	v31 =	vld [tilespmem:$0x5380]  }
0x1bb: {  	v0 =	vadd.f32 v29, v0  }
0x1bc: {  	v32 =	vld [tilespmem:$0x5400]  }
0x1bd: {  	v0 =	vadd.f32 v30, v0  }
0x1be: {  	v33 =	vld [tilespmem:$0x5480]  }
0x1bf: {  	v0 =	vadd.f32 v31, v0  }
0x1c0: {  	v34 =	vld [tilespmem:$0x5500]  }
0x1c1: {  	v0 =	vadd.f32 v32, v0  }
0x1c2: {  	v35 =	vld [tilespmem:$0x5580]  }
0x1c3: {  	v0 =	vadd.f32 v33, v0  }
0x1c4: {  	v36 =	vld [tilespmem:$0x5600]  }
0x1c5: {  	v0 =	vadd.f32 v34, v0  }
0x1c6: {  	v37 =	vld [tilespmem:$0x5680]  }
0x1c7: {  	v0 =	vadd.f32 v35, v0  }
0x1c8: {  	v38 =	vld [tilespmem:$0x5700]  }
0x1c9: {  	v0 =	vadd.f32 v36, v0  }
0x1ca: {  	v39 =	vld [tilespmem:$0x5780]  }
0x1cb: {  	v0 =	vadd.f32 v37, v0  }
0x1cc: {  	v40 =	vld [tilespmem:$0x5800]  }
0x1cd: {  	v0 =	vadd.f32 v38, v0  }
0x1ce: {  	v41 =	vld [tilespmem:$0x5880]  }
0x1cf: {  	v0 =	vadd.f32 v39, v0  }
0x1d0: {  	v42 =	vld [tilespmem:$0x5900]  }
0x1d1: {  	v0 =	vadd.f32 v40, v0  }
0x1d2: {  	v43 =	vld [tilespmem:$0x5980]  }
0x1d3: {  	v0 =	vadd.f32 v41, v0  }
0x1d4: {  	v44 =	vld [tilespmem:$0x5A00]  }
0x1d5: {  	v0 =	vadd.f32 v42, v0  }
0x1d6: {  	v45 =	vld [tilespmem:$0x5A80]  }
0x1d7: {  	v0 =	vadd.f32 v43, v0  }
0x1d8: {  	v46 =	vld [tilespmem:$0x5B00]  }
0x1d9: {  	v0 =	vadd.f32 v44, v0  }
0x1da: {  	v47 =	vld [tilespmem:$0x5B80]  }
0x1db: {  	v0 =	vadd.f32 v45, v0  }
0x1dc: {  	v48 =	vld [tilespmem:$0x5C00]  }
0x1dd: {  	v0 =	vadd.f32 v46, v0  }
0x1de: {  	v49 =	vld [tilespmem:$0x5C80]  }
0x1df: {  	v0 =	vadd.f32 v47, v0  }
0x1e0: {  	v50 =	vld [tilespmem:$0x5D00]  }
0x1e1: {  	v0 =	vadd.f32 v48, v0  }
0x1e2: {  	v51 =	vld [tilespmem:$0x5D80]  }
0x1e3: {  	v0 =	vadd.f32 v49, v0  }
0x1e4: {  	v52 =	vld [tilespmem:$0x5E00]  }
0x1e5: {  	v0 =	vadd.f32 v50, v0  }
0x1e6: {  	v53 =	vld [tilespmem:$0x5E80]  }
0x1e7: {  	v0 =	vadd.f32 v51, v0  }
0x1e8: {  	v54 =	vld [tilespmem:$0x5F00]  }
0x1e9: {  	v0 =	vadd.f32 v52, v0  }
0x1ea: {  	v55 =	vld [tilespmem:$0x5F80]  }
0x1eb: {  	v0 =	vadd.f32 v53, v0  }
0x1ec: {  	v56 =	vld [tilespmem:$0x6000]  }
0x1ed: {  	v0 =	vadd.f32 v54, v0  }
0x1ee: {  	v57 =	vld [tilespmem:$0x6080]  }
0x1ef: {  	v0 =	vadd.f32 v55, v0  }
0x1f0: {  	v58 =	vld [tilespmem:$0x6100]  }
0x1f1: {  	v0 =	vadd.f32 v56, v0  }
0x1f2: {  	v59 =	vld [tilespmem:$0x6180]  }
0x1f3: {  	v0 =	vadd.f32 v57, v0  }
0x1f4: {  	v60 =	vld [tilespmem:$0x6200]  }
0x1f5: {  	v0 =	vadd.f32 v58, v0  }
0x1f6: {  	v61 =	vld [tilespmem:$0x6280]  }
0x1f7: {  	v0 =	vadd.f32 v59, v0  }
0x1f8: {  	v62 =	vld [tilespmem:$0x6300]  }
0x1f9: {  	v0 =	vadd.f32 v60, v0  }
0x1fa: {  	v63 =	vld [tilespmem:$0x6380]  }
0x1fb: {  	v0 =	vadd.f32 v61, v0  }
0x1fc: {  	v6 =	vld [tilespmem:$0x6400]  }
0x1fd: {  	v0 =	vadd.f32 v62, v0  }
0x1fe: {  	v7 =	vld [tilespmem:$0x6480]  }
0x1ff: {  	v0 =	vadd.f32 v63, v0  }
0x200: {  	v8 =	vld [tilespmem:$0x6500]  }
0x201: {  	v0 =	vadd.f32 v6, v0  }
0x202: {  	v9 =	vld [tilespmem:$0x6580]  }
0x203: {  	v0 =	vadd.f32 v7, v0  }
0x204: {  	v10 =	vld [tilespmem:$0x6600]  }
0x205: {  	v0 =	vadd.f32 v8, v0  }
0x206: {  	v11 =	vld [tilespmem:$0x6680]  }
0x207: {  	v0 =	vadd.f32 v9, v0  }
0x208: {  	v12 =	vld [tilespmem:$0x6700]  }
0x209: {  	v0 =	vadd.f32 v10, v0  }
0x20a: {  	v13 =	vld [tilespmem:$0x6780]  }
0x20b: {  	v0 =	vadd.f32 v11, v0  }
0x20c: {  	v14 =	vld [tilespmem:$0x6800]  }
0x20d: {  	v0 =	vadd.f32 v12, v0  }
0x20e: {  	v15 =	vld [tilespmem:$0x6880]  }
0x20f: {  	v0 =	vadd.f32 v13, v0  }
0x210: {  	v16 =	vld [tilespmem:$0x6900]  }
0x211: {  	v0 =	vadd.f32 v14, v0  }
0x212: {  	v17 =	vld [tilespmem:$0x6980]  }
0x213: {  	v0 =	vadd.f32 v15, v0  }
0x214: {  	v18 =	vld [tilespmem:$0x6A00]  }
0x215: {  	v0 =	vadd.f32 v16, v0  }
0x216: {  	v19 =	vld [tilespmem:$0x6A80]  }
0x217: {  	v0 =	vadd.f32 v17, v0  }
0x218: {  	v20 =	vld [tilespmem:$0x6B00]  }
0x219: {  	v0 =	vadd.f32 v18, v0  }
0x21a: {  	v21 =	vld [tilespmem:$0x6B80]  }
0x21b: {  	v0 =	vadd.f32 v19, v0  }
0x21c: {  	v22 =	vld [tilespmem:$0x6C00]  }
0x21d: {  	v0 =	vadd.f32 v20, v0  }
0x21e: {  	v23 =	vld [tilespmem:$0x6C80]  }
0x21f: {  	v0 =	vadd.f32 v21, v0  }
0x220: {  	v24 =	vld [tilespmem:$0x6D00]  }
0x221: {  	v0 =	vadd.f32 v22, v0  }
0x222: {  	v25 =	vld [tilespmem:$0x6D80]  }
0x223: {  	v0 =	vadd.f32 v23, v0  }
0x224: {  	v26 =	vld [tilespmem:$0x6E00]  }
0x225: {  	v0 =	vadd.f32 v24, v0  }
0x226: {  	v27 =	vld [tilespmem:$0x6E80]  }
0x227: {  	v0 =	vadd.f32 v25, v0  }
0x228: {  	v28 =	vld [tilespmem:$0x6F00]  }
0x229: {  	v0 =	vadd.f32 v26, v0  }
0x22a: {  	v29 =	vld [tilespmem:$0x6F80]  }
0x22b: {  	v0 =	vadd.f32 v27, v0  }
0x22c: {  	v30 =	vld [tilespmem:$0x7000]  }
0x22d: {  	v0 =	vadd.f32 v28, v0  }
0x22e: {  	v31 =	vld [tilespmem:$0x7080]  }
0x22f: {  	v0 =	vadd.f32 v29, v0  }
0x230: {  	v32 =	vld [tilespmem:$0x7100]  }
0x231: {  	v0 =	vadd.f32 v30, v0  }
0x232: {  	v33 =	vld [tilespmem:$0x7180]  }
0x233: {  	v0 =	vadd.f32 v31, v0  }
0x234: {  	v34 =	vld [tilespmem:$0x7200]  }
0x235: {  	v0 =	vadd.f32 v32, v0  }
0x236: {  	v35 =	vld [tilespmem:$0x7280]  }
0x237: {  	v0 =	vadd.f32 v33, v0  }
0x238: {  	v36 =	vld [tilespmem:$0x7300]  }
0x239: {  	v0 =	vadd.f32 v34, v0  }
0x23a: {  	v37 =	vld [tilespmem:$0x7380]  }
0x23b: {  	v0 =	vadd.f32 v35, v0  }
0x23c: {  	v38 =	vld [tilespmem:$0x7400]  }
0x23d: {  	v0 =	vadd.f32 v36, v0  }
0x23e: {  	v39 =	vld [tilespmem:$0x7480]  }
0x23f: {  	v0 =	vadd.f32 v37, v0  }
0x240: {  	v40 =	vld [tilespmem:$0x7500]  }
0x241: {  	v0 =	vadd.f32 v38, v0  }
0x242: {  	v41 =	vld [tilespmem:$0x7580]  }
0x243: {  	v0 =	vadd.f32 v39, v0  }
0x244: {  	v42 =	vld [tilespmem:$0x7600]  }
0x245: {  	v0 =	vadd.f32 v40, v0  }
0x246: {  	v43 =	vld [tilespmem:$0x7680]  }
0x247: {  	v0 =	vadd.f32 v41, v0  }
0x248: {  	v44 =	vld [tilespmem:$0x7700]  }
0x249: {  	v0 =	vadd.f32 v42, v0  }
0x24a: {  	v45 =	vld [tilespmem:$0x7780]  }
0x24b: {  	v0 =	vadd.f32 v43, v0  }
0x24c: {  	v46 =	vld [tilespmem:$0x7800]  }
0x24d: {  	v0 =	vadd.f32 v44, v0  }
0x24e: {  	v47 =	vld [tilespmem:$0x7880]  }
0x24f: {  	v0 =	vadd.f32 v45, v0  }
0x250: {  	v48 =	vld [tilespmem:$0x7900]  }
0x251: {  	v0 =	vadd.f32 v46, v0  }
0x252: {  	v49 =	vld [tilespmem:$0x7980]  }
0x253: {  	v0 =	vadd.f32 v47, v0  }
0x254: {  	v50 =	vld [tilespmem:$0x7A00]  }
0x255: {  	v0 =	vadd.f32 v48, v0  }
0x256: {  	v51 =	vld [tilespmem:$0x7A80]  }
0x257: {  	v0 =	vadd.f32 v49, v0  }
0x258: {  	v52 =	vld [tilespmem:$0x7B00]  }
0x259: {  	v0 =	vadd.f32 v50, v0  }
0x25a: {  	v53 =	vld [tilespmem:$0x7B80]  }
0x25b: {  	v0 =	vadd.f32 v51, v0  }
0x25c: {  	v54 =	vld [tilespmem:$0x7C00]  }
0x25d: {  	v0 =	vadd.f32 v52, v0  }
0x25e: {  	v55 =	vld [tilespmem:$0x7C80]  }
0x25f: {  	v0 =	vadd.f32 v53, v0  }
0x260: {  	v56 =	vld [tilespmem:$0x7D00]  }
0x261: {  	v0 =	vadd.f32 v54, v0  }
0x262: {  	v57 =	vld [tilespmem:$0x7D80]  }
0x263: {  	v0 =	vadd.f32 v55, v0  }
0x264: {  	v58 =	vld [tilespmem:$0x7E00]  }
0x265: {  	v0 =	vadd.f32 v56, v0  }
0x266: {  	v59 =	vld [tilespmem:$0x7E80]  }
0x267: {  	v4 =	vld [tilespmem:$0x7F00];
	v0 =	vadd.f32 v57, v0  }
0x268: {  	v5 =	vld [tilespmem:$0x8000]  }
0x269: {  	s10 =	rddreg [dreg:$0x4];
	v60 =	vld [tilespmem:$0x7F80];
	v0 =	vadd.f32 v58, v0  }
0x26a: {  	v61 =	vld [tilespmem:$0x8080];
	[tilespmem:s1], [sflag:$0x2] =	stream.linear.gather [hbm4b:s10+s2], $0x80, $0x38  }
0x26b: {  	_ =	swait.ge [sflag:s7], $0x80;
	v0 =	vadd.f32 v59, v0  }
0x26c: {  	[sflag:s7] =	ssyncset.done $0x0  }
0x26d: {  	[sflag:s7] =	ssyncadd.s32 $0xFFFFFF80;
	v0 =	vadd.f32 v4, v0  }
0x26e: {  	v62 =	vld [tilespmem:$0x8100]  }
0x26f: {  	v0 =	vadd.f32 v60, v0;
	_ =	sdelay $0x1  }
0x270: {  	v0 =	vadd.f32 v5, v0;
	_ =	sdelay $0x1  }
0x271: {  	v63 =	vmul.f32 $-1.600000000e+01, v62;
	v0 =	vadd.f32 v61, v0;
	_ =	sdelay $0x1  }
0x272: {  	v0 =	vadd.f32 v63, v0  }
0x273: {  	p0 =	sne.s32 s5, $0x1  }
.Ltmp0:
0x274: {  	s11 =	rddreg [dreg:$0x5];
	[tilespmem:$0x8100] =	vst v0;
	(pc) =	sbr.rel @p0 .LBB2_1-.Ltmp0, $4  }
0x275: {  	[hbm4b:s11+s2] =	stream.linear.scatter [tilespmem:s1], [sflag:$0x2], $0x80, $0x38;
	[tilespmem:$0x8180] =	vst v63  }
0x276: {  	_ =	swait.ge [sflag:s7], $0x80  }
0x277: {  	[sflag:s7] =	ssyncset.done $0x0  }
0x278: {  	s5 =	sadd.s32 $0xFFFFFFFF, s5;
	[sflag:s7] =	ssyncadd.s32 $0xFFFFFF80  }
0x279: {  	_ =	sfence.sel $0x180000  }
0x27a: {  	[bflag:$0x0] =	sbarrier.arrive $0xFFFF  }
0x27b: {  	_ =	strace $0x9000004A  }
0x27c: {  	s0 =	stileid.u32;
	[bflag:$0x2] =	sbarrier.arrive $0xFFFF  }
0x27d: {  	p0 =	sne.s32 s0, $0x0;
	s0 =	rddreg [dreg:$0x2]  }
0x27e: {  	s0 =	sadd.s32 @!p0 $0x100000, s0  }
0x27f: {  	[sflag:s0] =	ssyncadd.tile.s32 @!p0 $0x1;
	_ =	shalt  }
.Lfunc_end2:
_tile_overlayer_lowered:
.L_overlay_start_2:
0x280: {  	(tag) =	ssettag $0x2  }
0x281: {  	s0 =	rddreg [dreg:$0x0];
	s2 =	stileid.u32  }
0x282: {  	s1 =	rddreg [dreg:$0x1];
	p0 =	sne.s32 s2, $0x0  }
0x283: {  	s3 =	rddreg [dreg:$0x2];
	[bflag:$0x3] =	sbarrier.arrive $0xFFFF;
	s2 =	simm.s32 @!p0 $0x1C02  }
0x284: {  	[timem:s3], [sflag:s2] =	dma.local @!p0 [hbm:s0], s1  }
0x285: {  	s0 =	simm.s32 @!p0 $0x2  }
0x286: {  	_ =	swait.ge @!p0 [sflag:s0], s1  }
0x287: {  	s1 =	ssub.s32 @!p0 $0x0, s1;
	[sflag:s0] =	ssyncset.done @!p0 $0x0  }
0x288: {  	[sflag:s0] =	ssyncadd.s32 @!p0 s1  }
0x289: {  	[bflag:$0x3] =	sbarrier.arrive $0xFFFF  }
0x28a: {  	_ =	shalt  }

</sc_bundles>
